<compile_context>
chip_gen: v7x
topology: tpu7x:2x2x1
jax: 0.10.2.dev20260603
libtpu: 0.0.44.dev20260713+nightly
codegen_flags: <defaults>
</compile_context>

<pallas_src>
import jax
import jax.numpy as jnp
from jax import lax
from jax.experimental import pallas as pl
from jax.experimental.pallas import tpu as pltpu
from jax.experimental.pallas import tpu_sc as plsc

_INFO = plsc.get_sparse_core_info()
_NC = _INFO.num_cores
_NS = _INFO.num_subcores
_NT = _NC * _NS
_CHUNK = 128
_NBUF = 8
_H = 16


def _deg_body(srcm, dstm, srct, dstt, ones_hbm, zeros_hbm, out_hbm,
              ones_v, src_v, dst_v, st_v, dt_v, acc_o, acc_i,
              sem, sem2, sem3, sem4):
    c = lax.axis_index("c")
    s = lax.axis_index("s")
    wid = c * _NS + s
    np_ = acc_o.shape[0]
    rpt = np_ // _NS
    full = src_v.shape[0]

    pltpu.sync_copy(zeros_hbm.at[pl.ds(s * rpt, rpt)],
                    acc_o.at[pl.ds(s * rpt, rpt)])
    pltpu.sync_copy(zeros_hbm.at[pl.ds(s * rpt, rpt)],
                    acc_i.at[pl.ds(s * rpt, rpt)])
    pltpu.async_copy(ones_hbm, ones_v, sem).wait()
    pltpu.sync_copy(srcm.at[wid], src_v)
    pltpu.sync_copy(dstm.at[wid], dst_v)
    pltpu.sync_copy(srct.at[wid], st_v)
    pltpu.sync_copy(dstt.at[wid], dt_v)
    plsc.subcore_barrier()

    def body(i, carry):
        j = 2 * i
        d1 = pltpu.async_copy(ones_v, acc_o.at[src_v.at[j]], sem, add=True)
        d2 = pltpu.async_copy(ones_v, acc_i.at[dst_v.at[j]], sem2, add=True)
        d3 = pltpu.async_copy(ones_v, acc_o.at[src_v.at[j + 1]], sem3,
                              add=True)
        d4 = pltpu.async_copy(ones_v, acc_i.at[dst_v.at[j + 1]], sem4,
                              add=True)
        d1.wait()
        d2.wait()
        d3.wait()
        d4.wait()
        return carry

    lax.fori_loop(0, full // 2, body, 0, unroll=False)
    for j in range(full // 2 * 2, full):
        d1 = pltpu.async_copy(ones_v, acc_o.at[src_v.at[j]], sem, add=True)
        d2 = pltpu.async_copy(ones_v, acc_i.at[dst_v.at[j]], sem2, add=True)
        d1.wait()
        d2.wait()
    d1 = pltpu.async_copy(ones_v.at[pl.ds(0, st_v.shape[0])],
                          acc_o.at[st_v], sem, add=True)
    d2 = pltpu.async_copy(ones_v.at[pl.ds(0, dt_v.shape[0])],
                          acc_i.at[dt_v], sem2, add=True)
    d1.wait()
    d2.wait()
    plsc.subcore_barrier()

    pltpu.sync_copy(acc_o.at[pl.ds(s * rpt, rpt)],
                    out_hbm.at[c, 0, pl.ds(s * rpt, rpt)])
    pltpu.sync_copy(acc_i.at[pl.ds(s * rpt, rpt)],
                    out_hbm.at[c, 1, pl.ds(s * rpt, rpt)])


def _make_deg_kernel(np_, full, rem):
    mesh = plsc.VectorSubcoreMesh(core_axis_name="c", subcore_axis_name="s")
    return pl.kernel(
        _deg_body,
        out_type=jax.ShapeDtypeStruct((_NC, 2, np_, _H), jnp.float32),
        mesh=mesh,
        compiler_params=pltpu.CompilerParams(use_tc_tiling_on_sc=False),
        scratch_types=[
            pltpu.VMEM((_CHUNK, _H), jnp.float32),
            pltpu.VMEM((full, _CHUNK), jnp.int32),
            pltpu.VMEM((full, _CHUNK), jnp.int32),
            pltpu.VMEM((rem,), jnp.int32),
            pltpu.VMEM((rem,), jnp.int32),
            pltpu.VMEM_SHARED((np_, _H), jnp.float32),
            pltpu.VMEM_SHARED((np_, _H), jnp.float32),
            pltpu.SemaphoreType.DMA,
            pltpu.SemaphoreType.DMA,
            pltpu.SemaphoreType.DMA,
            pltpu.SemaphoreType.DMA,
        ],
    )


def _agg_body(g_hbm, srcm, dstm, srct, dstt, zeros_hbm, out_hbm,
              src_v, dst_v, st_v, dt_v, msgs, msg_t, gsems, ssems, acc):
    c = lax.axis_index("c")
    s = lax.axis_index("s")
    wid = c * _NS + s
    np_ = acc.shape[0]
    rpt = np_ // _NS
    full = src_v.shape[0]

    pltpu.sync_copy(zeros_hbm.at[pl.ds(s * rpt, rpt)],
                    acc.at[pl.ds(s * rpt, rpt)])
    pltpu.async_copy(srcm.at[wid], src_v, gsems[0]).wait()
    pltpu.async_copy(dstm.at[wid], dst_v, gsems[1]).wait()
    pltpu.async_copy(srct.at[wid], st_v, gsems[2]).wait()
    pltpu.async_copy(dstt.at[wid], dt_v, gsems[3]).wait()
    plsc.subcore_barrier()

    for k in range(_NBUF):
        pltpu.async_copy(g_hbm.at[src_v.at[k]], msgs[k], gsems[k])

    main = full // _NBUF * _NBUF

    def body(i, carry):
        j = _NBUF * i
        descs = []
        for k in range(_NBUF):
            pltpu.make_async_copy(g_hbm.at[src_v.at[j + k]],
                                  msgs[k], gsems[k]).wait()
            descs.append(pltpu.async_copy(msgs[k], acc.at[dst_v.at[j + k]],
                                          ssems[k], add=True))
        for k in range(_NBUF):
            descs[k].wait()

            @pl.when(j + _NBUF + k < full)
            def _(k=k, j=j):
                jn = jnp.minimum(j + _NBUF + k, full - 1)
                pltpu.async_copy(g_hbm.at[src_v.at[jn]], msgs[k], gsems[k])

        return carry

    lax.fori_loop(0, full // _NBUF, body, 0, unroll=False)
    for j in range(main, full):
        k = j % _NBUF
        pltpu.make_async_copy(g_hbm.at[src_v.at[j]], msgs[k], gsems[k]).wait()
        pltpu.sync_copy(msgs[k], acc.at[dst_v.at[j]], add=True)
    pltpu.async_copy(g_hbm.at[st_v], msg_t, gsems[0]).wait()
    pltpu.sync_copy(msg_t, acc.at[dt_v], add=True)
    plsc.subcore_barrier()

    pltpu.sync_copy(acc.at[pl.ds(s * rpt, rpt)],
                    out_hbm.at[c, pl.ds(s * rpt, rpt)])


def _make_agg_kernel(np_, full, rem):
    mesh = plsc.VectorSubcoreMesh(core_axis_name="c", subcore_axis_name="s")
    return pl.kernel(
        _agg_body,
        out_type=jax.ShapeDtypeStruct((_NC, np_, _H), jnp.float32),
        mesh=mesh,
        compiler_params=pltpu.CompilerParams(use_tc_tiling_on_sc=False),
        scratch_types=[
            pltpu.VMEM((full, _CHUNK), jnp.int32),
            pltpu.VMEM((full, _CHUNK), jnp.int32),
            pltpu.VMEM((rem,), jnp.int32),
            pltpu.VMEM((rem,), jnp.int32),
            [pltpu.VMEM((_CHUNK, _H), jnp.float32)] * _NBUF,
            pltpu.VMEM((rem, _H), jnp.float32),
            [pltpu.SemaphoreType.DMA] * _NBUF,
            [pltpu.SemaphoreType.DMA] * _NBUF,
            pltpu.VMEM_SHARED((np_, _H), jnp.float32),
        ],
    )


def _norm(deg):
    return jnp.where(deg > 0.0, lax.rsqrt(jnp.maximum(deg, 1.0)), 0.0)


def _tc_headmm_body(x_ref, w1r_ref, mask_ref, t_ref):
    t2 = jnp.dot(x_ref[...], w1r_ref[...], preferred_element_type=jnp.float32)
    n8 = t2.shape[0] // 8
    packed = jnp.sum(t2.reshape(n8, 8, 128) * mask_ref[...], axis=1)
    m = t_ref.shape[0]
    t_ref[...] = jnp.concatenate(
        [packed, jnp.zeros((m - n8, 128), jnp.float32)])


def _tc_head_body(t_ref, degp_ref, g0_ref):
    don_r = _norm(degp_ref[0, 0] + degp_ref[1, 0])
    g0_ref[...] = t_ref[...] * don_r


def _tc_mid_body(p_ref, degp_ref, wb_ref, b_ref, g_ref):
    don_r = _norm(degp_ref[0, 0] + degp_ref[1, 0])
    din_r = _norm(degp_ref[0, 1] + degp_ref[1, 1])
    hidden = jnp.maximum(din_r * (p_ref[0] + p_ref[1]) + b_ref[...], 0.0)
    g_ref[...] = jnp.dot(hidden, wb_ref[...],
                         preferred_element_type=jnp.float32) * don_r


def _tc_tail_body(p_ref, degp_ref, b_ref, out_ref):
    din_r = _norm(degp_ref[0, 1] + degp_ref[1, 1])
    out_ref[...] = din_r * (p_ref[0] + p_ref[1]) + b_ref[...]


@jax.jit
def kernel(x, edge_index, W1, b1, W2, b2, W3, b3):
    n, f = x.shape
    h = W1.shape[1]
    out_w = W3.shape[1]
    e = edge_index.shape[1]

    np_ = ((n + _NT * 8 - 1) // (_NT * 8)) * (_NT * 8)
    m = np_ // 8
    pe = e // _NT
    full = pe // _CHUNK
    rem = pe - full * _CHUNK
    e_main = _NT * full * _CHUNK

    srcm = edge_index[0, :e_main].reshape(_NT, full, _CHUNK)
    dstm = edge_index[1, :e_main].reshape(_NT, full, _CHUNK)
    srct = edge_index[0, e_main:].reshape(_NT, rem)
    dstt = edge_index[1, e_main:].reshape(_NT, rem)

    zeros16 = jnp.zeros((np_, _H), jnp.float32)
    ones_c = jnp.ones((_CHUNK, _H), jnp.float32)
    eye8 = jnp.eye(8, dtype=jnp.float32)
    w1rep = jnp.tile(W1, (1, 8))
    maskc = jnp.kron(eye8, jnp.ones((1, h), jnp.float32))
    w2big = jnp.kron(eye8, W2)
    w3p = jnp.pad(W3, ((0, 0), (0, h - out_w)))
    w3big = jnp.kron(eye8, w3p)
    b1p = jnp.tile(b1, 8).reshape(1, 128)
    b2p = jnp.tile(b2, 8).reshape(1, 128)
    b3p = jnp.tile(jnp.pad(b3, (0, h - out_w)), 8).reshape(1, 128)

    degp = _make_deg_kernel(np_, full, rem)(srcm, dstm, srct, dstt,
                                            ones_c, zeros16)
    degp_r = degp.reshape(_NC, 2, m, 128)

    t_pack = pl.pallas_call(
        _tc_headmm_body,
        out_shape=jax.ShapeDtypeStruct((m, 128), jnp.float32),
    )(x, w1rep, maskc)
    g0 = pl.pallas_call(
        _tc_head_body,
        out_shape=jax.ShapeDtypeStruct((m, 128), jnp.float32),
    )(t_pack, degp_r)

    agg = _make_agg_kernel(np_, full, rem)

    p1 = agg(g0.reshape(np_, _H), srcm, dstm, srct, dstt, zeros16)
    g1 = pl.pallas_call(
        _tc_mid_body,
        out_shape=jax.ShapeDtypeStruct((m, 128), jnp.float32),
    )(p1.reshape(_NC, m, 128), degp_r, w2big, b1p)

    p2 = agg(g1.reshape(np_, _H), srcm, dstm, srct, dstt, zeros16)
    g2 = pl.pallas_call(
        _tc_mid_body,
        out_shape=jax.ShapeDtypeStruct((m, 128), jnp.float32),
    )(p2.reshape(_NC, m, 128), degp_r, w3big, b2p)

    p3 = agg(g2.reshape(np_, _H), srcm, dstm, srct, dstt, zeros16)
    y_pack = pl.pallas_call(
        _tc_tail_body,
        out_shape=jax.ShapeDtypeStruct((m, 128), jnp.float32),
    )(p3.reshape(_NC, m, 128), degp_r, b3p)

    return y_pack.reshape(np_, _H)[:n, :out_w]

# --- scband reference (transcript-rebuilt; emitter-appended) ---
"""Pipeline reference for scband-topol-net-78271484002390 (READ-ONLY COPY).

The authoritative reference and input builder live on the scoring server;
editing this copy changes nothing except your own understanding.
"""

import jax, jax.numpy as jnp
import numpy as np

N = 10000
E = 320000
F = 128
H = 16
OUT = 8


def setup_inputs(seed: int = 0) -> dict:
    key = jax.random.key(seed)
    ks = jax.random.split(key, 10)
    x = jax.random.normal(ks[0], (N, F), dtype=jnp.float32)
    edge_index = jax.random.randint(ks[1], (2, E), 0, N, dtype=jnp.int32)
    W1 = jax.random.normal(ks[2], (F, H), dtype=jnp.float32) * (1.0 / np.sqrt(F))
    b1 = jnp.zeros((H,), dtype=jnp.float32)
    W2 = jax.random.normal(ks[3], (H, H), dtype=jnp.float32) * (1.0 / np.sqrt(H))
    b2 = jnp.zeros((H,), dtype=jnp.float32)
    W3 = jax.random.normal(ks[4], (H, OUT), dtype=jnp.float32) * (1.0 / np.sqrt(H))
    b3 = jnp.zeros((OUT,), dtype=jnp.float32)
    return {"x": x, "edge_index": edge_index, "W1": W1, "b1": b1, "W2": W2, "b2": b2, "W3": W3, "b3": b3}


def _graph_conv(h, src, dst, din, don, W, b, relu):
    # DGL GraphConv with norm='both': symmetric normalization
    h = h * don[:, None]
    msg = jnp.take(h, src, axis=0)
    agg = jax.ops.segment_sum(msg, dst, num_segments=N)
    out = agg * din[:, None]
    out = out @ W + b
    if relu:
        out = jax.nn.relu(out)
    return out


def reference(x, edge_index, W1, b1, W2, b2, W3, b3):
    src = edge_index[0]
    dst = edge_index[1]
    deg_out = jnp.bincount(src, length=N).astype(jnp.float32)
    deg_in = jnp.bincount(dst, length=N).astype(jnp.float32)
    don = jnp.where(deg_out > 0, jax.lax.rsqrt(jnp.maximum(deg_out, 1.0)), 0.0)
    din = jnp.where(deg_in > 0, jax.lax.rsqrt(jnp.maximum(deg_in, 1.0)), 0.0)
    h = _graph_conv(x, src, dst, din, don, W1, b1, True)
    h = _graph_conv(h, src, dst, din, don, W2, b2, True)
    h = _graph_conv(h, src, dst, din, don, W3, b3, False)
    # TopolNet: single key 'A' covering all nodes -> y[i] = h[i] for all i
    return h

if __name__ == "__main__":
    import jax
    _d = setup_inputs()
    print(jax.jit(kernel)(*tuple(_d.values())))

</pallas_src>

<mosaic_0001>
#map = affine_map<(d0, d1) -> (0, 0)>
#map1 = affine_map<(d0, d1) -> (0, 0, 0)>
module attributes {stable_mosaic.version = 14 : i64} {
  func.func @_agg_body(%arg0: i32, %arg1: i32, %arg2: memref<10240x16xf32, #tpu.memory_space<hbm>>, %arg3: memref<32x78x128xi32, #tpu.memory_space<hbm>>, %arg4: memref<32x78x128xi32, #tpu.memory_space<hbm>>, %arg5: memref<32x16xi32, #tpu.memory_space<hbm>>, %arg6: memref<32x16xi32, #tpu.memory_space<hbm>>, %arg7: memref<10240x16xf32, #tpu.memory_space<hbm>>, %arg8: memref<2x10240x16xf32, #tpu.memory_space<hbm>>, %arg9: memref<78x128xi32, #tpu.memory_space<vmem>>, %arg10: memref<78x128xi32, #tpu.memory_space<vmem>>, %arg11: memref<16xi32, #tpu.memory_space<vmem>>, %arg12: memref<16xi32, #tpu.memory_space<vmem>>, %arg13: memref<128x16xf32, #tpu.memory_space<vmem>>, %arg14: memref<128x16xf32, #tpu.memory_space<vmem>>, %arg15: memref<128x16xf32, #tpu.memory_space<vmem>>, %arg16: memref<128x16xf32, #tpu.memory_space<vmem>>, %arg17: memref<128x16xf32, #tpu.memory_space<vmem>>, %arg18: memref<128x16xf32, #tpu.memory_space<vmem>>, %arg19: memref<128x16xf32, #tpu.memory_space<vmem>>, %arg20: memref<128x16xf32, #tpu.memory_space<vmem>>, %arg21: memref<16x16xf32, #tpu.memory_space<vmem>>, %arg22: memref<!tpu.dma_semaphore, #tpu.memory_space<semaphore_mem>>, %arg23: memref<!tpu.dma_semaphore, #tpu.memory_space<semaphore_mem>>, %arg24: memref<!tpu.dma_semaphore, #tpu.memory_space<semaphore_mem>>, %arg25: memref<!tpu.dma_semaphore, #tpu.memory_space<semaphore_mem>>, %arg26: memref<!tpu.dma_semaphore, #tpu.memory_space<semaphore_mem>>, %arg27: memref<!tpu.dma_semaphore, #tpu.memory_space<semaphore_mem>>, %arg28: memref<!tpu.dma_semaphore, #tpu.memory_space<semaphore_mem>>, %arg29: memref<!tpu.dma_semaphore, #tpu.memory_space<semaphore_mem>>, %arg30: memref<!tpu.dma_semaphore, #tpu.memory_space<semaphore_mem>>, %arg31: memref<!tpu.dma_semaphore, #tpu.memory_space<semaphore_mem>>, %arg32: memref<!tpu.dma_semaphore, #tpu.memory_space<semaphore_mem>>, %arg33: memref<!tpu.dma_semaphore, #tpu.memory_space<semaphore_mem>>, %arg34: memref<!tpu.dma_semaphore, #tpu.memory_space<semaphore_mem>>, %arg35: memref<!tpu.dma_semaphore, #tpu.memory_space<semaphore_mem>>, %arg36: memref<!tpu.dma_semaphore, #tpu.memory_space<semaphore_mem>>, %arg37: memref<!tpu.dma_semaphore, #tpu.memory_space<semaphore_mem>>, %arg38: memref<10240x16xf32, #tpu.memory_space<vmem_shared>>) attributes {dimension_semantics = [#tpu.dimension_semantics<core_parallel>, #tpu.dimension_semantics<subcore_parallel>], iteration_bounds = array<i64: 2, 16>, scalar_prefetch = 0 : i64, scratch_operands = 30 : i64, tpu.core_type = #tpu.core_type<sc_vector_subcore>, window_params = [{transform_indices = #map}, {transform_indices = #map1}, {transform_indices = #map1}, {transform_indices = #map}, {transform_indices = #map}, {transform_indices = #map}, {transform_indices = #map1}]} {
    %mul3A = arith.constant 16 : i32
    %mul3A_0 = arith.muli %arg0, %mul3A : i32
    %add3A = arith.addi %mul3A_0, %arg1 : i32
    %mul3A_1 = arith.constant 640 : i32
    %mul3A_2 = arith.muli %arg1, %mul3A_1 : i32
    %mul3A_3 = arith.constant 640 : i32
    %mul3A_4 = arith.muli %arg1, %mul3A_3 : i32
    "tpu.region"() ({
      %run_scoped3A_178 = tpu.sem_alloc : memref<!tpu.dma_semaphore, #tpu.memory_space<semaphore_mem>>
      %dma_start3A_179 = arith.constant 0 : i32
      %dma_start3A_180 = tpu.memref_slice %arg38[%mul3A_4, %dma_start3A_179] : memref<10240x16xf32, #tpu.memory_space<vmem_shared>> -> memref<640x16xf32, #tpu.memory_space<vmem_shared>>
      %dma_start3A_181 = arith.constant 0 : i32
      %dma_start3A_182 = tpu.memref_slice %arg7[%mul3A_2, %dma_start3A_181] : memref<10240x16xf32, #tpu.memory_space<hbm>> -> memref<640x16xf32, #tpu.memory_space<hbm>>
      tpu.enqueue_dma source(%dma_start3A_182 : memref<640x16xf32, #tpu.memory_space<hbm>>) target(%dma_start3A_180 : memref<640x16xf32, #tpu.memory_space<vmem_shared>>) target_semaphore(%run_scoped3A_178 : memref<!tpu.dma_semaphore, #tpu.memory_space<semaphore_mem>>)
      %dma_wait3A_183 = arith.constant 0 : i32
      %dma_wait3A_184 = tpu.memref_slice %arg38[%mul3A_4, %dma_wait3A_183] : memref<10240x16xf32, #tpu.memory_space<vmem_shared>> -> memref<640x16xf32, #tpu.memory_space<vmem_shared>>
      %dma_wait3A_185 = arith.constant 0 : i32
      %dma_wait3A_186 = tpu.memref_slice %arg7[%mul3A_2, %dma_wait3A_185] : memref<10240x16xf32, #tpu.memory_space<hbm>> -> memref<640x16xf32, #tpu.memory_space<hbm>>
      tpu.wait_dma2 semaphore(%run_scoped3A_178 : memref<!tpu.dma_semaphore, #tpu.memory_space<semaphore_mem>>) src(%dma_wait3A_186 : memref<640x16xf32, #tpu.memory_space<hbm>>) dst(%dma_wait3A_184 : memref<640x16xf32, #tpu.memory_space<vmem_shared>>)
      tpu.yield
    }) : () -> ()
    %dma_start3A = arith.constant 0 : i32
    %dma_start3A_5 = arith.constant 0 : i32
    %dma_start3A_6 = tpu.memref_slice %arg3[%add3A, %dma_start3A, %dma_start3A_5] : memref<32x78x128xi32, #tpu.memory_space<hbm>> -> memref<1x78x128xi32, #tpu.memory_space<hbm>>
    %dma_start3A_7 = tpu.memref_squeeze %dma_start3A_6 : memref<1x78x128xi32, #tpu.memory_space<hbm>> -> memref<78x128xi32, #tpu.memory_space<hbm>>
    %dma_start3A_8 = arith.constant 0 : i32
    %dma_start3A_9 = arith.constant 0 : i32
    %dma_start3A_10 = tpu.memref_slice %arg3[%add3A, %dma_start3A_8, %dma_start3A_9] : memref<32x78x128xi32, #tpu.memory_space<hbm>> -> memref<1x78x128xi32, #tpu.memory_space<hbm>>
    %dma_start3A_11 = tpu.memref_squeeze %dma_start3A_10 : memref<1x78x128xi32, #tpu.memory_space<hbm>> -> memref<78x128xi32, #tpu.memory_space<hbm>>
    tpu.enqueue_dma source(%dma_start3A_11 : memref<78x128xi32, #tpu.memory_space<hbm>>) target(%arg9 : memref<78x128xi32, #tpu.memory_space<vmem>>) target_semaphore(%arg22 : memref<!tpu.dma_semaphore, #tpu.memory_space<semaphore_mem>>)
    %dma_wait3A = arith.constant 0 : i32
    %dma_wait3A_12 = arith.constant 0 : i32
    %dma_wait3A_13 = tpu.memref_slice %arg3[%add3A, %dma_wait3A, %dma_wait3A_12] : memref<32x78x128xi32, #tpu.memory_space<hbm>> -> memref<1x78x128xi32, #tpu.memory_space<hbm>>
    %dma_wait3A_14 = tpu.memref_squeeze %dma_wait3A_13 : memref<1x78x128xi32, #tpu.memory_space<hbm>> -> memref<78x128xi32, #tpu.memory_space<hbm>>
    %dma_wait3A_15 = arith.constant 0 : i32
    %dma_wait3A_16 = arith.constant 0 : i32
    %dma_wait3A_17 = tpu.memref_slice %arg3[%add3A, %dma_wait3A_15, %dma_wait3A_16] : memref<32x78x128xi32, #tpu.memory_space<hbm>> -> memref<1x78x128xi32, #tpu.memory_space<hbm>>
    %dma_wait3A_18 = tpu.memref_squeeze %dma_wait3A_17 : memref<1x78x128xi32, #tpu.memory_space<hbm>> -> memref<78x128xi32, #tpu.memory_space<hbm>>
    tpu.wait_dma2 semaphore(%arg22 : memref<!tpu.dma_semaphore, #tpu.memory_space<semaphore_mem>>) src(%dma_wait3A_18 : memref<78x128xi32, #tpu.memory_space<hbm>>) dst(%arg9 : memref<78x128xi32, #tpu.memory_space<vmem>>)
    %dma_start3A_19 = arith.constant 0 : i32
    %dma_start3A_20 = arith.constant 0 : i32
    %dma_start3A_21 = tpu.memref_slice %arg4[%add3A, %dma_start3A_19, %dma_start3A_20] : memref<32x78x128xi32, #tpu.memory_space<hbm>> -> memref<1x78x128xi32, #tpu.memory_space<hbm>>
    %dma_start3A_22 = tpu.memref_squeeze %dma_start3A_21 : memref<1x78x128xi32, #tpu.memory_space<hbm>> -> memref<78x128xi32, #tpu.memory_space<hbm>>
    %dma_start3A_23 = arith.constant 0 : i32
    %dma_start3A_24 = arith.constant 0 : i32
    %dma_start3A_25 = tpu.memref_slice %arg4[%add3A, %dma_start3A_23, %dma_start3A_24] : memref<32x78x128xi32, #tpu.memory_space<hbm>> -> memref<1x78x128xi32, #tpu.memory_space<hbm>>
    %dma_start3A_26 = tpu.memref_squeeze %dma_start3A_25 : memref<1x78x128xi32, #tpu.memory_space<hbm>> -> memref<78x128xi32, #tpu.memory_space<hbm>>
    tpu.enqueue_dma source(%dma_start3A_26 : memref<78x128xi32, #tpu.memory_space<hbm>>) target(%arg10 : memref<78x128xi32, #tpu.memory_space<vmem>>) target_semaphore(%arg23 : memref<!tpu.dma_semaphore, #tpu.memory_space<semaphore_mem>>)
    %dma_wait3A_27 = arith.constant 0 : i32
    %dma_wait3A_28 = arith.constant 0 : i32
    %dma_wait3A_29 = tpu.memref_slice %arg4[%add3A, %dma_wait3A_27, %dma_wait3A_28] : memref<32x78x128xi32, #tpu.memory_space<hbm>> -> memref<1x78x128xi32, #tpu.memory_space<hbm>>
    %dma_wait3A_30 = tpu.memref_squeeze %dma_wait3A_29 : memref<1x78x128xi32, #tpu.memory_space<hbm>> -> memref<78x128xi32, #tpu.memory_space<hbm>>
    %dma_wait3A_31 = arith.constant 0 : i32
    %dma_wait3A_32 = arith.constant 0 : i32
    %dma_wait3A_33 = tpu.memref_slice %arg4[%add3A, %dma_wait3A_31, %dma_wait3A_32] : memref<32x78x128xi32, #tpu.memory_space<hbm>> -> memref<1x78x128xi32, #tpu.memory_space<hbm>>
    %dma_wait3A_34 = tpu.memref_squeeze %dma_wait3A_33 : memref<1x78x128xi32, #tpu.memory_space<hbm>> -> memref<78x128xi32, #tpu.memory_space<hbm>>
    tpu.wait_dma2 semaphore(%arg23 : memref<!tpu.dma_semaphore, #tpu.memory_space<semaphore_mem>>) src(%dma_wait3A_34 : memref<78x128xi32, #tpu.memory_space<hbm>>) dst(%arg10 : memref<78x128xi32, #tpu.memory_space<vmem>>)
    %dma_start3A_35 = arith.constant 0 : i32
    %dma_start3A_36 = tpu.memref_slice %arg5[%add3A, %dma_start3A_35] : memref<32x16xi32, #tpu.memory_space<hbm>> -> memref<1x16xi32, #tpu.memory_space<hbm>>
    %dma_start3A_37 = tpu.memref_squeeze %dma_start3A_36 : memref<1x16xi32, #tpu.memory_space<hbm>> -> memref<16xi32, #tpu.memory_space<hbm>>
    %dma_start3A_38 = arith.constant 0 : i32
    %dma_start3A_39 = tpu.memref_slice %arg5[%add3A, %dma_start3A_38] : memref<32x16xi32, #tpu.memory_space<hbm>> -> memref<1x16xi32, #tpu.memory_space<hbm>>
    %dma_start3A_40 = tpu.memref_squeeze %dma_start3A_39 : memref<1x16xi32, #tpu.memory_space<hbm>> -> memref<16xi32, #tpu.memory_space<hbm>>
    tpu.enqueue_dma source(%dma_start3A_40 : memref<16xi32, #tpu.memory_space<hbm>>) target(%arg11 : memref<16xi32, #tpu.memory_space<vmem>>) target_semaphore(%arg24 : memref<!tpu.dma_semaphore, #tpu.memory_space<semaphore_mem>>)
    %dma_wait3A_41 = arith.constant 0 : i32
    %dma_wait3A_42 = tpu.memref_slice %arg5[%add3A, %dma_wait3A_41] : memref<32x16xi32, #tpu.memory_space<hbm>> -> memref<1x16xi32, #tpu.memory_space<hbm>>
    %dma_wait3A_43 = tpu.memref_squeeze %dma_wait3A_42 : memref<1x16xi32, #tpu.memory_space<hbm>> -> memref<16xi32, #tpu.memory_space<hbm>>
    %dma_wait3A_44 = arith.constant 0 : i32
    %dma_wait3A_45 = tpu.memref_slice %arg5[%add3A, %dma_wait3A_44] : memref<32x16xi32, #tpu.memory_space<hbm>> -> memref<1x16xi32, #tpu.memory_space<hbm>>
    %dma_wait3A_46 = tpu.memref_squeeze %dma_wait3A_45 : memref<1x16xi32, #tpu.memory_space<hbm>> -> memref<16xi32, #tpu.memory_space<hbm>>
    tpu.wait_dma2 semaphore(%arg24 : memref<!tpu.dma_semaphore, #tpu.memory_space<semaphore_mem>>) src(%dma_wait3A_46 : memref<16xi32, #tpu.memory_space<hbm>>) dst(%arg11 : memref<16xi32, #tpu.memory_space<vmem>>)
    %dma_start3A_47 = arith.constant 0 : i32
    %dma_start3A_48 = tpu.memref_slice %arg6[%add3A, %dma_start3A_47] : memref<32x16xi32, #tpu.memory_space<hbm>> -> memref<1x16xi32, #tpu.memory_space<hbm>>
    %dma_start3A_49 = tpu.memref_squeeze %dma_start3A_48 : memref<1x16xi32, #tpu.memory_space<hbm>> -> memref<16xi32, #tpu.memory_space<hbm>>
    %dma_start3A_50 = arith.constant 0 : i32
    %dma_start3A_51 = tpu.memref_slice %arg6[%add3A, %dma_start3A_50] : memref<32x16xi32, #tpu.memory_space<hbm>> -> memref<1x16xi32, #tpu.memory_space<hbm>>
    %dma_start3A_52 = tpu.memref_squeeze %dma_start3A_51 : memref<1x16xi32, #tpu.memory_space<hbm>> -> memref<16xi32, #tpu.memory_space<hbm>>
    tpu.enqueue_dma source(%dma_start3A_52 : memref<16xi32, #tpu.memory_space<hbm>>) target(%arg12 : memref<16xi32, #tpu.memory_space<vmem>>) target_semaphore(%arg25 : memref<!tpu.dma_semaphore, #tpu.memory_space<semaphore_mem>>)
    %dma_wait3A_53 = arith.constant 0 : i32
    %dma_wait3A_54 = tpu.memref_slice %arg6[%add3A, %dma_wait3A_53] : memref<32x16xi32, #tpu.memory_space<hbm>> -> memref<1x16xi32, #tpu.memory_space<hbm>>
    %dma_wait3A_55 = tpu.memref_squeeze %dma_wait3A_54 : memref<1x16xi32, #tpu.memory_space<hbm>> -> memref<16xi32, #tpu.memory_space<hbm>>
    %dma_wait3A_56 = arith.constant 0 : i32
    %dma_wait3A_57 = tpu.memref_slice %arg6[%add3A, %dma_wait3A_56] : memref<32x16xi32, #tpu.memory_space<hbm>> -> memref<1x16xi32, #tpu.memory_space<hbm>>
    %dma_wait3A_58 = tpu.memref_squeeze %dma_wait3A_57 : memref<1x16xi32, #tpu.memory_space<hbm>> -> memref<16xi32, #tpu.memory_space<hbm>>
    tpu.wait_dma2 semaphore(%arg25 : memref<!tpu.dma_semaphore, #tpu.memory_space<semaphore_mem>>) src(%dma_wait3A_58 : memref<16xi32, #tpu.memory_space<hbm>>) dst(%arg12 : memref<16xi32, #tpu.memory_space<vmem>>)
    %barrier3A = arith.constant 0 : index
    tpu.barrier barrier_id(%barrier3A)
    %dma_start3A_59 = arith.constant 0 : i32
    %dma_start3A_60 = arith.constant 0 : i32
    %dma_start3A_61 = tpu.memref_slice %arg9[%dma_start3A_59, %dma_start3A_60] : memref<78x128xi32, #tpu.memory_space<vmem>> -> memref<1x128xi32, #tpu.memory_space<vmem>>
    %dma_start3A_62 = tpu.memref_squeeze %dma_start3A_61 : memref<1x128xi32, #tpu.memory_space<vmem>> -> memref<128xi32, #tpu.memory_space<vmem>>
    %dma_start3A_63 = arith.constant 0 : i32
    %dma_start3A_64 = arith.constant 0 : i32
    %dma_start3A_65 = tpu.memref_slice %arg2[%dma_start3A_63, %dma_start3A_64] : memref<10240x16xf32, #tpu.memory_space<hbm>> -> memref<10240x16xf32, #tpu.memory_space<hbm>>
    tpu.enqueue_indirect_dma source(%dma_start3A_65 : memref<10240x16xf32, #tpu.memory_space<hbm>>) target(%arg13 : memref<128x16xf32, #tpu.memory_space<vmem>>) offsets(%dma_start3A_62 : memref<128xi32, #tpu.memory_space<vmem>>) semaphore(%arg22 : memref<!tpu.dma_semaphore, #tpu.memory_space<semaphore_mem>>)
    %dma_start3A_66 = arith.constant 1 : i32
    %dma_start3A_67 = arith.constant 0 : i32
    %dma_start3A_68 = tpu.memref_slice %arg9[%dma_start3A_66, %dma_start3A_67] : memref<78x128xi32, #tpu.memory_space<vmem>> -> memref<1x128xi32, #tpu.memory_space<vmem>>
    %dma_start3A_69 = tpu.memref_squeeze %dma_start3A_68 : memref<1x128xi32, #tpu.memory_space<vmem>> -> memref<128xi32, #tpu.memory_space<vmem>>
    %dma_start3A_70 = arith.constant 0 : i32
    %dma_start3A_71 = arith.constant 0 : i32
    %dma_start3A_72 = tpu.memref_slice %arg2[%dma_start3A_70, %dma_start3A_71] : memref<10240x16xf32, #tpu.memory_space<hbm>> -> memref<10240x16xf32, #tpu.memory_space<hbm>>
    tpu.enqueue_indirect_dma source(%dma_start3A_72 : memref<10240x16xf32, #tpu.memory_space<hbm>>) target(%arg14 : memref<128x16xf32, #tpu.memory_space<vmem>>) offsets(%dma_start3A_69 : memref<128xi32, #tpu.memory_space<vmem>>) semaphore(%arg23 : memref<!tpu.dma_semaphore, #tpu.memory_space<semaphore_mem>>)
    %dma_start3A_73 = arith.constant 2 : i32
    %dma_start3A_74 = arith.constant 0 : i32
    %dma_start3A_75 = tpu.memref_slice %arg9[%dma_start3A_73, %dma_start3A_74] : memref<78x128xi32, #tpu.memory_space<vmem>> -> memref<1x128xi32, #tpu.memory_space<vmem>>
    %dma_start3A_76 = tpu.memref_squeeze %dma_start3A_75 : memref<1x128xi32, #tpu.memory_space<vmem>> -> memref<128xi32, #tpu.memory_space<vmem>>
    %dma_start3A_77 = arith.constant 0 : i32
    %dma_start3A_78 = arith.constant 0 : i32
    %dma_start3A_79 = tpu.memref_slice %arg2[%dma_start3A_77, %dma_start3A_78] : memref<10240x16xf32, #tpu.memory_space<hbm>> -> memref<10240x16xf32, #tpu.memory_space<hbm>>
    tpu.enqueue_indirect_dma source(%dma_start3A_79 : memref<10240x16xf32, #tpu.memory_space<hbm>>) target(%arg15 : memref<128x16xf32, #tpu.memory_space<vmem>>) offsets(%dma_start3A_76 : memref<128xi32, #tpu.memory_space<vmem>>) semaphore(%arg24 : memref<!tpu.dma_semaphore, #tpu.memory_space<semaphore_mem>>)
    %dma_start3A_80 = arith.constant 3 : i32
    %dma_start3A_81 = arith.constant 0 : i32
    %dma_start3A_82 = tpu.memref_slice %arg9[%dma_start3A_80, %dma_start3A_81] : memref<78x128xi32, #tpu.memory_space<vmem>> -> memref<1x128xi32, #tpu.memory_space<vmem>>
    %dma_start3A_83 = tpu.memref_squeeze %dma_start3A_82 : memref<1x128xi32, #tpu.memory_space<vmem>> -> memref<128xi32, #tpu.memory_space<vmem>>
    %dma_start3A_84 = arith.constant 0 : i32
    %dma_start3A_85 = arith.constant 0 : i32
    %dma_start3A_86 = tpu.memref_slice %arg2[%dma_start3A_84, %dma_start3A_85] : memref<10240x16xf32, #tpu.memory_space<hbm>> -> memref<10240x16xf32, #tpu.memory_space<hbm>>
    tpu.enqueue_indirect_dma source(%dma_start3A_86 : memref<10240x16xf32, #tpu.memory_space<hbm>>) target(%arg16 : memref<128x16xf32, #tpu.memory_space<vmem>>) offsets(%dma_start3A_83 : memref<128xi32, #tpu.memory_space<vmem>>) semaphore(%arg25 : memref<!tpu.dma_semaphore, #tpu.memory_space<semaphore_mem>>)
    %dma_start3A_87 = arith.constant 4 : i32
    %dma_start3A_88 = arith.constant 0 : i32
    %dma_start3A_89 = tpu.memref_slice %arg9[%dma_start3A_87, %dma_start3A_88] : memref<78x128xi32, #tpu.memory_space<vmem>> -> memref<1x128xi32, #tpu.memory_space<vmem>>
    %dma_start3A_90 = tpu.memref_squeeze %dma_start3A_89 : memref<1x128xi32, #tpu.memory_space<vmem>> -> memref<128xi32, #tpu.memory_space<vmem>>
    %dma_start3A_91 = arith.constant 0 : i32
    %dma_start3A_92 = arith.constant 0 : i32
    %dma_start3A_93 = tpu.memref_slice %arg2[%dma_start3A_91, %dma_start3A_92] : memref<10240x16xf32, #tpu.memory_space<hbm>> -> memref<10240x16xf32, #tpu.memory_space<hbm>>
    tpu.enqueue_indirect_dma source(%dma_start3A_93 : memref<10240x16xf32, #tpu.memory_space<hbm>>) target(%arg17 : memref<128x16xf32, #tpu.memory_space<vmem>>) offsets(%dma_start3A_90 : memref<128xi32, #tpu.memory_space<vmem>>) semaphore(%arg26 : memref<!tpu.dma_semaphore, #tpu.memory_space<semaphore_mem>>)
    %dma_start3A_94 = arith.constant 5 : i32
    %dma_start3A_95 = arith.constant 0 : i32
    %dma_start3A_96 = tpu.memref_slice %arg9[%dma_start3A_94, %dma_start3A_95] : memref<78x128xi32, #tpu.memory_space<vmem>> -> memref<1x128xi32, #tpu.memory_space<vmem>>
    %dma_start3A_97 = tpu.memref_squeeze %dma_start3A_96 : memref<1x128xi32, #tpu.memory_space<vmem>> -> memref<128xi32, #tpu.memory_space<vmem>>
    %dma_start3A_98 = arith.constant 0 : i32
    %dma_start3A_99 = arith.constant 0 : i32
    %dma_start3A_100 = tpu.memref_slice %arg2[%dma_start3A_98, %dma_start3A_99] : memref<10240x16xf32, #tpu.memory_space<hbm>> -> memref<10240x16xf32, #tpu.memory_space<hbm>>
    tpu.enqueue_indirect_dma source(%dma_start3A_100 : memref<10240x16xf32, #tpu.memory_space<hbm>>) target(%arg18 : memref<128x16xf32, #tpu.memory_space<vmem>>) offsets(%dma_start3A_97 : memref<128xi32, #tpu.memory_space<vmem>>) semaphore(%arg27 : memref<!tpu.dma_semaphore, #tpu.memory_space<semaphore_mem>>)
    %dma_start3A_101 = arith.constant 6 : i32
    %dma_start3A_102 = arith.constant 0 : i32
    %dma_start3A_103 = tpu.memref_slice %arg9[%dma_start3A_101, %dma_start3A_102] : memref<78x128xi32, #tpu.memory_space<vmem>> -> memref<1x128xi32, #tpu.memory_space<vmem>>
    %dma_start3A_104 = tpu.memref_squeeze %dma_start3A_103 : memref<1x128xi32, #tpu.memory_space<vmem>> -> memref<128xi32, #tpu.memory_space<vmem>>
    %dma_start3A_105 = arith.constant 0 : i32
    %dma_start3A_106 = arith.constant 0 : i32
    %dma_start3A_107 = tpu.memref_slice %arg2[%dma_start3A_105, %dma_start3A_106] : memref<10240x16xf32, #tpu.memory_space<hbm>> -> memref<10240x16xf32, #tpu.memory_space<hbm>>
    tpu.enqueue_indirect_dma source(%dma_start3A_107 : memref<10240x16xf32, #tpu.memory_space<hbm>>) target(%arg19 : memref<128x16xf32, #tpu.memory_space<vmem>>) offsets(%dma_start3A_104 : memref<128xi32, #tpu.memory_space<vmem>>) semaphore(%arg28 : memref<!tpu.dma_semaphore, #tpu.memory_space<semaphore_mem>>)
    %dma_start3A_108 = arith.constant 7 : i32
    %dma_start3A_109 = arith.constant 0 : i32
    %dma_start3A_110 = tpu.memref_slice %arg9[%dma_start3A_108, %dma_start3A_109] : memref<78x128xi32, #tpu.memory_space<vmem>> -> memref<1x128xi32, #tpu.memory_space<vmem>>
    %dma_start3A_111 = tpu.memref_squeeze %dma_start3A_110 : memref<1x128xi32, #tpu.memory_space<vmem>> -> memref<128xi32, #tpu.memory_space<vmem>>
    %dma_start3A_112 = arith.constant 0 : i32
    %dma_start3A_113 = arith.constant 0 : i32
    %dma_start3A_114 = tpu.memref_slice %arg2[%dma_start3A_112, %dma_start3A_113] : memref<10240x16xf32, #tpu.memory_space<hbm>> -> memref<10240x16xf32, #tpu.memory_space<hbm>>
    tpu.enqueue_indirect_dma source(%dma_start3A_114 : memref<10240x16xf32, #tpu.memory_space<hbm>>) target(%arg20 : memref<128x16xf32, #tpu.memory_space<vmem>>) offsets(%dma_start3A_111 : memref<128xi32, #tpu.memory_space<vmem>>) semaphore(%arg29 : memref<!tpu.dma_semaphore, #tpu.memory_space<semaphore_mem>>)
    %scan3A = arith.constant 0 : i32
    %scan3A_115 = arith.constant 0 : i32
    %scan3A_116 = arith.constant 9 : i32
    %scan3A_117 = arith.addi %scan3A_115, %scan3A_116 : i32
    %scan3A_118 = arith.constant 1 : i32
    scf.for %scan3A_178 = %scan3A_115 to %scan3A_117 step %scan3A_118  : i32 {
      %mul3A_179 = arith.constant 8 : i32
      %mul3A_180 = arith.muli %mul3A_179, %scan3A_178 : i32
      %add3A_181 = arith.constant 0 : i32
      %add3A_182 = arith.addi %mul3A_180, %add3A_181 : i32
      %dma_wait3A_183 = arith.constant 0 : i32
      %dma_wait3A_184 = tpu.memref_slice %arg9[%add3A_182, %dma_wait3A_183] : memref<78x128xi32, #tpu.memory_space<vmem>> -> memref<1x128xi32, #tpu.memory_space<vmem>>
      %dma_wait3A_185 = tpu.memref_squeeze %dma_wait3A_184 : memref<1x128xi32, #tpu.memory_space<vmem>> -> memref<128xi32, #tpu.memory_space<vmem>>
      %dma_wait3A_186 = arith.constant 0 : i32
      %dma_wait3A_187 = arith.constant 0 : i32
      %dma_wait3A_188 = tpu.memref_slice %arg2[%dma_wait3A_186, %dma_wait3A_187] : memref<10240x16xf32, #tpu.memory_space<hbm>> -> memref<10240x16xf32, #tpu.memory_space<hbm>>
      tpu.wait_indirect_dma semaphore(%arg22 : memref<!tpu.dma_semaphore, #tpu.memory_space<semaphore_mem>>) src(%dma_wait3A_188 : memref<10240x16xf32, #tpu.memory_space<hbm>>) dst(%arg13 : memref<128x16xf32, #tpu.memory_space<vmem>>)
      %add3A_189 = arith.constant 0 : i32
      %add3A_190 = arith.addi %mul3A_180, %add3A_189 : i32
      %dma_start3A_191 = arith.constant 0 : i32
      %dma_start3A_192 = tpu.memref_slice %arg10[%add3A_190, %dma_start3A_191] : memref<78x128xi32, #tpu.memory_space<vmem>> -> memref<1x128xi32, #tpu.memory_space<vmem>>
      %dma_start3A_193 = tpu.memref_squeeze %dma_start3A_192 : memref<1x128xi32, #tpu.memory_space<vmem>> -> memref<128xi32, #tpu.memory_space<vmem>>
      %dma_start3A_194 = arith.constant 0 : i32
      %dma_start3A_195 = arith.constant 0 : i32
      %dma_start3A_196 = tpu.memref_slice %arg38[%dma_start3A_194, %dma_start3A_195] : memref<10240x16xf32, #tpu.memory_space<vmem_shared>> -> memref<10240x16xf32, #tpu.memory_space<vmem_shared>>
      tpu.enqueue_indirect_dma source(%arg13 : memref<128x16xf32, #tpu.memory_space<vmem>>) target(%dma_start3A_196 : memref<10240x16xf32, #tpu.memory_space<vmem_shared>>) offsets(%dma_start3A_193 : memref<128xi32, #tpu.memory_space<vmem>>) semaphore(%arg30 : memref<!tpu.dma_semaphore, #tpu.memory_space<semaphore_mem>>) {add = true}
      %add3A_197 = arith.constant 1 : i32
      %add3A_198 = arith.addi %mul3A_180, %add3A_197 : i32
      %dma_wait3A_199 = arith.constant 0 : i32
      %dma_wait3A_200 = tpu.memref_slice %arg9[%add3A_198, %dma_wait3A_199] : memref<78x128xi32, #tpu.memory_space<vmem>> -> memref<1x128xi32, #tpu.memory_space<vmem>>
      %dma_wait3A_201 = tpu.memref_squeeze %dma_wait3A_200 : memref<1x128xi32, #tpu.memory_space<vmem>> -> memref<128xi32, #tpu.memory_space<vmem>>
      %dma_wait3A_202 = arith.constant 0 : i32
      %dma_wait3A_203 = arith.constant 0 : i32
      %dma_wait3A_204 = tpu.memref_slice %arg2[%dma_wait3A_202, %dma_wait3A_203] : memref<10240x16xf32, #tpu.memory_space<hbm>> -> memref<10240x16xf32, #tpu.memory_space<hbm>>
      tpu.wait_indirect_dma semaphore(%arg23 : memref<!tpu.dma_semaphore, #tpu.memory_space<semaphore_mem>>) src(%dma_wait3A_204 : memref<10240x16xf32, #tpu.memory_space<hbm>>) dst(%arg14 : memref<128x16xf32, #tpu.memory_space<vmem>>)
      %add3A_205 = arith.constant 1 : i32
      %add3A_206 = arith.addi %mul3A_180, %add3A_205 : i32
      %dma_start3A_207 = arith.constant 0 : i32
      %dma_start3A_208 = tpu.memref_slice %arg10[%add3A_206, %dma_start3A_207] : memref<78x128xi32, #tpu.memory_space<vmem>> -> memref<1x128xi32, #tpu.memory_space<vmem>>
      %dma_start3A_209 = tpu.memref_squeeze %dma_start3A_208 : memref<1x128xi32, #tpu.memory_space<vmem>> -> memref<128xi32, #tpu.memory_space<vmem>>
      %dma_start3A_210 = arith.constant 0 : i32
      %dma_start3A_211 = arith.constant 0 : i32
      %dma_start3A_212 = tpu.memref_slice %arg38[%dma_start3A_210, %dma_start3A_211] : memref<10240x16xf32, #tpu.memory_space<vmem_shared>> -> memref<10240x16xf32, #tpu.memory_space<vmem_shared>>
      tpu.enqueue_indirect_dma source(%arg14 : memref<128x16xf32, #tpu.memory_space<vmem>>) target(%dma_start3A_212 : memref<10240x16xf32, #tpu.memory_space<vmem_shared>>) offsets(%dma_start3A_209 : memref<128xi32, #tpu.memory_space<vmem>>) semaphore(%arg31 : memref<!tpu.dma_semaphore, #tpu.memory_space<semaphore_mem>>) {add = true}
      %add3A_213 = arith.constant 2 : i32
      %add3A_214 = arith.addi %mul3A_180, %add3A_213 : i32
      %dma_wait3A_215 = arith.constant 0 : i32
      %dma_wait3A_216 = tpu.memref_slice %arg9[%add3A_214, %dma_wait3A_215] : memref<78x128xi32, #tpu.memory_space<vmem>> -> memref<1x128xi32, #tpu.memory_space<vmem>>
      %dma_wait3A_217 = tpu.memref_squeeze %dma_wait3A_216 : memref<1x128xi32, #tpu.memory_space<vmem>> -> memref<128xi32, #tpu.memory_space<vmem>>
      %dma_wait3A_218 = arith.constant 0 : i32
      %dma_wait3A_219 = arith.constant 0 : i32
      %dma_wait3A_220 = tpu.memref_slice %arg2[%dma_wait3A_218, %dma_wait3A_219] : memref<10240x16xf32, #tpu.memory_space<hbm>> -> memref<10240x16xf32, #tpu.memory_space<hbm>>
      tpu.wait_indirect_dma semaphore(%arg24 : memref<!tpu.dma_semaphore, #tpu.memory_space<semaphore_mem>>) src(%dma_wait3A_220 : memref<10240x16xf32, #tpu.memory_space<hbm>>) dst(%arg15 : memref<128x16xf32, #tpu.memory_space<vmem>>)
      %add3A_221 = arith.constant 2 : i32
      %add3A_222 = arith.addi %mul3A_180, %add3A_221 : i32
      %dma_start3A_223 = arith.constant 0 : i32
      %dma_start3A_224 = tpu.memref_slice %arg10[%add3A_222, %dma_start3A_223] : memref<78x128xi32, #tpu.memory_space<vmem>> -> memref<1x128xi32, #tpu.memory_space<vmem>>
      %dma_start3A_225 = tpu.memref_squeeze %dma_start3A_224 : memref<1x128xi32, #tpu.memory_space<vmem>> -> memref<128xi32, #tpu.memory_space<vmem>>
      %dma_start3A_226 = arith.constant 0 : i32
      %dma_start3A_227 = arith.constant 0 : i32
      %dma_start3A_228 = tpu.memref_slice %arg38[%dma_start3A_226, %dma_start3A_227] : memref<10240x16xf32, #tpu.memory_space<vmem_shared>> -> memref<10240x16xf32, #tpu.memory_space<vmem_shared>>
      tpu.enqueue_indirect_dma source(%arg15 : memref<128x16xf32, #tpu.memory_space<vmem>>) target(%dma_start3A_228 : memref<10240x16xf32, #tpu.memory_space<vmem_shared>>) offsets(%dma_start3A_225 : memref<128xi32, #tpu.memory_space<vmem>>) semaphore(%arg32 : memref<!tpu.dma_semaphore, #tpu.memory_space<semaphore_mem>>) {add = true}
      %add3A_229 = arith.constant 3 : i32
      %add3A_230 = arith.addi %mul3A_180, %add3A_229 : i32
      %dma_wait3A_231 = arith.constant 0 : i32
      %dma_wait3A_232 = tpu.memref_slice %arg9[%add3A_230, %dma_wait3A_231] : memref<78x128xi32, #tpu.memory_space<vmem>> -> memref<1x128xi32, #tpu.memory_space<vmem>>
      %dma_wait3A_233 = tpu.memref_squeeze %dma_wait3A_232 : memref<1x128xi32, #tpu.memory_space<vmem>> -> memref<128xi32, #tpu.memory_space<vmem>>
      %dma_wait3A_234 = arith.constant 0 : i32
      %dma_wait3A_235 = arith.constant 0 : i32
      %dma_wait3A_236 = tpu.memref_slice %arg2[%dma_wait3A_234, %dma_wait3A_235] : memref<10240x16xf32, #tpu.memory_space<hbm>> -> memref<10240x16xf32, #tpu.memory_space<hbm>>
      tpu.wait_indirect_dma semaphore(%arg25 : memref<!tpu.dma_semaphore, #tpu.memory_space<semaphore_mem>>) src(%dma_wait3A_236 : memref<10240x16xf32, #tpu.memory_space<hbm>>) dst(%arg16 : memref<128x16xf32, #tpu.memory_space<vmem>>)
      %add3A_237 = arith.constant 3 : i32
      %add3A_238 = arith.addi %mul3A_180, %add3A_237 : i32
      %dma_start3A_239 = arith.constant 0 : i32
      %dma_start3A_240 = tpu.memref_slice %arg10[%add3A_238, %dma_start3A_239] : memref<78x128xi32, #tpu.memory_space<vmem>> -> memref<1x128xi32, #tpu.memory_space<vmem>>
      %dma_start3A_241 = tpu.memref_squeeze %dma_start3A_240 : memref<1x128xi32, #tpu.memory_space<vmem>> -> memref<128xi32, #tpu.memory_space<vmem>>
      %dma_start3A_242 = arith.constant 0 : i32
      %dma_start3A_243 = arith.constant 0 : i32
      %dma_start3A_244 = tpu.memref_slice %arg38[%dma_start3A_242, %dma_start3A_243] : memref<10240x16xf32, #tpu.memory_space<vmem_shared>> -> memref<10240x16xf32, #tpu.memory_space<vmem_shared>>
      tpu.enqueue_indirect_dma source(%arg16 : memref<128x16xf32, #tpu.memory_space<vmem>>) target(%dma_start3A_244 : memref<10240x16xf32, #tpu.memory_space<vmem_shared>>) offsets(%dma_start3A_241 : memref<128xi32, #tpu.memory_space<vmem>>) semaphore(%arg33 : memref<!tpu.dma_semaphore, #tpu.memory_space<semaphore_mem>>) {add = true}
      %add3A_245 = arith.constant 4 : i32
      %add3A_246 = arith.addi %mul3A_180, %add3A_245 : i32
      %dma_wait3A_247 = arith.constant 0 : i32
      %dma_wait3A_248 = tpu.memref_slice %arg9[%add3A_246, %dma_wait3A_247] : memref<78x128xi32, #tpu.memory_space<vmem>> -> memref<1x128xi32, #tpu.memory_space<vmem>>
      %dma_wait3A_249 = tpu.memref_squeeze %dma_wait3A_248 : memref<1x128xi32, #tpu.memory_space<vmem>> -> memref<128xi32, #tpu.memory_space<vmem>>
      %dma_wait3A_250 = arith.constant 0 : i32
      %dma_wait3A_251 = arith.constant 0 : i32
      %dma_wait3A_252 = tpu.memref_slice %arg2[%dma_wait3A_250, %dma_wait3A_251] : memref<10240x16xf32, #tpu.memory_space<hbm>> -> memref<10240x16xf32, #tpu.memory_space<hbm>>
      tpu.wait_indirect_dma semaphore(%arg26 : memref<!tpu.dma_semaphore, #tpu.memory_space<semaphore_mem>>) src(%dma_wait3A_252 : memref<10240x16xf32, #tpu.memory_space<hbm>>) dst(%arg17 : memref<128x16xf32, #tpu.memory_space<vmem>>)
      %add3A_253 = arith.constant 4 : i32
      %add3A_254 = arith.addi %mul3A_180, %add3A_253 : i32
      %dma_start3A_255 = arith.constant 0 : i32
      %dma_start3A_256 = tpu.memref_slice %arg10[%add3A_254, %dma_start3A_255] : memref<78x128xi32, #tpu.memory_space<vmem>> -> memref<1x128xi32, #tpu.memory_space<vmem>>
      %dma_start3A_257 = tpu.memref_squeeze %dma_start3A_256 : memref<1x128xi32, #tpu.memory_space<vmem>> -> memref<128xi32, #tpu.memory_space<vmem>>
      %dma_start3A_258 = arith.constant 0 : i32
      %dma_start3A_259 = arith.constant 0 : i32
      %dma_start3A_260 = tpu.memref_slice %arg38[%dma_start3A_258, %dma_start3A_259] : memref<10240x16xf32, #tpu.memory_space<vmem_shared>> -> memref<10240x16xf32, #tpu.memory_space<vmem_shared>>
      tpu.enqueue_indirect_dma source(%arg17 : memref<128x16xf32, #tpu.memory_space<vmem>>) target(%dma_start3A_260 : memref<10240x16xf32, #tpu.memory_space<vmem_shared>>) offsets(%dma_start3A_257 : memref<128xi32, #tpu.memory_space<vmem>>) semaphore(%arg34 : memref<!tpu.dma_semaphore, #tpu.memory_space<semaphore_mem>>) {add = true}
      %add3A_261 = arith.constant 5 : i32
      %add3A_262 = arith.addi %mul3A_180, %add3A_261 : i32
      %dma_wait3A_263 = arith.constant 0 : i32
      %dma_wait3A_264 = tpu.memref_slice %arg9[%add3A_262, %dma_wait3A_263] : memref<78x128xi32, #tpu.memory_space<vmem>> -> memref<1x128xi32, #tpu.memory_space<vmem>>
      %dma_wait3A_265 = tpu.memref_squeeze %dma_wait3A_264 : memref<1x128xi32, #tpu.memory_space<vmem>> -> memref<128xi32, #tpu.memory_space<vmem>>
      %dma_wait3A_266 = arith.constant 0 : i32
      %dma_wait3A_267 = arith.constant 0 : i32
      %dma_wait3A_268 = tpu.memref_slice %arg2[%dma_wait3A_266, %dma_wait3A_267] : memref<10240x16xf32, #tpu.memory_space<hbm>> -> memref<10240x16xf32, #tpu.memory_space<hbm>>
      tpu.wait_indirect_dma semaphore(%arg27 : memref<!tpu.dma_semaphore, #tpu.memory_space<semaphore_mem>>) src(%dma_wait3A_268 : memref<10240x16xf32, #tpu.memory_space<hbm>>) dst(%arg18 : memref<128x16xf32, #tpu.memory_space<vmem>>)
      %add3A_269 = arith.constant 5 : i32
      %add3A_270 = arith.addi %mul3A_180, %add3A_269 : i32
      %dma_start3A_271 = arith.constant 0 : i32
      %dma_start3A_272 = tpu.memref_slice %arg10[%add3A_270, %dma_start3A_271] : memref<78x128xi32, #tpu.memory_space<vmem>> -> memref<1x128xi32, #tpu.memory_space<vmem>>
      %dma_start3A_273 = tpu.memref_squeeze %dma_start3A_272 : memref<1x128xi32, #tpu.memory_space<vmem>> -> memref<128xi32, #tpu.memory_space<vmem>>
      %dma_start3A_274 = arith.constant 0 : i32
      %dma_start3A_275 = arith.constant 0 : i32
      %dma_start3A_276 = tpu.memref_slice %arg38[%dma_start3A_274, %dma_start3A_275] : memref<10240x16xf32, #tpu.memory_space<vmem_shared>> -> memref<10240x16xf32, #tpu.memory_space<vmem_shared>>
      tpu.enqueue_indirect_dma source(%arg18 : memref<128x16xf32, #tpu.memory_space<vmem>>) target(%dma_start3A_276 : memref<10240x16xf32, #tpu.memory_space<vmem_shared>>) offsets(%dma_start3A_273 : memref<128xi32, #tpu.memory_space<vmem>>) semaphore(%arg35 : memref<!tpu.dma_semaphore, #tpu.memory_space<semaphore_mem>>) {add = true}
      %add3A_277 = arith.constant 6 : i32
      %add3A_278 = arith.addi %mul3A_180, %add3A_277 : i32
      %dma_wait3A_279 = arith.constant 0 : i32
      %dma_wait3A_280 = tpu.memref_slice %arg9[%add3A_278, %dma_wait3A_279] : memref<78x128xi32, #tpu.memory_space<vmem>> -> memref<1x128xi32, #tpu.memory_space<vmem>>
      %dma_wait3A_281 = tpu.memref_squeeze %dma_wait3A_280 : memref<1x128xi32, #tpu.memory_space<vmem>> -> memref<128xi32, #tpu.memory_space<vmem>>
      %dma_wait3A_282 = arith.constant 0 : i32
      %dma_wait3A_283 = arith.constant 0 : i32
      %dma_wait3A_284 = tpu.memref_slice %arg2[%dma_wait3A_282, %dma_wait3A_283] : memref<10240x16xf32, #tpu.memory_space<hbm>> -> memref<10240x16xf32, #tpu.memory_space<hbm>>
      tpu.wait_indirect_dma semaphore(%arg28 : memref<!tpu.dma_semaphore, #tpu.memory_space<semaphore_mem>>) src(%dma_wait3A_284 : memref<10240x16xf32, #tpu.memory_space<hbm>>) dst(%arg19 : memref<128x16xf32, #tpu.memory_space<vmem>>)
      %add3A_285 = arith.constant 6 : i32
      %add3A_286 = arith.addi %mul3A_180, %add3A_285 : i32
      %dma_start3A_287 = arith.constant 0 : i32
      %dma_start3A_288 = tpu.memref_slice %arg10[%add3A_286, %dma_start3A_287] : memref<78x128xi32, #tpu.memory_space<vmem>> -> memref<1x128xi32, #tpu.memory_space<vmem>>
      %dma_start3A_289 = tpu.memref_squeeze %dma_start3A_288 : memref<1x128xi32, #tpu.memory_space<vmem>> -> memref<128xi32, #tpu.memory_space<vmem>>
      %dma_start3A_290 = arith.constant 0 : i32
      %dma_start3A_291 = arith.constant 0 : i32
      %dma_start3A_292 = tpu.memref_slice %arg38[%dma_start3A_290, %dma_start3A_291] : memref<10240x16xf32, #tpu.memory_space<vmem_shared>> -> memref<10240x16xf32, #tpu.memory_space<vmem_shared>>
      tpu.enqueue_indirect_dma source(%arg19 : memref<128x16xf32, #tpu.memory_space<vmem>>) target(%dma_start3A_292 : memref<10240x16xf32, #tpu.memory_space<vmem_shared>>) offsets(%dma_start3A_289 : memref<128xi32, #tpu.memory_space<vmem>>) semaphore(%arg36 : memref<!tpu.dma_semaphore, #tpu.memory_space<semaphore_mem>>) {add = true}
      %add3A_293 = arith.constant 7 : i32
      %add3A_294 = arith.addi %mul3A_180, %add3A_293 : i32
      %dma_wait3A_295 = arith.constant 0 : i32
      %dma_wait3A_296 = tpu.memref_slice %arg9[%add3A_294, %dma_wait3A_295] : memref<78x128xi32, #tpu.memory_space<vmem>> -> memref<1x128xi32, #tpu.memory_space<vmem>>
      %dma_wait3A_297 = tpu.memref_squeeze %dma_wait3A_296 : memref<1x128xi32, #tpu.memory_space<vmem>> -> memref<128xi32, #tpu.memory_space<vmem>>
      %dma_wait3A_298 = arith.constant 0 : i32
      %dma_wait3A_299 = arith.constant 0 : i32
      %dma_wait3A_300 = tpu.memref_slice %arg2[%dma_wait3A_298, %dma_wait3A_299] : memref<10240x16xf32, #tpu.memory_space<hbm>> -> memref<10240x16xf32, #tpu.memory_space<hbm>>
      tpu.wait_indirect_dma semaphore(%arg29 : memref<!tpu.dma_semaphore, #tpu.memory_space<semaphore_mem>>) src(%dma_wait3A_300 : memref<10240x16xf32, #tpu.memory_space<hbm>>) dst(%arg20 : memref<128x16xf32, #tpu.memory_space<vmem>>)
      %add3A_301 = arith.constant 7 : i32
      %add3A_302 = arith.addi %mul3A_180, %add3A_301 : i32
      %dma_start3A_303 = arith.constant 0 : i32
      %dma_start3A_304 = tpu.memref_slice %arg10[%add3A_302, %dma_start3A_303] : memref<78x128xi32, #tpu.memory_space<vmem>> -> memref<1x128xi32, #tpu.memory_space<vmem>>
      %dma_start3A_305 = tpu.memref_squeeze %dma_start3A_304 : memref<1x128xi32, #tpu.memory_space<vmem>> -> memref<128xi32, #tpu.memory_space<vmem>>
      %dma_start3A_306 = arith.constant 0 : i32
      %dma_start3A_307 = arith.constant 0 : i32
      %dma_start3A_308 = tpu.memref_slice %arg38[%dma_start3A_306, %dma_start3A_307] : memref<10240x16xf32, #tpu.memory_space<vmem_shared>> -> memref<10240x16xf32, #tpu.memory_space<vmem_shared>>
      tpu.enqueue_indirect_dma source(%arg20 : memref<128x16xf32, #tpu.memory_space<vmem>>) target(%dma_start3A_308 : memref<10240x16xf32, #tpu.memory_space<vmem_shared>>) offsets(%dma_start3A_305 : memref<128xi32, #tpu.memory_space<vmem>>) semaphore(%arg37 : memref<!tpu.dma_semaphore, #tpu.memory_space<semaphore_mem>>) {add = true}
      %dma_wait3A_309 = arith.constant 0 : i32
      %dma_wait3A_310 = tpu.memref_slice %arg10[%add3A_190, %dma_wait3A_309] : memref<78x128xi32, #tpu.memory_space<vmem>> -> memref<1x128xi32, #tpu.memory_space<vmem>>
      %dma_wait3A_311 = tpu.memref_squeeze %dma_wait3A_310 : memref<1x128xi32, #tpu.memory_space<vmem>> -> memref<128xi32, #tpu.memory_space<vmem>>
      %dma_wait3A_312 = arith.constant 0 : i32
      %dma_wait3A_313 = arith.constant 0 : i32
      %dma_wait3A_314 = tpu.memref_slice %arg38[%dma_wait3A_312, %dma_wait3A_313] : memref<10240x16xf32, #tpu.memory_space<vmem_shared>> -> memref<10240x16xf32, #tpu.memory_space<vmem_shared>>
      tpu.wait_indirect_dma semaphore(%arg30 : memref<!tpu.dma_semaphore, #tpu.memory_space<semaphore_mem>>) src(%arg13 : memref<128x16xf32, #tpu.memory_space<vmem>>) dst(%dma_wait3A_314 : memref<10240x16xf32, #tpu.memory_space<vmem_shared>>)
      %add3A_315 = arith.constant 8 : i32
      %add3A_316 = arith.addi %mul3A_180, %add3A_315 : i32
      %add3A_317 = arith.constant 0 : i32
      %add3A_318 = arith.addi %add3A_316, %add3A_317 : i32
      %lt3A = arith.constant 78 : i32
      %lt3A_319 = arith.cmpi slt, %add3A_318, %lt3A : i32
      %convert_element_type3A = arith.extui %lt3A_319 : i1 to i32
      %cond3A = arith.constant 0 : i32
      %cond3A_320 = arith.cmpi ne, %convert_element_type3A, %cond3A : i32
      scf.if %cond3A_320 {
        %add3A_426 = arith.constant 8 : i32
        %add3A_427 = arith.addi %mul3A_180, %add3A_426 : i32
        %add3A_428 = arith.constant 0 : i32
        %add3A_429 = arith.addi %add3A_427, %add3A_428 : i32
        %min3A = arith.constant 77 : i32
        %min3A_430 = arith.minsi %add3A_429, %min3A : i32
        %dma_start3A_431 = arith.constant 0 : i32
        %dma_start3A_432 = tpu.memref_slice %arg9[%min3A_430, %dma_start3A_431] : memref<78x128xi32, #tpu.memory_space<vmem>> -> memref<1x128xi32, #tpu.memory_space<vmem>>
        %dma_start3A_433 = tpu.memref_squeeze %dma_start3A_432 : memref<1x128xi32, #tpu.memory_space<vmem>> -> memref<128xi32, #tpu.memory_space<vmem>>
        %dma_start3A_434 = arith.constant 0 : i32
        %dma_start3A_435 = arith.constant 0 : i32
        %dma_start3A_436 = tpu.memref_slice %arg2[%dma_start3A_434, %dma_start3A_435] : memref<10240x16xf32, #tpu.memory_space<hbm>> -> memref<10240x16xf32, #tpu.memory_space<hbm>>
        tpu.enqueue_indirect_dma source(%dma_start3A_436 : memref<10240x16xf32, #tpu.memory_space<hbm>>) target(%arg13 : memref<128x16xf32, #tpu.memory_space<vmem>>) offsets(%dma_start3A_433 : memref<128xi32, #tpu.memory_space<vmem>>) semaphore(%arg22 : memref<!tpu.dma_semaphore, #tpu.memory_space<semaphore_mem>>)
      } else {
      }
      %dma_wait3A_321 = arith.constant 0 : i32
      %dma_wait3A_322 = tpu.memref_slice %arg10[%add3A_206, %dma_wait3A_321] : memref<78x128xi32, #tpu.memory_space<vmem>> -> memref<1x128xi32, #tpu.memory_space<vmem>>
      %dma_wait3A_323 = tpu.memref_squeeze %dma_wait3A_322 : memref<1x128xi32, #tpu.memory_space<vmem>> -> memref<128xi32, #tpu.memory_space<vmem>>
      %dma_wait3A_324 = arith.constant 0 : i32
      %dma_wait3A_325 = arith.constant 0 : i32
      %dma_wait3A_326 = tpu.memref_slice %arg38[%dma_wait3A_324, %dma_wait3A_325] : memref<10240x16xf32, #tpu.memory_space<vmem_shared>> -> memref<10240x16xf32, #tpu.memory_space<vmem_shared>>
      tpu.wait_indirect_dma semaphore(%arg31 : memref<!tpu.dma_semaphore, #tpu.memory_space<semaphore_mem>>) src(%arg14 : memref<128x16xf32, #tpu.memory_space<vmem>>) dst(%dma_wait3A_326 : memref<10240x16xf32, #tpu.memory_space<vmem_shared>>)
      %add3A_327 = arith.constant 8 : i32
      %add3A_328 = arith.addi %mul3A_180, %add3A_327 : i32
      %add3A_329 = arith.constant 1 : i32
      %add3A_330 = arith.addi %add3A_328, %add3A_329 : i32
      %lt3A_331 = arith.constant 78 : i32
      %lt3A_332 = arith.cmpi slt, %add3A_330, %lt3A_331 : i32
      %convert_element_type3A_333 = arith.extui %lt3A_332 : i1 to i32
      %cond3A_334 = arith.constant 0 : i32
      %cond3A_335 = arith.cmpi ne, %convert_element_type3A_333, %cond3A_334 : i32
      scf.if %cond3A_335 {
        %add3A_426 = arith.constant 8 : i32
        %add3A_427 = arith.addi %mul3A_180, %add3A_426 : i32
        %add3A_428 = arith.constant 1 : i32
        %add3A_429 = arith.addi %add3A_427, %add3A_428 : i32
        %min3A = arith.constant 77 : i32
        %min3A_430 = arith.minsi %add3A_429, %min3A : i32
        %dma_start3A_431 = arith.constant 0 : i32
        %dma_start3A_432 = tpu.memref_slice %arg9[%min3A_430, %dma_start3A_431] : memref<78x128xi32, #tpu.memory_space<vmem>> -> memref<1x128xi32, #tpu.memory_space<vmem>>
        %dma_start3A_433 = tpu.memref_squeeze %dma_start3A_432 : memref<1x128xi32, #tpu.memory_space<vmem>> -> memref<128xi32, #tpu.memory_space<vmem>>
        %dma_start3A_434 = arith.constant 0 : i32
        %dma_start3A_435 = arith.constant 0 : i32
        %dma_start3A_436 = tpu.memref_slice %arg2[%dma_start3A_434, %dma_start3A_435] : memref<10240x16xf32, #tpu.memory_space<hbm>> -> memref<10240x16xf32, #tpu.memory_space<hbm>>
        tpu.enqueue_indirect_dma source(%dma_start3A_436 : memref<10240x16xf32, #tpu.memory_space<hbm>>) target(%arg14 : memref<128x16xf32, #tpu.memory_space<vmem>>) offsets(%dma_start3A_433 : memref<128xi32, #tpu.memory_space<vmem>>) semaphore(%arg23 : memref<!tpu.dma_semaphore, #tpu.memory_space<semaphore_mem>>)
      } else {
      }
      %dma_wait3A_336 = arith.constant 0 : i32
      %dma_wait3A_337 = tpu.memref_slice %arg10[%add3A_222, %dma_wait3A_336] : memref<78x128xi32, #tpu.memory_space<vmem>> -> memref<1x128xi32, #tpu.memory_space<vmem>>
      %dma_wait3A_338 = tpu.memref_squeeze %dma_wait3A_337 : memref<1x128xi32, #tpu.memory_space<vmem>> -> memref<128xi32, #tpu.memory_space<vmem>>
      %dma_wait3A_339 = arith.constant 0 : i32
      %dma_wait3A_340 = arith.constant 0 : i32
      %dma_wait3A_341 = tpu.memref_slice %arg38[%dma_wait3A_339, %dma_wait3A_340] : memref<10240x16xf32, #tpu.memory_space<vmem_shared>> -> memref<10240x16xf32, #tpu.memory_space<vmem_shared>>
      tpu.wait_indirect_dma semaphore(%arg32 : memref<!tpu.dma_semaphore, #tpu.memory_space<semaphore_mem>>) src(%arg15 : memref<128x16xf32, #tpu.memory_space<vmem>>) dst(%dma_wait3A_341 : memref<10240x16xf32, #tpu.memory_space<vmem_shared>>)
      %add3A_342 = arith.constant 8 : i32
      %add3A_343 = arith.addi %mul3A_180, %add3A_342 : i32
      %add3A_344 = arith.constant 2 : i32
      %add3A_345 = arith.addi %add3A_343, %add3A_344 : i32
      %lt3A_346 = arith.constant 78 : i32
      %lt3A_347 = arith.cmpi slt, %add3A_345, %lt3A_346 : i32
      %convert_element_type3A_348 = arith.extui %lt3A_347 : i1 to i32
      %cond3A_349 = arith.constant 0 : i32
      %cond3A_350 = arith.cmpi ne, %convert_element_type3A_348, %cond3A_349 : i32
      scf.if %cond3A_350 {
        %add3A_426 = arith.constant 8 : i32
        %add3A_427 = arith.addi %mul3A_180, %add3A_426 : i32
        %add3A_428 = arith.constant 2 : i32
        %add3A_429 = arith.addi %add3A_427, %add3A_428 : i32
        %min3A = arith.constant 77 : i32
        %min3A_430 = arith.minsi %add3A_429, %min3A : i32
        %dma_start3A_431 = arith.constant 0 : i32
        %dma_start3A_432 = tpu.memref_slice %arg9[%min3A_430, %dma_start3A_431] : memref<78x128xi32, #tpu.memory_space<vmem>> -> memref<1x128xi32, #tpu.memory_space<vmem>>
        %dma_start3A_433 = tpu.memref_squeeze %dma_start3A_432 : memref<1x128xi32, #tpu.memory_space<vmem>> -> memref<128xi32, #tpu.memory_space<vmem>>
        %dma_start3A_434 = arith.constant 0 : i32
        %dma_start3A_435 = arith.constant 0 : i32
        %dma_start3A_436 = tpu.memref_slice %arg2[%dma_start3A_434, %dma_start3A_435] : memref<10240x16xf32, #tpu.memory_space<hbm>> -> memref<10240x16xf32, #tpu.memory_space<hbm>>
        tpu.enqueue_indirect_dma source(%dma_start3A_436 : memref<10240x16xf32, #tpu.memory_space<hbm>>) target(%arg15 : memref<128x16xf32, #tpu.memory_space<vmem>>) offsets(%dma_start3A_433 : memref<128xi32, #tpu.memory_space<vmem>>) semaphore(%arg24 : memref<!tpu.dma_semaphore, #tpu.memory_space<semaphore_mem>>)
      } else {
      }
      %dma_wait3A_351 = arith.constant 0 : i32
      %dma_wait3A_352 = tpu.memref_slice %arg10[%add3A_238, %dma_wait3A_351] : memref<78x128xi32, #tpu.memory_space<vmem>> -> memref<1x128xi32, #tpu.memory_space<vmem>>
      %dma_wait3A_353 = tpu.memref_squeeze %dma_wait3A_352 : memref<1x128xi32, #tpu.memory_space<vmem>> -> memref<128xi32, #tpu.memory_space<vmem>>
      %dma_wait3A_354 = arith.constant 0 : i32
      %dma_wait3A_355 = arith.constant 0 : i32
      %dma_wait3A_356 = tpu.memref_slice %arg38[%dma_wait3A_354, %dma_wait3A_355] : memref<10240x16xf32, #tpu.memory_space<vmem_shared>> -> memref<10240x16xf32, #tpu.memory_space<vmem_shared>>
      tpu.wait_indirect_dma semaphore(%arg33 : memref<!tpu.dma_semaphore, #tpu.memory_space<semaphore_mem>>) src(%arg16 : memref<128x16xf32, #tpu.memory_space<vmem>>) dst(%dma_wait3A_356 : memref<10240x16xf32, #tpu.memory_space<vmem_shared>>)
      %add3A_357 = arith.constant 8 : i32
      %add3A_358 = arith.addi %mul3A_180, %add3A_357 : i32
      %add3A_359 = arith.constant 3 : i32
      %add3A_360 = arith.addi %add3A_358, %add3A_359 : i32
      %lt3A_361 = arith.constant 78 : i32
      %lt3A_362 = arith.cmpi slt, %add3A_360, %lt3A_361 : i32
      %convert_element_type3A_363 = arith.extui %lt3A_362 : i1 to i32
      %cond3A_364 = arith.constant 0 : i32
      %cond3A_365 = arith.cmpi ne, %convert_element_type3A_363, %cond3A_364 : i32
      scf.if %cond3A_365 {
        %add3A_426 = arith.constant 8 : i32
        %add3A_427 = arith.addi %mul3A_180, %add3A_426 : i32
        %add3A_428 = arith.constant 3 : i32
        %add3A_429 = arith.addi %add3A_427, %add3A_428 : i32
        %min3A = arith.constant 77 : i32
        %min3A_430 = arith.minsi %add3A_429, %min3A : i32
        %dma_start3A_431 = arith.constant 0 : i32
        %dma_start3A_432 = tpu.memref_slice %arg9[%min3A_430, %dma_start3A_431] : memref<78x128xi32, #tpu.memory_space<vmem>> -> memref<1x128xi32, #tpu.memory_space<vmem>>
        %dma_start3A_433 = tpu.memref_squeeze %dma_start3A_432 : memref<1x128xi32, #tpu.memory_space<vmem>> -> memref<128xi32, #tpu.memory_space<vmem>>
        %dma_start3A_434 = arith.constant 0 : i32
        %dma_start3A_435 = arith.constant 0 : i32
        %dma_start3A_436 = tpu.memref_slice %arg2[%dma_start3A_434, %dma_start3A_435] : memref<10240x16xf32, #tpu.memory_space<hbm>> -> memref<10240x16xf32, #tpu.memory_space<hbm>>
        tpu.enqueue_indirect_dma source(%dma_start3A_436 : memref<10240x16xf32, #tpu.memory_space<hbm>>) target(%arg16 : memref<128x16xf32, #tpu.memory_space<vmem>>) offsets(%dma_start3A_433 : memref<128xi32, #tpu.memory_space<vmem>>) semaphore(%arg25 : memref<!tpu.dma_semaphore, #tpu.memory_space<semaphore_mem>>)
      } else {
      }
      %dma_wait3A_366 = arith.constant 0 : i32
      %dma_wait3A_367 = tpu.memref_slice %arg10[%add3A_254, %dma_wait3A_366] : memref<78x128xi32, #tpu.memory_space<vmem>> -> memref<1x128xi32, #tpu.memory_space<vmem>>
      %dma_wait3A_368 = tpu.memref_squeeze %dma_wait3A_367 : memref<1x128xi32, #tpu.memory_space<vmem>> -> memref<128xi32, #tpu.memory_space<vmem>>
      %dma_wait3A_369 = arith.constant 0 : i32
      %dma_wait3A_370 = arith.constant 0 : i32
      %dma_wait3A_371 = tpu.memref_slice %arg38[%dma_wait3A_369, %dma_wait3A_370] : memref<10240x16xf32, #tpu.memory_space<vmem_shared>> -> memref<10240x16xf32, #tpu.memory_space<vmem_shared>>
      tpu.wait_indirect_dma semaphore(%arg34 : memref<!tpu.dma_semaphore, #tpu.memory_space<semaphore_mem>>) src(%arg17 : memref<128x16xf32, #tpu.memory_space<vmem>>) dst(%dma_wait3A_371 : memref<10240x16xf32, #tpu.memory_space<vmem_shared>>)
      %add3A_372 = arith.constant 8 : i32
      %add3A_373 = arith.addi %mul3A_180, %add3A_372 : i32
      %add3A_374 = arith.constant 4 : i32
      %add3A_375 = arith.addi %add3A_373, %add3A_374 : i32
      %lt3A_376 = arith.constant 78 : i32
      %lt3A_377 = arith.cmpi slt, %add3A_375, %lt3A_376 : i32
      %convert_element_type3A_378 = arith.extui %lt3A_377 : i1 to i32
      %cond3A_379 = arith.constant 0 : i32
      %cond3A_380 = arith.cmpi ne, %convert_element_type3A_378, %cond3A_379 : i32
      scf.if %cond3A_380 {
        %add3A_426 = arith.constant 8 : i32
        %add3A_427 = arith.addi %mul3A_180, %add3A_426 : i32
        %add3A_428 = arith.constant 4 : i32
        %add3A_429 = arith.addi %add3A_427, %add3A_428 : i32
        %min3A = arith.constant 77 : i32
        %min3A_430 = arith.minsi %add3A_429, %min3A : i32
        %dma_start3A_431 = arith.constant 0 : i32
        %dma_start3A_432 = tpu.memref_slice %arg9[%min3A_430, %dma_start3A_431] : memref<78x128xi32, #tpu.memory_space<vmem>> -> memref<1x128xi32, #tpu.memory_space<vmem>>
        %dma_start3A_433 = tpu.memref_squeeze %dma_start3A_432 : memref<1x128xi32, #tpu.memory_space<vmem>> -> memref<128xi32, #tpu.memory_space<vmem>>
        %dma_start3A_434 = arith.constant 0 : i32
        %dma_start3A_435 = arith.constant 0 : i32
        %dma_start3A_436 = tpu.memref_slice %arg2[%dma_start3A_434, %dma_start3A_435] : memref<10240x16xf32, #tpu.memory_space<hbm>> -> memref<10240x16xf32, #tpu.memory_space<hbm>>
        tpu.enqueue_indirect_dma source(%dma_start3A_436 : memref<10240x16xf32, #tpu.memory_space<hbm>>) target(%arg17 : memref<128x16xf32, #tpu.memory_space<vmem>>) offsets(%dma_start3A_433 : memref<128xi32, #tpu.memory_space<vmem>>) semaphore(%arg26 : memref<!tpu.dma_semaphore, #tpu.memory_space<semaphore_mem>>)
      } else {
      }
      %dma_wait3A_381 = arith.constant 0 : i32
      %dma_wait3A_382 = tpu.memref_slice %arg10[%add3A_270, %dma_wait3A_381] : memref<78x128xi32, #tpu.memory_space<vmem>> -> memref<1x128xi32, #tpu.memory_space<vmem>>
      %dma_wait3A_383 = tpu.memref_squeeze %dma_wait3A_382 : memref<1x128xi32, #tpu.memory_space<vmem>> -> memref<128xi32, #tpu.memory_space<vmem>>
      %dma_wait3A_384 = arith.constant 0 : i32
      %dma_wait3A_385 = arith.constant 0 : i32
      %dma_wait3A_386 = tpu.memref_slice %arg38[%dma_wait3A_384, %dma_wait3A_385] : memref<10240x16xf32, #tpu.memory_space<vmem_shared>> -> memref<10240x16xf32, #tpu.memory_space<vmem_shared>>
      tpu.wait_indirect_dma semaphore(%arg35 : memref<!tpu.dma_semaphore, #tpu.memory_space<semaphore_mem>>) src(%arg18 : memref<128x16xf32, #tpu.memory_space<vmem>>) dst(%dma_wait3A_386 : memref<10240x16xf32, #tpu.memory_space<vmem_shared>>)
      %add3A_387 = arith.constant 8 : i32
      %add3A_388 = arith.addi %mul3A_180, %add3A_387 : i32
      %add3A_389 = arith.constant 5 : i32
      %add3A_390 = arith.addi %add3A_388, %add3A_389 : i32
      %lt3A_391 = arith.constant 78 : i32
      %lt3A_392 = arith.cmpi slt, %add3A_390, %lt3A_391 : i32
      %convert_element_type3A_393 = arith.extui %lt3A_392 : i1 to i32
      %cond3A_394 = arith.constant 0 : i32
      %cond3A_395 = arith.cmpi ne, %convert_element_type3A_393, %cond3A_394 : i32
      scf.if %cond3A_395 {
        %add3A_426 = arith.constant 8 : i32
        %add3A_427 = arith.addi %mul3A_180, %add3A_426 : i32
        %add3A_428 = arith.constant 5 : i32
        %add3A_429 = arith.addi %add3A_427, %add3A_428 : i32
        %min3A = arith.constant 77 : i32
        %min3A_430 = arith.minsi %add3A_429, %min3A : i32
        %dma_start3A_431 = arith.constant 0 : i32
        %dma_start3A_432 = tpu.memref_slice %arg9[%min3A_430, %dma_start3A_431] : memref<78x128xi32, #tpu.memory_space<vmem>> -> memref<1x128xi32, #tpu.memory_space<vmem>>
        %dma_start3A_433 = tpu.memref_squeeze %dma_start3A_432 : memref<1x128xi32, #tpu.memory_space<vmem>> -> memref<128xi32, #tpu.memory_space<vmem>>
        %dma_start3A_434 = arith.constant 0 : i32
        %dma_start3A_435 = arith.constant 0 : i32
        %dma_start3A_436 = tpu.memref_slice %arg2[%dma_start3A_434, %dma_start3A_435] : memref<10240x16xf32, #tpu.memory_space<hbm>> -> memref<10240x16xf32, #tpu.memory_space<hbm>>
        tpu.enqueue_indirect_dma source(%dma_start3A_436 : memref<10240x16xf32, #tpu.memory_space<hbm>>) target(%arg18 : memref<128x16xf32, #tpu.memory_space<vmem>>) offsets(%dma_start3A_433 : memref<128xi32, #tpu.memory_space<vmem>>) semaphore(%arg27 : memref<!tpu.dma_semaphore, #tpu.memory_space<semaphore_mem>>)
      } else {
      }
      %dma_wait3A_396 = arith.constant 0 : i32
      %dma_wait3A_397 = tpu.memref_slice %arg10[%add3A_286, %dma_wait3A_396] : memref<78x128xi32, #tpu.memory_space<vmem>> -> memref<1x128xi32, #tpu.memory_space<vmem>>
      %dma_wait3A_398 = tpu.memref_squeeze %dma_wait3A_397 : memref<1x128xi32, #tpu.memory_space<vmem>> -> memref<128xi32, #tpu.memory_space<vmem>>
      %dma_wait3A_399 = arith.constant 0 : i32
      %dma_wait3A_400 = arith.constant 0 : i32
      %dma_wait3A_401 = tpu.memref_slice %arg38[%dma_wait3A_399, %dma_wait3A_400] : memref<10240x16xf32, #tpu.memory_space<vmem_shared>> -> memref<10240x16xf32, #tpu.memory_space<vmem_shared>>
      tpu.wait_indirect_dma semaphore(%arg36 : memref<!tpu.dma_semaphore, #tpu.memory_space<semaphore_mem>>) src(%arg19 : memref<128x16xf32, #tpu.memory_space<vmem>>) dst(%dma_wait3A_401 : memref<10240x16xf32, #tpu.memory_space<vmem_shared>>)
      %add3A_402 = arith.constant 8 : i32
      %add3A_403 = arith.addi %mul3A_180, %add3A_402 : i32
      %add3A_404 = arith.constant 6 : i32
      %add3A_405 = arith.addi %add3A_403, %add3A_404 : i32
      %lt3A_406 = arith.constant 78 : i32
      %lt3A_407 = arith.cmpi slt, %add3A_405, %lt3A_406 : i32
      %convert_element_type3A_408 = arith.extui %lt3A_407 : i1 to i32
      %cond3A_409 = arith.constant 0 : i32
      %cond3A_410 = arith.cmpi ne, %convert_element_type3A_408, %cond3A_409 : i32
      scf.if %cond3A_410 {
        %add3A_426 = arith.constant 8 : i32
        %add3A_427 = arith.addi %mul3A_180, %add3A_426 : i32
        %add3A_428 = arith.constant 6 : i32
        %add3A_429 = arith.addi %add3A_427, %add3A_428 : i32
        %min3A = arith.constant 77 : i32
        %min3A_430 = arith.minsi %add3A_429, %min3A : i32
        %dma_start3A_431 = arith.constant 0 : i32
        %dma_start3A_432 = tpu.memref_slice %arg9[%min3A_430, %dma_start3A_431] : memref<78x128xi32, #tpu.memory_space<vmem>> -> memref<1x128xi32, #tpu.memory_space<vmem>>
        %dma_start3A_433 = tpu.memref_squeeze %dma_start3A_432 : memref<1x128xi32, #tpu.memory_space<vmem>> -> memref<128xi32, #tpu.memory_space<vmem>>
        %dma_start3A_434 = arith.constant 0 : i32
        %dma_start3A_435 = arith.constant 0 : i32
        %dma_start3A_436 = tpu.memref_slice %arg2[%dma_start3A_434, %dma_start3A_435] : memref<10240x16xf32, #tpu.memory_space<hbm>> -> memref<10240x16xf32, #tpu.memory_space<hbm>>
        tpu.enqueue_indirect_dma source(%dma_start3A_436 : memref<10240x16xf32, #tpu.memory_space<hbm>>) target(%arg19 : memref<128x16xf32, #tpu.memory_space<vmem>>) offsets(%dma_start3A_433 : memref<128xi32, #tpu.memory_space<vmem>>) semaphore(%arg28 : memref<!tpu.dma_semaphore, #tpu.memory_space<semaphore_mem>>)
      } else {
      }
      %dma_wait3A_411 = arith.constant 0 : i32
      %dma_wait3A_412 = tpu.memref_slice %arg10[%add3A_302, %dma_wait3A_411] : memref<78x128xi32, #tpu.memory_space<vmem>> -> memref<1x128xi32, #tpu.memory_space<vmem>>
      %dma_wait3A_413 = tpu.memref_squeeze %dma_wait3A_412 : memref<1x128xi32, #tpu.memory_space<vmem>> -> memref<128xi32, #tpu.memory_space<vmem>>
      %dma_wait3A_414 = arith.constant 0 : i32
      %dma_wait3A_415 = arith.constant 0 : i32
      %dma_wait3A_416 = tpu.memref_slice %arg38[%dma_wait3A_414, %dma_wait3A_415] : memref<10240x16xf32, #tpu.memory_space<vmem_shared>> -> memref<10240x16xf32, #tpu.memory_space<vmem_shared>>
      tpu.wait_indirect_dma semaphore(%arg37 : memref<!tpu.dma_semaphore, #tpu.memory_space<semaphore_mem>>) src(%arg20 : memref<128x16xf32, #tpu.memory_space<vmem>>) dst(%dma_wait3A_416 : memref<10240x16xf32, #tpu.memory_space<vmem_shared>>)
      %add3A_417 = arith.constant 8 : i32
      %add3A_418 = arith.addi %mul3A_180, %add3A_417 : i32
      %add3A_419 = arith.constant 7 : i32
      %add3A_420 = arith.addi %add3A_418, %add3A_419 : i32
      %lt3A_421 = arith.constant 78 : i32
      %lt3A_422 = arith.cmpi slt, %add3A_420, %lt3A_421 : i32
      %convert_element_type3A_423 = arith.extui %lt3A_422 : i1 to i32
      %cond3A_424 = arith.constant 0 : i32
      %cond3A_425 = arith.cmpi ne, %convert_element_type3A_423, %cond3A_424 : i32
      scf.if %cond3A_425 {
        %add3A_426 = arith.constant 8 : i32
        %add3A_427 = arith.addi %mul3A_180, %add3A_426 : i32
        %add3A_428 = arith.constant 7 : i32
        %add3A_429 = arith.addi %add3A_427, %add3A_428 : i32
        %min3A = arith.constant 77 : i32
        %min3A_430 = arith.minsi %add3A_429, %min3A : i32
        %dma_start3A_431 = arith.constant 0 : i32
        %dma_start3A_432 = tpu.memref_slice %arg9[%min3A_430, %dma_start3A_431] : memref<78x128xi32, #tpu.memory_space<vmem>> -> memref<1x128xi32, #tpu.memory_space<vmem>>
        %dma_start3A_433 = tpu.memref_squeeze %dma_start3A_432 : memref<1x128xi32, #tpu.memory_space<vmem>> -> memref<128xi32, #tpu.memory_space<vmem>>
        %dma_start3A_434 = arith.constant 0 : i32
        %dma_start3A_435 = arith.constant 0 : i32
        %dma_start3A_436 = tpu.memref_slice %arg2[%dma_start3A_434, %dma_start3A_435] : memref<10240x16xf32, #tpu.memory_space<hbm>> -> memref<10240x16xf32, #tpu.memory_space<hbm>>
        tpu.enqueue_indirect_dma source(%dma_start3A_436 : memref<10240x16xf32, #tpu.memory_space<hbm>>) target(%arg20 : memref<128x16xf32, #tpu.memory_space<vmem>>) offsets(%dma_start3A_433 : memref<128xi32, #tpu.memory_space<vmem>>) semaphore(%arg29 : memref<!tpu.dma_semaphore, #tpu.memory_space<semaphore_mem>>)
      } else {
      }
    }
    %scan3A_119 = arith.constant 9 : i32
    %dma_wait3A_120 = arith.constant 72 : i32
    %dma_wait3A_121 = arith.constant 0 : i32
    %dma_wait3A_122 = tpu.memref_slice %arg9[%dma_wait3A_120, %dma_wait3A_121] : memref<78x128xi32, #tpu.memory_space<vmem>> -> memref<1x128xi32, #tpu.memory_space<vmem>>
    %dma_wait3A_123 = tpu.memref_squeeze %dma_wait3A_122 : memref<1x128xi32, #tpu.memory_space<vmem>> -> memref<128xi32, #tpu.memory_space<vmem>>
    %dma_wait3A_124 = arith.constant 0 : i32
    %dma_wait3A_125 = arith.constant 0 : i32
    %dma_wait3A_126 = tpu.memref_slice %arg2[%dma_wait3A_124, %dma_wait3A_125] : memref<10240x16xf32, #tpu.memory_space<hbm>> -> memref<10240x16xf32, #tpu.memory_space<hbm>>
    tpu.wait_indirect_dma semaphore(%arg22 : memref<!tpu.dma_semaphore, #tpu.memory_space<semaphore_mem>>) src(%dma_wait3A_126 : memref<10240x16xf32, #tpu.memory_space<hbm>>) dst(%arg13 : memref<128x16xf32, #tpu.memory_space<vmem>>)
    %run_scoped3A = arith.constant 72 : i32
    "tpu.region"() ({
      %run_scoped3A_178 = tpu.sem_alloc : memref<!tpu.dma_semaphore, #tpu.memory_space<semaphore_mem>>
      %dma_start3A_179 = arith.constant 0 : i32
      %dma_start3A_180 = tpu.memref_slice %arg10[%run_scoped3A, %dma_start3A_179] : memref<78x128xi32, #tpu.memory_space<vmem>> -> memref<1x128xi32, #tpu.memory_space<vmem>>
      %dma_start3A_181 = tpu.memref_squeeze %dma_start3A_180 : memref<1x128xi32, #tpu.memory_space<vmem>> -> memref<128xi32, #tpu.memory_space<vmem>>
      %dma_start3A_182 = arith.constant 0 : i32
      %dma_start3A_183 = arith.constant 0 : i32
      %dma_start3A_184 = tpu.memref_slice %arg38[%dma_start3A_182, %dma_start3A_183] : memref<10240x16xf32, #tpu.memory_space<vmem_shared>> -> memref<10240x16xf32, #tpu.memory_space<vmem_shared>>
      tpu.enqueue_indirect_dma source(%arg13 : memref<128x16xf32, #tpu.memory_space<vmem>>) target(%dma_start3A_184 : memref<10240x16xf32, #tpu.memory_space<vmem_shared>>) offsets(%dma_start3A_181 : memref<128xi32, #tpu.memory_space<vmem>>) semaphore(%run_scoped3A_178 : memref<!tpu.dma_semaphore, #tpu.memory_space<semaphore_mem>>) {add = true}
      %dma_wait3A_185 = arith.constant 0 : i32
      %dma_wait3A_186 = tpu.memref_slice %arg10[%run_scoped3A, %dma_wait3A_185] : memref<78x128xi32, #tpu.memory_space<vmem>> -> memref<1x128xi32, #tpu.memory_space<vmem>>
      %dma_wait3A_187 = tpu.memref_squeeze %dma_wait3A_186 : memref<1x128xi32, #tpu.memory_space<vmem>> -> memref<128xi32, #tpu.memory_space<vmem>>
      %dma_wait3A_188 = arith.constant 0 : i32
      %dma_wait3A_189 = arith.constant 0 : i32
      %dma_wait3A_190 = tpu.memref_slice %arg38[%dma_wait3A_188, %dma_wait3A_189] : memref<10240x16xf32, #tpu.memory_space<vmem_shared>> -> memref<10240x16xf32, #tpu.memory_space<vmem_shared>>
      tpu.wait_indirect_dma semaphore(%run_scoped3A_178 : memref<!tpu.dma_semaphore, #tpu.memory_space<semaphore_mem>>) src(%arg13 : memref<128x16xf32, #tpu.memory_space<vmem>>) dst(%dma_wait3A_190 : memref<10240x16xf32, #tpu.memory_space<vmem_shared>>)
      tpu.yield
    }) : () -> ()
    %dma_wait3A_127 = arith.constant 73 : i32
    %dma_wait3A_128 = arith.constant 0 : i32
    %dma_wait3A_129 = tpu.memref_slice %arg9[%dma_wait3A_127, %dma_wait3A_128] : memref<78x128xi32, #tpu.memory_space<vmem>> -> memref<1x128xi32, #tpu.memory_space<vmem>>
    %dma_wait3A_130 = tpu.memref_squeeze %dma_wait3A_129 : memref<1x128xi32, #tpu.memory_space<vmem>> -> memref<128xi32, #tpu.memory_space<vmem>>
    %dma_wait3A_131 = arith.constant 0 : i32
    %dma_wait3A_132 = arith.constant 0 : i32
    %dma_wait3A_133 = tpu.memref_slice %arg2[%dma_wait3A_131, %dma_wait3A_132] : memref<10240x16xf32, #tpu.memory_space<hbm>> -> memref<10240x16xf32, #tpu.memory_space<hbm>>
    tpu.wait_indirect_dma semaphore(%arg23 : memref<!tpu.dma_semaphore, #tpu.memory_space<semaphore_mem>>) src(%dma_wait3A_133 : memref<10240x16xf32, #tpu.memory_space<hbm>>) dst(%arg14 : memref<128x16xf32, #tpu.memory_space<vmem>>)
    %run_scoped3A_134 = arith.constant 73 : i32
    "tpu.region"() ({
      %run_scoped3A_178 = tpu.sem_alloc : memref<!tpu.dma_semaphore, #tpu.memory_space<semaphore_mem>>
      %dma_start3A_179 = arith.constant 0 : i32
      %dma_start3A_180 = tpu.memref_slice %arg10[%run_scoped3A_134, %dma_start3A_179] : memref<78x128xi32, #tpu.memory_space<vmem>> -> memref<1x128xi32, #tpu.memory_space<vmem>>
      %dma_start3A_181 = tpu.memref_squeeze %dma_start3A_180 : memref<1x128xi32, #tpu.memory_space<vmem>> -> memref<128xi32, #tpu.memory_space<vmem>>
      %dma_start3A_182 = arith.constant 0 : i32
      %dma_start3A_183 = arith.constant 0 : i32
      %dma_start3A_184 = tpu.memref_slice %arg38[%dma_start3A_182, %dma_start3A_183] : memref<10240x16xf32, #tpu.memory_space<vmem_shared>> -> memref<10240x16xf32, #tpu.memory_space<vmem_shared>>
      tpu.enqueue_indirect_dma source(%arg14 : memref<128x16xf32, #tpu.memory_space<vmem>>) target(%dma_start3A_184 : memref<10240x16xf32, #tpu.memory_space<vmem_shared>>) offsets(%dma_start3A_181 : memref<128xi32, #tpu.memory_space<vmem>>) semaphore(%run_scoped3A_178 : memref<!tpu.dma_semaphore, #tpu.memory_space<semaphore_mem>>) {add = true}
      %dma_wait3A_185 = arith.constant 0 : i32
      %dma_wait3A_186 = tpu.memref_slice %arg10[%run_scoped3A_134, %dma_wait3A_185] : memref<78x128xi32, #tpu.memory_space<vmem>> -> memref<1x128xi32, #tpu.memory_space<vmem>>
      %dma_wait3A_187 = tpu.memref_squeeze %dma_wait3A_186 : memref<1x128xi32, #tpu.memory_space<vmem>> -> memref<128xi32, #tpu.memory_space<vmem>>
      %dma_wait3A_188 = arith.constant 0 : i32
      %dma_wait3A_189 = arith.constant 0 : i32
      %dma_wait3A_190 = tpu.memref_slice %arg38[%dma_wait3A_188, %dma_wait3A_189] : memref<10240x16xf32, #tpu.memory_space<vmem_shared>> -> memref<10240x16xf32, #tpu.memory_space<vmem_shared>>
      tpu.wait_indirect_dma semaphore(%run_scoped3A_178 : memref<!tpu.dma_semaphore, #tpu.memory_space<semaphore_mem>>) src(%arg14 : memref<128x16xf32, #tpu.memory_space<vmem>>) dst(%dma_wait3A_190 : memref<10240x16xf32, #tpu.memory_space<vmem_shared>>)
      tpu.yield
    }) : () -> ()
    %dma_wait3A_135 = arith.constant 74 : i32
    %dma_wait3A_136 = arith.constant 0 : i32
    %dma_wait3A_137 = tpu.memref_slice %arg9[%dma_wait3A_135, %dma_wait3A_136] : memref<78x128xi32, #tpu.memory_space<vmem>> -> memref<1x128xi32, #tpu.memory_space<vmem>>
    %dma_wait3A_138 = tpu.memref_squeeze %dma_wait3A_137 : memref<1x128xi32, #tpu.memory_space<vmem>> -> memref<128xi32, #tpu.memory_space<vmem>>
    %dma_wait3A_139 = arith.constant 0 : i32
    %dma_wait3A_140 = arith.constant 0 : i32
    %dma_wait3A_141 = tpu.memref_slice %arg2[%dma_wait3A_139, %dma_wait3A_140] : memref<10240x16xf32, #tpu.memory_space<hbm>> -> memref<10240x16xf32, #tpu.memory_space<hbm>>
    tpu.wait_indirect_dma semaphore(%arg24 : memref<!tpu.dma_semaphore, #tpu.memory_space<semaphore_mem>>) src(%dma_wait3A_141 : memref<10240x16xf32, #tpu.memory_space<hbm>>) dst(%arg15 : memref<128x16xf32, #tpu.memory_space<vmem>>)
    %run_scoped3A_142 = arith.constant 74 : i32
    "tpu.region"() ({
      %run_scoped3A_178 = tpu.sem_alloc : memref<!tpu.dma_semaphore, #tpu.memory_space<semaphore_mem>>
      %dma_start3A_179 = arith.constant 0 : i32
      %dma_start3A_180 = tpu.memref_slice %arg10[%run_scoped3A_142, %dma_start3A_179] : memref<78x128xi32, #tpu.memory_space<vmem>> -> memref<1x128xi32, #tpu.memory_space<vmem>>
      %dma_start3A_181 = tpu.memref_squeeze %dma_start3A_180 : memref<1x128xi32, #tpu.memory_space<vmem>> -> memref<128xi32, #tpu.memory_space<vmem>>
      %dma_start3A_182 = arith.constant 0 : i32
      %dma_start3A_183 = arith.constant 0 : i32
      %dma_start3A_184 = tpu.memref_slice %arg38[%dma_start3A_182, %dma_start3A_183] : memref<10240x16xf32, #tpu.memory_space<vmem_shared>> -> memref<10240x16xf32, #tpu.memory_space<vmem_shared>>
      tpu.enqueue_indirect_dma source(%arg15 : memref<128x16xf32, #tpu.memory_space<vmem>>) target(%dma_start3A_184 : memref<10240x16xf32, #tpu.memory_space<vmem_shared>>) offsets(%dma_start3A_181 : memref<128xi32, #tpu.memory_space<vmem>>) semaphore(%run_scoped3A_178 : memref<!tpu.dma_semaphore, #tpu.memory_space<semaphore_mem>>) {add = true}
      %dma_wait3A_185 = arith.constant 0 : i32
      %dma_wait3A_186 = tpu.memref_slice %arg10[%run_scoped3A_142, %dma_wait3A_185] : memref<78x128xi32, #tpu.memory_space<vmem>> -> memref<1x128xi32, #tpu.memory_space<vmem>>
      %dma_wait3A_187 = tpu.memref_squeeze %dma_wait3A_186 : memref<1x128xi32, #tpu.memory_space<vmem>> -> memref<128xi32, #tpu.memory_space<vmem>>
      %dma_wait3A_188 = arith.constant 0 : i32
      %dma_wait3A_189 = arith.constant 0 : i32
      %dma_wait3A_190 = tpu.memref_slice %arg38[%dma_wait3A_188, %dma_wait3A_189] : memref<10240x16xf32, #tpu.memory_space<vmem_shared>> -> memref<10240x16xf32, #tpu.memory_space<vmem_shared>>
      tpu.wait_indirect_dma semaphore(%run_scoped3A_178 : memref<!tpu.dma_semaphore, #tpu.memory_space<semaphore_mem>>) src(%arg15 : memref<128x16xf32, #tpu.memory_space<vmem>>) dst(%dma_wait3A_190 : memref<10240x16xf32, #tpu.memory_space<vmem_shared>>)
      tpu.yield
    }) : () -> ()
    %dma_wait3A_143 = arith.constant 75 : i32
    %dma_wait3A_144 = arith.constant 0 : i32
    %dma_wait3A_145 = tpu.memref_slice %arg9[%dma_wait3A_143, %dma_wait3A_144] : memref<78x128xi32, #tpu.memory_space<vmem>> -> memref<1x128xi32, #tpu.memory_space<vmem>>
    %dma_wait3A_146 = tpu.memref_squeeze %dma_wait3A_145 : memref<1x128xi32, #tpu.memory_space<vmem>> -> memref<128xi32, #tpu.memory_space<vmem>>
    %dma_wait3A_147 = arith.constant 0 : i32
    %dma_wait3A_148 = arith.constant 0 : i32
    %dma_wait3A_149 = tpu.memref_slice %arg2[%dma_wait3A_147, %dma_wait3A_148] : memref<10240x16xf32, #tpu.memory_space<hbm>> -> memref<10240x16xf32, #tpu.memory_space<hbm>>
    tpu.wait_indirect_dma semaphore(%arg25 : memref<!tpu.dma_semaphore, #tpu.memory_space<semaphore_mem>>) src(%dma_wait3A_149 : memref<10240x16xf32, #tpu.memory_space<hbm>>) dst(%arg16 : memref<128x16xf32, #tpu.memory_space<vmem>>)
    %run_scoped3A_150 = arith.constant 75 : i32
    "tpu.region"() ({
      %run_scoped3A_178 = tpu.sem_alloc : memref<!tpu.dma_semaphore, #tpu.memory_space<semaphore_mem>>
      %dma_start3A_179 = arith.constant 0 : i32
      %dma_start3A_180 = tpu.memref_slice %arg10[%run_scoped3A_150, %dma_start3A_179] : memref<78x128xi32, #tpu.memory_space<vmem>> -> memref<1x128xi32, #tpu.memory_space<vmem>>
      %dma_start3A_181 = tpu.memref_squeeze %dma_start3A_180 : memref<1x128xi32, #tpu.memory_space<vmem>> -> memref<128xi32, #tpu.memory_space<vmem>>
      %dma_start3A_182 = arith.constant 0 : i32
      %dma_start3A_183 = arith.constant 0 : i32
      %dma_start3A_184 = tpu.memref_slice %arg38[%dma_start3A_182, %dma_start3A_183] : memref<10240x16xf32, #tpu.memory_space<vmem_shared>> -> memref<10240x16xf32, #tpu.memory_space<vmem_shared>>
      tpu.enqueue_indirect_dma source(%arg16 : memref<128x16xf32, #tpu.memory_space<vmem>>) target(%dma_start3A_184 : memref<10240x16xf32, #tpu.memory_space<vmem_shared>>) offsets(%dma_start3A_181 : memref<128xi32, #tpu.memory_space<vmem>>) semaphore(%run_scoped3A_178 : memref<!tpu.dma_semaphore, #tpu.memory_space<semaphore_mem>>) {add = true}
      %dma_wait3A_185 = arith.constant 0 : i32
      %dma_wait3A_186 = tpu.memref_slice %arg10[%run_scoped3A_150, %dma_wait3A_185] : memref<78x128xi32, #tpu.memory_space<vmem>> -> memref<1x128xi32, #tpu.memory_space<vmem>>
      %dma_wait3A_187 = tpu.memref_squeeze %dma_wait3A_186 : memref<1x128xi32, #tpu.memory_space<vmem>> -> memref<128xi32, #tpu.memory_space<vmem>>
      %dma_wait3A_188 = arith.constant 0 : i32
      %dma_wait3A_189 = arith.constant 0 : i32
      %dma_wait3A_190 = tpu.memref_slice %arg38[%dma_wait3A_188, %dma_wait3A_189] : memref<10240x16xf32, #tpu.memory_space<vmem_shared>> -> memref<10240x16xf32, #tpu.memory_space<vmem_shared>>
      tpu.wait_indirect_dma semaphore(%run_scoped3A_178 : memref<!tpu.dma_semaphore, #tpu.memory_space<semaphore_mem>>) src(%arg16 : memref<128x16xf32, #tpu.memory_space<vmem>>) dst(%dma_wait3A_190 : memref<10240x16xf32, #tpu.memory_space<vmem_shared>>)
      tpu.yield
    }) : () -> ()
    %dma_wait3A_151 = arith.constant 76 : i32
    %dma_wait3A_152 = arith.constant 0 : i32
    %dma_wait3A_153 = tpu.memref_slice %arg9[%dma_wait3A_151, %dma_wait3A_152] : memref<78x128xi32, #tpu.memory_space<vmem>> -> memref<1x128xi32, #tpu.memory_space<vmem>>
    %dma_wait3A_154 = tpu.memref_squeeze %dma_wait3A_153 : memref<1x128xi32, #tpu.memory_space<vmem>> -> memref<128xi32, #tpu.memory_space<vmem>>
    %dma_wait3A_155 = arith.constant 0 : i32
    %dma_wait3A_156 = arith.constant 0 : i32
    %dma_wait3A_157 = tpu.memref_slice %arg2[%dma_wait3A_155, %dma_wait3A_156] : memref<10240x16xf32, #tpu.memory_space<hbm>> -> memref<10240x16xf32, #tpu.memory_space<hbm>>
    tpu.wait_indirect_dma semaphore(%arg26 : memref<!tpu.dma_semaphore, #tpu.memory_space<semaphore_mem>>) src(%dma_wait3A_157 : memref<10240x16xf32, #tpu.memory_space<hbm>>) dst(%arg17 : memref<128x16xf32, #tpu.memory_space<vmem>>)
    %run_scoped3A_158 = arith.constant 76 : i32
    "tpu.region"() ({
      %run_scoped3A_178 = tpu.sem_alloc : memref<!tpu.dma_semaphore, #tpu.memory_space<semaphore_mem>>
      %dma_start3A_179 = arith.constant 0 : i32
      %dma_start3A_180 = tpu.memref_slice %arg10[%run_scoped3A_158, %dma_start3A_179] : memref<78x128xi32, #tpu.memory_space<vmem>> -> memref<1x128xi32, #tpu.memory_space<vmem>>
      %dma_start3A_181 = tpu.memref_squeeze %dma_start3A_180 : memref<1x128xi32, #tpu.memory_space<vmem>> -> memref<128xi32, #tpu.memory_space<vmem>>
      %dma_start3A_182 = arith.constant 0 : i32
      %dma_start3A_183 = arith.constant 0 : i32
      %dma_start3A_184 = tpu.memref_slice %arg38[%dma_start3A_182, %dma_start3A_183] : memref<10240x16xf32, #tpu.memory_space<vmem_shared>> -> memref<10240x16xf32, #tpu.memory_space<vmem_shared>>
      tpu.enqueue_indirect_dma source(%arg17 : memref<128x16xf32, #tpu.memory_space<vmem>>) target(%dma_start3A_184 : memref<10240x16xf32, #tpu.memory_space<vmem_shared>>) offsets(%dma_start3A_181 : memref<128xi32, #tpu.memory_space<vmem>>) semaphore(%run_scoped3A_178 : memref<!tpu.dma_semaphore, #tpu.memory_space<semaphore_mem>>) {add = true}
      %dma_wait3A_185 = arith.constant 0 : i32
      %dma_wait3A_186 = tpu.memref_slice %arg10[%run_scoped3A_158, %dma_wait3A_185] : memref<78x128xi32, #tpu.memory_space<vmem>> -> memref<1x128xi32, #tpu.memory_space<vmem>>
      %dma_wait3A_187 = tpu.memref_squeeze %dma_wait3A_186 : memref<1x128xi32, #tpu.memory_space<vmem>> -> memref<128xi32, #tpu.memory_space<vmem>>
      %dma_wait3A_188 = arith.constant 0 : i32
      %dma_wait3A_189 = arith.constant 0 : i32
      %dma_wait3A_190 = tpu.memref_slice %arg38[%dma_wait3A_188, %dma_wait3A_189] : memref<10240x16xf32, #tpu.memory_space<vmem_shared>> -> memref<10240x16xf32, #tpu.memory_space<vmem_shared>>
      tpu.wait_indirect_dma semaphore(%run_scoped3A_178 : memref<!tpu.dma_semaphore, #tpu.memory_space<semaphore_mem>>) src(%arg17 : memref<128x16xf32, #tpu.memory_space<vmem>>) dst(%dma_wait3A_190 : memref<10240x16xf32, #tpu.memory_space<vmem_shared>>)
      tpu.yield
    }) : () -> ()
    %dma_wait3A_159 = arith.constant 77 : i32
    %dma_wait3A_160 = arith.constant 0 : i32
    %dma_wait3A_161 = tpu.memref_slice %arg9[%dma_wait3A_159, %dma_wait3A_160] : memref<78x128xi32, #tpu.memory_space<vmem>> -> memref<1x128xi32, #tpu.memory_space<vmem>>
    %dma_wait3A_162 = tpu.memref_squeeze %dma_wait3A_161 : memref<1x128xi32, #tpu.memory_space<vmem>> -> memref<128xi32, #tpu.memory_space<vmem>>
    %dma_wait3A_163 = arith.constant 0 : i32
    %dma_wait3A_164 = arith.constant 0 : i32
    %dma_wait3A_165 = tpu.memref_slice %arg2[%dma_wait3A_163, %dma_wait3A_164] : memref<10240x16xf32, #tpu.memory_space<hbm>> -> memref<10240x16xf32, #tpu.memory_space<hbm>>
    tpu.wait_indirect_dma semaphore(%arg27 : memref<!tpu.dma_semaphore, #tpu.memory_space<semaphore_mem>>) src(%dma_wait3A_165 : memref<10240x16xf32, #tpu.memory_space<hbm>>) dst(%arg18 : memref<128x16xf32, #tpu.memory_space<vmem>>)
    %run_scoped3A_166 = arith.constant 77 : i32
    "tpu.region"() ({
      %run_scoped3A_178 = tpu.sem_alloc : memref<!tpu.dma_semaphore, #tpu.memory_space<semaphore_mem>>
      %dma_start3A_179 = arith.constant 0 : i32
      %dma_start3A_180 = tpu.memref_slice %arg10[%run_scoped3A_166, %dma_start3A_179] : memref<78x128xi32, #tpu.memory_space<vmem>> -> memref<1x128xi32, #tpu.memory_space<vmem>>
      %dma_start3A_181 = tpu.memref_squeeze %dma_start3A_180 : memref<1x128xi32, #tpu.memory_space<vmem>> -> memref<128xi32, #tpu.memory_space<vmem>>
      %dma_start3A_182 = arith.constant 0 : i32
      %dma_start3A_183 = arith.constant 0 : i32
      %dma_start3A_184 = tpu.memref_slice %arg38[%dma_start3A_182, %dma_start3A_183] : memref<10240x16xf32, #tpu.memory_space<vmem_shared>> -> memref<10240x16xf32, #tpu.memory_space<vmem_shared>>
      tpu.enqueue_indirect_dma source(%arg18 : memref<128x16xf32, #tpu.memory_space<vmem>>) target(%dma_start3A_184 : memref<10240x16xf32, #tpu.memory_space<vmem_shared>>) offsets(%dma_start3A_181 : memref<128xi32, #tpu.memory_space<vmem>>) semaphore(%run_scoped3A_178 : memref<!tpu.dma_semaphore, #tpu.memory_space<semaphore_mem>>) {add = true}
      %dma_wait3A_185 = arith.constant 0 : i32
      %dma_wait3A_186 = tpu.memref_slice %arg10[%run_scoped3A_166, %dma_wait3A_185] : memref<78x128xi32, #tpu.memory_space<vmem>> -> memref<1x128xi32, #tpu.memory_space<vmem>>
      %dma_wait3A_187 = tpu.memref_squeeze %dma_wait3A_186 : memref<1x128xi32, #tpu.memory_space<vmem>> -> memref<128xi32, #tpu.memory_space<vmem>>
      %dma_wait3A_188 = arith.constant 0 : i32
      %dma_wait3A_189 = arith.constant 0 : i32
      %dma_wait3A_190 = tpu.memref_slice %arg38[%dma_wait3A_188, %dma_wait3A_189] : memref<10240x16xf32, #tpu.memory_space<vmem_shared>> -> memref<10240x16xf32, #tpu.memory_space<vmem_shared>>
      tpu.wait_indirect_dma semaphore(%run_scoped3A_178 : memref<!tpu.dma_semaphore, #tpu.memory_space<semaphore_mem>>) src(%arg18 : memref<128x16xf32, #tpu.memory_space<vmem>>) dst(%dma_wait3A_190 : memref<10240x16xf32, #tpu.memory_space<vmem_shared>>)
      tpu.yield
    }) : () -> ()
    %dma_start3A_167 = arith.constant 0 : i32
    %dma_start3A_168 = arith.constant 0 : i32
    %dma_start3A_169 = tpu.memref_slice %arg2[%dma_start3A_167, %dma_start3A_168] : memref<10240x16xf32, #tpu.memory_space<hbm>> -> memref<10240x16xf32, #tpu.memory_space<hbm>>
    tpu.enqueue_indirect_dma source(%dma_start3A_169 : memref<10240x16xf32, #tpu.memory_space<hbm>>) target(%arg21 : memref<16x16xf32, #tpu.memory_space<vmem>>) offsets(%arg11 : memref<16xi32, #tpu.memory_space<vmem>>) semaphore(%arg22 : memref<!tpu.dma_semaphore, #tpu.memory_space<semaphore_mem>>)
    %dma_wait3A_170 = arith.constant 0 : i32
    %dma_wait3A_171 = arith.constant 0 : i32
    %dma_wait3A_172 = tpu.memref_slice %arg2[%dma_wait3A_170, %dma_wait3A_171] : memref<10240x16xf32, #tpu.memory_space<hbm>> -> memref<10240x16xf32, #tpu.memory_space<hbm>>
    tpu.wait_indirect_dma semaphore(%arg22 : memref<!tpu.dma_semaphore, #tpu.memory_space<semaphore_mem>>) src(%dma_wait3A_172 : memref<10240x16xf32, #tpu.memory_space<hbm>>) dst(%arg21 : memref<16x16xf32, #tpu.memory_space<vmem>>)
    "tpu.region"() ({
      %run_scoped3A_178 = tpu.sem_alloc : memref<!tpu.dma_semaphore, #tpu.memory_space<semaphore_mem>>
      %dma_start3A_179 = arith.constant 0 : i32
      %dma_start3A_180 = arith.constant 0 : i32
      %dma_start3A_181 = tpu.memref_slice %arg38[%dma_start3A_179, %dma_start3A_180] : memref<10240x16xf32, #tpu.memory_space<vmem_shared>> -> memref<10240x16xf32, #tpu.memory_space<vmem_shared>>
      tpu.enqueue_indirect_dma source(%arg21 : memref<16x16xf32, #tpu.memory_space<vmem>>) target(%dma_start3A_181 : memref<10240x16xf32, #tpu.memory_space<vmem_shared>>) offsets(%arg12 : memref<16xi32, #tpu.memory_space<vmem>>) semaphore(%run_scoped3A_178 : memref<!tpu.dma_semaphore, #tpu.memory_space<semaphore_mem>>) {add = true}
      %dma_wait3A_182 = arith.constant 0 : i32
      %dma_wait3A_183 = arith.constant 0 : i32
      %dma_wait3A_184 = tpu.memref_slice %arg38[%dma_wait3A_182, %dma_wait3A_183] : memref<10240x16xf32, #tpu.memory_space<vmem_shared>> -> memref<10240x16xf32, #tpu.memory_space<vmem_shared>>
      tpu.wait_indirect_dma semaphore(%run_scoped3A_178 : memref<!tpu.dma_semaphore, #tpu.memory_space<semaphore_mem>>) src(%arg21 : memref<16x16xf32, #tpu.memory_space<vmem>>) dst(%dma_wait3A_184 : memref<10240x16xf32, #tpu.memory_space<vmem_shared>>)
      tpu.yield
    }) : () -> ()
    %barrier3A_173 = arith.constant 0 : index
    tpu.barrier barrier_id(%barrier3A_173)
    %mul3A_174 = arith.constant 640 : i32
    %mul3A_175 = arith.muli %arg1, %mul3A_174 : i32
    %mul3A_176 = arith.constant 640 : i32
    %mul3A_177 = arith.muli %arg1, %mul3A_176 : i32
    "tpu.region"() ({
      %run_scoped3A_178 = tpu.sem_alloc : memref<!tpu.dma_semaphore, #tpu.memory_space<semaphore_mem>>
      %dma_start3A_179 = arith.constant 0 : i32
      %dma_start3A_180 = tpu.memref_slice %arg8[%arg0, %mul3A_177, %dma_start3A_179] : memref<2x10240x16xf32, #tpu.memory_space<hbm>> -> memref<1x640x16xf32, #tpu.memory_space<hbm>>
      %dma_start3A_181 = tpu.memref_squeeze %dma_start3A_180 : memref<1x640x16xf32, #tpu.memory_space<hbm>> -> memref<640x16xf32, #tpu.memory_space<hbm>>
      %dma_start3A_182 = arith.constant 0 : i32
      %dma_start3A_183 = tpu.memref_slice %arg38[%mul3A_175, %dma_start3A_182] : memref<10240x16xf32, #tpu.memory_space<vmem_shared>> -> memref<640x16xf32, #tpu.memory_space<vmem_shared>>
      tpu.enqueue_dma source(%dma_start3A_183 : memref<640x16xf32, #tpu.memory_space<vmem_shared>>) target(%dma_start3A_181 : memref<640x16xf32, #tpu.memory_space<hbm>>) target_semaphore(%run_scoped3A_178 : memref<!tpu.dma_semaphore, #tpu.memory_space<semaphore_mem>>)
      %dma_wait3A_184 = arith.constant 0 : i32
      %dma_wait3A_185 = tpu.memref_slice %arg8[%arg0, %mul3A_177, %dma_wait3A_184] : memref<2x10240x16xf32, #tpu.memory_space<hbm>> -> memref<1x640x16xf32, #tpu.memory_space<hbm>>
      %dma_wait3A_186 = tpu.memref_squeeze %dma_wait3A_185 : memref<1x640x16xf32, #tpu.memory_space<hbm>> -> memref<640x16xf32, #tpu.memory_space<hbm>>
      %dma_wait3A_187 = arith.constant 0 : i32
      %dma_wait3A_188 = tpu.memref_slice %arg38[%mul3A_175, %dma_wait3A_187] : memref<10240x16xf32, #tpu.memory_space<vmem_shared>> -> memref<640x16xf32, #tpu.memory_space<vmem_shared>>
      tpu.wait_dma2 semaphore(%run_scoped3A_178 : memref<!tpu.dma_semaphore, #tpu.memory_space<semaphore_mem>>) src(%dma_wait3A_188 : memref<640x16xf32, #tpu.memory_space<vmem_shared>>) dst(%dma_wait3A_186 : memref<640x16xf32, #tpu.memory_space<hbm>>)
      tpu.yield
    }) : () -> ()
    return
  }
}

#map = affine_map<(d0, d1) -> (0, 0)>
#map1 = affine_map<(d0, d1) -> (0, 0, 0)>
module attributes {stable_mosaic.version = 14 : i64} {
  func.func @_agg_body(%arg0: i32, %arg1: i32, %arg2: memref<10240x16xf32, #tpu.memory_space<hbm>>, %arg3: memref<32x78x128xi32, #tpu.memory_space<hbm>>, %arg4: memref<32x78x128xi32, #tpu.memory_space<hbm>>, %arg5: memref<32x16xi32, #tpu.memory_space<hbm>>, %arg6: memref<32x16xi32, #tpu.memory_space<hbm>>, %arg7: memref<10240x16xf32, #tpu.memory_space<hbm>>, %arg8: memref<2x10240x16xf32, #tpu.memory_space<hbm>>, %arg9: memref<78x128xi32, #tpu.memory_space<vmem>>, %arg10: memref<78x128xi32, #tpu.memory_space<vmem>>, %arg11: memref<16xi32, #tpu.memory_space<vmem>>, %arg12: memref<16xi32, #tpu.memory_space<vmem>>, %arg13: memref<128x16xf32, #tpu.memory_space<vmem>>, %arg14: memref<128x16xf32, #tpu.memory_space<vmem>>, %arg15: memref<128x16xf32, #tpu.memory_space<vmem>>, %arg16: memref<128x16xf32, #tpu.memory_space<vmem>>, %arg17: memref<128x16xf32, #tpu.memory_space<vmem>>, %arg18: memref<128x16xf32, #tpu.memory_space<vmem>>, %arg19: memref<128x16xf32, #tpu.memory_space<vmem>>, %arg20: memref<128x16xf32, #tpu.memory_space<vmem>>, %arg21: memref<16x16xf32, #tpu.memory_space<vmem>>, %arg22: memref<!tpu.dma_semaphore, #tpu.memory_space<semaphore_mem>>, %arg23: memref<!tpu.dma_semaphore, #tpu.memory_space<semaphore_mem>>, %arg24: memref<!tpu.dma_semaphore, #tpu.memory_space<semaphore_mem>>, %arg25: memref<!tpu.dma_semaphore, #tpu.memory_space<semaphore_mem>>, %arg26: memref<!tpu.dma_semaphore, #tpu.memory_space<semaphore_mem>>, %arg27: memref<!tpu.dma_semaphore, #tpu.memory_space<semaphore_mem>>, %arg28: memref<!tpu.dma_semaphore, #tpu.memory_space<semaphore_mem>>, %arg29: memref<!tpu.dma_semaphore, #tpu.memory_space<semaphore_mem>>, %arg30: memref<!tpu.dma_semaphore, #tpu.memory_space<semaphore_mem>>, %arg31: memref<!tpu.dma_semaphore, #tpu.memory_space<semaphore_mem>>, %arg32: memref<!tpu.dma_semaphore, #tpu.memory_space<semaphore_mem>>, %arg33: memref<!tpu.dma_semaphore, #tpu.memory_space<semaphore_mem>>, %arg34: memref<!tpu.dma_semaphore, #tpu.memory_space<semaphore_mem>>, %arg35: memref<!tpu.dma_semaphore, #tpu.memory_space<semaphore_mem>>, %arg36: memref<!tpu.dma_semaphore, #tpu.memory_space<semaphore_mem>>, %arg37: memref<!tpu.dma_semaphore, #tpu.memory_space<semaphore_mem>>, %arg38: memref<10240x16xf32, #tpu.memory_space<vmem_shared>>) attributes {dimension_semantics = [#tpu.dimension_semantics<core_parallel>, #tpu.dimension_semantics<subcore_parallel>], iteration_bounds = array<i64: 2, 16>, scalar_prefetch = 0 : i64, scratch_operands = 30 : i64, tpu.core_type = #tpu.core_type<sc_vector_subcore>, window_params = [{transform_indices = #map}, {transform_indices = #map1}, {transform_indices = #map1}, {transform_indices = #map}, {transform_indices = #map}, {transform_indices = #map}, {transform_indices = #map1}]} {
    %mul3A = arith.constant 16 : i32
    %mul3A_0 = arith.muli %arg0, %mul3A : i32
    %add3A = arith.addi %mul3A_0, %arg1 : i32
    %mul3A_1 = arith.constant 640 : i32
    %mul3A_2 = arith.muli %arg1, %mul3A_1 : i32
    %mul3A_3 = arith.constant 640 : i32
    %mul3A_4 = arith.muli %arg1, %mul3A_3 : i32
    "tpu.region"() ({
      %run_scoped3A_178 = tpu.sem_alloc : memref<!tpu.dma_semaphore, #tpu.memory_space<semaphore_mem>>
      %dma_start3A_179 = arith.constant 0 : i32
      %dma_start3A_180 = tpu.memref_slice %arg38[%mul3A_4, %dma_start3A_179] : memref<10240x16xf32, #tpu.memory_space<vmem_shared>> -> memref<640x16xf32, #tpu.memory_space<vmem_shared>>
      %dma_start3A_181 = arith.constant 0 : i32
      %dma_start3A_182 = tpu.memref_slice %arg7[%mul3A_2, %dma_start3A_181] : memref<10240x16xf32, #tpu.memory_space<hbm>> -> memref<640x16xf32, #tpu.memory_space<hbm>>
      tpu.enqueue_dma source(%dma_start3A_182 : memref<640x16xf32, #tpu.memory_space<hbm>>) target(%dma_start3A_180 : memref<640x16xf32, #tpu.memory_space<vmem_shared>>) target_semaphore(%run_scoped3A_178 : memref<!tpu.dma_semaphore, #tpu.memory_space<semaphore_mem>>)
      %dma_wait3A_183 = arith.constant 0 : i32
      %dma_wait3A_184 = tpu.memref_slice %arg38[%mul3A_4, %dma_wait3A_183] : memref<10240x16xf32, #tpu.memory_space<vmem_shared>> -> memref<640x16xf32, #tpu.memory_space<vmem_shared>>
      %dma_wait3A_185 = arith.constant 0 : i32
      %dma_wait3A_186 = tpu.memref_slice %arg7[%mul3A_2, %dma_wait3A_185] : memref<10240x16xf32, #tpu.memory_space<hbm>> -> memref<640x16xf32, #tpu.memory_space<hbm>>
      tpu.wait_dma2 semaphore(%run_scoped3A_178 : memref<!tpu.dma_semaphore, #tpu.memory_space<semaphore_mem>>) src(%dma_wait3A_186 : memref<640x16xf32, #tpu.memory_space<hbm>>) dst(%dma_wait3A_184 : memref<640x16xf32, #tpu.memory_space<vmem_shared>>)
      tpu.yield
    }) : () -> ()
    %dma_start3A = arith.constant 0 : i32
    %dma_start3A_5 = arith.constant 0 : i32
    %dma_start3A_6 = tpu.memref_slice %arg3[%add3A, %dma_start3A, %dma_start3A_5] : memref<32x78x128xi32, #tpu.memory_space<hbm>> -> memref<1x78x128xi32, #tpu.memory_space<hbm>>
    %dma_start3A_7 = tpu.memref_squeeze %dma_start3A_6 : memref<1x78x128xi32, #tpu.memory_space<hbm>> -> memref<78x128xi32, #tpu.memory_space<hbm>>
    %dma_start3A_8 = arith.constant 0 : i32
    %dma_start3A_9 = arith.constant 0 : i32
    %dma_start3A_10 = tpu.memref_slice %arg3[%add3A, %dma_start3A_8, %dma_start3A_9] : memref<32x78x128xi32, #tpu.memory_space<hbm>> -> memref<1x78x128xi32, #tpu.memory_space<hbm>>
    %dma_start3A_11 = tpu.memref_squeeze %dma_start3A_10 : memref<1x78x128xi32, #tpu.memory_space<hbm>> -> memref<78x128xi32, #tpu.memory_space<hbm>>
    tpu.enqueue_dma source(%dma_start3A_11 : memref<78x128xi32, #tpu.memory_space<hbm>>) target(%arg9 : memref<78x128xi32, #tpu.memory_space<vmem>>) target_semaphore(%arg22 : memref<!tpu.dma_semaphore, #tpu.memory_space<semaphore_mem>>)
    %dma_wait3A = arith.constant 0 : i32
    %dma_wait3A_12 = arith.constant 0 : i32
    %dma_wait3A_13 = tpu.memref_slice %arg3[%add3A, %dma_wait3A, %dma_wait3A_12] : memref<32x78x128xi32, #tpu.memory_space<hbm>> -> memref<1x78x128xi32, #tpu.memory_space<hbm>>
    %dma_wait3A_14 = tpu.memref_squeeze %dma_wait3A_13 : memref<1x78x128xi32, #tpu.memory_space<hbm>> -> memref<78x128xi32, #tpu.memory_space<hbm>>
    %dma_wait3A_15 = arith.constant 0 : i32
    %dma_wait3A_16 = arith.constant 0 : i32
    %dma_wait3A_17 = tpu.memref_slice %arg3[%add3A, %dma_wait3A_15, %dma_wait3A_16] : memref<32x78x128xi32, #tpu.memory_space<hbm>> -> memref<1x78x128xi32, #tpu.memory_space<hbm>>
    %dma_wait3A_18 = tpu.memref_squeeze %dma_wait3A_17 : memref<1x78x128xi32, #tpu.memory_space<hbm>> -> memref<78x128xi32, #tpu.memory_space<hbm>>
    tpu.wait_dma2 semaphore(%arg22 : memref<!tpu.dma_semaphore, #tpu.memory_space<semaphore_mem>>) src(%dma_wait3A_18 : memref<78x128xi32, #tpu.memory_space<hbm>>) dst(%arg9 : memref<78x128xi32, #tpu.memory_space<vmem>>)
    %dma_start3A_19 = arith.constant 0 : i32
    %dma_start3A_20 = arith.constant 0 : i32
    %dma_start3A_21 = tpu.memref_slice %arg4[%add3A, %dma_start3A_19, %dma_start3A_20] : memref<32x78x128xi32, #tpu.memory_space<hbm>> -> memref<1x78x128xi32, #tpu.memory_space<hbm>>
    %dma_start3A_22 = tpu.memref_squeeze %dma_start3A_21 : memref<1x78x128xi32, #tpu.memory_space<hbm>> -> memref<78x128xi32, #tpu.memory_space<hbm>>
    %dma_start3A_23 = arith.constant 0 : i32
    %dma_start3A_24 = arith.constant 0 : i32
    %dma_start3A_25 = tpu.memref_slice %arg4[%add3A, %dma_start3A_23, %dma_start3A_24] : memref<32x78x128xi32, #tpu.memory_space<hbm>> -> memref<1x78x128xi32, #tpu.memory_space<hbm>>
    %dma_start3A_26 = tpu.memref_squeeze %dma_start3A_25 : memref<1x78x128xi32, #tpu.memory_space<hbm>> -> memref<78x128xi32, #tpu.memory_space<hbm>>
    tpu.enqueue_dma source(%dma_start3A_26 : memref<78x128xi32, #tpu.memory_space<hbm>>) target(%arg10 : memref<78x128xi32, #tpu.memory_space<vmem>>) target_semaphore(%arg23 : memref<!tpu.dma_semaphore, #tpu.memory_space<semaphore_mem>>)
    %dma_wait3A_27 = arith.constant 0 : i32
    %dma_wait3A_28 = arith.constant 0 : i32
    %dma_wait3A_29 = tpu.memref_slice %arg4[%add3A, %dma_wait3A_27, %dma_wait3A_28] : memref<32x78x128xi32, #tpu.memory_space<hbm>> -> memref<1x78x128xi32, #tpu.memory_space<hbm>>
    %dma_wait3A_30 = tpu.memref_squeeze %dma_wait3A_29 : memref<1x78x128xi32, #tpu.memory_space<hbm>> -> memref<78x128xi32, #tpu.memory_space<hbm>>
    %dma_wait3A_31 = arith.constant 0 : i32
    %dma_wait3A_32 = arith.constant 0 : i32
    %dma_wait3A_33 = tpu.memref_slice %arg4[%add3A, %dma_wait3A_31, %dma_wait3A_32] : memref<32x78x128xi32, #tpu.memory_space<hbm>> -> memref<1x78x128xi32, #tpu.memory_space<hbm>>
    %dma_wait3A_34 = tpu.memref_squeeze %dma_wait3A_33 : memref<1x78x128xi32, #tpu.memory_space<hbm>> -> memref<78x128xi32, #tpu.memory_space<hbm>>
    tpu.wait_dma2 semaphore(%arg23 : memref<!tpu.dma_semaphore, #tpu.memory_space<semaphore_mem>>) src(%dma_wait3A_34 : memref<78x128xi32, #tpu.memory_space<hbm>>) dst(%arg10 : memref<78x128xi32, #tpu.memory_space<vmem>>)
    %dma_start3A_35 = arith.constant 0 : i32
    %dma_start3A_36 = tpu.memref_slice %arg5[%add3A, %dma_start3A_35] : memref<32x16xi32, #tpu.memory_space<hbm>> -> memref<1x16xi32, #tpu.memory_space<hbm>>
    %dma_start3A_37 = tpu.memref_squeeze %dma_start3A_36 : memref<1x16xi32, #tpu.memory_space<hbm>> -> memref<16xi32, #tpu.memory_space<hbm>>
    %dma_start3A_38 = arith.constant 0 : i32
    %dma_start3A_39 = tpu.memref_slice %arg5[%add3A, %dma_start3A_38] : memref<32x16xi32, #tpu.memory_space<hbm>> -> memref<1x16xi32, #tpu.memory_space<hbm>>
    %dma_start3A_40 = tpu.memref_squeeze %dma_start3A_39 : memref<1x16xi32, #tpu.memory_space<hbm>> -> memref<16xi32, #tpu.memory_space<hbm>>
    tpu.enqueue_dma source(%dma_start3A_40 : memref<16xi32, #tpu.memory_space<hbm>>) target(%arg11 : memref<16xi32, #tpu.memory_space<vmem>>) target_semaphore(%arg24 : memref<!tpu.dma_semaphore, #tpu.memory_space<semaphore_mem>>)
    %dma_wait3A_41 = arith.constant 0 : i32
    %dma_wait3A_42 = tpu.memref_slice %arg5[%add3A, %dma_wait3A_41] : memref<32x16xi32, #tpu.memory_space<hbm>> -> memref<1x16xi32, #tpu.memory_space<hbm>>
    %dma_wait3A_43 = tpu.memref_squeeze %dma_wait3A_42 : memref<1x16xi32, #tpu.memory_space<hbm>> -> memref<16xi32, #tpu.memory_space<hbm>>
    %dma_wait3A_44 = arith.constant 0 : i32
    %dma_wait3A_45 = tpu.memref_slice %arg5[%add3A, %dma_wait3A_44] : memref<32x16xi32, #tpu.memory_space<hbm>> -> memref<1x16xi32, #tpu.memory_space<hbm>>
    %dma_wait3A_46 = tpu.memref_squeeze %dma_wait3A_45 : memref<1x16xi32, #tpu.memory_space<hbm>> -> memref<16xi32, #tpu.memory_space<hbm>>
    tpu.wait_dma2 semaphore(%arg24 : memref<!tpu.dma_semaphore, #tpu.memory_space<semaphore_mem>>) src(%dma_wait3A_46 : memref<16xi32, #tpu.memory_space<hbm>>) dst(%arg11 : memref<16xi32, #tpu.memory_space<vmem>>)
    %dma_start3A_47 = arith.constant 0 : i32
    %dma_start3A_48 = tpu.memref_slice %arg6[%add3A, %dma_start3A_47] : memref<32x16xi32, #tpu.memory_space<hbm>> -> memref<1x16xi32, #tpu.memory_space<hbm>>
    %dma_start3A_49 = tpu.memref_squeeze %dma_start3A_48 : memref<1x16xi32, #tpu.memory_space<hbm>> -> memref<16xi32, #tpu.memory_space<hbm>>
    %dma_start3A_50 = arith.constant 0 : i32
    %dma_start3A_51 = tpu.memref_slice %arg6[%add3A, %dma_start3A_50] : memref<32x16xi32, #tpu.memory_space<hbm>> -> memref<1x16xi32, #tpu.memory_space<hbm>>
    %dma_start3A_52 = tpu.memref_squeeze %dma_start3A_51 : memref<1x16xi32, #tpu.memory_space<hbm>> -> memref<16xi32, #tpu.memory_space<hbm>>
    tpu.enqueue_dma source(%dma_start3A_52 : memref<16xi32, #tpu.memory_space<hbm>>) target(%arg12 : memref<16xi32, #tpu.memory_space<vmem>>) target_semaphore(%arg25 : memref<!tpu.dma_semaphore, #tpu.memory_space<semaphore_mem>>)
    %dma_wait3A_53 = arith.constant 0 : i32
    %dma_wait3A_54 = tpu.memref_slice %arg6[%add3A, %dma_wait3A_53] : memref<32x16xi32, #tpu.memory_space<hbm>> -> memref<1x16xi32, #tpu.memory_space<hbm>>
    %dma_wait3A_55 = tpu.memref_squeeze %dma_wait3A_54 : memref<1x16xi32, #tpu.memory_space<hbm>> -> memref<16xi32, #tpu.memory_space<hbm>>
    %dma_wait3A_56 = arith.constant 0 : i32
    %dma_wait3A_57 = tpu.memref_slice %arg6[%add3A, %dma_wait3A_56] : memref<32x16xi32, #tpu.memory_space<hbm>> -> memref<1x16xi32, #tpu.memory_space<hbm>>
    %dma_wait3A_58 = tpu.memref_squeeze %dma_wait3A_57 : memref<1x16xi32, #tpu.memory_space<hbm>> -> memref<16xi32, #tpu.memory_space<hbm>>
    tpu.wait_dma2 semaphore(%arg25 : memref<!tpu.dma_semaphore, #tpu.memory_space<semaphore_mem>>) src(%dma_wait3A_58 : memref<16xi32, #tpu.memory_space<hbm>>) dst(%arg12 : memref<16xi32, #tpu.memory_space<vmem>>)
    %barrier3A = arith.constant 0 : index
    tpu.barrier barrier_id(%barrier3A)
    %dma_start3A_59 = arith.constant 0 : i32
    %dma_start3A_60 = arith.constant 0 : i32
    %dma_start3A_61 = tpu.memref_slice %arg9[%dma_start3A_59, %dma_start3A_60] : memref<78x128xi32, #tpu.memory_space<vmem>> -> memref<1x128xi32, #tpu.memory_space<vmem>>
    %dma_start3A_62 = tpu.memref_squeeze %dma_start3A_61 : memref<1x128xi32, #tpu.memory_space<vmem>> -> memref<128xi32, #tpu.memory_space<vmem>>
    %dma_start3A_63 = arith.constant 0 : i32
    %dma_start3A_64 = arith.constant 0 : i32
    %dma_start3A_65 = tpu.memref_slice %arg2[%dma_start3A_63, %dma_start3A_64] : memref<10240x16xf32, #tpu.memory_space<hbm>> -> memref<10240x16xf32, #tpu.memory_space<hbm>>
    tpu.enqueue_indirect_dma source(%dma_start3A_65 : memref<10240x16xf32, #tpu.memory_space<hbm>>) target(%arg13 : memref<128x16xf32, #tpu.memory_space<vmem>>) offsets(%dma_start3A_62 : memref<128xi32, #tpu.memory_space<vmem>>) semaphore(%arg22 : memref<!tpu.dma_semaphore, #tpu.memory_space<semaphore_mem>>)
    %dma_start3A_66 = arith.constant 1 : i32
    %dma_start3A_67 = arith.constant 0 : i32
    %dma_start3A_68 = tpu.memref_slice %arg9[%dma_start3A_66, %dma_start3A_67] : memref<78x128xi32, #tpu.memory_space<vmem>> -> memref<1x128xi32, #tpu.memory_space<vmem>>
    %dma_start3A_69 = tpu.memref_squeeze %dma_start3A_68 : memref<1x128xi32, #tpu.memory_space<vmem>> -> memref<128xi32, #tpu.memory_space<vmem>>
    %dma_start3A_70 = arith.constant 0 : i32
    %dma_start3A_71 = arith.constant 0 : i32
    %dma_start3A_72 = tpu.memref_slice %arg2[%dma_start3A_70, %dma_start3A_71] : memref<10240x16xf32, #tpu.memory_space<hbm>> -> memref<10240x16xf32, #tpu.memory_space<hbm>>
    tpu.enqueue_indirect_dma source(%dma_start3A_72 : memref<10240x16xf32, #tpu.memory_space<hbm>>) target(%arg14 : memref<128x16xf32, #tpu.memory_space<vmem>>) offsets(%dma_start3A_69 : memref<128xi32, #tpu.memory_space<vmem>>) semaphore(%arg23 : memref<!tpu.dma_semaphore, #tpu.memory_space<semaphore_mem>>)
    %dma_start3A_73 = arith.constant 2 : i32
    %dma_start3A_74 = arith.constant 0 : i32
    %dma_start3A_75 = tpu.memref_slice %arg9[%dma_start3A_73, %dma_start3A_74] : memref<78x128xi32, #tpu.memory_space<vmem>> -> memref<1x128xi32, #tpu.memory_space<vmem>>
    %dma_start3A_76 = tpu.memref_squeeze %dma_start3A_75 : memref<1x128xi32, #tpu.memory_space<vmem>> -> memref<128xi32, #tpu.memory_space<vmem>>
    %dma_start3A_77 = arith.constant 0 : i32
    %dma_start3A_78 = arith.constant 0 : i32
    %dma_start3A_79 = tpu.memref_slice %arg2[%dma_start3A_77, %dma_start3A_78] : memref<10240x16xf32, #tpu.memory_space<hbm>> -> memref<10240x16xf32, #tpu.memory_space<hbm>>
    tpu.enqueue_indirect_dma source(%dma_start3A_79 : memref<10240x16xf32, #tpu.memory_space<hbm>>) target(%arg15 : memref<128x16xf32, #tpu.memory_space<vmem>>) offsets(%dma_start3A_76 : memref<128xi32, #tpu.memory_space<vmem>>) semaphore(%arg24 : memref<!tpu.dma_semaphore, #tpu.memory_space<semaphore_mem>>)
    %dma_start3A_80 = arith.constant 3 : i32
    %dma_start3A_81 = arith.constant 0 : i32
    %dma_start3A_82 = tpu.memref_slice %arg9[%dma_start3A_80, %dma_start3A_81] : memref<78x128xi32, #tpu.memory_space<vmem>> -> memref<1x128xi32, #tpu.memory_space<vmem>>
    %dma_start3A_83 = tpu.memref_squeeze %dma_start3A_82 : memref<1x128xi32, #tpu.memory_space<vmem>> -> memref<128xi32, #tpu.memory_space<vmem>>
    %dma_start3A_84 = arith.constant 0 : i32
    %dma_start3A_85 = arith.constant 0 : i32
    %dma_start3A_86 = tpu.memref_slice %arg2[%dma_start3A_84, %dma_start3A_85] : memref<10240x16xf32, #tpu.memory_space<hbm>> -> memref<10240x16xf32, #tpu.memory_space<hbm>>
    tpu.enqueue_indirect_dma source(%dma_start3A_86 : memref<10240x16xf32, #tpu.memory_space<hbm>>) target(%arg16 : memref<128x16xf32, #tpu.memory_space<vmem>>) offsets(%dma_start3A_83 : memref<128xi32, #tpu.memory_space<vmem>>) semaphore(%arg25 : memref<!tpu.dma_semaphore, #tpu.memory_space<semaphore_mem>>)
    %dma_start3A_87 = arith.constant 4 : i32
    %dma_start3A_88 = arith.constant 0 : i32
    %dma_start3A_89 = tpu.memref_slice %arg9[%dma_start3A_87, %dma_start3A_88] : memref<78x128xi32, #tpu.memory_space<vmem>> -> memref<1x128xi32, #tpu.memory_space<vmem>>
    %dma_start3A_90 = tpu.memref_squeeze %dma_start3A_89 : memref<1x128xi32, #tpu.memory_space<vmem>> -> memref<128xi32, #tpu.memory_space<vmem>>
    %dma_start3A_91 = arith.constant 0 : i32
    %dma_start3A_92 = arith.constant 0 : i32
    %dma_start3A_93 = tpu.memref_slice %arg2[%dma_start3A_91, %dma_start3A_92] : memref<10240x16xf32, #tpu.memory_space<hbm>> -> memref<10240x16xf32, #tpu.memory_space<hbm>>
    tpu.enqueue_indirect_dma source(%dma_start3A_93 : memref<10240x16xf32, #tpu.memory_space<hbm>>) target(%arg17 : memref<128x16xf32, #tpu.memory_space<vmem>>) offsets(%dma_start3A_90 : memref<128xi32, #tpu.memory_space<vmem>>) semaphore(%arg26 : memref<!tpu.dma_semaphore, #tpu.memory_space<semaphore_mem>>)
    %dma_start3A_94 = arith.constant 5 : i32
    %dma_start3A_95 = arith.constant 0 : i32
    %dma_start3A_96 = tpu.memref_slice %arg9[%dma_start3A_94, %dma_start3A_95] : memref<78x128xi32, #tpu.memory_space<vmem>> -> memref<1x128xi32, #tpu.memory_space<vmem>>
    %dma_start3A_97 = tpu.memref_squeeze %dma_start3A_96 : memref<1x128xi32, #tpu.memory_space<vmem>> -> memref<128xi32, #tpu.memory_space<vmem>>
    %dma_start3A_98 = arith.constant 0 : i32
    %dma_start3A_99 = arith.constant 0 : i32
    %dma_start3A_100 = tpu.memref_slice %arg2[%dma_start3A_98, %dma_start3A_99] : memref<10240x16xf32, #tpu.memory_space<hbm>> -> memref<10240x16xf32, #tpu.memory_space<hbm>>
    tpu.enqueue_indirect_dma source(%dma_start3A_100 : memref<10240x16xf32, #tpu.memory_space<hbm>>) target(%arg18 : memref<128x16xf32, #tpu.memory_space<vmem>>) offsets(%dma_start3A_97 : memref<128xi32, #tpu.memory_space<vmem>>) semaphore(%arg27 : memref<!tpu.dma_semaphore, #tpu.memory_space<semaphore_mem>>)
    %dma_start3A_101 = arith.constant 6 : i32
    %dma_start3A_102 = arith.constant 0 : i32
    %dma_start3A_103 = tpu.memref_slice %arg9[%dma_start3A_101, %dma_start3A_102] : memref<78x128xi32, #tpu.memory_space<vmem>> -> memref<1x128xi32, #tpu.memory_space<vmem>>
    %dma_start3A_104 = tpu.memref_squeeze %dma_start3A_103 : memref<1x128xi32, #tpu.memory_space<vmem>> -> memref<128xi32, #tpu.memory_space<vmem>>
    %dma_start3A_105 = arith.constant 0 : i32
    %dma_start3A_106 = arith.constant 0 : i32
    %dma_start3A_107 = tpu.memref_slice %arg2[%dma_start3A_105, %dma_start3A_106] : memref<10240x16xf32, #tpu.memory_space<hbm>> -> memref<10240x16xf32, #tpu.memory_space<hbm>>
    tpu.enqueue_indirect_dma source(%dma_start3A_107 : memref<10240x16xf32, #tpu.memory_space<hbm>>) target(%arg19 : memref<128x16xf32, #tpu.memory_space<vmem>>) offsets(%dma_start3A_104 : memref<128xi32, #tpu.memory_space<vmem>>) semaphore(%arg28 : memref<!tpu.dma_semaphore, #tpu.memory_space<semaphore_mem>>)
    %dma_start3A_108 = arith.constant 7 : i32
    %dma_start3A_109 = arith.constant 0 : i32
    %dma_start3A_110 = tpu.memref_slice %arg9[%dma_start3A_108, %dma_start3A_109] : memref<78x128xi32, #tpu.memory_space<vmem>> -> memref<1x128xi32, #tpu.memory_space<vmem>>
    %dma_start3A_111 = tpu.memref_squeeze %dma_start3A_110 : memref<1x128xi32, #tpu.memory_space<vmem>> -> memref<128xi32, #tpu.memory_space<vmem>>
    %dma_start3A_112 = arith.constant 0 : i32
    %dma_start3A_113 = arith.constant 0 : i32
    %dma_start3A_114 = tpu.memref_slice %arg2[%dma_start3A_112, %dma_start3A_113] : memref<10240x16xf32, #tpu.memory_space<hbm>> -> memref<10240x16xf32, #tpu.memory_space<hbm>>
    tpu.enqueue_indirect_dma source(%dma_start3A_114 : memref<10240x16xf32, #tpu.memory_space<hbm>>) target(%arg20 : memref<128x16xf32, #tpu.memory_space<vmem>>) offsets(%dma_start3A_111 : memref<128xi32, #tpu.memory_space<vmem>>) semaphore(%arg29 : memref<!tpu.dma_semaphore, #tpu.memory_space<semaphore_mem>>)
    %scan3A = arith.constant 0 : i32
    %scan3A_115 = arith.constant 0 : i32
    %scan3A_116 = arith.constant 9 : i32
    %scan3A_117 = arith.addi %scan3A_115, %scan3A_116 : i32
    %scan3A_118 = arith.constant 1 : i32
    scf.for %scan3A_178 = %scan3A_115 to %scan3A_117 step %scan3A_118  : i32 {
      %mul3A_179 = arith.constant 8 : i32
      %mul3A_180 = arith.muli %mul3A_179, %scan3A_178 : i32
      %add3A_181 = arith.constant 0 : i32
      %add3A_182 = arith.addi %mul3A_180, %add3A_181 : i32
      %dma_wait3A_183 = arith.constant 0 : i32
      %dma_wait3A_184 = tpu.memref_slice %arg9[%add3A_182, %dma_wait3A_183] : memref<78x128xi32, #tpu.memory_space<vmem>> -> memref<1x128xi32, #tpu.memory_space<vmem>>
      %dma_wait3A_185 = tpu.memref_squeeze %dma_wait3A_184 : memref<1x128xi32, #tpu.memory_space<vmem>> -> memref<128xi32, #tpu.memory_space<vmem>>
      %dma_wait3A_186 = arith.constant 0 : i32
      %dma_wait3A_187 = arith.constant 0 : i32
      %dma_wait3A_188 = tpu.memref_slice %arg2[%dma_wait3A_186, %dma_wait3A_187] : memref<10240x16xf32, #tpu.memory_space<hbm>> -> memref<10240x16xf32, #tpu.memory_space<hbm>>
      tpu.wait_indirect_dma semaphore(%arg22 : memref<!tpu.dma_semaphore, #tpu.memory_space<semaphore_mem>>) src(%dma_wait3A_188 : memref<10240x16xf32, #tpu.memory_space<hbm>>) dst(%arg13 : memref<128x16xf32, #tpu.memory_space<vmem>>)
      %add3A_189 = arith.constant 0 : i32
      %add3A_190 = arith.addi %mul3A_180, %add3A_189 : i32
      %dma_start3A_191 = arith.constant 0 : i32
      %dma_start3A_192 = tpu.memref_slice %arg10[%add3A_190, %dma_start3A_191] : memref<78x128xi32, #tpu.memory_space<vmem>> -> memref<1x128xi32, #tpu.memory_space<vmem>>
      %dma_start3A_193 = tpu.memref_squeeze %dma_start3A_192 : memref<1x128xi32, #tpu.memory_space<vmem>> -> memref<128xi32, #tpu.memory_space<vmem>>
      %dma_start3A_194 = arith.constant 0 : i32
      %dma_start3A_195 = arith.constant 0 : i32
      %dma_start3A_196 = tpu.memref_slice %arg38[%dma_start3A_194, %dma_start3A_195] : memref<10240x16xf32, #tpu.memory_space<vmem_shared>> -> memref<10240x16xf32, #tpu.memory_space<vmem_shared>>
      tpu.enqueue_indirect_dma source(%arg13 : memref<128x16xf32, #tpu.memory_space<vmem>>) target(%dma_start3A_196 : memref<10240x16xf32, #tpu.memory_space<vmem_shared>>) offsets(%dma_start3A_193 : memref<128xi32, #tpu.memory_space<vmem>>) semaphore(%arg30 : memref<!tpu.dma_semaphore, #tpu.memory_space<semaphore_mem>>) {add = true}
      %add3A_197 = arith.constant 1 : i32
      %add3A_198 = arith.addi %mul3A_180, %add3A_197 : i32
      %dma_wait3A_199 = arith.constant 0 : i32
      %dma_wait3A_200 = tpu.memref_slice %arg9[%add3A_198, %dma_wait3A_199] : memref<78x128xi32, #tpu.memory_space<vmem>> -> memref<1x128xi32, #tpu.memory_space<vmem>>
      %dma_wait3A_201 = tpu.memref_squeeze %dma_wait3A_200 : memref<1x128xi32, #tpu.memory_space<vmem>> -> memref<128xi32, #tpu.memory_space<vmem>>
      %dma_wait3A_202 = arith.constant 0 : i32
      %dma_wait3A_203 = arith.constant 0 : i32
      %dma_wait3A_204 = tpu.memref_slice %arg2[%dma_wait3A_202, %dma_wait3A_203] : memref<10240x16xf32, #tpu.memory_space<hbm>> -> memref<10240x16xf32, #tpu.memory_space<hbm>>
      tpu.wait_indirect_dma semaphore(%arg23 : memref<!tpu.dma_semaphore, #tpu.memory_space<semaphore_mem>>) src(%dma_wait3A_204 : memref<10240x16xf32, #tpu.memory_space<hbm>>) dst(%arg14 : memref<128x16xf32, #tpu.memory_space<vmem>>)
      %add3A_205 = arith.constant 1 : i32
      %add3A_206 = arith.addi %mul3A_180, %add3A_205 : i32
      %dma_start3A_207 = arith.constant 0 : i32
      %dma_start3A_208 = tpu.memref_slice %arg10[%add3A_206, %dma_start3A_207] : memref<78x128xi32, #tpu.memory_space<vmem>> -> memref<1x128xi32, #tpu.memory_space<vmem>>
      %dma_start3A_209 = tpu.memref_squeeze %dma_start3A_208 : memref<1x128xi32, #tpu.memory_space<vmem>> -> memref<128xi32, #tpu.memory_space<vmem>>
      %dma_start3A_210 = arith.constant 0 : i32
      %dma_start3A_211 = arith.constant 0 : i32
      %dma_start3A_212 = tpu.memref_slice %arg38[%dma_start3A_210, %dma_start3A_211] : memref<10240x16xf32, #tpu.memory_space<vmem_shared>> -> memref<10240x16xf32, #tpu.memory_space<vmem_shared>>
      tpu.enqueue_indirect_dma source(%arg14 : memref<128x16xf32, #tpu.memory_space<vmem>>) target(%dma_start3A_212 : memref<10240x16xf32, #tpu.memory_space<vmem_shared>>) offsets(%dma_start3A_209 : memref<128xi32, #tpu.memory_space<vmem>>) semaphore(%arg31 : memref<!tpu.dma_semaphore, #tpu.memory_space<semaphore_mem>>) {add = true}
      %add3A_213 = arith.constant 2 : i32
      %add3A_214 = arith.addi %mul3A_180, %add3A_213 : i32
      %dma_wait3A_215 = arith.constant 0 : i32
      %dma_wait3A_216 = tpu.memref_slice %arg9[%add3A_214, %dma_wait3A_215] : memref<78x128xi32, #tpu.memory_space<vmem>> -> memref<1x128xi32, #tpu.memory_space<vmem>>
      %dma_wait3A_217 = tpu.memref_squeeze %dma_wait3A_216 : memref<1x128xi32, #tpu.memory_space<vmem>> -> memref<128xi32, #tpu.memory_space<vmem>>
      %dma_wait3A_218 = arith.constant 0 : i32
      %dma_wait3A_219 = arith.constant 0 : i32
      %dma_wait3A_220 = tpu.memref_slice %arg2[%dma_wait3A_218, %dma_wait3A_219] : memref<10240x16xf32, #tpu.memory_space<hbm>> -> memref<10240x16xf32, #tpu.memory_space<hbm>>
      tpu.wait_indirect_dma semaphore(%arg24 : memref<!tpu.dma_semaphore, #tpu.memory_space<semaphore_mem>>) src(%dma_wait3A_220 : memref<10240x16xf32, #tpu.memory_space<hbm>>) dst(%arg15 : memref<128x16xf32, #tpu.memory_space<vmem>>)
      %add3A_221 = arith.constant 2 : i32
      %add3A_222 = arith.addi %mul3A_180, %add3A_221 : i32
      %dma_start3A_223 = arith.constant 0 : i32
      %dma_start3A_224 = tpu.memref_slice %arg10[%add3A_222, %dma_start3A_223] : memref<78x128xi32, #tpu.memory_space<vmem>> -> memref<1x128xi32, #tpu.memory_space<vmem>>
      %dma_start3A_225 = tpu.memref_squeeze %dma_start3A_224 : memref<1x128xi32, #tpu.memory_space<vmem>> -> memref<128xi32, #tpu.memory_space<vmem>>
      %dma_start3A_226 = arith.constant 0 : i32
      %dma_start3A_227 = arith.constant 0 : i32
      %dma_start3A_228 = tpu.memref_slice %arg38[%dma_start3A_226, %dma_start3A_227] : memref<10240x16xf32, #tpu.memory_space<vmem_shared>> -> memref<10240x16xf32, #tpu.memory_space<vmem_shared>>
      tpu.enqueue_indirect_dma source(%arg15 : memref<128x16xf32, #tpu.memory_space<vmem>>) target(%dma_start3A_228 : memref<10240x16xf32, #tpu.memory_space<vmem_shared>>) offsets(%dma_start3A_225 : memref<128xi32, #tpu.memory_space<vmem>>) semaphore(%arg32 : memref<!tpu.dma_semaphore, #tpu.memory_space<semaphore_mem>>) {add = true}
      %add3A_229 = arith.constant 3 : i32
      %add3A_230 = arith.addi %mul3A_180, %add3A_229 : i32
      %dma_wait3A_231 = arith.constant 0 : i32
      %dma_wait3A_232 = tpu.memref_slice %arg9[%add3A_230, %dma_wait3A_231] : memref<78x128xi32, #tpu.memory_space<vmem>> -> memref<1x128xi32, #tpu.memory_space<vmem>>
      %dma_wait3A_233 = tpu.memref_squeeze %dma_wait3A_232 : memref<1x128xi32, #tpu.memory_space<vmem>> -> memref<128xi32, #tpu.memory_space<vmem>>
      %dma_wait3A_234 = arith.constant 0 : i32
      %dma_wait3A_235 = arith.constant 0 : i32
      %dma_wait3A_236 = tpu.memref_slice %arg2[%dma_wait3A_234, %dma_wait3A_235] : memref<10240x16xf32, #tpu.memory_space<hbm>> -> memref<10240x16xf32, #tpu.memory_space<hbm>>
      tpu.wait_indirect_dma semaphore(%arg25 : memref<!tpu.dma_semaphore, #tpu.memory_space<semaphore_mem>>) src(%dma_wait3A_236 : memref<10240x16xf32, #tpu.memory_space<hbm>>) dst(%arg16 : memref<128x16xf32, #tpu.memory_space<vmem>>)
      %add3A_237 = arith.constant 3 : i32
      %add3A_238 = arith.addi %mul3A_180, %add3A_237 : i32
      %dma_start3A_239 = arith.constant 0 : i32
      %dma_start3A_240 = tpu.memref_slice %arg10[%add3A_238, %dma_start3A_239] : memref<78x128xi32, #tpu.memory_space<vmem>> -> memref<1x128xi32, #tpu.memory_space<vmem>>
      %dma_start3A_241 = tpu.memref_squeeze %dma_start3A_240 : memref<1x128xi32, #tpu.memory_space<vmem>> -> memref<128xi32, #tpu.memory_space<vmem>>
      %dma_start3A_242 = arith.constant 0 : i32
      %dma_start3A_243 = arith.constant 0 : i32
      %dma_start3A_244 = tpu.memref_slice %arg38[%dma_start3A_242, %dma_start3A_243] : memref<10240x16xf32, #tpu.memory_space<vmem_shared>> -> memref<10240x16xf32, #tpu.memory_space<vmem_shared>>
      tpu.enqueue_indirect_dma source(%arg16 : memref<128x16xf32, #tpu.memory_space<vmem>>) target(%dma_start3A_244 : memref<10240x16xf32, #tpu.memory_space<vmem_shared>>) offsets(%dma_start3A_241 : memref<128xi32, #tpu.memory_space<vmem>>) semaphore(%arg33 : memref<!tpu.dma_semaphore, #tpu.memory_space<semaphore_mem>>) {add = true}
      %add3A_245 = arith.constant 4 : i32
      %add3A_246 = arith.addi %mul3A_180, %add3A_245 : i32
      %dma_wait3A_247 = arith.constant 0 : i32
      %dma_wait3A_248 = tpu.memref_slice %arg9[%add3A_246, %dma_wait3A_247] : memref<78x128xi32, #tpu.memory_space<vmem>> -> memref<1x128xi32, #tpu.memory_space<vmem>>
      %dma_wait3A_249 = tpu.memref_squeeze %dma_wait3A_248 : memref<1x128xi32, #tpu.memory_space<vmem>> -> memref<128xi32, #tpu.memory_space<vmem>>
      %dma_wait3A_250 = arith.constant 0 : i32
      %dma_wait3A_251 = arith.constant 0 : i32
      %dma_wait3A_252 = tpu.memref_slice %arg2[%dma_wait3A_250, %dma_wait3A_251] : memref<10240x16xf32, #tpu.memory_space<hbm>> -> memref<10240x16xf32, #tpu.memory_space<hbm>>
      tpu.wait_indirect_dma semaphore(%arg26 : memref<!tpu.dma_semaphore, #tpu.memory_space<semaphore_mem>>) src(%dma_wait3A_252 : memref<10240x16xf32, #tpu.memory_space<hbm>>) dst(%arg17 : memref<128x16xf32, #tpu.memory_space<vmem>>)
      %add3A_253 = arith.constant 4 : i32
      %add3A_254 = arith.addi %mul3A_180, %add3A_253 : i32
      %dma_start3A_255 = arith.constant 0 : i32
      %dma_start3A_256 = tpu.memref_slice %arg10[%add3A_254, %dma_start3A_255] : memref<78x128xi32, #tpu.memory_space<vmem>> -> memref<1x128xi32, #tpu.memory_space<vmem>>
      %dma_start3A_257 = tpu.memref_squeeze %dma_start3A_256 : memref<1x128xi32, #tpu.memory_space<vmem>> -> memref<128xi32, #tpu.memory_space<vmem>>
      %dma_start3A_258 = arith.constant 0 : i32
      %dma_start3A_259 = arith.constant 0 : i32
      %dma_start3A_260 = tpu.memref_slice %arg38[%dma_start3A_258, %dma_start3A_259] : memref<10240x16xf32, #tpu.memory_space<vmem_shared>> -> memref<10240x16xf32, #tpu.memory_space<vmem_shared>>
      tpu.enqueue_indirect_dma source(%arg17 : memref<128x16xf32, #tpu.memory_space<vmem>>) target(%dma_start3A_260 : memref<10240x16xf32, #tpu.memory_space<vmem_shared>>) offsets(%dma_start3A_257 : memref<128xi32, #tpu.memory_space<vmem>>) semaphore(%arg34 : memref<!tpu.dma_semaphore, #tpu.memory_space<semaphore_mem>>) {add = true}
      %add3A_261 = arith.constant 5 : i32
      %add3A_262 = arith.addi %mul3A_180, %add3A_261 : i32
      %dma_wait3A_263 = arith.constant 0 : i32
      %dma_wait3A_264 = tpu.memref_slice %arg9[%add3A_262, %dma_wait3A_263] : memref<78x128xi32, #tpu.memory_space<vmem>> -> memref<1x128xi32, #tpu.memory_space<vmem>>
      %dma_wait3A_265 = tpu.memref_squeeze %dma_wait3A_264 : memref<1x128xi32, #tpu.memory_space<vmem>> -> memref<128xi32, #tpu.memory_space<vmem>>
      %dma_wait3A_266 = arith.constant 0 : i32
      %dma_wait3A_267 = arith.constant 0 : i32
      %dma_wait3A_268 = tpu.memref_slice %arg2[%dma_wait3A_266, %dma_wait3A_267] : memref<10240x16xf32, #tpu.memory_space<hbm>> -> memref<10240x16xf32, #tpu.memory_space<hbm>>
      tpu.wait_indirect_dma semaphore(%arg27 : memref<!tpu.dma_semaphore, #tpu.memory_space<semaphore_mem>>) src(%dma_wait3A_268 : memref<10240x16xf32, #tpu.memory_space<hbm>>) dst(%arg18 : memref<128x16xf32, #tpu.memory_space<vmem>>)
      %add3A_269 = arith.constant 5 : i32
      %add3A_270 = arith.addi %mul3A_180, %add3A_269 : i32
      %dma_start3A_271 = arith.constant 0 : i32
      %dma_start3A_272 = tpu.memref_slice %arg10[%add3A_270, %dma_start3A_271] : memref<78x128xi32, #tpu.memory_space<vmem>> -> memref<1x128xi32, #tpu.memory_space<vmem>>
      %dma_start3A_273 = tpu.memref_squeeze %dma_start3A_272 : memref<1x128xi32, #tpu.memory_space<vmem>> -> memref<128xi32, #tpu.memory_space<vmem>>
      %dma_start3A_274 = arith.constant 0 : i32
      %dma_start3A_275 = arith.constant 0 : i32
      %dma_start3A_276 = tpu.memref_slice %arg38[%dma_start3A_274, %dma_start3A_275] : memref<10240x16xf32, #tpu.memory_space<vmem_shared>> -> memref<10240x16xf32, #tpu.memory_space<vmem_shared>>
      tpu.enqueue_indirect_dma source(%arg18 : memref<128x16xf32, #tpu.memory_space<vmem>>) target(%dma_start3A_276 : memref<10240x16xf32, #tpu.memory_space<vmem_shared>>) offsets(%dma_start3A_273 : memref<128xi32, #tpu.memory_space<vmem>>) semaphore(%arg35 : memref<!tpu.dma_semaphore, #tpu.memory_space<semaphore_mem>>) {add = true}
      %add3A_277 = arith.constant 6 : i32
      %add3A_278 = arith.addi %mul3A_180, %add3A_277 : i32
      %dma_wait3A_279 = arith.constant 0 : i32
      %dma_wait3A_280 = tpu.memref_slice %arg9[%add3A_278, %dma_wait3A_279] : memref<78x128xi32, #tpu.memory_space<vmem>> -> memref<1x128xi32, #tpu.memory_space<vmem>>
      %dma_wait3A_281 = tpu.memref_squeeze %dma_wait3A_280 : memref<1x128xi32, #tpu.memory_space<vmem>> -> memref<128xi32, #tpu.memory_space<vmem>>
      %dma_wait3A_282 = arith.constant 0 : i32
      %dma_wait3A_283 = arith.constant 0 : i32
      %dma_wait3A_284 = tpu.memref_slice %arg2[%dma_wait3A_282, %dma_wait3A_283] : memref<10240x16xf32, #tpu.memory_space<hbm>> -> memref<10240x16xf32, #tpu.memory_space<hbm>>
      tpu.wait_indirect_dma semaphore(%arg28 : memref<!tpu.dma_semaphore, #tpu.memory_space<semaphore_mem>>) src(%dma_wait3A_284 : memref<10240x16xf32, #tpu.memory_space<hbm>>) dst(%arg19 : memref<128x16xf32, #tpu.memory_space<vmem>>)
      %add3A_285 = arith.constant 6 : i32
      %add3A_286 = arith.addi %mul3A_180, %add3A_285 : i32
      %dma_start3A_287 = arith.constant 0 : i32
      %dma_start3A_288 = tpu.memref_slice %arg10[%add3A_286, %dma_start3A_287] : memref<78x128xi32, #tpu.memory_space<vmem>> -> memref<1x128xi32, #tpu.memory_space<vmem>>
      %dma_start3A_289 = tpu.memref_squeeze %dma_start3A_288 : memref<1x128xi32, #tpu.memory_space<vmem>> -> memref<128xi32, #tpu.memory_space<vmem>>
      %dma_start3A_290 = arith.constant 0 : i32
      %dma_start3A_291 = arith.constant 0 : i32
      %dma_start3A_292 = tpu.memref_slice %arg38[%dma_start3A_290, %dma_start3A_291] : memref<10240x16xf32, #tpu.memory_space<vmem_shared>> -> memref<10240x16xf32, #tpu.memory_space<vmem_shared>>
      tpu.enqueue_indirect_dma source(%arg19 : memref<128x16xf32, #tpu.memory_space<vmem>>) target(%dma_start3A_292 : memref<10240x16xf32, #tpu.memory_space<vmem_shared>>) offsets(%dma_start3A_289 : memref<128xi32, #tpu.memory_space<vmem>>) semaphore(%arg36 : memref<!tpu.dma_semaphore, #tpu.memory_space<semaphore_mem>>) {add = true}
      %add3A_293 = arith.constant 7 : i32
      %add3A_294 = arith.addi %mul3A_180, %add3A_293 : i32
      %dma_wait3A_295 = arith.constant 0 : i32
      %dma_wait3A_296 = tpu.memref_slice %arg9[%add3A_294, %dma_wait3A_295] : memref<78x128xi32, #tpu.memory_space<vmem>> -> memref<1x128xi32, #tpu.memory_space<vmem>>
      %dma_wait3A_297 = tpu.memref_squeeze %dma_wait3A_296 : memref<1x128xi32, #tpu.memory_space<vmem>> -> memref<128xi32, #tpu.memory_space<vmem>>
      %dma_wait3A_298 = arith.constant 0 : i32
      %dma_wait3A_299 = arith.constant 0 : i32
      %dma_wait3A_300 = tpu.memref_slice %arg2[%dma_wait3A_298, %dma_wait3A_299] : memref<10240x16xf32, #tpu.memory_space<hbm>> -> memref<10240x16xf32, #tpu.memory_space<hbm>>
      tpu.wait_indirect_dma semaphore(%arg29 : memref<!tpu.dma_semaphore, #tpu.memory_space<semaphore_mem>>) src(%dma_wait3A_300 : memref<10240x16xf32, #tpu.memory_space<hbm>>) dst(%arg20 : memref<128x16xf32, #tpu.memory_space<vmem>>)
      %add3A_301 = arith.constant 7 : i32
      %add3A_302 = arith.addi %mul3A_180, %add3A_301 : i32
      %dma_start3A_303 = arith.constant 0 : i32
      %dma_start3A_304 = tpu.memref_slice %arg10[%add3A_302, %dma_start3A_303] : memref<78x128xi32, #tpu.memory_space<vmem>> -> memref<1x128xi32, #tpu.memory_space<vmem>>
      %dma_start3A_305 = tpu.memref_squeeze %dma_start3A_304 : memref<1x128xi32, #tpu.memory_space<vmem>> -> memref<128xi32, #tpu.memory_space<vmem>>
      %dma_start3A_306 = arith.constant 0 : i32
      %dma_start3A_307 = arith.constant 0 : i32
      %dma_start3A_308 = tpu.memref_slice %arg38[%dma_start3A_306, %dma_start3A_307] : memref<10240x16xf32, #tpu.memory_space<vmem_shared>> -> memref<10240x16xf32, #tpu.memory_space<vmem_shared>>
      tpu.enqueue_indirect_dma source(%arg20 : memref<128x16xf32, #tpu.memory_space<vmem>>) target(%dma_start3A_308 : memref<10240x16xf32, #tpu.memory_space<vmem_shared>>) offsets(%dma_start3A_305 : memref<128xi32, #tpu.memory_space<vmem>>) semaphore(%arg37 : memref<!tpu.dma_semaphore, #tpu.memory_space<semaphore_mem>>) {add = true}
      %dma_wait3A_309 = arith.constant 0 : i32
      %dma_wait3A_310 = tpu.memref_slice %arg10[%add3A_190, %dma_wait3A_309] : memref<78x128xi32, #tpu.memory_space<vmem>> -> memref<1x128xi32, #tpu.memory_space<vmem>>
      %dma_wait3A_311 = tpu.memref_squeeze %dma_wait3A_310 : memref<1x128xi32, #tpu.memory_space<vmem>> -> memref<128xi32, #tpu.memory_space<vmem>>
      %dma_wait3A_312 = arith.constant 0 : i32
      %dma_wait3A_313 = arith.constant 0 : i32
      %dma_wait3A_314 = tpu.memref_slice %arg38[%dma_wait3A_312, %dma_wait3A_313] : memref<10240x16xf32, #tpu.memory_space<vmem_shared>> -> memref<10240x16xf32, #tpu.memory_space<vmem_shared>>
      tpu.wait_indirect_dma semaphore(%arg30 : memref<!tpu.dma_semaphore, #tpu.memory_space<semaphore_mem>>) src(%arg13 : memref<128x16xf32, #tpu.memory_space<vmem>>) dst(%dma_wait3A_314 : memref<10240x16xf32, #tpu.memory_space<vmem_shared>>)
      %add3A_315 = arith.constant 8 : i32
      %add3A_316 = arith.addi %mul3A_180, %add3A_315 : i32
      %add3A_317 = arith.constant 0 : i32
      %add3A_318 = arith.addi %add3A_316, %add3A_317 : i32
      %lt3A = arith.constant 78 : i32
      %lt3A_319 = arith.cmpi slt, %add3A_318, %lt3A : i32
      %convert_element_type3A = arith.extui %lt3A_319 : i1 to i32
      %cond3A = arith.constant 0 : i32
      %cond3A_320 = arith.cmpi ne, %convert_element_type3A, %cond3A : i32
      scf.if %cond3A_320 {
        %add3A_426 = arith.constant 8 : i32
        %add3A_427 = arith.addi %mul3A_180, %add3A_426 : i32
        %add3A_428 = arith.constant 0 : i32
        %add3A_429 = arith.addi %add3A_427, %add3A_428 : i32
        %min3A = arith.constant 77 : i32
        %min3A_430 = arith.minsi %add3A_429, %min3A : i32
        %dma_start3A_431 = arith.constant 0 : i32
        %dma_start3A_432 = tpu.memref_slice %arg9[%min3A_430, %dma_start3A_431] : memref<78x128xi32, #tpu.memory_space<vmem>> -> memref<1x128xi32, #tpu.memory_space<vmem>>
        %dma_start3A_433 = tpu.memref_squeeze %dma_start3A_432 : memref<1x128xi32, #tpu.memory_space<vmem>> -> memref<128xi32, #tpu.memory_space<vmem>>
        %dma_start3A_434 = arith.constant 0 : i32
        %dma_start3A_435 = arith.constant 0 : i32
        %dma_start3A_436 = tpu.memref_slice %arg2[%dma_start3A_434, %dma_start3A_435] : memref<10240x16xf32, #tpu.memory_space<hbm>> -> memref<10240x16xf32, #tpu.memory_space<hbm>>
        tpu.enqueue_indirect_dma source(%dma_start3A_436 : memref<10240x16xf32, #tpu.memory_space<hbm>>) target(%arg13 : memref<128x16xf32, #tpu.memory_space<vmem>>) offsets(%dma_start3A_433 : memref<128xi32, #tpu.memory_space<vmem>>) semaphore(%arg22 : memref<!tpu.dma_semaphore, #tpu.memory_space<semaphore_mem>>)
      } else {
      }
      %dma_wait3A_321 = arith.constant 0 : i32
      %dma_wait3A_322 = tpu.memref_slice %arg10[%add3A_206, %dma_wait3A_321] : memref<78x128xi32, #tpu.memory_space<vmem>> -> memref<1x128xi32, #tpu.memory_space<vmem>>
      %dma_wait3A_323 = tpu.memref_squeeze %dma_wait3A_322 : memref<1x128xi32, #tpu.memory_space<vmem>> -> memref<128xi32, #tpu.memory_space<vmem>>
      %dma_wait3A_324 = arith.constant 0 : i32
      %dma_wait3A_325 = arith.constant 0 : i32
      %dma_wait3A_326 = tpu.memref_slice %arg38[%dma_wait3A_324, %dma_wait3A_325] : memref<10240x16xf32, #tpu.memory_space<vmem_shared>> -> memref<10240x16xf32, #tpu.memory_space<vmem_shared>>
      tpu.wait_indirect_dma semaphore(%arg31 : memref<!tpu.dma_semaphore, #tpu.memory_space<semaphore_mem>>) src(%arg14 : memref<128x16xf32, #tpu.memory_space<vmem>>) dst(%dma_wait3A_326 : memref<10240x16xf32, #tpu.memory_space<vmem_shared>>)
      %add3A_327 = arith.constant 8 : i32
      %add3A_328 = arith.addi %mul3A_180, %add3A_327 : i32
      %add3A_329 = arith.constant 1 : i32
      %add3A_330 = arith.addi %add3A_328, %add3A_329 : i32
      %lt3A_331 = arith.constant 78 : i32
      %lt3A_332 = arith.cmpi slt, %add3A_330, %lt3A_331 : i32
      %convert_element_type3A_333 = arith.extui %lt3A_332 : i1 to i32
      %cond3A_334 = arith.constant 0 : i32
      %cond3A_335 = arith.cmpi ne, %convert_element_type3A_333, %cond3A_334 : i32
      scf.if %cond3A_335 {
        %add3A_426 = arith.constant 8 : i32
        %add3A_427 = arith.addi %mul3A_180, %add3A_426 : i32
        %add3A_428 = arith.constant 1 : i32
        %add3A_429 = arith.addi %add3A_427, %add3A_428 : i32
        %min3A = arith.constant 77 : i32
        %min3A_430 = arith.minsi %add3A_429, %min3A : i32
        %dma_start3A_431 = arith.constant 0 : i32
        %dma_start3A_432 = tpu.memref_slice %arg9[%min3A_430, %dma_start3A_431] : memref<78x128xi32, #tpu.memory_space<vmem>> -> memref<1x128xi32, #tpu.memory_space<vmem>>
        %dma_start3A_433 = tpu.memref_squeeze %dma_start3A_432 : memref<1x128xi32, #tpu.memory_space<vmem>> -> memref<128xi32, #tpu.memory_space<vmem>>
        %dma_start3A_434 = arith.constant 0 : i32
        %dma_start3A_435 = arith.constant 0 : i32
        %dma_start3A_436 = tpu.memref_slice %arg2[%dma_start3A_434, %dma_start3A_435] : memref<10240x16xf32, #tpu.memory_space<hbm>> -> memref<10240x16xf32, #tpu.memory_space<hbm>>
        tpu.enqueue_indirect_dma source(%dma_start3A_436 : memref<10240x16xf32, #tpu.memory_space<hbm>>) target(%arg14 : memref<128x16xf32, #tpu.memory_space<vmem>>) offsets(%dma_start3A_433 : memref<128xi32, #tpu.memory_space<vmem>>) semaphore(%arg23 : memref<!tpu.dma_semaphore, #tpu.memory_space<semaphore_mem>>)
      } else {
      }
      %dma_wait3A_336 = arith.constant 0 : i32
      %dma_wait3A_337 = tpu.memref_slice %arg10[%add3A_222, %dma_wait3A_336] : memref<78x128xi32, #tpu.memory_space<vmem>> -> memref<1x128xi32, #tpu.memory_space<vmem>>
      %dma_wait3A_338 = tpu.memref_squeeze %dma_wait3A_337 : memref<1x128xi32, #tpu.memory_space<vmem>> -> memref<128xi32, #tpu.memory_space<vmem>>
      %dma_wait3A_339 = arith.constant 0 : i32
      %dma_wait3A_340 = arith.constant 0 : i32
      %dma_wait3A_341 = tpu.memref_slice %arg38[%dma_wait3A_339, %dma_wait3A_340] : memref<10240x16xf32, #tpu.memory_space<vmem_shared>> -> memref<10240x16xf32, #tpu.memory_space<vmem_shared>>
      tpu.wait_indirect_dma semaphore(%arg32 : memref<!tpu.dma_semaphore, #tpu.memory_space<semaphore_mem>>) src(%arg15 : memref<128x16xf32, #tpu.memory_space<vmem>>) dst(%dma_wait3A_341 : memref<10240x16xf32, #tpu.memory_space<vmem_shared>>)
      %add3A_342 = arith.constant 8 : i32
      %add3A_343 = arith.addi %mul3A_180, %add3A_342 : i32
      %add3A_344 = arith.constant 2 : i32
      %add3A_345 = arith.addi %add3A_343, %add3A_344 : i32
      %lt3A_346 = arith.constant 78 : i32
      %lt3A_347 = arith.cmpi slt, %add3A_345, %lt3A_346 : i32
      %convert_element_type3A_348 = arith.extui %lt3A_347 : i1 to i32
      %cond3A_349 = arith.constant 0 : i32
      %cond3A_350 = arith.cmpi ne, %convert_element_type3A_348, %cond3A_349 : i32
      scf.if %cond3A_350 {
        %add3A_426 = arith.constant 8 : i32
        %add3A_427 = arith.addi %mul3A_180, %add3A_426 : i32
        %add3A_428 = arith.constant 2 : i32
        %add3A_429 = arith.addi %add3A_427, %add3A_428 : i32
        %min3A = arith.constant 77 : i32
        %min3A_430 = arith.minsi %add3A_429, %min3A : i32
        %dma_start3A_431 = arith.constant 0 : i32
        %dma_start3A_432 = tpu.memref_slice %arg9[%min3A_430, %dma_start3A_431] : memref<78x128xi32, #tpu.memory_space<vmem>> -> memref<1x128xi32, #tpu.memory_space<vmem>>
        %dma_start3A_433 = tpu.memref_squeeze %dma_start3A_432 : memref<1x128xi32, #tpu.memory_space<vmem>> -> memref<128xi32, #tpu.memory_space<vmem>>
        %dma_start3A_434 = arith.constant 0 : i32
        %dma_start3A_435 = arith.constant 0 : i32
        %dma_start3A_436 = tpu.memref_slice %arg2[%dma_start3A_434, %dma_start3A_435] : memref<10240x16xf32, #tpu.memory_space<hbm>> -> memref<10240x16xf32, #tpu.memory_space<hbm>>
        tpu.enqueue_indirect_dma source(%dma_start3A_436 : memref<10240x16xf32, #tpu.memory_space<hbm>>) target(%arg15 : memref<128x16xf32, #tpu.memory_space<vmem>>) offsets(%dma_start3A_433 : memref<128xi32, #tpu.memory_space<vmem>>) semaphore(%arg24 : memref<!tpu.dma_semaphore, #tpu.memory_space<semaphore_mem>>)
      } else {
      }
      %dma_wait3A_351 = arith.constant 0 : i32
      %dma_wait3A_352 = tpu.memref_slice %arg10[%add3A_238, %dma_wait3A_351] : memref<78x128xi32, #tpu.memory_space<vmem>> -> memref<1x128xi32, #tpu.memory_space<vmem>>
      %dma_wait3A_353 = tpu.memref_squeeze %dma_wait3A_352 : memref<1x128xi32, #tpu.memory_space<vmem>> -> memref<128xi32, #tpu.memory_space<vmem>>
      %dma_wait3A_354 = arith.constant 0 : i32
      %dma_wait3A_355 = arith.constant 0 : i32
      %dma_wait3A_356 = tpu.memref_slice %arg38[%dma_wait3A_354, %dma_wait3A_355] : memref<10240x16xf32, #tpu.memory_space<vmem_shared>> -> memref<10240x16xf32, #tpu.memory_space<vmem_shared>>
      tpu.wait_indirect_dma semaphore(%arg33 : memref<!tpu.dma_semaphore, #tpu.memory_space<semaphore_mem>>) src(%arg16 : memref<128x16xf32, #tpu.memory_space<vmem>>) dst(%dma_wait3A_356 : memref<10240x16xf32, #tpu.memory_space<vmem_shared>>)
      %add3A_357 = arith.constant 8 : i32
      %add3A_358 = arith.addi %mul3A_180, %add3A_357 : i32
      %add3A_359 = arith.constant 3 : i32
      %add3A_360 = arith.addi %add3A_358, %add3A_359 : i32
      %lt3A_361 = arith.constant 78 : i32
      %lt3A_362 = arith.cmpi slt, %add3A_360, %lt3A_361 : i32
      %convert_element_type3A_363 = arith.extui %lt3A_362 : i1 to i32
      %cond3A_364 = arith.constant 0 : i32
      %cond3A_365 = arith.cmpi ne, %convert_element_type3A_363, %cond3A_364 : i32
      scf.if %cond3A_365 {
        %add3A_426 = arith.constant 8 : i32
        %add3A_427 = arith.addi %mul3A_180, %add3A_426 : i32
        %add3A_428 = arith.constant 3 : i32
        %add3A_429 = arith.addi %add3A_427, %add3A_428 : i32
        %min3A = arith.constant 77 : i32
        %min3A_430 = arith.minsi %add3A_429, %min3A : i32
        %dma_start3A_431 = arith.constant 0 : i32
        %dma_start3A_432 = tpu.memref_slice %arg9[%min3A_430, %dma_start3A_431] : memref<78x128xi32, #tpu.memory_space<vmem>> -> memref<1x128xi32, #tpu.memory_space<vmem>>
        %dma_start3A_433 = tpu.memref_squeeze %dma_start3A_432 : memref<1x128xi32, #tpu.memory_space<vmem>> -> memref<128xi32, #tpu.memory_space<vmem>>
        %dma_start3A_434 = arith.constant 0 : i32
        %dma_start3A_435 = arith.constant 0 : i32
        %dma_start3A_436 = tpu.memref_slice %arg2[%dma_start3A_434, %dma_start3A_435] : memref<10240x16xf32, #tpu.memory_space<hbm>> -> memref<10240x16xf32, #tpu.memory_space<hbm>>
        tpu.enqueue_indirect_dma source(%dma_start3A_436 : memref<10240x16xf32, #tpu.memory_space<hbm>>) target(%arg16 : memref<128x16xf32, #tpu.memory_space<vmem>>) offsets(%dma_start3A_433 : memref<128xi32, #tpu.memory_space<vmem>>) semaphore(%arg25 : memref<!tpu.dma_semaphore, #tpu.memory_space<semaphore_mem>>)
      } else {
      }
      %dma_wait3A_366 = arith.constant 0 : i32
      %dma_wait3A_367 = tpu.memref_slice %arg10[%add3A_254, %dma_wait3A_366] : memref<78x128xi32, #tpu.memory_space<vmem>> -> memref<1x128xi32, #tpu.memory_space<vmem>>
      %dma_wait3A_368 = tpu.memref_squeeze %dma_wait3A_367 : memref<1x128xi32, #tpu.memory_space<vmem>> -> memref<128xi32, #tpu.memory_space<vmem>>
      %dma_wait3A_369 = arith.constant 0 : i32
      %dma_wait3A_370 = arith.constant 0 : i32
      %dma_wait3A_371 = tpu.memref_slice %arg38[%dma_wait3A_369, %dma_wait3A_370] : memref<10240x16xf32, #tpu.memory_space<vmem_shared>> -> memref<10240x16xf32, #tpu.memory_space<vmem_shared>>
      tpu.wait_indirect_dma semaphore(%arg34 : memref<!tpu.dma_semaphore, #tpu.memory_space<semaphore_mem>>) src(%arg17 : memref<128x16xf32, #tpu.memory_space<vmem>>) dst(%dma_wait3A_371 : memref<10240x16xf32, #tpu.memory_space<vmem_shared>>)
      %add3A_372 = arith.constant 8 : i32
      %add3A_373 = arith.addi %mul3A_180, %add3A_372 : i32
      %add3A_374 = arith.constant 4 : i32
      %add3A_375 = arith.addi %add3A_373, %add3A_374 : i32
      %lt3A_376 = arith.constant 78 : i32
      %lt3A_377 = arith.cmpi slt, %add3A_375, %lt3A_376 : i32
      %convert_element_type3A_378 = arith.extui %lt3A_377 : i1 to i32
      %cond3A_379 = arith.constant 0 : i32
      %cond3A_380 = arith.cmpi ne, %convert_element_type3A_378, %cond3A_379 : i32
      scf.if %cond3A_380 {
        %add3A_426 = arith.constant 8 : i32
        %add3A_427 = arith.addi %mul3A_180, %add3A_426 : i32
        %add3A_428 = arith.constant 4 : i32
        %add3A_429 = arith.addi %add3A_427, %add3A_428 : i32
        %min3A = arith.constant 77 : i32
        %min3A_430 = arith.minsi %add3A_429, %min3A : i32
        %dma_start3A_431 = arith.constant 0 : i32
        %dma_start3A_432 = tpu.memref_slice %arg9[%min3A_430, %dma_start3A_431] : memref<78x128xi32, #tpu.memory_space<vmem>> -> memref<1x128xi32, #tpu.memory_space<vmem>>
        %dma_start3A_433 = tpu.memref_squeeze %dma_start3A_432 : memref<1x128xi32, #tpu.memory_space<vmem>> -> memref<128xi32, #tpu.memory_space<vmem>>
        %dma_start3A_434 = arith.constant 0 : i32
        %dma_start3A_435 = arith.constant 0 : i32
        %dma_start3A_436 = tpu.memref_slice %arg2[%dma_start3A_434, %dma_start3A_435] : memref<10240x16xf32, #tpu.memory_space<hbm>> -> memref<10240x16xf32, #tpu.memory_space<hbm>>
        tpu.enqueue_indirect_dma source(%dma_start3A_436 : memref<10240x16xf32, #tpu.memory_space<hbm>>) target(%arg17 : memref<128x16xf32, #tpu.memory_space<vmem>>) offsets(%dma_start3A_433 : memref<128xi32, #tpu.memory_space<vmem>>) semaphore(%arg26 : memref<!tpu.dma_semaphore, #tpu.memory_space<semaphore_mem>>)
      } else {
      }
      %dma_wait3A_381 = arith.constant 0 : i32
      %dma_wait3A_382 = tpu.memref_slice %arg10[%add3A_270, %dma_wait3A_381] : memref<78x128xi32, #tpu.memory_space<vmem>> -> memref<1x128xi32, #tpu.memory_space<vmem>>
      %dma_wait3A_383 = tpu.memref_squeeze %dma_wait3A_382 : memref<1x128xi32, #tpu.memory_space<vmem>> -> memref<128xi32, #tpu.memory_space<vmem>>
      %dma_wait3A_384 = arith.constant 0 : i32
      %dma_wait3A_385 = arith.constant 0 : i32
      %dma_wait3A_386 = tpu.memref_slice %arg38[%dma_wait3A_384, %dma_wait3A_385] : memref<10240x16xf32, #tpu.memory_space<vmem_shared>> -> memref<10240x16xf32, #tpu.memory_space<vmem_shared>>
      tpu.wait_indirect_dma semaphore(%arg35 : memref<!tpu.dma_semaphore, #tpu.memory_space<semaphore_mem>>) src(%arg18 : memref<128x16xf32, #tpu.memory_space<vmem>>) dst(%dma_wait3A_386 : memref<10240x16xf32, #tpu.memory_space<vmem_shared>>)
      %add3A_387 = arith.constant 8 : i32
      %add3A_388 = arith.addi %mul3A_180, %add3A_387 : i32
      %add3A_389 = arith.constant 5 : i32
      %add3A_390 = arith.addi %add3A_388, %add3A_389 : i32
      %lt3A_391 = arith.constant 78 : i32
      %lt3A_392 = arith.cmpi slt, %add3A_390, %lt3A_391 : i32
      %convert_element_type3A_393 = arith.extui %lt3A_392 : i1 to i32
      %cond3A_394 = arith.constant 0 : i32
      %cond3A_395 = arith.cmpi ne, %convert_element_type3A_393, %cond3A_394 : i32
      scf.if %cond3A_395 {
        %add3A_426 = arith.constant 8 : i32
        %add3A_427 = arith.addi %mul3A_180, %add3A_426 : i32
        %add3A_428 = arith.constant 5 : i32
        %add3A_429 = arith.addi %add3A_427, %add3A_428 : i32
        %min3A = arith.constant 77 : i32
        %min3A_430 = arith.minsi %add3A_429, %min3A : i32
        %dma_start3A_431 = arith.constant 0 : i32
        %dma_start3A_432 = tpu.memref_slice %arg9[%min3A_430, %dma_start3A_431] : memref<78x128xi32, #tpu.memory_space<vmem>> -> memref<1x128xi32, #tpu.memory_space<vmem>>
        %dma_start3A_433 = tpu.memref_squeeze %dma_start3A_432 : memref<1x128xi32, #tpu.memory_space<vmem>> -> memref<128xi32, #tpu.memory_space<vmem>>
        %dma_start3A_434 = arith.constant 0 : i32
        %dma_start3A_435 = arith.constant 0 : i32
        %dma_start3A_436 = tpu.memref_slice %arg2[%dma_start3A_434, %dma_start3A_435] : memref<10240x16xf32, #tpu.memory_space<hbm>> -> memref<10240x16xf32, #tpu.memory_space<hbm>>
        tpu.enqueue_indirect_dma source(%dma_start3A_436 : memref<10240x16xf32, #tpu.memory_space<hbm>>) target(%arg18 : memref<128x16xf32, #tpu.memory_space<vmem>>) offsets(%dma_start3A_433 : memref<128xi32, #tpu.memory_space<vmem>>) semaphore(%arg27 : memref<!tpu.dma_semaphore, #tpu.memory_space<semaphore_mem>>)
      } else {
      }
      %dma_wait3A_396 = arith.constant 0 : i32
      %dma_wait3A_397 = tpu.memref_slice %arg10[%add3A_286, %dma_wait3A_396] : memref<78x128xi32, #tpu.memory_space<vmem>> -> memref<1x128xi32, #tpu.memory_space<vmem>>
      %dma_wait3A_398 = tpu.memref_squeeze %dma_wait3A_397 : memref<1x128xi32, #tpu.memory_space<vmem>> -> memref<128xi32, #tpu.memory_space<vmem>>
      %dma_wait3A_399 = arith.constant 0 : i32
      %dma_wait3A_400 = arith.constant 0 : i32
      %dma_wait3A_401 = tpu.memref_slice %arg38[%dma_wait3A_399, %dma_wait3A_400] : memref<10240x16xf32, #tpu.memory_space<vmem_shared>> -> memref<10240x16xf32, #tpu.memory_space<vmem_shared>>
      tpu.wait_indirect_dma semaphore(%arg36 : memref<!tpu.dma_semaphore, #tpu.memory_space<semaphore_mem>>) src(%arg19 : memref<128x16xf32, #tpu.memory_space<vmem>>) dst(%dma_wait3A_401 : memref<10240x16xf32, #tpu.memory_space<vmem_shared>>)
      %add3A_402 = arith.constant 8 : i32
      %add3A_403 = arith.addi %mul3A_180, %add3A_402 : i32
      %add3A_404 = arith.constant 6 : i32
      %add3A_405 = arith.addi %add3A_403, %add3A_404 : i32
      %lt3A_406 = arith.constant 78 : i32
      %lt3A_407 = arith.cmpi slt, %add3A_405, %lt3A_406 : i32
      %convert_element_type3A_408 = arith.extui %lt3A_407 : i1 to i32
      %cond3A_409 = arith.constant 0 : i32
      %cond3A_410 = arith.cmpi ne, %convert_element_type3A_408, %cond3A_409 : i32
      scf.if %cond3A_410 {
        %add3A_426 = arith.constant 8 : i32
        %add3A_427 = arith.addi %mul3A_180, %add3A_426 : i32
        %add3A_428 = arith.constant 6 : i32
        %add3A_429 = arith.addi %add3A_427, %add3A_428 : i32
        %min3A = arith.constant 77 : i32
        %min3A_430 = arith.minsi %add3A_429, %min3A : i32
        %dma_start3A_431 = arith.constant 0 : i32
        %dma_start3A_432 = tpu.memref_slice %arg9[%min3A_430, %dma_start3A_431] : memref<78x128xi32, #tpu.memory_space<vmem>> -> memref<1x128xi32, #tpu.memory_space<vmem>>
        %dma_start3A_433 = tpu.memref_squeeze %dma_start3A_432 : memref<1x128xi32, #tpu.memory_space<vmem>> -> memref<128xi32, #tpu.memory_space<vmem>>
        %dma_start3A_434 = arith.constant 0 : i32
        %dma_start3A_435 = arith.constant 0 : i32
        %dma_start3A_436 = tpu.memref_slice %arg2[%dma_start3A_434, %dma_start3A_435] : memref<10240x16xf32, #tpu.memory_space<hbm>> -> memref<10240x16xf32, #tpu.memory_space<hbm>>
        tpu.enqueue_indirect_dma source(%dma_start3A_436 : memref<10240x16xf32, #tpu.memory_space<hbm>>) target(%arg19 : memref<128x16xf32, #tpu.memory_space<vmem>>) offsets(%dma_start3A_433 : memref<128xi32, #tpu.memory_space<vmem>>) semaphore(%arg28 : memref<!tpu.dma_semaphore, #tpu.memory_space<semaphore_mem>>)
      } else {
      }
      %dma_wait3A_411 = arith.constant 0 : i32
      %dma_wait3A_412 = tpu.memref_slice %arg10[%add3A_302, %dma_wait3A_411] : memref<78x128xi32, #tpu.memory_space<vmem>> -> memref<1x128xi32, #tpu.memory_space<vmem>>
      %dma_wait3A_413 = tpu.memref_squeeze %dma_wait3A_412 : memref<1x128xi32, #tpu.memory_space<vmem>> -> memref<128xi32, #tpu.memory_space<vmem>>
      %dma_wait3A_414 = arith.constant 0 : i32
      %dma_wait3A_415 = arith.constant 0 : i32
      %dma_wait3A_416 = tpu.memref_slice %arg38[%dma_wait3A_414, %dma_wait3A_415] : memref<10240x16xf32, #tpu.memory_space<vmem_shared>> -> memref<10240x16xf32, #tpu.memory_space<vmem_shared>>
      tpu.wait_indirect_dma semaphore(%arg37 : memref<!tpu.dma_semaphore, #tpu.memory_space<semaphore_mem>>) src(%arg20 : memref<128x16xf32, #tpu.memory_space<vmem>>) dst(%dma_wait3A_416 : memref<10240x16xf32, #tpu.memory_space<vmem_shared>>)
      %add3A_417 = arith.constant 8 : i32
      %add3A_418 = arith.addi %mul3A_180, %add3A_417 : i32
      %add3A_419 = arith.constant 7 : i32
      %add3A_420 = arith.addi %add3A_418, %add3A_419 : i32
      %lt3A_421 = arith.constant 78 : i32
      %lt3A_422 = arith.cmpi slt, %add3A_420, %lt3A_421 : i32
      %convert_element_type3A_423 = arith.extui %lt3A_422 : i1 to i32
      %cond3A_424 = arith.constant 0 : i32
      %cond3A_425 = arith.cmpi ne, %convert_element_type3A_423, %cond3A_424 : i32
      scf.if %cond3A_425 {
        %add3A_426 = arith.constant 8 : i32
        %add3A_427 = arith.addi %mul3A_180, %add3A_426 : i32
        %add3A_428 = arith.constant 7 : i32
        %add3A_429 = arith.addi %add3A_427, %add3A_428 : i32
        %min3A = arith.constant 77 : i32
        %min3A_430 = arith.minsi %add3A_429, %min3A : i32
        %dma_start3A_431 = arith.constant 0 : i32
        %dma_start3A_432 = tpu.memref_slice %arg9[%min3A_430, %dma_start3A_431] : memref<78x128xi32, #tpu.memory_space<vmem>> -> memref<1x128xi32, #tpu.memory_space<vmem>>
        %dma_start3A_433 = tpu.memref_squeeze %dma_start3A_432 : memref<1x128xi32, #tpu.memory_space<vmem>> -> memref<128xi32, #tpu.memory_space<vmem>>
        %dma_start3A_434 = arith.constant 0 : i32
        %dma_start3A_435 = arith.constant 0 : i32
        %dma_start3A_436 = tpu.memref_slice %arg2[%dma_start3A_434, %dma_start3A_435] : memref<10240x16xf32, #tpu.memory_space<hbm>> -> memref<10240x16xf32, #tpu.memory_space<hbm>>
        tpu.enqueue_indirect_dma source(%dma_start3A_436 : memref<10240x16xf32, #tpu.memory_space<hbm>>) target(%arg20 : memref<128x16xf32, #tpu.memory_space<vmem>>) offsets(%dma_start3A_433 : memref<128xi32, #tpu.memory_space<vmem>>) semaphore(%arg29 : memref<!tpu.dma_semaphore, #tpu.memory_space<semaphore_mem>>)
      } else {
      }
    }
    %scan3A_119 = arith.constant 9 : i32
    %dma_wait3A_120 = arith.constant 72 : i32
    %dma_wait3A_121 = arith.constant 0 : i32
    %dma_wait3A_122 = tpu.memref_slice %arg9[%dma_wait3A_120, %dma_wait3A_121] : memref<78x128xi32, #tpu.memory_space<vmem>> -> memref<1x128xi32, #tpu.memory_space<vmem>>
    %dma_wait3A_123 = tpu.memref_squeeze %dma_wait3A_122 : memref<1x128xi32, #tpu.memory_space<vmem>> -> memref<128xi32, #tpu.memory_space<vmem>>
    %dma_wait3A_124 = arith.constant 0 : i32
    %dma_wait3A_125 = arith.constant 0 : i32
    %dma_wait3A_126 = tpu.memref_slice %arg2[%dma_wait3A_124, %dma_wait3A_125] : memref<10240x16xf32, #tpu.memory_space<hbm>> -> memref<10240x16xf32, #tpu.memory_space<hbm>>
    tpu.wait_indirect_dma semaphore(%arg22 : memref<!tpu.dma_semaphore, #tpu.memory_space<semaphore_mem>>) src(%dma_wait3A_126 : memref<10240x16xf32, #tpu.memory_space<hbm>>) dst(%arg13 : memref<128x16xf32, #tpu.memory_space<vmem>>)
    %run_scoped3A = arith.constant 72 : i32
    "tpu.region"() ({
      %run_scoped3A_178 = tpu.sem_alloc : memref<!tpu.dma_semaphore, #tpu.memory_space<semaphore_mem>>
      %dma_start3A_179 = arith.constant 0 : i32
      %dma_start3A_180 = tpu.memref_slice %arg10[%run_scoped3A, %dma_start3A_179] : memref<78x128xi32, #tpu.memory_space<vmem>> -> memref<1x128xi32, #tpu.memory_space<vmem>>
      %dma_start3A_181 = tpu.memref_squeeze %dma_start3A_180 : memref<1x128xi32, #tpu.memory_space<vmem>> -> memref<128xi32, #tpu.memory_space<vmem>>
      %dma_start3A_182 = arith.constant 0 : i32
      %dma_start3A_183 = arith.constant 0 : i32
      %dma_start3A_184 = tpu.memref_slice %arg38[%dma_start3A_182, %dma_start3A_183] : memref<10240x16xf32, #tpu.memory_space<vmem_shared>> -> memref<10240x16xf32, #tpu.memory_space<vmem_shared>>
      tpu.enqueue_indirect_dma source(%arg13 : memref<128x16xf32, #tpu.memory_space<vmem>>) target(%dma_start3A_184 : memref<10240x16xf32, #tpu.memory_space<vmem_shared>>) offsets(%dma_start3A_181 : memref<128xi32, #tpu.memory_space<vmem>>) semaphore(%run_scoped3A_178 : memref<!tpu.dma_semaphore, #tpu.memory_space<semaphore_mem>>) {add = true}
      %dma_wait3A_185 = arith.constant 0 : i32
      %dma_wait3A_186 = tpu.memref_slice %arg10[%run_scoped3A, %dma_wait3A_185] : memref<78x128xi32, #tpu.memory_space<vmem>> -> memref<1x128xi32, #tpu.memory_space<vmem>>
      %dma_wait3A_187 = tpu.memref_squeeze %dma_wait3A_186 : memref<1x128xi32, #tpu.memory_space<vmem>> -> memref<128xi32, #tpu.memory_space<vmem>>
      %dma_wait3A_188 = arith.constant 0 : i32
      %dma_wait3A_189 = arith.constant 0 : i32
      %dma_wait3A_190 = tpu.memref_slice %arg38[%dma_wait3A_188, %dma_wait3A_189] : memref<10240x16xf32, #tpu.memory_space<vmem_shared>> -> memref<10240x16xf32, #tpu.memory_space<vmem_shared>>
      tpu.wait_indirect_dma semaphore(%run_scoped3A_178 : memref<!tpu.dma_semaphore, #tpu.memory_space<semaphore_mem>>) src(%arg13 : memref<128x16xf32, #tpu.memory_space<vmem>>) dst(%dma_wait3A_190 : memref<10240x16xf32, #tpu.memory_space<vmem_shared>>)
      tpu.yield
    }) : () -> ()
    %dma_wait3A_127 = arith.constant 73 : i32
    %dma_wait3A_128 = arith.constant 0 : i32
    %dma_wait3A_129 = tpu.memref_slice %arg9[%dma_wait3A_127, %dma_wait3A_128] : memref<78x128xi32, #tpu.memory_space<vmem>> -> memref<1x128xi32, #tpu.memory_space<vmem>>
    %dma_wait3A_130 = tpu.memref_squeeze %dma_wait3A_129 : memref<1x128xi32, #tpu.memory_space<vmem>> -> memref<128xi32, #tpu.memory_space<vmem>>
    %dma_wait3A_131 = arith.constant 0 : i32
    %dma_wait3A_132 = arith.constant 0 : i32
    %dma_wait3A_133 = tpu.memref_slice %arg2[%dma_wait3A_131, %dma_wait3A_132] : memref<10240x16xf32, #tpu.memory_space<hbm>> -> memref<10240x16xf32, #tpu.memory_space<hbm>>
    tpu.wait_indirect_dma semaphore(%arg23 : memref<!tpu.dma_semaphore, #tpu.memory_space<semaphore_mem>>) src(%dma_wait3A_133 : memref<10240x16xf32, #tpu.memory_space<hbm>>) dst(%arg14 : memref<128x16xf32, #tpu.memory_space<vmem>>)
    %run_scoped3A_134 = arith.constant 73 : i32
    "tpu.region"() ({
      %run_scoped3A_178 = tpu.sem_alloc : memref<!tpu.dma_semaphore, #tpu.memory_space<semaphore_mem>>
      %dma_start3A_179 = arith.constant 0 : i32
      %dma_start3A_180 = tpu.memref_slice %arg10[%run_scoped3A_134, %dma_start3A_179] : memref<78x128xi32, #tpu.memory_space<vmem>> -> memref<1x128xi32, #tpu.memory_space<vmem>>
      %dma_start3A_181 = tpu.memref_squeeze %dma_start3A_180 : memref<1x128xi32, #tpu.memory_space<vmem>> -> memref<128xi32, #tpu.memory_space<vmem>>
      %dma_start3A_182 = arith.constant 0 : i32
      %dma_start3A_183 = arith.constant 0 : i32
      %dma_start3A_184 = tpu.memref_slice %arg38[%dma_start3A_182, %dma_start3A_183] : memref<10240x16xf32, #tpu.memory_space<vmem_shared>> -> memref<10240x16xf32, #tpu.memory_space<vmem_shared>>
      tpu.enqueue_indirect_dma source(%arg14 : memref<128x16xf32, #tpu.memory_space<vmem>>) target(%dma_start3A_184 : memref<10240x16xf32, #tpu.memory_space<vmem_shared>>) offsets(%dma_start3A_181 : memref<128xi32, #tpu.memory_space<vmem>>) semaphore(%run_scoped3A_178 : memref<!tpu.dma_semaphore, #tpu.memory_space<semaphore_mem>>) {add = true}
      %dma_wait3A_185 = arith.constant 0 : i32
      %dma_wait3A_186 = tpu.memref_slice %arg10[%run_scoped3A_134, %dma_wait3A_185] : memref<78x128xi32, #tpu.memory_space<vmem>> -> memref<1x128xi32, #tpu.memory_space<vmem>>
      %dma_wait3A_187 = tpu.memref_squeeze %dma_wait3A_186 : memref<1x128xi32, #tpu.memory_space<vmem>> -> memref<128xi32, #tpu.memory_space<vmem>>
      %dma_wait3A_188 = arith.constant 0 : i32
      %dma_wait3A_189 = arith.constant 0 : i32
      %dma_wait3A_190 = tpu.memref_slice %arg38[%dma_wait3A_188, %dma_wait3A_189] : memref<10240x16xf32, #tpu.memory_space<vmem_shared>> -> memref<10240x16xf32, #tpu.memory_space<vmem_shared>>
      tpu.wait_indirect_dma semaphore(%run_scoped3A_178 : memref<!tpu.dma_semaphore, #tpu.memory_space<semaphore_mem>>) src(%arg14 : memref<128x16xf32, #tpu.memory_space<vmem>>) dst(%dma_wait3A_190 : memref<10240x16xf32, #tpu.memory_space<vmem_shared>>)
      tpu.yield
    }) : () -> ()
    %dma_wait3A_135 = arith.constant 74 : i32
    %dma_wait3A_136 = arith.constant 0 : i32
    %dma_wait3A_137 = tpu.memref_slice %arg9[%dma_wait3A_135, %dma_wait3A_136] : memref<78x128xi32, #tpu.memory_space<vmem>> -> memref<1x128xi32, #tpu.memory_space<vmem>>
    %dma_wait3A_138 = tpu.memref_squeeze %dma_wait3A_137 : memref<1x128xi32, #tpu.memory_space<vmem>> -> memref<128xi32, #tpu.memory_space<vmem>>
    %dma_wait3A_139 = arith.constant 0 : i32
    %dma_wait3A_140 = arith.constant 0 : i32
    %dma_wait3A_141 = tpu.memref_slice %arg2[%dma_wait3A_139, %dma_wait3A_140] : memref<10240x16xf32, #tpu.memory_space<hbm>> -> memref<10240x16xf32, #tpu.memory_space<hbm>>
    tpu.wait_indirect_dma semaphore(%arg24 : memref<!tpu.dma_semaphore, #tpu.memory_space<semaphore_mem>>) src(%dma_wait3A_141 : memref<10240x16xf32, #tpu.memory_space<hbm>>) dst(%arg15 : memref<128x16xf32, #tpu.memory_space<vmem>>)
    %run_scoped3A_142 = arith.constant 74 : i32
    "tpu.region"() ({
      %run_scoped3A_178 = tpu.sem_alloc : memref<!tpu.dma_semaphore, #tpu.memory_space<semaphore_mem>>
      %dma_start3A_179 = arith.constant 0 : i32
      %dma_start3A_180 = tpu.memref_slice %arg10[%run_scoped3A_142, %dma_start3A_179] : memref<78x128xi32, #tpu.memory_space<vmem>> -> memref<1x128xi32, #tpu.memory_space<vmem>>
      %dma_start3A_181 = tpu.memref_squeeze %dma_start3A_180 : memref<1x128xi32, #tpu.memory_space<vmem>> -> memref<128xi32, #tpu.memory_space<vmem>>
      %dma_start3A_182 = arith.constant 0 : i32
      %dma_start3A_183 = arith.constant 0 : i32
      %dma_start3A_184 = tpu.memref_slice %arg38[%dma_start3A_182, %dma_start3A_183] : memref<10240x16xf32, #tpu.memory_space<vmem_shared>> -> memref<10240x16xf32, #tpu.memory_space<vmem_shared>>
      tpu.enqueue_indirect_dma source(%arg15 : memref<128x16xf32, #tpu.memory_space<vmem>>) target(%dma_start3A_184 : memref<10240x16xf32, #tpu.memory_space<vmem_shared>>) offsets(%dma_start3A_181 : memref<128xi32, #tpu.memory_space<vmem>>) semaphore(%run_scoped3A_178 : memref<!tpu.dma_semaphore, #tpu.memory_space<semaphore_mem>>) {add = true}
      %dma_wait3A_185 = arith.constant 0 : i32
      %dma_wait3A_186 = tpu.memref_slice %arg10[%run_scoped3A_142, %dma_wait3A_185] : memref<78x128xi32, #tpu.memory_space<vmem>> -> memref<1x128xi32, #tpu.memory_space<vmem>>
      %dma_wait3A_187 = tpu.memref_squeeze %dma_wait3A_186 : memref<1x128xi32, #tpu.memory_space<vmem>> -> memref<128xi32, #tpu.memory_space<vmem>>
      %dma_wait3A_188 = arith.constant 0 : i32
      %dma_wait3A_189 = arith.constant 0 : i32
      %dma_wait3A_190 = tpu.memref_slice %arg38[%dma_wait3A_188, %dma_wait3A_189] : memref<10240x16xf32, #tpu.memory_space<vmem_shared>> -> memref<10240x16xf32, #tpu.memory_space<vmem_shared>>
      tpu.wait_indirect_dma semaphore(%run_scoped3A_178 : memref<!tpu.dma_semaphore, #tpu.memory_space<semaphore_mem>>) src(%arg15 : memref<128x16xf32, #tpu.memory_space<vmem>>) dst(%dma_wait3A_190 : memref<10240x16xf32, #tpu.memory_space<vmem_shared>>)
      tpu.yield
    }) : () -> ()
    %dma_wait3A_143 = arith.constant 75 : i32
    %dma_wait3A_144 = arith.constant 0 : i32
    %dma_wait3A_145 = tpu.memref_slice %arg9[%dma_wait3A_143, %dma_wait3A_144] : memref<78x128xi32, #tpu.memory_space<vmem>> -> memref<1x128xi32, #tpu.memory_space<vmem>>
    %dma_wait3A_146 = tpu.memref_squeeze %dma_wait3A_145 : memref<1x128xi32, #tpu.memory_space<vmem>> -> memref<128xi32, #tpu.memory_space<vmem>>
    %dma_wait3A_147 = arith.constant 0 : i32
    %dma_wait3A_148 = arith.constant 0 : i32
    %dma_wait3A_149 = tpu.memref_slice %arg2[%dma_wait3A_147, %dma_wait3A_148] : memref<10240x16xf32, #tpu.memory_space<hbm>> -> memref<10240x16xf32, #tpu.memory_space<hbm>>
    tpu.wait_indirect_dma semaphore(%arg25 : memref<!tpu.dma_semaphore, #tpu.memory_space<semaphore_mem>>) src(%dma_wait3A_149 : memref<10240x16xf32, #tpu.memory_space<hbm>>) dst(%arg16 : memref<128x16xf32, #tpu.memory_space<vmem>>)
    %run_scoped3A_150 = arith.constant 75 : i32
    "tpu.region"() ({
      %run_scoped3A_178 = tpu.sem_alloc : memref<!tpu.dma_semaphore, #tpu.memory_space<semaphore_mem>>
      %dma_start3A_179 = arith.constant 0 : i32
      %dma_start3A_180 = tpu.memref_slice %arg10[%run_scoped3A_150, %dma_start3A_179] : memref<78x128xi32, #tpu.memory_space<vmem>> -> memref<1x128xi32, #tpu.memory_space<vmem>>
      %dma_start3A_181 = tpu.memref_squeeze %dma_start3A_180 : memref<1x128xi32, #tpu.memory_space<vmem>> -> memref<128xi32, #tpu.memory_space<vmem>>
      %dma_start3A_182 = arith.constant 0 : i32
      %dma_start3A_183 = arith.constant 0 : i32
      %dma_start3A_184 = tpu.memref_slice %arg38[%dma_start3A_182, %dma_start3A_183] : memref<10240x16xf32, #tpu.memory_space<vmem_shared>> -> memref<10240x16xf32, #tpu.memory_space<vmem_shared>>
      tpu.enqueue_indirect_dma source(%arg16 : memref<128x16xf32, #tpu.memory_space<vmem>>) target(%dma_start3A_184 : memref<10240x16xf32, #tpu.memory_space<vmem_shared>>) offsets(%dma_start3A_181 : memref<128xi32, #tpu.memory_space<vmem>>) semaphore(%run_scoped3A_178 : memref<!tpu.dma_semaphore, #tpu.memory_space<semaphore_mem>>) {add = true}
      %dma_wait3A_185 = arith.constant 0 : i32
      %dma_wait3A_186 = tpu.memref_slice %arg10[%run_scoped3A_150, %dma_wait3A_185] : memref<78x128xi32, #tpu.memory_space<vmem>> -> memref<1x128xi32, #tpu.memory_space<vmem>>
      %dma_wait3A_187 = tpu.memref_squeeze %dma_wait3A_186 : memref<1x128xi32, #tpu.memory_space<vmem>> -> memref<128xi32, #tpu.memory_space<vmem>>
      %dma_wait3A_188 = arith.constant 0 : i32
      %dma_wait3A_189 = arith.constant 0 : i32
      %dma_wait3A_190 = tpu.memref_slice %arg38[%dma_wait3A_188, %dma_wait3A_189] : memref<10240x16xf32, #tpu.memory_space<vmem_shared>> -> memref<10240x16xf32, #tpu.memory_space<vmem_shared>>
      tpu.wait_indirect_dma semaphore(%run_scoped3A_178 : memref<!tpu.dma_semaphore, #tpu.memory_space<semaphore_mem>>) src(%arg16 : memref<128x16xf32, #tpu.memory_space<vmem>>) dst(%dma_wait3A_190 : memref<10240x16xf32, #tpu.memory_space<vmem_shared>>)
      tpu.yield
    }) : () -> ()
    %dma_wait3A_151 = arith.constant 76 : i32
    %dma_wait3A_152 = arith.constant 0 : i32
    %dma_wait3A_153 = tpu.memref_slice %arg9[%dma_wait3A_151, %dma_wait3A_152] : memref<78x128xi32, #tpu.memory_space<vmem>> -> memref<1x128xi32, #tpu.memory_space<vmem>>
    %dma_wait3A_154 = tpu.memref_squeeze %dma_wait3A_153 : memref<1x128xi32, #tpu.memory_space<vmem>> -> memref<128xi32, #tpu.memory_space<vmem>>
    %dma_wait3A_155 = arith.constant 0 : i32
    %dma_wait3A_156 = arith.constant 0 : i32
    %dma_wait3A_157 = tpu.memref_slice %arg2[%dma_wait3A_155, %dma_wait3A_156] : memref<10240x16xf32, #tpu.memory_space<hbm>> -> memref<10240x16xf32, #tpu.memory_space<hbm>>
    tpu.wait_indirect_dma semaphore(%arg26 : memref<!tpu.dma_semaphore, #tpu.memory_space<semaphore_mem>>) src(%dma_wait3A_157 : memref<10240x16xf32, #tpu.memory_space<hbm>>) dst(%arg17 : memref<128x16xf32, #tpu.memory_space<vmem>>)
    %run_scoped3A_158 = arith.constant 76 : i32
    "tpu.region"() ({
      %run_scoped3A_178 = tpu.sem_alloc : memref<!tpu.dma_semaphore, #tpu.memory_space<semaphore_mem>>
      %dma_start3A_179 = arith.constant 0 : i32
      %dma_start3A_180 = tpu.memref_slice %arg10[%run_scoped3A_158, %dma_start3A_179] : memref<78x128xi32, #tpu.memory_space<vmem>> -> memref<1x128xi32, #tpu.memory_space<vmem>>
      %dma_start3A_181 = tpu.memref_squeeze %dma_start3A_180 : memref<1x128xi32, #tpu.memory_space<vmem>> -> memref<128xi32, #tpu.memory_space<vmem>>
      %dma_start3A_182 = arith.constant 0 : i32
      %dma_start3A_183 = arith.constant 0 : i32
      %dma_start3A_184 = tpu.memref_slice %arg38[%dma_start3A_182, %dma_start3A_183] : memref<10240x16xf32, #tpu.memory_space<vmem_shared>> -> memref<10240x16xf32, #tpu.memory_space<vmem_shared>>
      tpu.enqueue_indirect_dma source(%arg17 : memref<128x16xf32, #tpu.memory_space<vmem>>) target(%dma_start3A_184 : memref<10240x16xf32, #tpu.memory_space<vmem_shared>>) offsets(%dma_start3A_181 : memref<128xi32, #tpu.memory_space<vmem>>) semaphore(%run_scoped3A_178 : memref<!tpu.dma_semaphore, #tpu.memory_space<semaphore_mem>>) {add = true}
      %dma_wait3A_185 = arith.constant 0 : i32
      %dma_wait3A_186 = tpu.memref_slice %arg10[%run_scoped3A_158, %dma_wait3A_185] : memref<78x128xi32, #tpu.memory_space<vmem>> -> memref<1x128xi32, #tpu.memory_space<vmem>>
      %dma_wait3A_187 = tpu.memref_squeeze %dma_wait3A_186 : memref<1x128xi32, #tpu.memory_space<vmem>> -> memref<128xi32, #tpu.memory_space<vmem>>
      %dma_wait3A_188 = arith.constant 0 : i32
      %dma_wait3A_189 = arith.constant 0 : i32
      %dma_wait3A_190 = tpu.memref_slice %arg38[%dma_wait3A_188, %dma_wait3A_189] : memref<10240x16xf32, #tpu.memory_space<vmem_shared>> -> memref<10240x16xf32, #tpu.memory_space<vmem_shared>>
      tpu.wait_indirect_dma semaphore(%run_scoped3A_178 : memref<!tpu.dma_semaphore, #tpu.memory_space<semaphore_mem>>) src(%arg17 : memref<128x16xf32, #tpu.memory_space<vmem>>) dst(%dma_wait3A_190 : memref<10240x16xf32, #tpu.memory_space<vmem_shared>>)
      tpu.yield
    }) : () -> ()
    %dma_wait3A_159 = arith.constant 77 : i32
    %dma_wait3A_160 = arith.constant 0 : i32
    %dma_wait3A_161 = tpu.memref_slice %arg9[%dma_wait3A_159, %dma_wait3A_160] : memref<78x128xi32, #tpu.memory_space<vmem>> -> memref<1x128xi32, #tpu.memory_space<vmem>>
    %dma_wait3A_162 = tpu.memref_squeeze %dma_wait3A_161 : memref<1x128xi32, #tpu.memory_space<vmem>> -> memref<128xi32, #tpu.memory_space<vmem>>
    %dma_wait3A_163 = arith.constant 0 : i32
    %dma_wait3A_164 = arith.constant 0 : i32
    %dma_wait3A_165 = tpu.memref_slice %arg2[%dma_wait3A_163, %dma_wait3A_164] : memref<10240x16xf32, #tpu.memory_space<hbm>> -> memref<10240x16xf32, #tpu.memory_space<hbm>>
    tpu.wait_indirect_dma semaphore(%arg27 : memref<!tpu.dma_semaphore, #tpu.memory_space<semaphore_mem>>) src(%dma_wait3A_165 : memref<10240x16xf32, #tpu.memory_space<hbm>>) dst(%arg18 : memref<128x16xf32, #tpu.memory_space<vmem>>)
    %run_scoped3A_166 = arith.constant 77 : i32
    "tpu.region"() ({
      %run_scoped3A_178 = tpu.sem_alloc : memref<!tpu.dma_semaphore, #tpu.memory_space<semaphore_mem>>
      %dma_start3A_179 = arith.constant 0 : i32
      %dma_start3A_180 = tpu.memref_slice %arg10[%run_scoped3A_166, %dma_start3A_179] : memref<78x128xi32, #tpu.memory_space<vmem>> -> memref<1x128xi32, #tpu.memory_space<vmem>>
      %dma_start3A_181 = tpu.memref_squeeze %dma_start3A_180 : memref<1x128xi32, #tpu.memory_space<vmem>> -> memref<128xi32, #tpu.memory_space<vmem>>
      %dma_start3A_182 = arith.constant 0 : i32
      %dma_start3A_183 = arith.constant 0 : i32
      %dma_start3A_184 = tpu.memref_slice %arg38[%dma_start3A_182, %dma_start3A_183] : memref<10240x16xf32, #tpu.memory_space<vmem_shared>> -> memref<10240x16xf32, #tpu.memory_space<vmem_shared>>
      tpu.enqueue_indirect_dma source(%arg18 : memref<128x16xf32, #tpu.memory_space<vmem>>) target(%dma_start3A_184 : memref<10240x16xf32, #tpu.memory_space<vmem_shared>>) offsets(%dma_start3A_181 : memref<128xi32, #tpu.memory_space<vmem>>) semaphore(%run_scoped3A_178 : memref<!tpu.dma_semaphore, #tpu.memory_space<semaphore_mem>>) {add = true}
      %dma_wait3A_185 = arith.constant 0 : i32
      %dma_wait3A_186 = tpu.memref_slice %arg10[%run_scoped3A_166, %dma_wait3A_185] : memref<78x128xi32, #tpu.memory_space<vmem>> -> memref<1x128xi32, #tpu.memory_space<vmem>>
      %dma_wait3A_187 = tpu.memref_squeeze %dma_wait3A_186 : memref<1x128xi32, #tpu.memory_space<vmem>> -> memref<128xi32, #tpu.memory_space<vmem>>
      %dma_wait3A_188 = arith.constant 0 : i32
      %dma_wait3A_189 = arith.constant 0 : i32
      %dma_wait3A_190 = tpu.memref_slice %arg38[%dma_wait3A_188, %dma_wait3A_189] : memref<10240x16xf32, #tpu.memory_space<vmem_shared>> -> memref<10240x16xf32, #tpu.memory_space<vmem_shared>>
      tpu.wait_indirect_dma semaphore(%run_scoped3A_178 : memref<!tpu.dma_semaphore, #tpu.memory_space<semaphore_mem>>) src(%arg18 : memref<128x16xf32, #tpu.memory_space<vmem>>) dst(%dma_wait3A_190 : memref<10240x16xf32, #tpu.memory_space<vmem_shared>>)
      tpu.yield
    }) : () -> ()
    %dma_start3A_167 = arith.constant 0 : i32
    %dma_start3A_168 = arith.constant 0 : i32
    %dma_start3A_169 = tpu.memref_slice %arg2[%dma_start3A_167, %dma_start3A_168] : memref<10240x16xf32, #tpu.memory_space<hbm>> -> memref<10240x16xf32, #tpu.memory_space<hbm>>
    tpu.enqueue_indirect_dma source(%dma_start3A_169 : memref<10240x16xf32, #tpu.memory_space<hbm>>) target(%arg21 : memref<16x16xf32, #tpu.memory_space<vmem>>) offsets(%arg11 : memref<16xi32, #tpu.memory_space<vmem>>) semaphore(%arg22 : memref<!tpu.dma_semaphore, #tpu.memory_space<semaphore_mem>>)
    %dma_wait3A_170 = arith.constant 0 : i32
    %dma_wait3A_171 = arith.constant 0 : i32
    %dma_wait3A_172 = tpu.memref_slice %arg2[%dma_wait3A_170, %dma_wait3A_171] : memref<10240x16xf32, #tpu.memory_space<hbm>> -> memref<10240x16xf32, #tpu.memory_space<hbm>>
    tpu.wait_indirect_dma semaphore(%arg22 : memref<!tpu.dma_semaphore, #tpu.memory_space<semaphore_mem>>) src(%dma_wait3A_172 : memref<10240x16xf32, #tpu.memory_space<hbm>>) dst(%arg21 : memref<16x16xf32, #tpu.memory_space<vmem>>)
    "tpu.region"() ({
      %run_scoped3A_178 = tpu.sem_alloc : memref<!tpu.dma_semaphore, #tpu.memory_space<semaphore_mem>>
      %dma_start3A_179 = arith.constant 0 : i32
      %dma_start3A_180 = arith.constant 0 : i32
      %dma_start3A_181 = tpu.memref_slice %arg38[%dma_start3A_179, %dma_start3A_180] : memref<10240x16xf32, #tpu.memory_space<vmem_shared>> -> memref<10240x16xf32, #tpu.memory_space<vmem_shared>>
      tpu.enqueue_indirect_dma source(%arg21 : memref<16x16xf32, #tpu.memory_space<vmem>>) target(%dma_start3A_181 : memref<10240x16xf32, #tpu.memory_space<vmem_shared>>) offsets(%arg12 : memref<16xi32, #tpu.memory_space<vmem>>) semaphore(%run_scoped3A_178 : memref<!tpu.dma_semaphore, #tpu.memory_space<semaphore_mem>>) {add = true}
      %dma_wait3A_182 = arith.constant 0 : i32
      %dma_wait3A_183 = arith.constant 0 : i32
      %dma_wait3A_184 = tpu.memref_slice %arg38[%dma_wait3A_182, %dma_wait3A_183] : memref<10240x16xf32, #tpu.memory_space<vmem_shared>> -> memref<10240x16xf32, #tpu.memory_space<vmem_shared>>
      tpu.wait_indirect_dma semaphore(%run_scoped3A_178 : memref<!tpu.dma_semaphore, #tpu.memory_space<semaphore_mem>>) src(%arg21 : memref<16x16xf32, #tpu.memory_space<vmem>>) dst(%dma_wait3A_184 : memref<10240x16xf32, #tpu.memory_space<vmem_shared>>)
      tpu.yield
    }) : () -> ()
    %barrier3A_173 = arith.constant 0 : index
    tpu.barrier barrier_id(%barrier3A_173)
    %mul3A_174 = arith.constant 640 : i32
    %mul3A_175 = arith.muli %arg1, %mul3A_174 : i32
    %mul3A_176 = arith.constant 640 : i32
    %mul3A_177 = arith.muli %arg1, %mul3A_176 : i32
    "tpu.region"() ({
      %run_scoped3A_178 = tpu.sem_alloc : memref<!tpu.dma_semaphore, #tpu.memory_space<semaphore_mem>>
      %dma_start3A_179 = arith.constant 0 : i32
      %dma_start3A_180 = tpu.memref_slice %arg8[%arg0, %mul3A_177, %dma_start3A_179] : memref<2x10240x16xf32, #tpu.memory_space<hbm>> -> memref<1x640x16xf32, #tpu.memory_space<hbm>>
      %dma_start3A_181 = tpu.memref_squeeze %dma_start3A_180 : memref<1x640x16xf32, #tpu.memory_space<hbm>> -> memref<640x16xf32, #tpu.memory_space<hbm>>
      %dma_start3A_182 = arith.constant 0 : i32
      %dma_start3A_183 = tpu.memref_slice %arg38[%mul3A_175, %dma_start3A_182] : memref<10240x16xf32, #tpu.memory_space<vmem_shared>> -> memref<640x16xf32, #tpu.memory_space<vmem_shared>>
      tpu.enqueue_dma source(%dma_start3A_183 : memref<640x16xf32, #tpu.memory_space<vmem_shared>>) target(%dma_start3A_181 : memref<640x16xf32, #tpu.memory_space<hbm>>) target_semaphore(%run_scoped3A_178 : memref<!tpu.dma_semaphore, #tpu.memory_space<semaphore_mem>>)
      %dma_wait3A_184 = arith.constant 0 : i32
      %dma_wait3A_185 = tpu.memref_slice %arg8[%arg0, %mul3A_177, %dma_wait3A_184] : memref<2x10240x16xf32, #tpu.memory_space<hbm>> -> memref<1x640x16xf32, #tpu.memory_space<hbm>>
      %dma_wait3A_186 = tpu.memref_squeeze %dma_wait3A_185 : memref<1x640x16xf32, #tpu.memory_space<hbm>> -> memref<640x16xf32, #tpu.memory_space<hbm>>
      %dma_wait3A_187 = arith.constant 0 : i32
      %dma_wait3A_188 = tpu.memref_slice %arg38[%mul3A_175, %dma_wait3A_187] : memref<10240x16xf32, #tpu.memory_space<vmem_shared>> -> memref<640x16xf32, #tpu.memory_space<vmem_shared>>
      tpu.wait_dma2 semaphore(%run_scoped3A_178 : memref<!tpu.dma_semaphore, #tpu.memory_space<semaphore_mem>>) src(%dma_wait3A_188 : memref<640x16xf32, #tpu.memory_space<vmem_shared>>) dst(%dma_wait3A_186 : memref<640x16xf32, #tpu.memory_space<hbm>>)
      tpu.yield
    }) : () -> ()
    return
  }
}

#map = affine_map<(d0, d1) -> (0, 0, 0)>
#map1 = affine_map<(d0, d1) -> (0, 0)>
#map2 = affine_map<(d0, d1) -> (0, 0, 0, 0)>
module attributes {stable_mosaic.version = 14 : i64} {
  func.func @_deg_body(%arg0: i32, %arg1: i32, %arg2: memref<32x78x128xi32, #tpu.memory_space<hbm>>, %arg3: memref<32x78x128xi32, #tpu.memory_space<hbm>>, %arg4: memref<32x16xi32, #tpu.memory_space<hbm>>, %arg5: memref<32x16xi32, #tpu.memory_space<hbm>>, %arg6: memref<128x16xf32, #tpu.memory_space<hbm>>, %arg7: memref<10240x16xf32, #tpu.memory_space<hbm>>, %arg8: memref<2x2x10240x16xf32, #tpu.memory_space<hbm>>, %arg9: memref<128x16xf32, #tpu.memory_space<vmem>>, %arg10: memref<78x128xi32, #tpu.memory_space<vmem>>, %arg11: memref<78x128xi32, #tpu.memory_space<vmem>>, %arg12: memref<16xi32, #tpu.memory_space<vmem>>, %arg13: memref<16xi32, #tpu.memory_space<vmem>>, %arg14: memref<10240x16xf32, #tpu.memory_space<vmem_shared>>, %arg15: memref<10240x16xf32, #tpu.memory_space<vmem_shared>>, %arg16: memref<!tpu.dma_semaphore, #tpu.memory_space<semaphore_mem>>, %arg17: memref<!tpu.dma_semaphore, #tpu.memory_space<semaphore_mem>>, %arg18: memref<!tpu.dma_semaphore, #tpu.memory_space<semaphore_mem>>, %arg19: memref<!tpu.dma_semaphore, #tpu.memory_space<semaphore_mem>>) attributes {dimension_semantics = [#tpu.dimension_semantics<core_parallel>, #tpu.dimension_semantics<subcore_parallel>], iteration_bounds = array<i64: 2, 16>, scalar_prefetch = 0 : i64, scratch_operands = 11 : i64, tpu.core_type = #tpu.core_type<sc_vector_subcore>, window_params = [{transform_indices = #map}, {transform_indices = #map}, {transform_indices = #map1}, {transform_indices = #map1}, {transform_indices = #map1}, {transform_indices = #map1}, {transform_indices = #map2}]} {
    %mul3A = arith.constant 16 : i32
    %mul3A_0 = arith.muli %arg0, %mul3A : i32
    %add3A = arith.addi %mul3A_0, %arg1 : i32
    %mul3A_1 = arith.constant 640 : i32
    %mul3A_2 = arith.muli %arg1, %mul3A_1 : i32
    %mul3A_3 = arith.constant 640 : i32
    %mul3A_4 = arith.muli %arg1, %mul3A_3 : i32
    "tpu.region"() ({
      %run_scoped3A_46 = tpu.sem_alloc : memref<!tpu.dma_semaphore, #tpu.memory_space<semaphore_mem>>
      %dma_start3A_47 = arith.constant 0 : i32
      %dma_start3A_48 = tpu.memref_slice %arg14[%mul3A_4, %dma_start3A_47] : memref<10240x16xf32, #tpu.memory_space<vmem_shared>> -> memref<640x16xf32, #tpu.memory_space<vmem_shared>>
      %dma_start3A_49 = arith.constant 0 : i32
      %dma_start3A_50 = tpu.memref_slice %arg7[%mul3A_2, %dma_start3A_49] : memref<10240x16xf32, #tpu.memory_space<hbm>> -> memref<640x16xf32, #tpu.memory_space<hbm>>
      tpu.enqueue_dma source(%dma_start3A_50 : memref<640x16xf32, #tpu.memory_space<hbm>>) target(%dma_start3A_48 : memref<640x16xf32, #tpu.memory_space<vmem_shared>>) target_semaphore(%run_scoped3A_46 : memref<!tpu.dma_semaphore, #tpu.memory_space<semaphore_mem>>)
      %dma_wait3A_51 = arith.constant 0 : i32
      %dma_wait3A_52 = tpu.memref_slice %arg14[%mul3A_4, %dma_wait3A_51] : memref<10240x16xf32, #tpu.memory_space<vmem_shared>> -> memref<640x16xf32, #tpu.memory_space<vmem_shared>>
      %dma_wait3A_53 = arith.constant 0 : i32
      %dma_wait3A_54 = tpu.memref_slice %arg7[%mul3A_2, %dma_wait3A_53] : memref<10240x16xf32, #tpu.memory_space<hbm>> -> memref<640x16xf32, #tpu.memory_space<hbm>>
      tpu.wait_dma2 semaphore(%run_scoped3A_46 : memref<!tpu.dma_semaphore, #tpu.memory_space<semaphore_mem>>) src(%dma_wait3A_54 : memref<640x16xf32, #tpu.memory_space<hbm>>) dst(%dma_wait3A_52 : memref<640x16xf32, #tpu.memory_space<vmem_shared>>)
      tpu.yield
    }) : () -> ()
    %mul3A_5 = arith.constant 640 : i32
    %mul3A_6 = arith.muli %arg1, %mul3A_5 : i32
    %mul3A_7 = arith.constant 640 : i32
    %mul3A_8 = arith.muli %arg1, %mul3A_7 : i32
    "tpu.region"() ({
      %run_scoped3A_46 = tpu.sem_alloc : memref<!tpu.dma_semaphore, #tpu.memory_space<semaphore_mem>>
      %dma_start3A_47 = arith.constant 0 : i32
      %dma_start3A_48 = tpu.memref_slice %arg15[%mul3A_8, %dma_start3A_47] : memref<10240x16xf32, #tpu.memory_space<vmem_shared>> -> memref<640x16xf32, #tpu.memory_space<vmem_shared>>
      %dma_start3A_49 = arith.constant 0 : i32
      %dma_start3A_50 = tpu.memref_slice %arg7[%mul3A_6, %dma_start3A_49] : memref<10240x16xf32, #tpu.memory_space<hbm>> -> memref<640x16xf32, #tpu.memory_space<hbm>>
      tpu.enqueue_dma source(%dma_start3A_50 : memref<640x16xf32, #tpu.memory_space<hbm>>) target(%dma_start3A_48 : memref<640x16xf32, #tpu.memory_space<vmem_shared>>) target_semaphore(%run_scoped3A_46 : memref<!tpu.dma_semaphore, #tpu.memory_space<semaphore_mem>>)
      %dma_wait3A_51 = arith.constant 0 : i32
      %dma_wait3A_52 = tpu.memref_slice %arg15[%mul3A_8, %dma_wait3A_51] : memref<10240x16xf32, #tpu.memory_space<vmem_shared>> -> memref<640x16xf32, #tpu.memory_space<vmem_shared>>
      %dma_wait3A_53 = arith.constant 0 : i32
      %dma_wait3A_54 = tpu.memref_slice %arg7[%mul3A_6, %dma_wait3A_53] : memref<10240x16xf32, #tpu.memory_space<hbm>> -> memref<640x16xf32, #tpu.memory_space<hbm>>
      tpu.wait_dma2 semaphore(%run_scoped3A_46 : memref<!tpu.dma_semaphore, #tpu.memory_space<semaphore_mem>>) src(%dma_wait3A_54 : memref<640x16xf32, #tpu.memory_space<hbm>>) dst(%dma_wait3A_52 : memref<640x16xf32, #tpu.memory_space<vmem_shared>>)
      tpu.yield
    }) : () -> ()
    tpu.enqueue_dma source(%arg6 : memref<128x16xf32, #tpu.memory_space<hbm>>) target(%arg9 : memref<128x16xf32, #tpu.memory_space<vmem>>) target_semaphore(%arg16 : memref<!tpu.dma_semaphore, #tpu.memory_space<semaphore_mem>>)
    tpu.wait_dma2 semaphore(%arg16 : memref<!tpu.dma_semaphore, #tpu.memory_space<semaphore_mem>>) src(%arg6 : memref<128x16xf32, #tpu.memory_space<hbm>>) dst(%arg9 : memref<128x16xf32, #tpu.memory_space<vmem>>)
    "tpu.region"() ({
      %run_scoped3A_46 = tpu.sem_alloc : memref<!tpu.dma_semaphore, #tpu.memory_space<semaphore_mem>>
      %dma_start3A_47 = arith.constant 0 : i32
      %dma_start3A_48 = arith.constant 0 : i32
      %dma_start3A_49 = tpu.memref_slice %arg2[%add3A, %dma_start3A_47, %dma_start3A_48] : memref<32x78x128xi32, #tpu.memory_space<hbm>> -> memref<1x78x128xi32, #tpu.memory_space<hbm>>
      %dma_start3A_50 = tpu.memref_squeeze %dma_start3A_49 : memref<1x78x128xi32, #tpu.memory_space<hbm>> -> memref<78x128xi32, #tpu.memory_space<hbm>>
      %dma_start3A_51 = arith.constant 0 : i32
      %dma_start3A_52 = arith.constant 0 : i32
      %dma_start3A_53 = tpu.memref_slice %arg2[%add3A, %dma_start3A_51, %dma_start3A_52] : memref<32x78x128xi32, #tpu.memory_space<hbm>> -> memref<1x78x128xi32, #tpu.memory_space<hbm>>
      %dma_start3A_54 = tpu.memref_squeeze %dma_start3A_53 : memref<1x78x128xi32, #tpu.memory_space<hbm>> -> memref<78x128xi32, #tpu.memory_space<hbm>>
      tpu.enqueue_dma source(%dma_start3A_54 : memref<78x128xi32, #tpu.memory_space<hbm>>) target(%arg10 : memref<78x128xi32, #tpu.memory_space<vmem>>) target_semaphore(%run_scoped3A_46 : memref<!tpu.dma_semaphore, #tpu.memory_space<semaphore_mem>>)
      %dma_wait3A_55 = arith.constant 0 : i32
      %dma_wait3A_56 = arith.constant 0 : i32
      %dma_wait3A_57 = tpu.memref_slice %arg2[%add3A, %dma_wait3A_55, %dma_wait3A_56] : memref<32x78x128xi32, #tpu.memory_space<hbm>> -> memref<1x78x128xi32, #tpu.memory_space<hbm>>
      %dma_wait3A_58 = tpu.memref_squeeze %dma_wait3A_57 : memref<1x78x128xi32, #tpu.memory_space<hbm>> -> memref<78x128xi32, #tpu.memory_space<hbm>>
      %dma_wait3A_59 = arith.constant 0 : i32
      %dma_wait3A_60 = arith.constant 0 : i32
      %dma_wait3A_61 = tpu.memref_slice %arg2[%add3A, %dma_wait3A_59, %dma_wait3A_60] : memref<32x78x128xi32, #tpu.memory_space<hbm>> -> memref<1x78x128xi32, #tpu.memory_space<hbm>>
      %dma_wait3A_62 = tpu.memref_squeeze %dma_wait3A_61 : memref<1x78x128xi32, #tpu.memory_space<hbm>> -> memref<78x128xi32, #tpu.memory_space<hbm>>
      tpu.wait_dma2 semaphore(%run_scoped3A_46 : memref<!tpu.dma_semaphore, #tpu.memory_space<semaphore_mem>>) src(%dma_wait3A_62 : memref<78x128xi32, #tpu.memory_space<hbm>>) dst(%arg10 : memref<78x128xi32, #tpu.memory_space<vmem>>)
      tpu.yield
    }) : () -> ()
    "tpu.region"() ({
      %run_scoped3A_46 = tpu.sem_alloc : memref<!tpu.dma_semaphore, #tpu.memory_space<semaphore_mem>>
      %dma_start3A_47 = arith.constant 0 : i32
      %dma_start3A_48 = arith.constant 0 : i32
      %dma_start3A_49 = tpu.memref_slice %arg3[%add3A, %dma_start3A_47, %dma_start3A_48] : memref<32x78x128xi32, #tpu.memory_space<hbm>> -> memref<1x78x128xi32, #tpu.memory_space<hbm>>
      %dma_start3A_50 = tpu.memref_squeeze %dma_start3A_49 : memref<1x78x128xi32, #tpu.memory_space<hbm>> -> memref<78x128xi32, #tpu.memory_space<hbm>>
      %dma_start3A_51 = arith.constant 0 : i32
      %dma_start3A_52 = arith.constant 0 : i32
      %dma_start3A_53 = tpu.memref_slice %arg3[%add3A, %dma_start3A_51, %dma_start3A_52] : memref<32x78x128xi32, #tpu.memory_space<hbm>> -> memref<1x78x128xi32, #tpu.memory_space<hbm>>
      %dma_start3A_54 = tpu.memref_squeeze %dma_start3A_53 : memref<1x78x128xi32, #tpu.memory_space<hbm>> -> memref<78x128xi32, #tpu.memory_space<hbm>>
      tpu.enqueue_dma source(%dma_start3A_54 : memref<78x128xi32, #tpu.memory_space<hbm>>) target(%arg11 : memref<78x128xi32, #tpu.memory_space<vmem>>) target_semaphore(%run_scoped3A_46 : memref<!tpu.dma_semaphore, #tpu.memory_space<semaphore_mem>>)
      %dma_wait3A_55 = arith.constant 0 : i32
      %dma_wait3A_56 = arith.constant 0 : i32
      %dma_wait3A_57 = tpu.memref_slice %arg3[%add3A, %dma_wait3A_55, %dma_wait3A_56] : memref<32x78x128xi32, #tpu.memory_space<hbm>> -> memref<1x78x128xi32, #tpu.memory_space<hbm>>
      %dma_wait3A_58 = tpu.memref_squeeze %dma_wait3A_57 : memref<1x78x128xi32, #tpu.memory_space<hbm>> -> memref<78x128xi32, #tpu.memory_space<hbm>>
      %dma_wait3A_59 = arith.constant 0 : i32
      %dma_wait3A_60 = arith.constant 0 : i32
      %dma_wait3A_61 = tpu.memref_slice %arg3[%add3A, %dma_wait3A_59, %dma_wait3A_60] : memref<32x78x128xi32, #tpu.memory_space<hbm>> -> memref<1x78x128xi32, #tpu.memory_space<hbm>>
      %dma_wait3A_62 = tpu.memref_squeeze %dma_wait3A_61 : memref<1x78x128xi32, #tpu.memory_space<hbm>> -> memref<78x128xi32, #tpu.memory_space<hbm>>
      tpu.wait_dma2 semaphore(%run_scoped3A_46 : memref<!tpu.dma_semaphore, #tpu.memory_space<semaphore_mem>>) src(%dma_wait3A_62 : memref<78x128xi32, #tpu.memory_space<hbm>>) dst(%arg11 : memref<78x128xi32, #tpu.memory_space<vmem>>)
      tpu.yield
    }) : () -> ()
    "tpu.region"() ({
      %run_scoped3A_46 = tpu.sem_alloc : memref<!tpu.dma_semaphore, #tpu.memory_space<semaphore_mem>>
      %dma_start3A_47 = arith.constant 0 : i32
      %dma_start3A_48 = tpu.memref_slice %arg4[%add3A, %dma_start3A_47] : memref<32x16xi32, #tpu.memory_space<hbm>> -> memref<1x16xi32, #tpu.memory_space<hbm>>
      %dma_start3A_49 = tpu.memref_squeeze %dma_start3A_48 : memref<1x16xi32, #tpu.memory_space<hbm>> -> memref<16xi32, #tpu.memory_space<hbm>>
      %dma_start3A_50 = arith.constant 0 : i32
      %dma_start3A_51 = tpu.memref_slice %arg4[%add3A, %dma_start3A_50] : memref<32x16xi32, #tpu.memory_space<hbm>> -> memref<1x16xi32, #tpu.memory_space<hbm>>
      %dma_start3A_52 = tpu.memref_squeeze %dma_start3A_51 : memref<1x16xi32, #tpu.memory_space<hbm>> -> memref<16xi32, #tpu.memory_space<hbm>>
      tpu.enqueue_dma source(%dma_start3A_52 : memref<16xi32, #tpu.memory_space<hbm>>) target(%arg12 : memref<16xi32, #tpu.memory_space<vmem>>) target_semaphore(%run_scoped3A_46 : memref<!tpu.dma_semaphore, #tpu.memory_space<semaphore_mem>>)
      %dma_wait3A_53 = arith.constant 0 : i32
      %dma_wait3A_54 = tpu.memref_slice %arg4[%add3A, %dma_wait3A_53] : memref<32x16xi32, #tpu.memory_space<hbm>> -> memref<1x16xi32, #tpu.memory_space<hbm>>
      %dma_wait3A_55 = tpu.memref_squeeze %dma_wait3A_54 : memref<1x16xi32, #tpu.memory_space<hbm>> -> memref<16xi32, #tpu.memory_space<hbm>>
      %dma_wait3A_56 = arith.constant 0 : i32
      %dma_wait3A_57 = tpu.memref_slice %arg4[%add3A, %dma_wait3A_56] : memref<32x16xi32, #tpu.memory_space<hbm>> -> memref<1x16xi32, #tpu.memory_space<hbm>>
      %dma_wait3A_58 = tpu.memref_squeeze %dma_wait3A_57 : memref<1x16xi32, #tpu.memory_space<hbm>> -> memref<16xi32, #tpu.memory_space<hbm>>
      tpu.wait_dma2 semaphore(%run_scoped3A_46 : memref<!tpu.dma_semaphore, #tpu.memory_space<semaphore_mem>>) src(%dma_wait3A_58 : memref<16xi32, #tpu.memory_space<hbm>>) dst(%arg12 : memref<16xi32, #tpu.memory_space<vmem>>)
      tpu.yield
    }) : () -> ()
    "tpu.region"() ({
      %run_scoped3A_46 = tpu.sem_alloc : memref<!tpu.dma_semaphore, #tpu.memory_space<semaphore_mem>>
      %dma_start3A_47 = arith.constant 0 : i32
      %dma_start3A_48 = tpu.memref_slice %arg5[%add3A, %dma_start3A_47] : memref<32x16xi32, #tpu.memory_space<hbm>> -> memref<1x16xi32, #tpu.memory_space<hbm>>
      %dma_start3A_49 = tpu.memref_squeeze %dma_start3A_48 : memref<1x16xi32, #tpu.memory_space<hbm>> -> memref<16xi32, #tpu.memory_space<hbm>>
      %dma_start3A_50 = arith.constant 0 : i32
      %dma_start3A_51 = tpu.memref_slice %arg5[%add3A, %dma_start3A_50] : memref<32x16xi32, #tpu.memory_space<hbm>> -> memref<1x16xi32, #tpu.memory_space<hbm>>
      %dma_start3A_52 = tpu.memref_squeeze %dma_start3A_51 : memref<1x16xi32, #tpu.memory_space<hbm>> -> memref<16xi32, #tpu.memory_space<hbm>>
      tpu.enqueue_dma source(%dma_start3A_52 : memref<16xi32, #tpu.memory_space<hbm>>) target(%arg13 : memref<16xi32, #tpu.memory_space<vmem>>) target_semaphore(%run_scoped3A_46 : memref<!tpu.dma_semaphore, #tpu.memory_space<semaphore_mem>>)
      %dma_wait3A_53 = arith.constant 0 : i32
      %dma_wait3A_54 = tpu.memref_slice %arg5[%add3A, %dma_wait3A_53] : memref<32x16xi32, #tpu.memory_space<hbm>> -> memref<1x16xi32, #tpu.memory_space<hbm>>
      %dma_wait3A_55 = tpu.memref_squeeze %dma_wait3A_54 : memref<1x16xi32, #tpu.memory_space<hbm>> -> memref<16xi32, #tpu.memory_space<hbm>>
      %dma_wait3A_56 = arith.constant 0 : i32
      %dma_wait3A_57 = tpu.memref_slice %arg5[%add3A, %dma_wait3A_56] : memref<32x16xi32, #tpu.memory_space<hbm>> -> memref<1x16xi32, #tpu.memory_space<hbm>>
      %dma_wait3A_58 = tpu.memref_squeeze %dma_wait3A_57 : memref<1x16xi32, #tpu.memory_space<hbm>> -> memref<16xi32, #tpu.memory_space<hbm>>
      tpu.wait_dma2 semaphore(%run_scoped3A_46 : memref<!tpu.dma_semaphore, #tpu.memory_space<semaphore_mem>>) src(%dma_wait3A_58 : memref<16xi32, #tpu.memory_space<hbm>>) dst(%arg13 : memref<16xi32, #tpu.memory_space<vmem>>)
      tpu.yield
    }) : () -> ()
    %barrier3A = arith.constant 0 : index
    tpu.barrier barrier_id(%barrier3A)
    %scan3A = arith.constant 0 : i32
    %scan3A_9 = arith.constant 0 : i32
    %scan3A_10 = arith.constant 39 : i32
    %scan3A_11 = arith.addi %scan3A_9, %scan3A_10 : i32
    %scan3A_12 = arith.constant 1 : i32
    scf.for %scan3A_46 = %scan3A_9 to %scan3A_11 step %scan3A_12  : i32 {
      %mul3A_47 = arith.constant 2 : i32
      %mul3A_48 = arith.muli %mul3A_47, %scan3A_46 : i32
      %dma_start3A_49 = arith.constant 0 : i32
      %dma_start3A_50 = tpu.memref_slice %arg10[%mul3A_48, %dma_start3A_49] : memref<78x128xi32, #tpu.memory_space<vmem>> -> memref<1x128xi32, #tpu.memory_space<vmem>>
      %dma_start3A_51 = tpu.memref_squeeze %dma_start3A_50 : memref<1x128xi32, #tpu.memory_space<vmem>> -> memref<128xi32, #tpu.memory_space<vmem>>
      %dma_start3A_52 = arith.constant 0 : i32
      %dma_start3A_53 = arith.constant 0 : i32
      %dma_start3A_54 = tpu.memref_slice %arg14[%dma_start3A_52, %dma_start3A_53] : memref<10240x16xf32, #tpu.memory_space<vmem_shared>> -> memref<10240x16xf32, #tpu.memory_space<vmem_shared>>
      tpu.enqueue_indirect_dma source(%arg9 : memref<128x16xf32, #tpu.memory_space<vmem>>) target(%dma_start3A_54 : memref<10240x16xf32, #tpu.memory_space<vmem_shared>>) offsets(%dma_start3A_51 : memref<128xi32, #tpu.memory_space<vmem>>) semaphore(%arg16 : memref<!tpu.dma_semaphore, #tpu.memory_space<semaphore_mem>>) {add = true}
      %dma_start3A_55 = arith.constant 0 : i32
      %dma_start3A_56 = tpu.memref_slice %arg11[%mul3A_48, %dma_start3A_55] : memref<78x128xi32, #tpu.memory_space<vmem>> -> memref<1x128xi32, #tpu.memory_space<vmem>>
      %dma_start3A_57 = tpu.memref_squeeze %dma_start3A_56 : memref<1x128xi32, #tpu.memory_space<vmem>> -> memref<128xi32, #tpu.memory_space<vmem>>
      %dma_start3A_58 = arith.constant 0 : i32
      %dma_start3A_59 = arith.constant 0 : i32
      %dma_start3A_60 = tpu.memref_slice %arg15[%dma_start3A_58, %dma_start3A_59] : memref<10240x16xf32, #tpu.memory_space<vmem_shared>> -> memref<10240x16xf32, #tpu.memory_space<vmem_shared>>
      tpu.enqueue_indirect_dma source(%arg9 : memref<128x16xf32, #tpu.memory_space<vmem>>) target(%dma_start3A_60 : memref<10240x16xf32, #tpu.memory_space<vmem_shared>>) offsets(%dma_start3A_57 : memref<128xi32, #tpu.memory_space<vmem>>) semaphore(%arg17 : memref<!tpu.dma_semaphore, #tpu.memory_space<semaphore_mem>>) {add = true}
      %add3A_61 = arith.constant 1 : i32
      %add3A_62 = arith.addi %mul3A_48, %add3A_61 : i32
      %dma_start3A_63 = arith.constant 0 : i32
      %dma_start3A_64 = tpu.memref_slice %arg10[%add3A_62, %dma_start3A_63] : memref<78x128xi32, #tpu.memory_space<vmem>> -> memref<1x128xi32, #tpu.memory_space<vmem>>
      %dma_start3A_65 = tpu.memref_squeeze %dma_start3A_64 : memref<1x128xi32, #tpu.memory_space<vmem>> -> memref<128xi32, #tpu.memory_space<vmem>>
      %dma_start3A_66 = arith.constant 0 : i32
      %dma_start3A_67 = arith.constant 0 : i32
      %dma_start3A_68 = tpu.memref_slice %arg14[%dma_start3A_66, %dma_start3A_67] : memref<10240x16xf32, #tpu.memory_space<vmem_shared>> -> memref<10240x16xf32, #tpu.memory_space<vmem_shared>>
      tpu.enqueue_indirect_dma source(%arg9 : memref<128x16xf32, #tpu.memory_space<vmem>>) target(%dma_start3A_68 : memref<10240x16xf32, #tpu.memory_space<vmem_shared>>) offsets(%dma_start3A_65 : memref<128xi32, #tpu.memory_space<vmem>>) semaphore(%arg18 : memref<!tpu.dma_semaphore, #tpu.memory_space<semaphore_mem>>) {add = true}
      %add3A_69 = arith.constant 1 : i32
      %add3A_70 = arith.addi %mul3A_48, %add3A_69 : i32
      %dma_start3A_71 = arith.constant 0 : i32
      %dma_start3A_72 = tpu.memref_slice %arg11[%add3A_70, %dma_start3A_71] : memref<78x128xi32, #tpu.memory_space<vmem>> -> memref<1x128xi32, #tpu.memory_space<vmem>>
      %dma_start3A_73 = tpu.memref_squeeze %dma_start3A_72 : memref<1x128xi32, #tpu.memory_space<vmem>> -> memref<128xi32, #tpu.memory_space<vmem>>
      %dma_start3A_74 = arith.constant 0 : i32
      %dma_start3A_75 = arith.constant 0 : i32
      %dma_start3A_76 = tpu.memref_slice %arg15[%dma_start3A_74, %dma_start3A_75] : memref<10240x16xf32, #tpu.memory_space<vmem_shared>> -> memref<10240x16xf32, #tpu.memory_space<vmem_shared>>
      tpu.enqueue_indirect_dma source(%arg9 : memref<128x16xf32, #tpu.memory_space<vmem>>) target(%dma_start3A_76 : memref<10240x16xf32, #tpu.memory_space<vmem_shared>>) offsets(%dma_start3A_73 : memref<128xi32, #tpu.memory_space<vmem>>) semaphore(%arg19 : memref<!tpu.dma_semaphore, #tpu.memory_space<semaphore_mem>>) {add = true}
      %dma_wait3A_77 = arith.constant 0 : i32
      %dma_wait3A_78 = tpu.memref_slice %arg10[%mul3A_48, %dma_wait3A_77] : memref<78x128xi32, #tpu.memory_space<vmem>> -> memref<1x128xi32, #tpu.memory_space<vmem>>
      %dma_wait3A_79 = tpu.memref_squeeze %dma_wait3A_78 : memref<1x128xi32, #tpu.memory_space<vmem>> -> memref<128xi32, #tpu.memory_space<vmem>>
      %dma_wait3A_80 = arith.constant 0 : i32
      %dma_wait3A_81 = arith.constant 0 : i32
      %dma_wait3A_82 = tpu.memref_slice %arg14[%dma_wait3A_80, %dma_wait3A_81] : memref<10240x16xf32, #tpu.memory_space<vmem_shared>> -> memref<10240x16xf32, #tpu.memory_space<vmem_shared>>
      tpu.wait_indirect_dma semaphore(%arg16 : memref<!tpu.dma_semaphore, #tpu.memory_space<semaphore_mem>>) src(%arg9 : memref<128x16xf32, #tpu.memory_space<vmem>>) dst(%dma_wait3A_82 : memref<10240x16xf32, #tpu.memory_space<vmem_shared>>)
      %dma_wait3A_83 = arith.constant 0 : i32
      %dma_wait3A_84 = tpu.memref_slice %arg11[%mul3A_48, %dma_wait3A_83] : memref<78x128xi32, #tpu.memory_space<vmem>> -> memref<1x128xi32, #tpu.memory_space<vmem>>
      %dma_wait3A_85 = tpu.memref_squeeze %dma_wait3A_84 : memref<1x128xi32, #tpu.memory_space<vmem>> -> memref<128xi32, #tpu.memory_space<vmem>>
      %dma_wait3A_86 = arith.constant 0 : i32
      %dma_wait3A_87 = arith.constant 0 : i32
      %dma_wait3A_88 = tpu.memref_slice %arg15[%dma_wait3A_86, %dma_wait3A_87] : memref<10240x16xf32, #tpu.memory_space<vmem_shared>> -> memref<10240x16xf32, #tpu.memory_space<vmem_shared>>
      tpu.wait_indirect_dma semaphore(%arg17 : memref<!tpu.dma_semaphore, #tpu.memory_space<semaphore_mem>>) src(%arg9 : memref<128x16xf32, #tpu.memory_space<vmem>>) dst(%dma_wait3A_88 : memref<10240x16xf32, #tpu.memory_space<vmem_shared>>)
      %dma_wait3A_89 = arith.constant 0 : i32
      %dma_wait3A_90 = tpu.memref_slice %arg10[%add3A_62, %dma_wait3A_89] : memref<78x128xi32, #tpu.memory_space<vmem>> -> memref<1x128xi32, #tpu.memory_space<vmem>>
      %dma_wait3A_91 = tpu.memref_squeeze %dma_wait3A_90 : memref<1x128xi32, #tpu.memory_space<vmem>> -> memref<128xi32, #tpu.memory_space<vmem>>
      %dma_wait3A_92 = arith.constant 0 : i32
      %dma_wait3A_93 = arith.constant 0 : i32
      %dma_wait3A_94 = tpu.memref_slice %arg14[%dma_wait3A_92, %dma_wait3A_93] : memref<10240x16xf32, #tpu.memory_space<vmem_shared>> -> memref<10240x16xf32, #tpu.memory_space<vmem_shared>>
      tpu.wait_indirect_dma semaphore(%arg18 : memref<!tpu.dma_semaphore, #tpu.memory_space<semaphore_mem>>) src(%arg9 : memref<128x16xf32, #tpu.memory_space<vmem>>) dst(%dma_wait3A_94 : memref<10240x16xf32, #tpu.memory_space<vmem_shared>>)
      %dma_wait3A_95 = arith.constant 0 : i32
      %dma_wait3A_96 = tpu.memref_slice %arg11[%add3A_70, %dma_wait3A_95] : memref<78x128xi32, #tpu.memory_space<vmem>> -> memref<1x128xi32, #tpu.memory_space<vmem>>
      %dma_wait3A_97 = tpu.memref_squeeze %dma_wait3A_96 : memref<1x128xi32, #tpu.memory_space<vmem>> -> memref<128xi32, #tpu.memory_space<vmem>>
      %dma_wait3A_98 = arith.constant 0 : i32
      %dma_wait3A_99 = arith.constant 0 : i32
      %dma_wait3A_100 = tpu.memref_slice %arg15[%dma_wait3A_98, %dma_wait3A_99] : memref<10240x16xf32, #tpu.memory_space<vmem_shared>> -> memref<10240x16xf32, #tpu.memory_space<vmem_shared>>
      tpu.wait_indirect_dma semaphore(%arg19 : memref<!tpu.dma_semaphore, #tpu.memory_space<semaphore_mem>>) src(%arg9 : memref<128x16xf32, #tpu.memory_space<vmem>>) dst(%dma_wait3A_100 : memref<10240x16xf32, #tpu.memory_space<vmem_shared>>)
    }
    %scan3A_13 = arith.constant 39 : i32
    %dma_start3A = arith.constant 0 : i32
    %dma_start3A_14 = arith.constant 0 : i32
    %dma_start3A_15 = tpu.memref_slice %arg9[%dma_start3A, %dma_start3A_14] : memref<128x16xf32, #tpu.memory_space<vmem>> -> memref<16x16xf32, #tpu.memory_space<vmem>>
    %dma_start3A_16 = arith.constant 0 : i32
    %dma_start3A_17 = arith.constant 0 : i32
    %dma_start3A_18 = tpu.memref_slice %arg14[%dma_start3A_16, %dma_start3A_17] : memref<10240x16xf32, #tpu.memory_space<vmem_shared>> -> memref<10240x16xf32, #tpu.memory_space<vmem_shared>>
    tpu.enqueue_indirect_dma source(%dma_start3A_15 : memref<16x16xf32, #tpu.memory_space<vmem>>) target(%dma_start3A_18 : memref<10240x16xf32, #tpu.memory_space<vmem_shared>>) offsets(%arg12 : memref<16xi32, #tpu.memory_space<vmem>>) semaphore(%arg16 : memref<!tpu.dma_semaphore, #tpu.memory_space<semaphore_mem>>) {add = true}
    %dma_start3A_19 = arith.constant 0 : i32
    %dma_start3A_20 = arith.constant 0 : i32
    %dma_start3A_21 = tpu.memref_slice %arg9[%dma_start3A_19, %dma_start3A_20] : memref<128x16xf32, #tpu.memory_space<vmem>> -> memref<16x16xf32, #tpu.memory_space<vmem>>
    %dma_start3A_22 = arith.constant 0 : i32
    %dma_start3A_23 = arith.constant 0 : i32
    %dma_start3A_24 = tpu.memref_slice %arg15[%dma_start3A_22, %dma_start3A_23] : memref<10240x16xf32, #tpu.memory_space<vmem_shared>> -> memref<10240x16xf32, #tpu.memory_space<vmem_shared>>
    tpu.enqueue_indirect_dma source(%dma_start3A_21 : memref<16x16xf32, #tpu.memory_space<vmem>>) target(%dma_start3A_24 : memref<10240x16xf32, #tpu.memory_space<vmem_shared>>) offsets(%arg13 : memref<16xi32, #tpu.memory_space<vmem>>) semaphore(%arg17 : memref<!tpu.dma_semaphore, #tpu.memory_space<semaphore_mem>>) {add = true}
    %dma_wait3A = arith.constant 0 : i32
    %dma_wait3A_25 = arith.constant 0 : i32
    %dma_wait3A_26 = tpu.memref_slice %arg9[%dma_wait3A, %dma_wait3A_25] : memref<128x16xf32, #tpu.memory_space<vmem>> -> memref<16x16xf32, #tpu.memory_space<vmem>>
    %dma_wait3A_27 = arith.constant 0 : i32
    %dma_wait3A_28 = arith.constant 0 : i32
    %dma_wait3A_29 = tpu.memref_slice %arg14[%dma_wait3A_27, %dma_wait3A_28] : memref<10240x16xf32, #tpu.memory_space<vmem_shared>> -> memref<10240x16xf32, #tpu.memory_space<vmem_shared>>
    tpu.wait_indirect_dma semaphore(%arg16 : memref<!tpu.dma_semaphore, #tpu.memory_space<semaphore_mem>>) src(%dma_wait3A_26 : memref<16x16xf32, #tpu.memory_space<vmem>>) dst(%dma_wait3A_29 : memref<10240x16xf32, #tpu.memory_space<vmem_shared>>)
    %dma_wait3A_30 = arith.constant 0 : i32
    %dma_wait3A_31 = arith.constant 0 : i32
    %dma_wait3A_32 = tpu.memref_slice %arg9[%dma_wait3A_30, %dma_wait3A_31] : memref<128x16xf32, #tpu.memory_space<vmem>> -> memref<16x16xf32, #tpu.memory_space<vmem>>
    %dma_wait3A_33 = arith.constant 0 : i32
    %dma_wait3A_34 = arith.constant 0 : i32
    %dma_wait3A_35 = tpu.memref_slice %arg15[%dma_wait3A_33, %dma_wait3A_34] : memref<10240x16xf32, #tpu.memory_space<vmem_shared>> -> memref<10240x16xf32, #tpu.memory_space<vmem_shared>>
    tpu.wait_indirect_dma semaphore(%arg17 : memref<!tpu.dma_semaphore, #tpu.memory_space<semaphore_mem>>) src(%dma_wait3A_32 : memref<16x16xf32, #tpu.memory_space<vmem>>) dst(%dma_wait3A_35 : memref<10240x16xf32, #tpu.memory_space<vmem_shared>>)
    %barrier3A_36 = arith.constant 0 : index
    tpu.barrier barrier_id(%barrier3A_36)
    %mul3A_37 = arith.constant 640 : i32
    %mul3A_38 = arith.muli %arg1, %mul3A_37 : i32
    %mul3A_39 = arith.constant 640 : i32
    %mul3A_40 = arith.muli %arg1, %mul3A_39 : i32
    %run_scoped3A = arith.constant 0 : i32
    "tpu.region"() ({
      %run_scoped3A_46 = tpu.sem_alloc : memref<!tpu.dma_semaphore, #tpu.memory_space<semaphore_mem>>
      %dma_start3A_47 = arith.constant 0 : i32
      %dma_start3A_48 = tpu.memref_slice %arg8[%arg0, %run_scoped3A, %mul3A_40, %dma_start3A_47] : memref<2x2x10240x16xf32, #tpu.memory_space<hbm>> -> memref<1x1x640x16xf32, #tpu.memory_space<hbm>>
      %dma_start3A_49 = tpu.memref_squeeze %dma_start3A_48 : memref<1x1x640x16xf32, #tpu.memory_space<hbm>> -> memref<640x16xf32, #tpu.memory_space<hbm>>
      %dma_start3A_50 = arith.constant 0 : i32
      %dma_start3A_51 = tpu.memref_slice %arg14[%mul3A_38, %dma_start3A_50] : memref<10240x16xf32, #tpu.memory_space<vmem_shared>> -> memref<640x16xf32, #tpu.memory_space<vmem_shared>>
      tpu.enqueue_dma source(%dma_start3A_51 : memref<640x16xf32, #tpu.memory_space<vmem_shared>>) target(%dma_start3A_49 : memref<640x16xf32, #tpu.memory_space<hbm>>) target_semaphore(%run_scoped3A_46 : memref<!tpu.dma_semaphore, #tpu.memory_space<semaphore_mem>>)
      %dma_wait3A_52 = arith.constant 0 : i32
      %dma_wait3A_53 = tpu.memref_slice %arg8[%arg0, %run_scoped3A, %mul3A_40, %dma_wait3A_52] : memref<2x2x10240x16xf32, #tpu.memory_space<hbm>> -> memref<1x1x640x16xf32, #tpu.memory_space<hbm>>
      %dma_wait3A_54 = tpu.memref_squeeze %dma_wait3A_53 : memref<1x1x640x16xf32, #tpu.memory_space<hbm>> -> memref<640x16xf32, #tpu.memory_space<hbm>>
      %dma_wait3A_55 = arith.constant 0 : i32
      %dma_wait3A_56 = tpu.memref_slice %arg14[%mul3A_38, %dma_wait3A_55] : memref<10240x16xf32, #tpu.memory_space<vmem_shared>> -> memref<640x16xf32, #tpu.memory_space<vmem_shared>>
      tpu.wait_dma2 semaphore(%run_scoped3A_46 : memref<!tpu.dma_semaphore, #tpu.memory_space<semaphore_mem>>) src(%dma_wait3A_56 : memref<640x16xf32, #tpu.memory_space<vmem_shared>>) dst(%dma_wait3A_54 : memref<640x16xf32, #tpu.memory_space<hbm>>)
      tpu.yield
    }) : () -> ()
    %mul3A_41 = arith.constant 640 : i32
    %mul3A_42 = arith.muli %arg1, %mul3A_41 : i32
    %mul3A_43 = arith.constant 640 : i32
    %mul3A_44 = arith.muli %arg1, %mul3A_43 : i32
    %run_scoped3A_45 = arith.constant 1 : i32
    "tpu.region"() ({
      %run_scoped3A_46 = tpu.sem_alloc : memref<!tpu.dma_semaphore, #tpu.memory_space<semaphore_mem>>
      %dma_start3A_47 = arith.constant 0 : i32
      %dma_start3A_48 = tpu.memref_slice %arg8[%arg0, %run_scoped3A_45, %mul3A_44, %dma_start3A_47] : memref<2x2x10240x16xf32, #tpu.memory_space<hbm>> -> memref<1x1x640x16xf32, #tpu.memory_space<hbm>>
      %dma_start3A_49 = tpu.memref_squeeze %dma_start3A_48 : memref<1x1x640x16xf32, #tpu.memory_space<hbm>> -> memref<640x16xf32, #tpu.memory_space<hbm>>
      %dma_start3A_50 = arith.constant 0 : i32
      %dma_start3A_51 = tpu.memref_slice %arg15[%mul3A_42, %dma_start3A_50] : memref<10240x16xf32, #tpu.memory_space<vmem_shared>> -> memref<640x16xf32, #tpu.memory_space<vmem_shared>>
      tpu.enqueue_dma source(%dma_start3A_51 : memref<640x16xf32, #tpu.memory_space<vmem_shared>>) target(%dma_start3A_49 : memref<640x16xf32, #tpu.memory_space<hbm>>) target_semaphore(%run_scoped3A_46 : memref<!tpu.dma_semaphore, #tpu.memory_space<semaphore_mem>>)
      %dma_wait3A_52 = arith.constant 0 : i32
      %dma_wait3A_53 = tpu.memref_slice %arg8[%arg0, %run_scoped3A_45, %mul3A_44, %dma_wait3A_52] : memref<2x2x10240x16xf32, #tpu.memory_space<hbm>> -> memref<1x1x640x16xf32, #tpu.memory_space<hbm>>
      %dma_wait3A_54 = tpu.memref_squeeze %dma_wait3A_53 : memref<1x1x640x16xf32, #tpu.memory_space<hbm>> -> memref<640x16xf32, #tpu.memory_space<hbm>>
      %dma_wait3A_55 = arith.constant 0 : i32
      %dma_wait3A_56 = tpu.memref_slice %arg15[%mul3A_42, %dma_wait3A_55] : memref<10240x16xf32, #tpu.memory_space<vmem_shared>> -> memref<640x16xf32, #tpu.memory_space<vmem_shared>>
      tpu.wait_dma2 semaphore(%run_scoped3A_46 : memref<!tpu.dma_semaphore, #tpu.memory_space<semaphore_mem>>) src(%dma_wait3A_56 : memref<640x16xf32, #tpu.memory_space<vmem_shared>>) dst(%dma_wait3A_54 : memref<640x16xf32, #tpu.memory_space<hbm>>)
      tpu.yield
    }) : () -> ()
    return
  }
}

#map = affine_map<(d0, d1) -> (0, 0)>
#map1 = affine_map<(d0, d1) -> (0, 0, 0)>
module attributes {stable_mosaic.version = 14 : i64} {
  func.func @_agg_body(%arg0: i32, %arg1: i32, %arg2: memref<10240x16xf32, #tpu.memory_space<hbm>>, %arg3: memref<32x78x128xi32, #tpu.memory_space<hbm>>, %arg4: memref<32x78x128xi32, #tpu.memory_space<hbm>>, %arg5: memref<32x16xi32, #tpu.memory_space<hbm>>, %arg6: memref<32x16xi32, #tpu.memory_space<hbm>>, %arg7: memref<10240x16xf32, #tpu.memory_space<hbm>>, %arg8: memref<2x10240x16xf32, #tpu.memory_space<hbm>>, %arg9: memref<78x128xi32, #tpu.memory_space<vmem>>, %arg10: memref<78x128xi32, #tpu.memory_space<vmem>>, %arg11: memref<16xi32, #tpu.memory_space<vmem>>, %arg12: memref<16xi32, #tpu.memory_space<vmem>>, %arg13: memref<128x16xf32, #tpu.memory_space<vmem>>, %arg14: memref<128x16xf32, #tpu.memory_space<vmem>>, %arg15: memref<128x16xf32, #tpu.memory_space<vmem>>, %arg16: memref<128x16xf32, #tpu.memory_space<vmem>>, %arg17: memref<128x16xf32, #tpu.memory_space<vmem>>, %arg18: memref<128x16xf32, #tpu.memory_space<vmem>>, %arg19: memref<128x16xf32, #tpu.memory_space<vmem>>, %arg20: memref<128x16xf32, #tpu.memory_space<vmem>>, %arg21: memref<16x16xf32, #tpu.memory_space<vmem>>, %arg22: memref<!tpu.dma_semaphore, #tpu.memory_space<semaphore_mem>>, %arg23: memref<!tpu.dma_semaphore, #tpu.memory_space<semaphore_mem>>, %arg24: memref<!tpu.dma_semaphore, #tpu.memory_space<semaphore_mem>>, %arg25: memref<!tpu.dma_semaphore, #tpu.memory_space<semaphore_mem>>, %arg26: memref<!tpu.dma_semaphore, #tpu.memory_space<semaphore_mem>>, %arg27: memref<!tpu.dma_semaphore, #tpu.memory_space<semaphore_mem>>, %arg28: memref<!tpu.dma_semaphore, #tpu.memory_space<semaphore_mem>>, %arg29: memref<!tpu.dma_semaphore, #tpu.memory_space<semaphore_mem>>, %arg30: memref<!tpu.dma_semaphore, #tpu.memory_space<semaphore_mem>>, %arg31: memref<!tpu.dma_semaphore, #tpu.memory_space<semaphore_mem>>, %arg32: memref<!tpu.dma_semaphore, #tpu.memory_space<semaphore_mem>>, %arg33: memref<!tpu.dma_semaphore, #tpu.memory_space<semaphore_mem>>, %arg34: memref<!tpu.dma_semaphore, #tpu.memory_space<semaphore_mem>>, %arg35: memref<!tpu.dma_semaphore, #tpu.memory_space<semaphore_mem>>, %arg36: memref<!tpu.dma_semaphore, #tpu.memory_space<semaphore_mem>>, %arg37: memref<!tpu.dma_semaphore, #tpu.memory_space<semaphore_mem>>, %arg38: memref<10240x16xf32, #tpu.memory_space<vmem_shared>>) attributes {dimension_semantics = [#tpu.dimension_semantics<core_parallel>, #tpu.dimension_semantics<subcore_parallel>], iteration_bounds = array<i64: 2, 16>, scalar_prefetch = 0 : i64, scratch_operands = 30 : i64, tpu.core_type = #tpu.core_type<sc_vector_subcore>, window_params = [{transform_indices = #map}, {transform_indices = #map1}, {transform_indices = #map1}, {transform_indices = #map}, {transform_indices = #map}, {transform_indices = #map}, {transform_indices = #map1}]} {
    %mul3A = arith.constant 16 : i32
    %mul3A_0 = arith.muli %arg0, %mul3A : i32
    %add3A = arith.addi %mul3A_0, %arg1 : i32
    %mul3A_1 = arith.constant 640 : i32
    %mul3A_2 = arith.muli %arg1, %mul3A_1 : i32
    %mul3A_3 = arith.constant 640 : i32
    %mul3A_4 = arith.muli %arg1, %mul3A_3 : i32
    "tpu.region"() ({
      %run_scoped3A_178 = tpu.sem_alloc : memref<!tpu.dma_semaphore, #tpu.memory_space<semaphore_mem>>
      %dma_start3A_179 = arith.constant 0 : i32
      %dma_start3A_180 = tpu.memref_slice %arg38[%mul3A_4, %dma_start3A_179] : memref<10240x16xf32, #tpu.memory_space<vmem_shared>> -> memref<640x16xf32, #tpu.memory_space<vmem_shared>>
      %dma_start3A_181 = arith.constant 0 : i32
      %dma_start3A_182 = tpu.memref_slice %arg7[%mul3A_2, %dma_start3A_181] : memref<10240x16xf32, #tpu.memory_space<hbm>> -> memref<640x16xf32, #tpu.memory_space<hbm>>
      tpu.enqueue_dma source(%dma_start3A_182 : memref<640x16xf32, #tpu.memory_space<hbm>>) target(%dma_start3A_180 : memref<640x16xf32, #tpu.memory_space<vmem_shared>>) target_semaphore(%run_scoped3A_178 : memref<!tpu.dma_semaphore, #tpu.memory_space<semaphore_mem>>)
      %dma_wait3A_183 = arith.constant 0 : i32
      %dma_wait3A_184 = tpu.memref_slice %arg38[%mul3A_4, %dma_wait3A_183] : memref<10240x16xf32, #tpu.memory_space<vmem_shared>> -> memref<640x16xf32, #tpu.memory_space<vmem_shared>>
      %dma_wait3A_185 = arith.constant 0 : i32
      %dma_wait3A_186 = tpu.memref_slice %arg7[%mul3A_2, %dma_wait3A_185] : memref<10240x16xf32, #tpu.memory_space<hbm>> -> memref<640x16xf32, #tpu.memory_space<hbm>>
      tpu.wait_dma2 semaphore(%run_scoped3A_178 : memref<!tpu.dma_semaphore, #tpu.memory_space<semaphore_mem>>) src(%dma_wait3A_186 : memref<640x16xf32, #tpu.memory_space<hbm>>) dst(%dma_wait3A_184 : memref<640x16xf32, #tpu.memory_space<vmem_shared>>)
      tpu.yield
    }) : () -> ()
    %dma_start3A = arith.constant 0 : i32
    %dma_start3A_5 = arith.constant 0 : i32
    %dma_start3A_6 = tpu.memref_slice %arg3[%add3A, %dma_start3A, %dma_start3A_5] : memref<32x78x128xi32, #tpu.memory_space<hbm>> -> memref<1x78x128xi32, #tpu.memory_space<hbm>>
    %dma_start3A_7 = tpu.memref_squeeze %dma_start3A_6 : memref<1x78x128xi32, #tpu.memory_space<hbm>> -> memref<78x128xi32, #tpu.memory_space<hbm>>
    %dma_start3A_8 = arith.constant 0 : i32
    %dma_start3A_9 = arith.constant 0 : i32
    %dma_start3A_10 = tpu.memref_slice %arg3[%add3A, %dma_start3A_8, %dma_start3A_9] : memref<32x78x128xi32, #tpu.memory_space<hbm>> -> memref<1x78x128xi32, #tpu.memory_space<hbm>>
    %dma_start3A_11 = tpu.memref_squeeze %dma_start3A_10 : memref<1x78x128xi32, #tpu.memory_space<hbm>> -> memref<78x128xi32, #tpu.memory_space<hbm>>
    tpu.enqueue_dma source(%dma_start3A_11 : memref<78x128xi32, #tpu.memory_space<hbm>>) target(%arg9 : memref<78x128xi32, #tpu.memory_space<vmem>>) target_semaphore(%arg22 : memref<!tpu.dma_semaphore, #tpu.memory_space<semaphore_mem>>)
    %dma_wait3A = arith.constant 0 : i32
    %dma_wait3A_12 = arith.constant 0 : i32
    %dma_wait3A_13 = tpu.memref_slice %arg3[%add3A, %dma_wait3A, %dma_wait3A_12] : memref<32x78x128xi32, #tpu.memory_space<hbm>> -> memref<1x78x128xi32, #tpu.memory_space<hbm>>
    %dma_wait3A_14 = tpu.memref_squeeze %dma_wait3A_13 : memref<1x78x128xi32, #tpu.memory_space<hbm>> -> memref<78x128xi32, #tpu.memory_space<hbm>>
    %dma_wait3A_15 = arith.constant 0 : i32
    %dma_wait3A_16 = arith.constant 0 : i32
    %dma_wait3A_17 = tpu.memref_slice %arg3[%add3A, %dma_wait3A_15, %dma_wait3A_16] : memref<32x78x128xi32, #tpu.memory_space<hbm>> -> memref<1x78x128xi32, #tpu.memory_space<hbm>>
    %dma_wait3A_18 = tpu.memref_squeeze %dma_wait3A_17 : memref<1x78x128xi32, #tpu.memory_space<hbm>> -> memref<78x128xi32, #tpu.memory_space<hbm>>
    tpu.wait_dma2 semaphore(%arg22 : memref<!tpu.dma_semaphore, #tpu.memory_space<semaphore_mem>>) src(%dma_wait3A_18 : memref<78x128xi32, #tpu.memory_space<hbm>>) dst(%arg9 : memref<78x128xi32, #tpu.memory_space<vmem>>)
    %dma_start3A_19 = arith.constant 0 : i32
    %dma_start3A_20 = arith.constant 0 : i32
    %dma_start3A_21 = tpu.memref_slice %arg4[%add3A, %dma_start3A_19, %dma_start3A_20] : memref<32x78x128xi32, #tpu.memory_space<hbm>> -> memref<1x78x128xi32, #tpu.memory_space<hbm>>
    %dma_start3A_22 = tpu.memref_squeeze %dma_start3A_21 : memref<1x78x128xi32, #tpu.memory_space<hbm>> -> memref<78x128xi32, #tpu.memory_space<hbm>>
    %dma_start3A_23 = arith.constant 0 : i32
    %dma_start3A_24 = arith.constant 0 : i32
    %dma_start3A_25 = tpu.memref_slice %arg4[%add3A, %dma_start3A_23, %dma_start3A_24] : memref<32x78x128xi32, #tpu.memory_space<hbm>> -> memref<1x78x128xi32, #tpu.memory_space<hbm>>
    %dma_start3A_26 = tpu.memref_squeeze %dma_start3A_25 : memref<1x78x128xi32, #tpu.memory_space<hbm>> -> memref<78x128xi32, #tpu.memory_space<hbm>>
    tpu.enqueue_dma source(%dma_start3A_26 : memref<78x128xi32, #tpu.memory_space<hbm>>) target(%arg10 : memref<78x128xi32, #tpu.memory_space<vmem>>) target_semaphore(%arg23 : memref<!tpu.dma_semaphore, #tpu.memory_space<semaphore_mem>>)
    %dma_wait3A_27 = arith.constant 0 : i32
    %dma_wait3A_28 = arith.constant 0 : i32
    %dma_wait3A_29 = tpu.memref_slice %arg4[%add3A, %dma_wait3A_27, %dma_wait3A_28] : memref<32x78x128xi32, #tpu.memory_space<hbm>> -> memref<1x78x128xi32, #tpu.memory_space<hbm>>
    %dma_wait3A_30 = tpu.memref_squeeze %dma_wait3A_29 : memref<1x78x128xi32, #tpu.memory_space<hbm>> -> memref<78x128xi32, #tpu.memory_space<hbm>>
    %dma_wait3A_31 = arith.constant 0 : i32
    %dma_wait3A_32 = arith.constant 0 : i32
    %dma_wait3A_33 = tpu.memref_slice %arg4[%add3A, %dma_wait3A_31, %dma_wait3A_32] : memref<32x78x128xi32, #tpu.memory_space<hbm>> -> memref<1x78x128xi32, #tpu.memory_space<hbm>>
    %dma_wait3A_34 = tpu.memref_squeeze %dma_wait3A_33 : memref<1x78x128xi32, #tpu.memory_space<hbm>> -> memref<78x128xi32, #tpu.memory_space<hbm>>
    tpu.wait_dma2 semaphore(%arg23 : memref<!tpu.dma_semaphore, #tpu.memory_space<semaphore_mem>>) src(%dma_wait3A_34 : memref<78x128xi32, #tpu.memory_space<hbm>>) dst(%arg10 : memref<78x128xi32, #tpu.memory_space<vmem>>)
    %dma_start3A_35 = arith.constant 0 : i32
    %dma_start3A_36 = tpu.memref_slice %arg5[%add3A, %dma_start3A_35] : memref<32x16xi32, #tpu.memory_space<hbm>> -> memref<1x16xi32, #tpu.memory_space<hbm>>
    %dma_start3A_37 = tpu.memref_squeeze %dma_start3A_36 : memref<1x16xi32, #tpu.memory_space<hbm>> -> memref<16xi32, #tpu.memory_space<hbm>>
    %dma_start3A_38 = arith.constant 0 : i32
    %dma_start3A_39 = tpu.memref_slice %arg5[%add3A, %dma_start3A_38] : memref<32x16xi32, #tpu.memory_space<hbm>> -> memref<1x16xi32, #tpu.memory_space<hbm>>
    %dma_start3A_40 = tpu.memref_squeeze %dma_start3A_39 : memref<1x16xi32, #tpu.memory_space<hbm>> -> memref<16xi32, #tpu.memory_space<hbm>>
    tpu.enqueue_dma source(%dma_start3A_40 : memref<16xi32, #tpu.memory_space<hbm>>) target(%arg11 : memref<16xi32, #tpu.memory_space<vmem>>) target_semaphore(%arg24 : memref<!tpu.dma_semaphore, #tpu.memory_space<semaphore_mem>>)
    %dma_wait3A_41 = arith.constant 0 : i32
    %dma_wait3A_42 = tpu.memref_slice %arg5[%add3A, %dma_wait3A_41] : memref<32x16xi32, #tpu.memory_space<hbm>> -> memref<1x16xi32, #tpu.memory_space<hbm>>
    %dma_wait3A_43 = tpu.memref_squeeze %dma_wait3A_42 : memref<1x16xi32, #tpu.memory_space<hbm>> -> memref<16xi32, #tpu.memory_space<hbm>>
    %dma_wait3A_44 = arith.constant 0 : i32
    %dma_wait3A_45 = tpu.memref_slice %arg5[%add3A, %dma_wait3A_44] : memref<32x16xi32, #tpu.memory_space<hbm>> -> memref<1x16xi32, #tpu.memory_space<hbm>>
    %dma_wait3A_46 = tpu.memref_squeeze %dma_wait3A_45 : memref<1x16xi32, #tpu.memory_space<hbm>> -> memref<16xi32, #tpu.memory_space<hbm>>
    tpu.wait_dma2 semaphore(%arg24 : memref<!tpu.dma_semaphore, #tpu.memory_space<semaphore_mem>>) src(%dma_wait3A_46 : memref<16xi32, #tpu.memory_space<hbm>>) dst(%arg11 : memref<16xi32, #tpu.memory_space<vmem>>)
    %dma_start3A_47 = arith.constant 0 : i32
    %dma_start3A_48 = tpu.memref_slice %arg6[%add3A, %dma_start3A_47] : memref<32x16xi32, #tpu.memory_space<hbm>> -> memref<1x16xi32, #tpu.memory_space<hbm>>
    %dma_start3A_49 = tpu.memref_squeeze %dma_start3A_48 : memref<1x16xi32, #tpu.memory_space<hbm>> -> memref<16xi32, #tpu.memory_space<hbm>>
    %dma_start3A_50 = arith.constant 0 : i32
    %dma_start3A_51 = tpu.memref_slice %arg6[%add3A, %dma_start3A_50] : memref<32x16xi32, #tpu.memory_space<hbm>> -> memref<1x16xi32, #tpu.memory_space<hbm>>
    %dma_start3A_52 = tpu.memref_squeeze %dma_start3A_51 : memref<1x16xi32, #tpu.memory_space<hbm>> -> memref<16xi32, #tpu.memory_space<hbm>>
    tpu.enqueue_dma source(%dma_start3A_52 : memref<16xi32, #tpu.memory_space<hbm>>) target(%arg12 : memref<16xi32, #tpu.memory_space<vmem>>) target_semaphore(%arg25 : memref<!tpu.dma_semaphore, #tpu.memory_space<semaphore_mem>>)
    %dma_wait3A_53 = arith.constant 0 : i32
    %dma_wait3A_54 = tpu.memref_slice %arg6[%add3A, %dma_wait3A_53] : memref<32x16xi32, #tpu.memory_space<hbm>> -> memref<1x16xi32, #tpu.memory_space<hbm>>
    %dma_wait3A_55 = tpu.memref_squeeze %dma_wait3A_54 : memref<1x16xi32, #tpu.memory_space<hbm>> -> memref<16xi32, #tpu.memory_space<hbm>>
    %dma_wait3A_56 = arith.constant 0 : i32
    %dma_wait3A_57 = tpu.memref_slice %arg6[%add3A, %dma_wait3A_56] : memref<32x16xi32, #tpu.memory_space<hbm>> -> memref<1x16xi32, #tpu.memory_space<hbm>>
    %dma_wait3A_58 = tpu.memref_squeeze %dma_wait3A_57 : memref<1x16xi32, #tpu.memory_space<hbm>> -> memref<16xi32, #tpu.memory_space<hbm>>
    tpu.wait_dma2 semaphore(%arg25 : memref<!tpu.dma_semaphore, #tpu.memory_space<semaphore_mem>>) src(%dma_wait3A_58 : memref<16xi32, #tpu.memory_space<hbm>>) dst(%arg12 : memref<16xi32, #tpu.memory_space<vmem>>)
    %barrier3A = arith.constant 0 : index
    tpu.barrier barrier_id(%barrier3A)
    %dma_start3A_59 = arith.constant 0 : i32
    %dma_start3A_60 = arith.constant 0 : i32
    %dma_start3A_61 = tpu.memref_slice %arg9[%dma_start3A_59, %dma_start3A_60] : memref<78x128xi32, #tpu.memory_space<vmem>> -> memref<1x128xi32, #tpu.memory_space<vmem>>
    %dma_start3A_62 = tpu.memref_squeeze %dma_start3A_61 : memref<1x128xi32, #tpu.memory_space<vmem>> -> memref<128xi32, #tpu.memory_space<vmem>>
    %dma_start3A_63 = arith.constant 0 : i32
    %dma_start3A_64 = arith.constant 0 : i32
    %dma_start3A_65 = tpu.memref_slice %arg2[%dma_start3A_63, %dma_start3A_64] : memref<10240x16xf32, #tpu.memory_space<hbm>> -> memref<10240x16xf32, #tpu.memory_space<hbm>>
    tpu.enqueue_indirect_dma source(%dma_start3A_65 : memref<10240x16xf32, #tpu.memory_space<hbm>>) target(%arg13 : memref<128x16xf32, #tpu.memory_space<vmem>>) offsets(%dma_start3A_62 : memref<128xi32, #tpu.memory_space<vmem>>) semaphore(%arg22 : memref<!tpu.dma_semaphore, #tpu.memory_space<semaphore_mem>>)
    %dma_start3A_66 = arith.constant 1 : i32
    %dma_start3A_67 = arith.constant 0 : i32
    %dma_start3A_68 = tpu.memref_slice %arg9[%dma_start3A_66, %dma_start3A_67] : memref<78x128xi32, #tpu.memory_space<vmem>> -> memref<1x128xi32, #tpu.memory_space<vmem>>
    %dma_start3A_69 = tpu.memref_squeeze %dma_start3A_68 : memref<1x128xi32, #tpu.memory_space<vmem>> -> memref<128xi32, #tpu.memory_space<vmem>>
    %dma_start3A_70 = arith.constant 0 : i32
    %dma_start3A_71 = arith.constant 0 : i32
    %dma_start3A_72 = tpu.memref_slice %arg2[%dma_start3A_70, %dma_start3A_71] : memref<10240x16xf32, #tpu.memory_space<hbm>> -> memref<10240x16xf32, #tpu.memory_space<hbm>>
    tpu.enqueue_indirect_dma source(%dma_start3A_72 : memref<10240x16xf32, #tpu.memory_space<hbm>>) target(%arg14 : memref<128x16xf32, #tpu.memory_space<vmem>>) offsets(%dma_start3A_69 : memref<128xi32, #tpu.memory_space<vmem>>) semaphore(%arg23 : memref<!tpu.dma_semaphore, #tpu.memory_space<semaphore_mem>>)
    %dma_start3A_73 = arith.constant 2 : i32
    %dma_start3A_74 = arith.constant 0 : i32
    %dma_start3A_75 = tpu.memref_slice %arg9[%dma_start3A_73, %dma_start3A_74] : memref<78x128xi32, #tpu.memory_space<vmem>> -> memref<1x128xi32, #tpu.memory_space<vmem>>
    %dma_start3A_76 = tpu.memref_squeeze %dma_start3A_75 : memref<1x128xi32, #tpu.memory_space<vmem>> -> memref<128xi32, #tpu.memory_space<vmem>>
    %dma_start3A_77 = arith.constant 0 : i32
    %dma_start3A_78 = arith.constant 0 : i32
    %dma_start3A_79 = tpu.memref_slice %arg2[%dma_start3A_77, %dma_start3A_78] : memref<10240x16xf32, #tpu.memory_space<hbm>> -> memref<10240x16xf32, #tpu.memory_space<hbm>>
    tpu.enqueue_indirect_dma source(%dma_start3A_79 : memref<10240x16xf32, #tpu.memory_space<hbm>>) target(%arg15 : memref<128x16xf32, #tpu.memory_space<vmem>>) offsets(%dma_start3A_76 : memref<128xi32, #tpu.memory_space<vmem>>) semaphore(%arg24 : memref<!tpu.dma_semaphore, #tpu.memory_space<semaphore_mem>>)
    %dma_start3A_80 = arith.constant 3 : i32
    %dma_start3A_81 = arith.constant 0 : i32
    %dma_start3A_82 = tpu.memref_slice %arg9[%dma_start3A_80, %dma_start3A_81] : memref<78x128xi32, #tpu.memory_space<vmem>> -> memref<1x128xi32, #tpu.memory_space<vmem>>
    %dma_start3A_83 = tpu.memref_squeeze %dma_start3A_82 : memref<1x128xi32, #tpu.memory_space<vmem>> -> memref<128xi32, #tpu.memory_space<vmem>>
    %dma_start3A_84 = arith.constant 0 : i32
    %dma_start3A_85 = arith.constant 0 : i32
    %dma_start3A_86 = tpu.memref_slice %arg2[%dma_start3A_84, %dma_start3A_85] : memref<10240x16xf32, #tpu.memory_space<hbm>> -> memref<10240x16xf32, #tpu.memory_space<hbm>>
    tpu.enqueue_indirect_dma source(%dma_start3A_86 : memref<10240x16xf32, #tpu.memory_space<hbm>>) target(%arg16 : memref<128x16xf32, #tpu.memory_space<vmem>>) offsets(%dma_start3A_83 : memref<128xi32, #tpu.memory_space<vmem>>) semaphore(%arg25 : memref<!tpu.dma_semaphore, #tpu.memory_space<semaphore_mem>>)
    %dma_start3A_87 = arith.constant 4 : i32
    %dma_start3A_88 = arith.constant 0 : i32
    %dma_start3A_89 = tpu.memref_slice %arg9[%dma_start3A_87, %dma_start3A_88] : memref<78x128xi32, #tpu.memory_space<vmem>> -> memref<1x128xi32, #tpu.memory_space<vmem>>
    %dma_start3A_90 = tpu.memref_squeeze %dma_start3A_89 : memref<1x128xi32, #tpu.memory_space<vmem>> -> memref<128xi32, #tpu.memory_space<vmem>>
    %dma_start3A_91 = arith.constant 0 : i32
    %dma_start3A_92 = arith.constant 0 : i32
    %dma_start3A_93 = tpu.memref_slice %arg2[%dma_start3A_91, %dma_start3A_92] : memref<10240x16xf32, #tpu.memory_space<hbm>> -> memref<10240x16xf32, #tpu.memory_space<hbm>>
    tpu.enqueue_indirect_dma source(%dma_start3A_93 : memref<10240x16xf32, #tpu.memory_space<hbm>>) target(%arg17 : memref<128x16xf32, #tpu.memory_space<vmem>>) offsets(%dma_start3A_90 : memref<128xi32, #tpu.memory_space<vmem>>) semaphore(%arg26 : memref<!tpu.dma_semaphore, #tpu.memory_space<semaphore_mem>>)
    %dma_start3A_94 = arith.constant 5 : i32
    %dma_start3A_95 = arith.constant 0 : i32
    %dma_start3A_96 = tpu.memref_slice %arg9[%dma_start3A_94, %dma_start3A_95] : memref<78x128xi32, #tpu.memory_space<vmem>> -> memref<1x128xi32, #tpu.memory_space<vmem>>
    %dma_start3A_97 = tpu.memref_squeeze %dma_start3A_96 : memref<1x128xi32, #tpu.memory_space<vmem>> -> memref<128xi32, #tpu.memory_space<vmem>>
    %dma_start3A_98 = arith.constant 0 : i32
    %dma_start3A_99 = arith.constant 0 : i32
    %dma_start3A_100 = tpu.memref_slice %arg2[%dma_start3A_98, %dma_start3A_99] : memref<10240x16xf32, #tpu.memory_space<hbm>> -> memref<10240x16xf32, #tpu.memory_space<hbm>>
    tpu.enqueue_indirect_dma source(%dma_start3A_100 : memref<10240x16xf32, #tpu.memory_space<hbm>>) target(%arg18 : memref<128x16xf32, #tpu.memory_space<vmem>>) offsets(%dma_start3A_97 : memref<128xi32, #tpu.memory_space<vmem>>) semaphore(%arg27 : memref<!tpu.dma_semaphore, #tpu.memory_space<semaphore_mem>>)
    %dma_start3A_101 = arith.constant 6 : i32
    %dma_start3A_102 = arith.constant 0 : i32
    %dma_start3A_103 = tpu.memref_slice %arg9[%dma_start3A_101, %dma_start3A_102] : memref<78x128xi32, #tpu.memory_space<vmem>> -> memref<1x128xi32, #tpu.memory_space<vmem>>
    %dma_start3A_104 = tpu.memref_squeeze %dma_start3A_103 : memref<1x128xi32, #tpu.memory_space<vmem>> -> memref<128xi32, #tpu.memory_space<vmem>>
    %dma_start3A_105 = arith.constant 0 : i32
    %dma_start3A_106 = arith.constant 0 : i32
    %dma_start3A_107 = tpu.memref_slice %arg2[%dma_start3A_105, %dma_start3A_106] : memref<10240x16xf32, #tpu.memory_space<hbm>> -> memref<10240x16xf32, #tpu.memory_space<hbm>>
    tpu.enqueue_indirect_dma source(%dma_start3A_107 : memref<10240x16xf32, #tpu.memory_space<hbm>>) target(%arg19 : memref<128x16xf32, #tpu.memory_space<vmem>>) offsets(%dma_start3A_104 : memref<128xi32, #tpu.memory_space<vmem>>) semaphore(%arg28 : memref<!tpu.dma_semaphore, #tpu.memory_space<semaphore_mem>>)
    %dma_start3A_108 = arith.constant 7 : i32
    %dma_start3A_109 = arith.constant 0 : i32
    %dma_start3A_110 = tpu.memref_slice %arg9[%dma_start3A_108, %dma_start3A_109] : memref<78x128xi32, #tpu.memory_space<vmem>> -> memref<1x128xi32, #tpu.memory_space<vmem>>
    %dma_start3A_111 = tpu.memref_squeeze %dma_start3A_110 : memref<1x128xi32, #tpu.memory_space<vmem>> -> memref<128xi32, #tpu.memory_space<vmem>>
    %dma_start3A_112 = arith.constant 0 : i32
    %dma_start3A_113 = arith.constant 0 : i32
    %dma_start3A_114 = tpu.memref_slice %arg2[%dma_start3A_112, %dma_start3A_113] : memref<10240x16xf32, #tpu.memory_space<hbm>> -> memref<10240x16xf32, #tpu.memory_space<hbm>>
    tpu.enqueue_indirect_dma source(%dma_start3A_114 : memref<10240x16xf32, #tpu.memory_space<hbm>>) target(%arg20 : memref<128x16xf32, #tpu.memory_space<vmem>>) offsets(%dma_start3A_111 : memref<128xi32, #tpu.memory_space<vmem>>) semaphore(%arg29 : memref<!tpu.dma_semaphore, #tpu.memory_space<semaphore_mem>>)
    %scan3A = arith.constant 0 : i32
    %scan3A_115 = arith.constant 0 : i32
    %scan3A_116 = arith.constant 9 : i32
    %scan3A_117 = arith.addi %scan3A_115, %scan3A_116 : i32
    %scan3A_118 = arith.constant 1 : i32
    scf.for %scan3A_178 = %scan3A_115 to %scan3A_117 step %scan3A_118  : i32 {
      %mul3A_179 = arith.constant 8 : i32
      %mul3A_180 = arith.muli %mul3A_179, %scan3A_178 : i32
      %add3A_181 = arith.constant 0 : i32
      %add3A_182 = arith.addi %mul3A_180, %add3A_181 : i32
      %dma_wait3A_183 = arith.constant 0 : i32
      %dma_wait3A_184 = tpu.memref_slice %arg9[%add3A_182, %dma_wait3A_183] : memref<78x128xi32, #tpu.memory_space<vmem>> -> memref<1x128xi32, #tpu.memory_space<vmem>>
      %dma_wait3A_185 = tpu.memref_squeeze %dma_wait3A_184 : memref<1x128xi32, #tpu.memory_space<vmem>> -> memref<128xi32, #tpu.memory_space<vmem>>
      %dma_wait3A_186 = arith.constant 0 : i32
      %dma_wait3A_187 = arith.constant 0 : i32
      %dma_wait3A_188 = tpu.memref_slice %arg2[%dma_wait3A_186, %dma_wait3A_187] : memref<10240x16xf32, #tpu.memory_space<hbm>> -> memref<10240x16xf32, #tpu.memory_space<hbm>>
      tpu.wait_indirect_dma semaphore(%arg22 : memref<!tpu.dma_semaphore, #tpu.memory_space<semaphore_mem>>) src(%dma_wait3A_188 : memref<10240x16xf32, #tpu.memory_space<hbm>>) dst(%arg13 : memref<128x16xf32, #tpu.memory_space<vmem>>)
      %add3A_189 = arith.constant 0 : i32
      %add3A_190 = arith.addi %mul3A_180, %add3A_189 : i32
      %dma_start3A_191 = arith.constant 0 : i32
      %dma_start3A_192 = tpu.memref_slice %arg10[%add3A_190, %dma_start3A_191] : memref<78x128xi32, #tpu.memory_space<vmem>> -> memref<1x128xi32, #tpu.memory_space<vmem>>
      %dma_start3A_193 = tpu.memref_squeeze %dma_start3A_192 : memref<1x128xi32, #tpu.memory_space<vmem>> -> memref<128xi32, #tpu.memory_space<vmem>>
      %dma_start3A_194 = arith.constant 0 : i32
      %dma_start3A_195 = arith.constant 0 : i32
      %dma_start3A_196 = tpu.memref_slice %arg38[%dma_start3A_194, %dma_start3A_195] : memref<10240x16xf32, #tpu.memory_space<vmem_shared>> -> memref<10240x16xf32, #tpu.memory_space<vmem_shared>>
      tpu.enqueue_indirect_dma source(%arg13 : memref<128x16xf32, #tpu.memory_space<vmem>>) target(%dma_start3A_196 : memref<10240x16xf32, #tpu.memory_space<vmem_shared>>) offsets(%dma_start3A_193 : memref<128xi32, #tpu.memory_space<vmem>>) semaphore(%arg30 : memref<!tpu.dma_semaphore, #tpu.memory_space<semaphore_mem>>) {add = true}
      %add3A_197 = arith.constant 1 : i32
      %add3A_198 = arith.addi %mul3A_180, %add3A_197 : i32
      %dma_wait3A_199 = arith.constant 0 : i32
      %dma_wait3A_200 = tpu.memref_slice %arg9[%add3A_198, %dma_wait3A_199] : memref<78x128xi32, #tpu.memory_space<vmem>> -> memref<1x128xi32, #tpu.memory_space<vmem>>
      %dma_wait3A_201 = tpu.memref_squeeze %dma_wait3A_200 : memref<1x128xi32, #tpu.memory_space<vmem>> -> memref<128xi32, #tpu.memory_space<vmem>>
      %dma_wait3A_202 = arith.constant 0 : i32
      %dma_wait3A_203 = arith.constant 0 : i32
      %dma_wait3A_204 = tpu.memref_slice %arg2[%dma_wait3A_202, %dma_wait3A_203] : memref<10240x16xf32, #tpu.memory_space<hbm>> -> memref<10240x16xf32, #tpu.memory_space<hbm>>
      tpu.wait_indirect_dma semaphore(%arg23 : memref<!tpu.dma_semaphore, #tpu.memory_space<semaphore_mem>>) src(%dma_wait3A_204 : memref<10240x16xf32, #tpu.memory_space<hbm>>) dst(%arg14 : memref<128x16xf32, #tpu.memory_space<vmem>>)
      %add3A_205 = arith.constant 1 : i32
      %add3A_206 = arith.addi %mul3A_180, %add3A_205 : i32
      %dma_start3A_207 = arith.constant 0 : i32
      %dma_start3A_208 = tpu.memref_slice %arg10[%add3A_206, %dma_start3A_207] : memref<78x128xi32, #tpu.memory_space<vmem>> -> memref<1x128xi32, #tpu.memory_space<vmem>>
      %dma_start3A_209 = tpu.memref_squeeze %dma_start3A_208 : memref<1x128xi32, #tpu.memory_space<vmem>> -> memref<128xi32, #tpu.memory_space<vmem>>
      %dma_start3A_210 = arith.constant 0 : i32
      %dma_start3A_211 = arith.constant 0 : i32
      %dma_start3A_212 = tpu.memref_slice %arg38[%dma_start3A_210, %dma_start3A_211] : memref<10240x16xf32, #tpu.memory_space<vmem_shared>> -> memref<10240x16xf32, #tpu.memory_space<vmem_shared>>
      tpu.enqueue_indirect_dma source(%arg14 : memref<128x16xf32, #tpu.memory_space<vmem>>) target(%dma_start3A_212 : memref<10240x16xf32, #tpu.memory_space<vmem_shared>>) offsets(%dma_start3A_209 : memref<128xi32, #tpu.memory_space<vmem>>) semaphore(%arg31 : memref<!tpu.dma_semaphore, #tpu.memory_space<semaphore_mem>>) {add = true}
      %add3A_213 = arith.constant 2 : i32
      %add3A_214 = arith.addi %mul3A_180, %add3A_213 : i32
      %dma_wait3A_215 = arith.constant 0 : i32
      %dma_wait3A_216 = tpu.memref_slice %arg9[%add3A_214, %dma_wait3A_215] : memref<78x128xi32, #tpu.memory_space<vmem>> -> memref<1x128xi32, #tpu.memory_space<vmem>>
      %dma_wait3A_217 = tpu.memref_squeeze %dma_wait3A_216 : memref<1x128xi32, #tpu.memory_space<vmem>> -> memref<128xi32, #tpu.memory_space<vmem>>
      %dma_wait3A_218 = arith.constant 0 : i32
      %dma_wait3A_219 = arith.constant 0 : i32
      %dma_wait3A_220 = tpu.memref_slice %arg2[%dma_wait3A_218, %dma_wait3A_219] : memref<10240x16xf32, #tpu.memory_space<hbm>> -> memref<10240x16xf32, #tpu.memory_space<hbm>>
      tpu.wait_indirect_dma semaphore(%arg24 : memref<!tpu.dma_semaphore, #tpu.memory_space<semaphore_mem>>) src(%dma_wait3A_220 : memref<10240x16xf32, #tpu.memory_space<hbm>>) dst(%arg15 : memref<128x16xf32, #tpu.memory_space<vmem>>)
      %add3A_221 = arith.constant 2 : i32
      %add3A_222 = arith.addi %mul3A_180, %add3A_221 : i32
      %dma_start3A_223 = arith.constant 0 : i32
      %dma_start3A_224 = tpu.memref_slice %arg10[%add3A_222, %dma_start3A_223] : memref<78x128xi32, #tpu.memory_space<vmem>> -> memref<1x128xi32, #tpu.memory_space<vmem>>
      %dma_start3A_225 = tpu.memref_squeeze %dma_start3A_224 : memref<1x128xi32, #tpu.memory_space<vmem>> -> memref<128xi32, #tpu.memory_space<vmem>>
      %dma_start3A_226 = arith.constant 0 : i32
      %dma_start3A_227 = arith.constant 0 : i32
      %dma_start3A_228 = tpu.memref_slice %arg38[%dma_start3A_226, %dma_start3A_227] : memref<10240x16xf32, #tpu.memory_space<vmem_shared>> -> memref<10240x16xf32, #tpu.memory_space<vmem_shared>>
      tpu.enqueue_indirect_dma source(%arg15 : memref<128x16xf32, #tpu.memory_space<vmem>>) target(%dma_start3A_228 : memref<10240x16xf32, #tpu.memory_space<vmem_shared>>) offsets(%dma_start3A_225 : memref<128xi32, #tpu.memory_space<vmem>>) semaphore(%arg32 : memref<!tpu.dma_semaphore, #tpu.memory_space<semaphore_mem>>) {add = true}
      %add3A_229 = arith.constant 3 : i32
      %add3A_230 = arith.addi %mul3A_180, %add3A_229 : i32
      %dma_wait3A_231 = arith.constant 0 : i32
      %dma_wait3A_232 = tpu.memref_slice %arg9[%add3A_230, %dma_wait3A_231] : memref<78x128xi32, #tpu.memory_space<vmem>> -> memref<1x128xi32, #tpu.memory_space<vmem>>
      %dma_wait3A_233 = tpu.memref_squeeze %dma_wait3A_232 : memref<1x128xi32, #tpu.memory_space<vmem>> -> memref<128xi32, #tpu.memory_space<vmem>>
      %dma_wait3A_234 = arith.constant 0 : i32
      %dma_wait3A_235 = arith.constant 0 : i32
      %dma_wait3A_236 = tpu.memref_slice %arg2[%dma_wait3A_234, %dma_wait3A_235] : memref<10240x16xf32, #tpu.memory_space<hbm>> -> memref<10240x16xf32, #tpu.memory_space<hbm>>
      tpu.wait_indirect_dma semaphore(%arg25 : memref<!tpu.dma_semaphore, #tpu.memory_space<semaphore_mem>>) src(%dma_wait3A_236 : memref<10240x16xf32, #tpu.memory_space<hbm>>) dst(%arg16 : memref<128x16xf32, #tpu.memory_space<vmem>>)
      %add3A_237 = arith.constant 3 : i32
      %add3A_238 = arith.addi %mul3A_180, %add3A_237 : i32
      %dma_start3A_239 = arith.constant 0 : i32
      %dma_start3A_240 = tpu.memref_slice %arg10[%add3A_238, %dma_start3A_239] : memref<78x128xi32, #tpu.memory_space<vmem>> -> memref<1x128xi32, #tpu.memory_space<vmem>>
      %dma_start3A_241 = tpu.memref_squeeze %dma_start3A_240 : memref<1x128xi32, #tpu.memory_space<vmem>> -> memref<128xi32, #tpu.memory_space<vmem>>
      %dma_start3A_242 = arith.constant 0 : i32
      %dma_start3A_243 = arith.constant 0 : i32
      %dma_start3A_244 = tpu.memref_slice %arg38[%dma_start3A_242, %dma_start3A_243] : memref<10240x16xf32, #tpu.memory_space<vmem_shared>> -> memref<10240x16xf32, #tpu.memory_space<vmem_shared>>
      tpu.enqueue_indirect_dma source(%arg16 : memref<128x16xf32, #tpu.memory_space<vmem>>) target(%dma_start3A_244 : memref<10240x16xf32, #tpu.memory_space<vmem_shared>>) offsets(%dma_start3A_241 : memref<128xi32, #tpu.memory_space<vmem>>) semaphore(%arg33 : memref<!tpu.dma_semaphore, #tpu.memory_space<semaphore_mem>>) {add = true}
      %add3A_245 = arith.constant 4 : i32
      %add3A_246 = arith.addi %mul3A_180, %add3A_245 : i32
      %dma_wait3A_247 = arith.constant 0 : i32
      %dma_wait3A_248 = tpu.memref_slice %arg9[%add3A_246, %dma_wait3A_247] : memref<78x128xi32, #tpu.memory_space<vmem>> -> memref<1x128xi32, #tpu.memory_space<vmem>>
      %dma_wait3A_249 = tpu.memref_squeeze %dma_wait3A_248 : memref<1x128xi32, #tpu.memory_space<vmem>> -> memref<128xi32, #tpu.memory_space<vmem>>
      %dma_wait3A_250 = arith.constant 0 : i32
      %dma_wait3A_251 = arith.constant 0 : i32
      %dma_wait3A_252 = tpu.memref_slice %arg2[%dma_wait3A_250, %dma_wait3A_251] : memref<10240x16xf32, #tpu.memory_space<hbm>> -> memref<10240x16xf32, #tpu.memory_space<hbm>>
      tpu.wait_indirect_dma semaphore(%arg26 : memref<!tpu.dma_semaphore, #tpu.memory_space<semaphore_mem>>) src(%dma_wait3A_252 : memref<10240x16xf32, #tpu.memory_space<hbm>>) dst(%arg17 : memref<128x16xf32, #tpu.memory_space<vmem>>)
      %add3A_253 = arith.constant 4 : i32
      %add3A_254 = arith.addi %mul3A_180, %add3A_253 : i32
      %dma_start3A_255 = arith.constant 0 : i32
      %dma_start3A_256 = tpu.memref_slice %arg10[%add3A_254, %dma_start3A_255] : memref<78x128xi32, #tpu.memory_space<vmem>> -> memref<1x128xi32, #tpu.memory_space<vmem>>
      %dma_start3A_257 = tpu.memref_squeeze %dma_start3A_256 : memref<1x128xi32, #tpu.memory_space<vmem>> -> memref<128xi32, #tpu.memory_space<vmem>>
      %dma_start3A_258 = arith.constant 0 : i32
      %dma_start3A_259 = arith.constant 0 : i32
      %dma_start3A_260 = tpu.memref_slice %arg38[%dma_start3A_258, %dma_start3A_259] : memref<10240x16xf32, #tpu.memory_space<vmem_shared>> -> memref<10240x16xf32, #tpu.memory_space<vmem_shared>>
      tpu.enqueue_indirect_dma source(%arg17 : memref<128x16xf32, #tpu.memory_space<vmem>>) target(%dma_start3A_260 : memref<10240x16xf32, #tpu.memory_space<vmem_shared>>) offsets(%dma_start3A_257 : memref<128xi32, #tpu.memory_space<vmem>>) semaphore(%arg34 : memref<!tpu.dma_semaphore, #tpu.memory_space<semaphore_mem>>) {add = true}
      %add3A_261 = arith.constant 5 : i32
      %add3A_262 = arith.addi %mul3A_180, %add3A_261 : i32
      %dma_wait3A_263 = arith.constant 0 : i32
      %dma_wait3A_264 = tpu.memref_slice %arg9[%add3A_262, %dma_wait3A_263] : memref<78x128xi32, #tpu.memory_space<vmem>> -> memref<1x128xi32, #tpu.memory_space<vmem>>
      %dma_wait3A_265 = tpu.memref_squeeze %dma_wait3A_264 : memref<1x128xi32, #tpu.memory_space<vmem>> -> memref<128xi32, #tpu.memory_space<vmem>>
      %dma_wait3A_266 = arith.constant 0 : i32
      %dma_wait3A_267 = arith.constant 0 : i32
      %dma_wait3A_268 = tpu.memref_slice %arg2[%dma_wait3A_266, %dma_wait3A_267] : memref<10240x16xf32, #tpu.memory_space<hbm>> -> memref<10240x16xf32, #tpu.memory_space<hbm>>
      tpu.wait_indirect_dma semaphore(%arg27 : memref<!tpu.dma_semaphore, #tpu.memory_space<semaphore_mem>>) src(%dma_wait3A_268 : memref<10240x16xf32, #tpu.memory_space<hbm>>) dst(%arg18 : memref<128x16xf32, #tpu.memory_space<vmem>>)
      %add3A_269 = arith.constant 5 : i32
      %add3A_270 = arith.addi %mul3A_180, %add3A_269 : i32
      %dma_start3A_271 = arith.constant 0 : i32
      %dma_start3A_272 = tpu.memref_slice %arg10[%add3A_270, %dma_start3A_271] : memref<78x128xi32, #tpu.memory_space<vmem>> -> memref<1x128xi32, #tpu.memory_space<vmem>>
      %dma_start3A_273 = tpu.memref_squeeze %dma_start3A_272 : memref<1x128xi32, #tpu.memory_space<vmem>> -> memref<128xi32, #tpu.memory_space<vmem>>
      %dma_start3A_274 = arith.constant 0 : i32
      %dma_start3A_275 = arith.constant 0 : i32
      %dma_start3A_276 = tpu.memref_slice %arg38[%dma_start3A_274, %dma_start3A_275] : memref<10240x16xf32, #tpu.memory_space<vmem_shared>> -> memref<10240x16xf32, #tpu.memory_space<vmem_shared>>
      tpu.enqueue_indirect_dma source(%arg18 : memref<128x16xf32, #tpu.memory_space<vmem>>) target(%dma_start3A_276 : memref<10240x16xf32, #tpu.memory_space<vmem_shared>>) offsets(%dma_start3A_273 : memref<128xi32, #tpu.memory_space<vmem>>) semaphore(%arg35 : memref<!tpu.dma_semaphore, #tpu.memory_space<semaphore_mem>>) {add = true}
      %add3A_277 = arith.constant 6 : i32
      %add3A_278 = arith.addi %mul3A_180, %add3A_277 : i32
      %dma_wait3A_279 = arith.constant 0 : i32
      %dma_wait3A_280 = tpu.memref_slice %arg9[%add3A_278, %dma_wait3A_279] : memref<78x128xi32, #tpu.memory_space<vmem>> -> memref<1x128xi32, #tpu.memory_space<vmem>>
      %dma_wait3A_281 = tpu.memref_squeeze %dma_wait3A_280 : memref<1x128xi32, #tpu.memory_space<vmem>> -> memref<128xi32, #tpu.memory_space<vmem>>
      %dma_wait3A_282 = arith.constant 0 : i32
      %dma_wait3A_283 = arith.constant 0 : i32
      %dma_wait3A_284 = tpu.memref_slice %arg2[%dma_wait3A_282, %dma_wait3A_283] : memref<10240x16xf32, #tpu.memory_space<hbm>> -> memref<10240x16xf32, #tpu.memory_space<hbm>>
      tpu.wait_indirect_dma semaphore(%arg28 : memref<!tpu.dma_semaphore, #tpu.memory_space<semaphore_mem>>) src(%dma_wait3A_284 : memref<10240x16xf32, #tpu.memory_space<hbm>>) dst(%arg19 : memref<128x16xf32, #tpu.memory_space<vmem>>)
      %add3A_285 = arith.constant 6 : i32
      %add3A_286 = arith.addi %mul3A_180, %add3A_285 : i32
      %dma_start3A_287 = arith.constant 0 : i32
      %dma_start3A_288 = tpu.memref_slice %arg10[%add3A_286, %dma_start3A_287] : memref<78x128xi32, #tpu.memory_space<vmem>> -> memref<1x128xi32, #tpu.memory_space<vmem>>
      %dma_start3A_289 = tpu.memref_squeeze %dma_start3A_288 : memref<1x128xi32, #tpu.memory_space<vmem>> -> memref<128xi32, #tpu.memory_space<vmem>>
      %dma_start3A_290 = arith.constant 0 : i32
      %dma_start3A_291 = arith.constant 0 : i32
      %dma_start3A_292 = tpu.memref_slice %arg38[%dma_start3A_290, %dma_start3A_291] : memref<10240x16xf32, #tpu.memory_space<vmem_shared>> -> memref<10240x16xf32, #tpu.memory_space<vmem_shared>>
      tpu.enqueue_indirect_dma source(%arg19 : memref<128x16xf32, #tpu.memory_space<vmem>>) target(%dma_start3A_292 : memref<10240x16xf32, #tpu.memory_space<vmem_shared>>) offsets(%dma_start3A_289 : memref<128xi32, #tpu.memory_space<vmem>>) semaphore(%arg36 : memref<!tpu.dma_semaphore, #tpu.memory_space<semaphore_mem>>) {add = true}
      %add3A_293 = arith.constant 7 : i32
      %add3A_294 = arith.addi %mul3A_180, %add3A_293 : i32
      %dma_wait3A_295 = arith.constant 0 : i32
      %dma_wait3A_296 = tpu.memref_slice %arg9[%add3A_294, %dma_wait3A_295] : memref<78x128xi32, #tpu.memory_space<vmem>> -> memref<1x128xi32, #tpu.memory_space<vmem>>
      %dma_wait3A_297 = tpu.memref_squeeze %dma_wait3A_296 : memref<1x128xi32, #tpu.memory_space<vmem>> -> memref<128xi32, #tpu.memory_space<vmem>>
      %dma_wait3A_298 = arith.constant 0 : i32
      %dma_wait3A_299 = arith.constant 0 : i32
      %dma_wait3A_300 = tpu.memref_slice %arg2[%dma_wait3A_298, %dma_wait3A_299] : memref<10240x16xf32, #tpu.memory_space<hbm>> -> memref<10240x16xf32, #tpu.memory_space<hbm>>
      tpu.wait_indirect_dma semaphore(%arg29 : memref<!tpu.dma_semaphore, #tpu.memory_space<semaphore_mem>>) src(%dma_wait3A_300 : memref<10240x16xf32, #tpu.memory_space<hbm>>) dst(%arg20 : memref<128x16xf32, #tpu.memory_space<vmem>>)
      %add3A_301 = arith.constant 7 : i32
      %add3A_302 = arith.addi %mul3A_180, %add3A_301 : i32
      %dma_start3A_303 = arith.constant 0 : i32
      %dma_start3A_304 = tpu.memref_slice %arg10[%add3A_302, %dma_start3A_303] : memref<78x128xi32, #tpu.memory_space<vmem>> -> memref<1x128xi32, #tpu.memory_space<vmem>>
      %dma_start3A_305 = tpu.memref_squeeze %dma_start3A_304 : memref<1x128xi32, #tpu.memory_space<vmem>> -> memref<128xi32, #tpu.memory_space<vmem>>
      %dma_start3A_306 = arith.constant 0 : i32
      %dma_start3A_307 = arith.constant 0 : i32
      %dma_start3A_308 = tpu.memref_slice %arg38[%dma_start3A_306, %dma_start3A_307] : memref<10240x16xf32, #tpu.memory_space<vmem_shared>> -> memref<10240x16xf32, #tpu.memory_space<vmem_shared>>
      tpu.enqueue_indirect_dma source(%arg20 : memref<128x16xf32, #tpu.memory_space<vmem>>) target(%dma_start3A_308 : memref<10240x16xf32, #tpu.memory_space<vmem_shared>>) offsets(%dma_start3A_305 : memref<128xi32, #tpu.memory_space<vmem>>) semaphore(%arg37 : memref<!tpu.dma_semaphore, #tpu.memory_space<semaphore_mem>>) {add = true}
      %dma_wait3A_309 = arith.constant 0 : i32
      %dma_wait3A_310 = tpu.memref_slice %arg10[%add3A_190, %dma_wait3A_309] : memref<78x128xi32, #tpu.memory_space<vmem>> -> memref<1x128xi32, #tpu.memory_space<vmem>>
      %dma_wait3A_311 = tpu.memref_squeeze %dma_wait3A_310 : memref<1x128xi32, #tpu.memory_space<vmem>> -> memref<128xi32, #tpu.memory_space<vmem>>
      %dma_wait3A_312 = arith.constant 0 : i32
      %dma_wait3A_313 = arith.constant 0 : i32
      %dma_wait3A_314 = tpu.memref_slice %arg38[%dma_wait3A_312, %dma_wait3A_313] : memref<10240x16xf32, #tpu.memory_space<vmem_shared>> -> memref<10240x16xf32, #tpu.memory_space<vmem_shared>>
      tpu.wait_indirect_dma semaphore(%arg30 : memref<!tpu.dma_semaphore, #tpu.memory_space<semaphore_mem>>) src(%arg13 : memref<128x16xf32, #tpu.memory_space<vmem>>) dst(%dma_wait3A_314 : memref<10240x16xf32, #tpu.memory_space<vmem_shared>>)
      %add3A_315 = arith.constant 8 : i32
      %add3A_316 = arith.addi %mul3A_180, %add3A_315 : i32
      %add3A_317 = arith.constant 0 : i32
      %add3A_318 = arith.addi %add3A_316, %add3A_317 : i32
      %lt3A = arith.constant 78 : i32
      %lt3A_319 = arith.cmpi slt, %add3A_318, %lt3A : i32
      %convert_element_type3A = arith.extui %lt3A_319 : i1 to i32
      %cond3A = arith.constant 0 : i32
      %cond3A_320 = arith.cmpi ne, %convert_element_type3A, %cond3A : i32
      scf.if %cond3A_320 {
        %add3A_426 = arith.constant 8 : i32
        %add3A_427 = arith.addi %mul3A_180, %add3A_426 : i32
        %add3A_428 = arith.constant 0 : i32
        %add3A_429 = arith.addi %add3A_427, %add3A_428 : i32
        %min3A = arith.constant 77 : i32
        %min3A_430 = arith.minsi %add3A_429, %min3A : i32
        %dma_start3A_431 = arith.constant 0 : i32
        %dma_start3A_432 = tpu.memref_slice %arg9[%min3A_430, %dma_start3A_431] : memref<78x128xi32, #tpu.memory_space<vmem>> -> memref<1x128xi32, #tpu.memory_space<vmem>>
        %dma_start3A_433 = tpu.memref_squeeze %dma_start3A_432 : memref<1x128xi32, #tpu.memory_space<vmem>> -> memref<128xi32, #tpu.memory_space<vmem>>
        %dma_start3A_434 = arith.constant 0 : i32
        %dma_start3A_435 = arith.constant 0 : i32
        %dma_start3A_436 = tpu.memref_slice %arg2[%dma_start3A_434, %dma_start3A_435] : memref<10240x16xf32, #tpu.memory_space<hbm>> -> memref<10240x16xf32, #tpu.memory_space<hbm>>
        tpu.enqueue_indirect_dma source(%dma_start3A_436 : memref<10240x16xf32, #tpu.memory_space<hbm>>) target(%arg13 : memref<128x16xf32, #tpu.memory_space<vmem>>) offsets(%dma_start3A_433 : memref<128xi32, #tpu.memory_space<vmem>>) semaphore(%arg22 : memref<!tpu.dma_semaphore, #tpu.memory_space<semaphore_mem>>)
      } else {
      }
      %dma_wait3A_321 = arith.constant 0 : i32
      %dma_wait3A_322 = tpu.memref_slice %arg10[%add3A_206, %dma_wait3A_321] : memref<78x128xi32, #tpu.memory_space<vmem>> -> memref<1x128xi32, #tpu.memory_space<vmem>>
      %dma_wait3A_323 = tpu.memref_squeeze %dma_wait3A_322 : memref<1x128xi32, #tpu.memory_space<vmem>> -> memref<128xi32, #tpu.memory_space<vmem>>
      %dma_wait3A_324 = arith.constant 0 : i32
      %dma_wait3A_325 = arith.constant 0 : i32
      %dma_wait3A_326 = tpu.memref_slice %arg38[%dma_wait3A_324, %dma_wait3A_325] : memref<10240x16xf32, #tpu.memory_space<vmem_shared>> -> memref<10240x16xf32, #tpu.memory_space<vmem_shared>>
      tpu.wait_indirect_dma semaphore(%arg31 : memref<!tpu.dma_semaphore, #tpu.memory_space<semaphore_mem>>) src(%arg14 : memref<128x16xf32, #tpu.memory_space<vmem>>) dst(%dma_wait3A_326 : memref<10240x16xf32, #tpu.memory_space<vmem_shared>>)
      %add3A_327 = arith.constant 8 : i32
      %add3A_328 = arith.addi %mul3A_180, %add3A_327 : i32
      %add3A_329 = arith.constant 1 : i32
      %add3A_330 = arith.addi %add3A_328, %add3A_329 : i32
      %lt3A_331 = arith.constant 78 : i32
      %lt3A_332 = arith.cmpi slt, %add3A_330, %lt3A_331 : i32
      %convert_element_type3A_333 = arith.extui %lt3A_332 : i1 to i32
      %cond3A_334 = arith.constant 0 : i32
      %cond3A_335 = arith.cmpi ne, %convert_element_type3A_333, %cond3A_334 : i32
      scf.if %cond3A_335 {
        %add3A_426 = arith.constant 8 : i32
        %add3A_427 = arith.addi %mul3A_180, %add3A_426 : i32
        %add3A_428 = arith.constant 1 : i32
        %add3A_429 = arith.addi %add3A_427, %add3A_428 : i32
        %min3A = arith.constant 77 : i32
        %min3A_430 = arith.minsi %add3A_429, %min3A : i32
        %dma_start3A_431 = arith.constant 0 : i32
        %dma_start3A_432 = tpu.memref_slice %arg9[%min3A_430, %dma_start3A_431] : memref<78x128xi32, #tpu.memory_space<vmem>> -> memref<1x128xi32, #tpu.memory_space<vmem>>
        %dma_start3A_433 = tpu.memref_squeeze %dma_start3A_432 : memref<1x128xi32, #tpu.memory_space<vmem>> -> memref<128xi32, #tpu.memory_space<vmem>>
        %dma_start3A_434 = arith.constant 0 : i32
        %dma_start3A_435 = arith.constant 0 : i32
        %dma_start3A_436 = tpu.memref_slice %arg2[%dma_start3A_434, %dma_start3A_435] : memref<10240x16xf32, #tpu.memory_space<hbm>> -> memref<10240x16xf32, #tpu.memory_space<hbm>>
        tpu.enqueue_indirect_dma source(%dma_start3A_436 : memref<10240x16xf32, #tpu.memory_space<hbm>>) target(%arg14 : memref<128x16xf32, #tpu.memory_space<vmem>>) offsets(%dma_start3A_433 : memref<128xi32, #tpu.memory_space<vmem>>) semaphore(%arg23 : memref<!tpu.dma_semaphore, #tpu.memory_space<semaphore_mem>>)
      } else {
      }
      %dma_wait3A_336 = arith.constant 0 : i32
      %dma_wait3A_337 = tpu.memref_slice %arg10[%add3A_222, %dma_wait3A_336] : memref<78x128xi32, #tpu.memory_space<vmem>> -> memref<1x128xi32, #tpu.memory_space<vmem>>
      %dma_wait3A_338 = tpu.memref_squeeze %dma_wait3A_337 : memref<1x128xi32, #tpu.memory_space<vmem>> -> memref<128xi32, #tpu.memory_space<vmem>>
      %dma_wait3A_339 = arith.constant 0 : i32
      %dma_wait3A_340 = arith.constant 0 : i32
      %dma_wait3A_341 = tpu.memref_slice %arg38[%dma_wait3A_339, %dma_wait3A_340] : memref<10240x16xf32, #tpu.memory_space<vmem_shared>> -> memref<10240x16xf32, #tpu.memory_space<vmem_shared>>
      tpu.wait_indirect_dma semaphore(%arg32 : memref<!tpu.dma_semaphore, #tpu.memory_space<semaphore_mem>>) src(%arg15 : memref<128x16xf32, #tpu.memory_space<vmem>>) dst(%dma_wait3A_341 : memref<10240x16xf32, #tpu.memory_space<vmem_shared>>)
      %add3A_342 = arith.constant 8 : i32
      %add3A_343 = arith.addi %mul3A_180, %add3A_342 : i32
      %add3A_344 = arith.constant 2 : i32
      %add3A_345 = arith.addi %add3A_343, %add3A_344 : i32
      %lt3A_346 = arith.constant 78 : i32
      %lt3A_347 = arith.cmpi slt, %add3A_345, %lt3A_346 : i32
      %convert_element_type3A_348 = arith.extui %lt3A_347 : i1 to i32
      %cond3A_349 = arith.constant 0 : i32
      %cond3A_350 = arith.cmpi ne, %convert_element_type3A_348, %cond3A_349 : i32
      scf.if %cond3A_350 {
        %add3A_426 = arith.constant 8 : i32
        %add3A_427 = arith.addi %mul3A_180, %add3A_426 : i32
        %add3A_428 = arith.constant 2 : i32
        %add3A_429 = arith.addi %add3A_427, %add3A_428 : i32
        %min3A = arith.constant 77 : i32
        %min3A_430 = arith.minsi %add3A_429, %min3A : i32
        %dma_start3A_431 = arith.constant 0 : i32
        %dma_start3A_432 = tpu.memref_slice %arg9[%min3A_430, %dma_start3A_431] : memref<78x128xi32, #tpu.memory_space<vmem>> -> memref<1x128xi32, #tpu.memory_space<vmem>>
        %dma_start3A_433 = tpu.memref_squeeze %dma_start3A_432 : memref<1x128xi32, #tpu.memory_space<vmem>> -> memref<128xi32, #tpu.memory_space<vmem>>
        %dma_start3A_434 = arith.constant 0 : i32
        %dma_start3A_435 = arith.constant 0 : i32
        %dma_start3A_436 = tpu.memref_slice %arg2[%dma_start3A_434, %dma_start3A_435] : memref<10240x16xf32, #tpu.memory_space<hbm>> -> memref<10240x16xf32, #tpu.memory_space<hbm>>
        tpu.enqueue_indirect_dma source(%dma_start3A_436 : memref<10240x16xf32, #tpu.memory_space<hbm>>) target(%arg15 : memref<128x16xf32, #tpu.memory_space<vmem>>) offsets(%dma_start3A_433 : memref<128xi32, #tpu.memory_space<vmem>>) semaphore(%arg24 : memref<!tpu.dma_semaphore, #tpu.memory_space<semaphore_mem>>)
      } else {
      }
      %dma_wait3A_351 = arith.constant 0 : i32
      %dma_wait3A_352 = tpu.memref_slice %arg10[%add3A_238, %dma_wait3A_351] : memref<78x128xi32, #tpu.memory_space<vmem>> -> memref<1x128xi32, #tpu.memory_space<vmem>>
      %dma_wait3A_353 = tpu.memref_squeeze %dma_wait3A_352 : memref<1x128xi32, #tpu.memory_space<vmem>> -> memref<128xi32, #tpu.memory_space<vmem>>
      %dma_wait3A_354 = arith.constant 0 : i32
      %dma_wait3A_355 = arith.constant 0 : i32
      %dma_wait3A_356 = tpu.memref_slice %arg38[%dma_wait3A_354, %dma_wait3A_355] : memref<10240x16xf32, #tpu.memory_space<vmem_shared>> -> memref<10240x16xf32, #tpu.memory_space<vmem_shared>>
      tpu.wait_indirect_dma semaphore(%arg33 : memref<!tpu.dma_semaphore, #tpu.memory_space<semaphore_mem>>) src(%arg16 : memref<128x16xf32, #tpu.memory_space<vmem>>) dst(%dma_wait3A_356 : memref<10240x16xf32, #tpu.memory_space<vmem_shared>>)
      %add3A_357 = arith.constant 8 : i32
      %add3A_358 = arith.addi %mul3A_180, %add3A_357 : i32
      %add3A_359 = arith.constant 3 : i32
      %add3A_360 = arith.addi %add3A_358, %add3A_359 : i32
      %lt3A_361 = arith.constant 78 : i32
      %lt3A_362 = arith.cmpi slt, %add3A_360, %lt3A_361 : i32
      %convert_element_type3A_363 = arith.extui %lt3A_362 : i1 to i32
      %cond3A_364 = arith.constant 0 : i32
      %cond3A_365 = arith.cmpi ne, %convert_element_type3A_363, %cond3A_364 : i32
      scf.if %cond3A_365 {
        %add3A_426 = arith.constant 8 : i32
        %add3A_427 = arith.addi %mul3A_180, %add3A_426 : i32
        %add3A_428 = arith.constant 3 : i32
        %add3A_429 = arith.addi %add3A_427, %add3A_428 : i32
        %min3A = arith.constant 77 : i32
        %min3A_430 = arith.minsi %add3A_429, %min3A : i32
        %dma_start3A_431 = arith.constant 0 : i32
        %dma_start3A_432 = tpu.memref_slice %arg9[%min3A_430, %dma_start3A_431] : memref<78x128xi32, #tpu.memory_space<vmem>> -> memref<1x128xi32, #tpu.memory_space<vmem>>
        %dma_start3A_433 = tpu.memref_squeeze %dma_start3A_432 : memref<1x128xi32, #tpu.memory_space<vmem>> -> memref<128xi32, #tpu.memory_space<vmem>>
        %dma_start3A_434 = arith.constant 0 : i32
        %dma_start3A_435 = arith.constant 0 : i32
        %dma_start3A_436 = tpu.memref_slice %arg2[%dma_start3A_434, %dma_start3A_435] : memref<10240x16xf32, #tpu.memory_space<hbm>> -> memref<10240x16xf32, #tpu.memory_space<hbm>>
        tpu.enqueue_indirect_dma source(%dma_start3A_436 : memref<10240x16xf32, #tpu.memory_space<hbm>>) target(%arg16 : memref<128x16xf32, #tpu.memory_space<vmem>>) offsets(%dma_start3A_433 : memref<128xi32, #tpu.memory_space<vmem>>) semaphore(%arg25 : memref<!tpu.dma_semaphore, #tpu.memory_space<semaphore_mem>>)
      } else {
      }
      %dma_wait3A_366 = arith.constant 0 : i32
      %dma_wait3A_367 = tpu.memref_slice %arg10[%add3A_254, %dma_wait3A_366] : memref<78x128xi32, #tpu.memory_space<vmem>> -> memref<1x128xi32, #tpu.memory_space<vmem>>
      %dma_wait3A_368 = tpu.memref_squeeze %dma_wait3A_367 : memref<1x128xi32, #tpu.memory_space<vmem>> -> memref<128xi32, #tpu.memory_space<vmem>>
      %dma_wait3A_369 = arith.constant 0 : i32
      %dma_wait3A_370 = arith.constant 0 : i32
      %dma_wait3A_371 = tpu.memref_slice %arg38[%dma_wait3A_369, %dma_wait3A_370] : memref<10240x16xf32, #tpu.memory_space<vmem_shared>> -> memref<10240x16xf32, #tpu.memory_space<vmem_shared>>
      tpu.wait_indirect_dma semaphore(%arg34 : memref<!tpu.dma_semaphore, #tpu.memory_space<semaphore_mem>>) src(%arg17 : memref<128x16xf32, #tpu.memory_space<vmem>>) dst(%dma_wait3A_371 : memref<10240x16xf32, #tpu.memory_space<vmem_shared>>)
      %add3A_372 = arith.constant 8 : i32
      %add3A_373 = arith.addi %mul3A_180, %add3A_372 : i32
      %add3A_374 = arith.constant 4 : i32
      %add3A_375 = arith.addi %add3A_373, %add3A_374 : i32
      %lt3A_376 = arith.constant 78 : i32
      %lt3A_377 = arith.cmpi slt, %add3A_375, %lt3A_376 : i32
      %convert_element_type3A_378 = arith.extui %lt3A_377 : i1 to i32
      %cond3A_379 = arith.constant 0 : i32
      %cond3A_380 = arith.cmpi ne, %convert_element_type3A_378, %cond3A_379 : i32
      scf.if %cond3A_380 {
        %add3A_426 = arith.constant 8 : i32
        %add3A_427 = arith.addi %mul3A_180, %add3A_426 : i32
        %add3A_428 = arith.constant 4 : i32
        %add3A_429 = arith.addi %add3A_427, %add3A_428 : i32
        %min3A = arith.constant 77 : i32
        %min3A_430 = arith.minsi %add3A_429, %min3A : i32
        %dma_start3A_431 = arith.constant 0 : i32
        %dma_start3A_432 = tpu.memref_slice %arg9[%min3A_430, %dma_start3A_431] : memref<78x128xi32, #tpu.memory_space<vmem>> -> memref<1x128xi32, #tpu.memory_space<vmem>>
        %dma_start3A_433 = tpu.memref_squeeze %dma_start3A_432 : memref<1x128xi32, #tpu.memory_space<vmem>> -> memref<128xi32, #tpu.memory_space<vmem>>
        %dma_start3A_434 = arith.constant 0 : i32
        %dma_start3A_435 = arith.constant 0 : i32
        %dma_start3A_436 = tpu.memref_slice %arg2[%dma_start3A_434, %dma_start3A_435] : memref<10240x16xf32, #tpu.memory_space<hbm>> -> memref<10240x16xf32, #tpu.memory_space<hbm>>
        tpu.enqueue_indirect_dma source(%dma_start3A_436 : memref<10240x16xf32, #tpu.memory_space<hbm>>) target(%arg17 : memref<128x16xf32, #tpu.memory_space<vmem>>) offsets(%dma_start3A_433 : memref<128xi32, #tpu.memory_space<vmem>>) semaphore(%arg26 : memref<!tpu.dma_semaphore, #tpu.memory_space<semaphore_mem>>)
      } else {
      }
      %dma_wait3A_381 = arith.constant 0 : i32
      %dma_wait3A_382 = tpu.memref_slice %arg10[%add3A_270, %dma_wait3A_381] : memref<78x128xi32, #tpu.memory_space<vmem>> -> memref<1x128xi32, #tpu.memory_space<vmem>>
      %dma_wait3A_383 = tpu.memref_squeeze %dma_wait3A_382 : memref<1x128xi32, #tpu.memory_space<vmem>> -> memref<128xi32, #tpu.memory_space<vmem>>
      %dma_wait3A_384 = arith.constant 0 : i32
      %dma_wait3A_385 = arith.constant 0 : i32
      %dma_wait3A_386 = tpu.memref_slice %arg38[%dma_wait3A_384, %dma_wait3A_385] : memref<10240x16xf32, #tpu.memory_space<vmem_shared>> -> memref<10240x16xf32, #tpu.memory_space<vmem_shared>>
      tpu.wait_indirect_dma semaphore(%arg35 : memref<!tpu.dma_semaphore, #tpu.memory_space<semaphore_mem>>) src(%arg18 : memref<128x16xf32, #tpu.memory_space<vmem>>) dst(%dma_wait3A_386 : memref<10240x16xf32, #tpu.memory_space<vmem_shared>>)
      %add3A_387 = arith.constant 8 : i32
      %add3A_388 = arith.addi %mul3A_180, %add3A_387 : i32
      %add3A_389 = arith.constant 5 : i32
      %add3A_390 = arith.addi %add3A_388, %add3A_389 : i32
      %lt3A_391 = arith.constant 78 : i32
      %lt3A_392 = arith.cmpi slt, %add3A_390, %lt3A_391 : i32
      %convert_element_type3A_393 = arith.extui %lt3A_392 : i1 to i32
      %cond3A_394 = arith.constant 0 : i32
      %cond3A_395 = arith.cmpi ne, %convert_element_type3A_393, %cond3A_394 : i32
      scf.if %cond3A_395 {
        %add3A_426 = arith.constant 8 : i32
        %add3A_427 = arith.addi %mul3A_180, %add3A_426 : i32
        %add3A_428 = arith.constant 5 : i32
        %add3A_429 = arith.addi %add3A_427, %add3A_428 : i32
        %min3A = arith.constant 77 : i32
        %min3A_430 = arith.minsi %add3A_429, %min3A : i32
        %dma_start3A_431 = arith.constant 0 : i32
        %dma_start3A_432 = tpu.memref_slice %arg9[%min3A_430, %dma_start3A_431] : memref<78x128xi32, #tpu.memory_space<vmem>> -> memref<1x128xi32, #tpu.memory_space<vmem>>
        %dma_start3A_433 = tpu.memref_squeeze %dma_start3A_432 : memref<1x128xi32, #tpu.memory_space<vmem>> -> memref<128xi32, #tpu.memory_space<vmem>>
        %dma_start3A_434 = arith.constant 0 : i32
        %dma_start3A_435 = arith.constant 0 : i32
        %dma_start3A_436 = tpu.memref_slice %arg2[%dma_start3A_434, %dma_start3A_435] : memref<10240x16xf32, #tpu.memory_space<hbm>> -> memref<10240x16xf32, #tpu.memory_space<hbm>>
        tpu.enqueue_indirect_dma source(%dma_start3A_436 : memref<10240x16xf32, #tpu.memory_space<hbm>>) target(%arg18 : memref<128x16xf32, #tpu.memory_space<vmem>>) offsets(%dma_start3A_433 : memref<128xi32, #tpu.memory_space<vmem>>) semaphore(%arg27 : memref<!tpu.dma_semaphore, #tpu.memory_space<semaphore_mem>>)
      } else {
      }
      %dma_wait3A_396 = arith.constant 0 : i32
      %dma_wait3A_397 = tpu.memref_slice %arg10[%add3A_286, %dma_wait3A_396] : memref<78x128xi32, #tpu.memory_space<vmem>> -> memref<1x128xi32, #tpu.memory_space<vmem>>
      %dma_wait3A_398 = tpu.memref_squeeze %dma_wait3A_397 : memref<1x128xi32, #tpu.memory_space<vmem>> -> memref<128xi32, #tpu.memory_space<vmem>>
      %dma_wait3A_399 = arith.constant 0 : i32
      %dma_wait3A_400 = arith.constant 0 : i32
      %dma_wait3A_401 = tpu.memref_slice %arg38[%dma_wait3A_399, %dma_wait3A_400] : memref<10240x16xf32, #tpu.memory_space<vmem_shared>> -> memref<10240x16xf32, #tpu.memory_space<vmem_shared>>
      tpu.wait_indirect_dma semaphore(%arg36 : memref<!tpu.dma_semaphore, #tpu.memory_space<semaphore_mem>>) src(%arg19 : memref<128x16xf32, #tpu.memory_space<vmem>>) dst(%dma_wait3A_401 : memref<10240x16xf32, #tpu.memory_space<vmem_shared>>)
      %add3A_402 = arith.constant 8 : i32
      %add3A_403 = arith.addi %mul3A_180, %add3A_402 : i32
      %add3A_404 = arith.constant 6 : i32
      %add3A_405 = arith.addi %add3A_403, %add3A_404 : i32
      %lt3A_406 = arith.constant 78 : i32
      %lt3A_407 = arith.cmpi slt, %add3A_405, %lt3A_406 : i32
      %convert_element_type3A_408 = arith.extui %lt3A_407 : i1 to i32
      %cond3A_409 = arith.constant 0 : i32
      %cond3A_410 = arith.cmpi ne, %convert_element_type3A_408, %cond3A_409 : i32
      scf.if %cond3A_410 {
        %add3A_426 = arith.constant 8 : i32
        %add3A_427 = arith.addi %mul3A_180, %add3A_426 : i32
        %add3A_428 = arith.constant 6 : i32
        %add3A_429 = arith.addi %add3A_427, %add3A_428 : i32
        %min3A = arith.constant 77 : i32
        %min3A_430 = arith.minsi %add3A_429, %min3A : i32
        %dma_start3A_431 = arith.constant 0 : i32
        %dma_start3A_432 = tpu.memref_slice %arg9[%min3A_430, %dma_start3A_431] : memref<78x128xi32, #tpu.memory_space<vmem>> -> memref<1x128xi32, #tpu.memory_space<vmem>>
        %dma_start3A_433 = tpu.memref_squeeze %dma_start3A_432 : memref<1x128xi32, #tpu.memory_space<vmem>> -> memref<128xi32, #tpu.memory_space<vmem>>
        %dma_start3A_434 = arith.constant 0 : i32
        %dma_start3A_435 = arith.constant 0 : i32
        %dma_start3A_436 = tpu.memref_slice %arg2[%dma_start3A_434, %dma_start3A_435] : memref<10240x16xf32, #tpu.memory_space<hbm>> -> memref<10240x16xf32, #tpu.memory_space<hbm>>
        tpu.enqueue_indirect_dma source(%dma_start3A_436 : memref<10240x16xf32, #tpu.memory_space<hbm>>) target(%arg19 : memref<128x16xf32, #tpu.memory_space<vmem>>) offsets(%dma_start3A_433 : memref<128xi32, #tpu.memory_space<vmem>>) semaphore(%arg28 : memref<!tpu.dma_semaphore, #tpu.memory_space<semaphore_mem>>)
      } else {
      }
      %dma_wait3A_411 = arith.constant 0 : i32
      %dma_wait3A_412 = tpu.memref_slice %arg10[%add3A_302, %dma_wait3A_411] : memref<78x128xi32, #tpu.memory_space<vmem>> -> memref<1x128xi32, #tpu.memory_space<vmem>>
      %dma_wait3A_413 = tpu.memref_squeeze %dma_wait3A_412 : memref<1x128xi32, #tpu.memory_space<vmem>> -> memref<128xi32, #tpu.memory_space<vmem>>
      %dma_wait3A_414 = arith.constant 0 : i32
      %dma_wait3A_415 = arith.constant 0 : i32
      %dma_wait3A_416 = tpu.memref_slice %arg38[%dma_wait3A_414, %dma_wait3A_415] : memref<10240x16xf32, #tpu.memory_space<vmem_shared>> -> memref<10240x16xf32, #tpu.memory_space<vmem_shared>>
      tpu.wait_indirect_dma semaphore(%arg37 : memref<!tpu.dma_semaphore, #tpu.memory_space<semaphore_mem>>) src(%arg20 : memref<128x16xf32, #tpu.memory_space<vmem>>) dst(%dma_wait3A_416 : memref<10240x16xf32, #tpu.memory_space<vmem_shared>>)
      %add3A_417 = arith.constant 8 : i32
      %add3A_418 = arith.addi %mul3A_180, %add3A_417 : i32
      %add3A_419 = arith.constant 7 : i32
      %add3A_420 = arith.addi %add3A_418, %add3A_419 : i32
      %lt3A_421 = arith.constant 78 : i32
      %lt3A_422 = arith.cmpi slt, %add3A_420, %lt3A_421 : i32
      %convert_element_type3A_423 = arith.extui %lt3A_422 : i1 to i32
      %cond3A_424 = arith.constant 0 : i32
      %cond3A_425 = arith.cmpi ne, %convert_element_type3A_423, %cond3A_424 : i32
      scf.if %cond3A_425 {
        %add3A_426 = arith.constant 8 : i32
        %add3A_427 = arith.addi %mul3A_180, %add3A_426 : i32
        %add3A_428 = arith.constant 7 : i32
        %add3A_429 = arith.addi %add3A_427, %add3A_428 : i32
        %min3A = arith.constant 77 : i32
        %min3A_430 = arith.minsi %add3A_429, %min3A : i32
        %dma_start3A_431 = arith.constant 0 : i32
        %dma_start3A_432 = tpu.memref_slice %arg9[%min3A_430, %dma_start3A_431] : memref<78x128xi32, #tpu.memory_space<vmem>> -> memref<1x128xi32, #tpu.memory_space<vmem>>
        %dma_start3A_433 = tpu.memref_squeeze %dma_start3A_432 : memref<1x128xi32, #tpu.memory_space<vmem>> -> memref<128xi32, #tpu.memory_space<vmem>>
        %dma_start3A_434 = arith.constant 0 : i32
        %dma_start3A_435 = arith.constant 0 : i32
        %dma_start3A_436 = tpu.memref_slice %arg2[%dma_start3A_434, %dma_start3A_435] : memref<10240x16xf32, #tpu.memory_space<hbm>> -> memref<10240x16xf32, #tpu.memory_space<hbm>>
        tpu.enqueue_indirect_dma source(%dma_start3A_436 : memref<10240x16xf32, #tpu.memory_space<hbm>>) target(%arg20 : memref<128x16xf32, #tpu.memory_space<vmem>>) offsets(%dma_start3A_433 : memref<128xi32, #tpu.memory_space<vmem>>) semaphore(%arg29 : memref<!tpu.dma_semaphore, #tpu.memory_space<semaphore_mem>>)
      } else {
      }
    }
    %scan3A_119 = arith.constant 9 : i32
    %dma_wait3A_120 = arith.constant 72 : i32
    %dma_wait3A_121 = arith.constant 0 : i32
    %dma_wait3A_122 = tpu.memref_slice %arg9[%dma_wait3A_120, %dma_wait3A_121] : memref<78x128xi32, #tpu.memory_space<vmem>> -> memref<1x128xi32, #tpu.memory_space<vmem>>
    %dma_wait3A_123 = tpu.memref_squeeze %dma_wait3A_122 : memref<1x128xi32, #tpu.memory_space<vmem>> -> memref<128xi32, #tpu.memory_space<vmem>>
    %dma_wait3A_124 = arith.constant 0 : i32
    %dma_wait3A_125 = arith.constant 0 : i32
    %dma_wait3A_126 = tpu.memref_slice %arg2[%dma_wait3A_124, %dma_wait3A_125] : memref<10240x16xf32, #tpu.memory_space<hbm>> -> memref<10240x16xf32, #tpu.memory_space<hbm>>
    tpu.wait_indirect_dma semaphore(%arg22 : memref<!tpu.dma_semaphore, #tpu.memory_space<semaphore_mem>>) src(%dma_wait3A_126 : memref<10240x16xf32, #tpu.memory_space<hbm>>) dst(%arg13 : memref<128x16xf32, #tpu.memory_space<vmem>>)
    %run_scoped3A = arith.constant 72 : i32
    "tpu.region"() ({
      %run_scoped3A_178 = tpu.sem_alloc : memref<!tpu.dma_semaphore, #tpu.memory_space<semaphore_mem>>
      %dma_start3A_179 = arith.constant 0 : i32
      %dma_start3A_180 = tpu.memref_slice %arg10[%run_scoped3A, %dma_start3A_179] : memref<78x128xi32, #tpu.memory_space<vmem>> -> memref<1x128xi32, #tpu.memory_space<vmem>>
      %dma_start3A_181 = tpu.memref_squeeze %dma_start3A_180 : memref<1x128xi32, #tpu.memory_space<vmem>> -> memref<128xi32, #tpu.memory_space<vmem>>
      %dma_start3A_182 = arith.constant 0 : i32
      %dma_start3A_183 = arith.constant 0 : i32
      %dma_start3A_184 = tpu.memref_slice %arg38[%dma_start3A_182, %dma_start3A_183] : memref<10240x16xf32, #tpu.memory_space<vmem_shared>> -> memref<10240x16xf32, #tpu.memory_space<vmem_shared>>
      tpu.enqueue_indirect_dma source(%arg13 : memref<128x16xf32, #tpu.memory_space<vmem>>) target(%dma_start3A_184 : memref<10240x16xf32, #tpu.memory_space<vmem_shared>>) offsets(%dma_start3A_181 : memref<128xi32, #tpu.memory_space<vmem>>) semaphore(%run_scoped3A_178 : memref<!tpu.dma_semaphore, #tpu.memory_space<semaphore_mem>>) {add = true}
      %dma_wait3A_185 = arith.constant 0 : i32
      %dma_wait3A_186 = tpu.memref_slice %arg10[%run_scoped3A, %dma_wait3A_185] : memref<78x128xi32, #tpu.memory_space<vmem>> -> memref<1x128xi32, #tpu.memory_space<vmem>>
      %dma_wait3A_187 = tpu.memref_squeeze %dma_wait3A_186 : memref<1x128xi32, #tpu.memory_space<vmem>> -> memref<128xi32, #tpu.memory_space<vmem>>
      %dma_wait3A_188 = arith.constant 0 : i32
      %dma_wait3A_189 = arith.constant 0 : i32
      %dma_wait3A_190 = tpu.memref_slice %arg38[%dma_wait3A_188, %dma_wait3A_189] : memref<10240x16xf32, #tpu.memory_space<vmem_shared>> -> memref<10240x16xf32, #tpu.memory_space<vmem_shared>>
      tpu.wait_indirect_dma semaphore(%run_scoped3A_178 : memref<!tpu.dma_semaphore, #tpu.memory_space<semaphore_mem>>) src(%arg13 : memref<128x16xf32, #tpu.memory_space<vmem>>) dst(%dma_wait3A_190 : memref<10240x16xf32, #tpu.memory_space<vmem_shared>>)
      tpu.yield
    }) : () -> ()
    %dma_wait3A_127 = arith.constant 73 : i32
    %dma_wait3A_128 = arith.constant 0 : i32
    %dma_wait3A_129 = tpu.memref_slice %arg9[%dma_wait3A_127, %dma_wait3A_128] : memref<78x128xi32, #tpu.memory_space<vmem>> -> memref<1x128xi32, #tpu.memory_space<vmem>>
    %dma_wait3A_130 = tpu.memref_squeeze %dma_wait3A_129 : memref<1x128xi32, #tpu.memory_space<vmem>> -> memref<128xi32, #tpu.memory_space<vmem>>
    %dma_wait3A_131 = arith.constant 0 : i32
    %dma_wait3A_132 = arith.constant 0 : i32
    %dma_wait3A_133 = tpu.memref_slice %arg2[%dma_wait3A_131, %dma_wait3A_132] : memref<10240x16xf32, #tpu.memory_space<hbm>> -> memref<10240x16xf32, #tpu.memory_space<hbm>>
    tpu.wait_indirect_dma semaphore(%arg23 : memref<!tpu.dma_semaphore, #tpu.memory_space<semaphore_mem>>) src(%dma_wait3A_133 : memref<10240x16xf32, #tpu.memory_space<hbm>>) dst(%arg14 : memref<128x16xf32, #tpu.memory_space<vmem>>)
    %run_scoped3A_134 = arith.constant 73 : i32
    "tpu.region"() ({
      %run_scoped3A_178 = tpu.sem_alloc : memref<!tpu.dma_semaphore, #tpu.memory_space<semaphore_mem>>
      %dma_start3A_179 = arith.constant 0 : i32
      %dma_start3A_180 = tpu.memref_slice %arg10[%run_scoped3A_134, %dma_start3A_179] : memref<78x128xi32, #tpu.memory_space<vmem>> -> memref<1x128xi32, #tpu.memory_space<vmem>>
      %dma_start3A_181 = tpu.memref_squeeze %dma_start3A_180 : memref<1x128xi32, #tpu.memory_space<vmem>> -> memref<128xi32, #tpu.memory_space<vmem>>
      %dma_start3A_182 = arith.constant 0 : i32
      %dma_start3A_183 = arith.constant 0 : i32
      %dma_start3A_184 = tpu.memref_slice %arg38[%dma_start3A_182, %dma_start3A_183] : memref<10240x16xf32, #tpu.memory_space<vmem_shared>> -> memref<10240x16xf32, #tpu.memory_space<vmem_shared>>
      tpu.enqueue_indirect_dma source(%arg14 : memref<128x16xf32, #tpu.memory_space<vmem>>) target(%dma_start3A_184 : memref<10240x16xf32, #tpu.memory_space<vmem_shared>>) offsets(%dma_start3A_181 : memref<128xi32, #tpu.memory_space<vmem>>) semaphore(%run_scoped3A_178 : memref<!tpu.dma_semaphore, #tpu.memory_space<semaphore_mem>>) {add = true}
      %dma_wait3A_185 = arith.constant 0 : i32
      %dma_wait3A_186 = tpu.memref_slice %arg10[%run_scoped3A_134, %dma_wait3A_185] : memref<78x128xi32, #tpu.memory_space<vmem>> -> memref<1x128xi32, #tpu.memory_space<vmem>>
      %dma_wait3A_187 = tpu.memref_squeeze %dma_wait3A_186 : memref<1x128xi32, #tpu.memory_space<vmem>> -> memref<128xi32, #tpu.memory_space<vmem>>
      %dma_wait3A_188 = arith.constant 0 : i32
      %dma_wait3A_189 = arith.constant 0 : i32
      %dma_wait3A_190 = tpu.memref_slice %arg38[%dma_wait3A_188, %dma_wait3A_189] : memref<10240x16xf32, #tpu.memory_space<vmem_shared>> -> memref<10240x16xf32, #tpu.memory_space<vmem_shared>>
      tpu.wait_indirect_dma semaphore(%run_scoped3A_178 : memref<!tpu.dma_semaphore, #tpu.memory_space<semaphore_mem>>) src(%arg14 : memref<128x16xf32, #tpu.memory_space<vmem>>) dst(%dma_wait3A_190 : memref<10240x16xf32, #tpu.memory_space<vmem_shared>>)
      tpu.yield
    }) : () -> ()
    %dma_wait3A_135 = arith.constant 74 : i32
    %dma_wait3A_136 = arith.constant 0 : i32
    %dma_wait3A_137 = tpu.memref_slice %arg9[%dma_wait3A_135, %dma_wait3A_136] : memref<78x128xi32, #tpu.memory_space<vmem>> -> memref<1x128xi32, #tpu.memory_space<vmem>>
    %dma_wait3A_138 = tpu.memref_squeeze %dma_wait3A_137 : memref<1x128xi32, #tpu.memory_space<vmem>> -> memref<128xi32, #tpu.memory_space<vmem>>
    %dma_wait3A_139 = arith.constant 0 : i32
    %dma_wait3A_140 = arith.constant 0 : i32
    %dma_wait3A_141 = tpu.memref_slice %arg2[%dma_wait3A_139, %dma_wait3A_140] : memref<10240x16xf32, #tpu.memory_space<hbm>> -> memref<10240x16xf32, #tpu.memory_space<hbm>>
    tpu.wait_indirect_dma semaphore(%arg24 : memref<!tpu.dma_semaphore, #tpu.memory_space<semaphore_mem>>) src(%dma_wait3A_141 : memref<10240x16xf32, #tpu.memory_space<hbm>>) dst(%arg15 : memref<128x16xf32, #tpu.memory_space<vmem>>)
    %run_scoped3A_142 = arith.constant 74 : i32
    "tpu.region"() ({
      %run_scoped3A_178 = tpu.sem_alloc : memref<!tpu.dma_semaphore, #tpu.memory_space<semaphore_mem>>
      %dma_start3A_179 = arith.constant 0 : i32
      %dma_start3A_180 = tpu.memref_slice %arg10[%run_scoped3A_142, %dma_start3A_179] : memref<78x128xi32, #tpu.memory_space<vmem>> -> memref<1x128xi32, #tpu.memory_space<vmem>>
      %dma_start3A_181 = tpu.memref_squeeze %dma_start3A_180 : memref<1x128xi32, #tpu.memory_space<vmem>> -> memref<128xi32, #tpu.memory_space<vmem>>
      %dma_start3A_182 = arith.constant 0 : i32
      %dma_start3A_183 = arith.constant 0 : i32
      %dma_start3A_184 = tpu.memref_slice %arg38[%dma_start3A_182, %dma_start3A_183] : memref<10240x16xf32, #tpu.memory_space<vmem_shared>> -> memref<10240x16xf32, #tpu.memory_space<vmem_shared>>
      tpu.enqueue_indirect_dma source(%arg15 : memref<128x16xf32, #tpu.memory_space<vmem>>) target(%dma_start3A_184 : memref<10240x16xf32, #tpu.memory_space<vmem_shared>>) offsets(%dma_start3A_181 : memref<128xi32, #tpu.memory_space<vmem>>) semaphore(%run_scoped3A_178 : memref<!tpu.dma_semaphore, #tpu.memory_space<semaphore_mem>>) {add = true}
      %dma_wait3A_185 = arith.constant 0 : i32
      %dma_wait3A_186 = tpu.memref_slice %arg10[%run_scoped3A_142, %dma_wait3A_185] : memref<78x128xi32, #tpu.memory_space<vmem>> -> memref<1x128xi32, #tpu.memory_space<vmem>>
      %dma_wait3A_187 = tpu.memref_squeeze %dma_wait3A_186 : memref<1x128xi32, #tpu.memory_space<vmem>> -> memref<128xi32, #tpu.memory_space<vmem>>
      %dma_wait3A_188 = arith.constant 0 : i32
      %dma_wait3A_189 = arith.constant 0 : i32
      %dma_wait3A_190 = tpu.memref_slice %arg38[%dma_wait3A_188, %dma_wait3A_189] : memref<10240x16xf32, #tpu.memory_space<vmem_shared>> -> memref<10240x16xf32, #tpu.memory_space<vmem_shared>>
      tpu.wait_indirect_dma semaphore(%run_scoped3A_178 : memref<!tpu.dma_semaphore, #tpu.memory_space<semaphore_mem>>) src(%arg15 : memref<128x16xf32, #tpu.memory_space<vmem>>) dst(%dma_wait3A_190 : memref<10240x16xf32, #tpu.memory_space<vmem_shared>>)
      tpu.yield
    }) : () -> ()
    %dma_wait3A_143 = arith.constant 75 : i32
    %dma_wait3A_144 = arith.constant 0 : i32
    %dma_wait3A_145 = tpu.memref_slice %arg9[%dma_wait3A_143, %dma_wait3A_144] : memref<78x128xi32, #tpu.memory_space<vmem>> -> memref<1x128xi32, #tpu.memory_space<vmem>>
    %dma_wait3A_146 = tpu.memref_squeeze %dma_wait3A_145 : memref<1x128xi32, #tpu.memory_space<vmem>> -> memref<128xi32, #tpu.memory_space<vmem>>
    %dma_wait3A_147 = arith.constant 0 : i32
    %dma_wait3A_148 = arith.constant 0 : i32
    %dma_wait3A_149 = tpu.memref_slice %arg2[%dma_wait3A_147, %dma_wait3A_148] : memref<10240x16xf32, #tpu.memory_space<hbm>> -> memref<10240x16xf32, #tpu.memory_space<hbm>>
    tpu.wait_indirect_dma semaphore(%arg25 : memref<!tpu.dma_semaphore, #tpu.memory_space<semaphore_mem>>) src(%dma_wait3A_149 : memref<10240x16xf32, #tpu.memory_space<hbm>>) dst(%arg16 : memref<128x16xf32, #tpu.memory_space<vmem>>)
    %run_scoped3A_150 = arith.constant 75 : i32
    "tpu.region"() ({
      %run_scoped3A_178 = tpu.sem_alloc : memref<!tpu.dma_semaphore, #tpu.memory_space<semaphore_mem>>
      %dma_start3A_179 = arith.constant 0 : i32
      %dma_start3A_180 = tpu.memref_slice %arg10[%run_scoped3A_150, %dma_start3A_179] : memref<78x128xi32, #tpu.memory_space<vmem>> -> memref<1x128xi32, #tpu.memory_space<vmem>>
      %dma_start3A_181 = tpu.memref_squeeze %dma_start3A_180 : memref<1x128xi32, #tpu.memory_space<vmem>> -> memref<128xi32, #tpu.memory_space<vmem>>
      %dma_start3A_182 = arith.constant 0 : i32
      %dma_start3A_183 = arith.constant 0 : i32
      %dma_start3A_184 = tpu.memref_slice %arg38[%dma_start3A_182, %dma_start3A_183] : memref<10240x16xf32, #tpu.memory_space<vmem_shared>> -> memref<10240x16xf32, #tpu.memory_space<vmem_shared>>
      tpu.enqueue_indirect_dma source(%arg16 : memref<128x16xf32, #tpu.memory_space<vmem>>) target(%dma_start3A_184 : memref<10240x16xf32, #tpu.memory_space<vmem_shared>>) offsets(%dma_start3A_181 : memref<128xi32, #tpu.memory_space<vmem>>) semaphore(%run_scoped3A_178 : memref<!tpu.dma_semaphore, #tpu.memory_space<semaphore_mem>>) {add = true}
      %dma_wait3A_185 = arith.constant 0 : i32
      %dma_wait3A_186 = tpu.memref_slice %arg10[%run_scoped3A_150, %dma_wait3A_185] : memref<78x128xi32, #tpu.memory_space<vmem>> -> memref<1x128xi32, #tpu.memory_space<vmem>>
      %dma_wait3A_187 = tpu.memref_squeeze %dma_wait3A_186 : memref<1x128xi32, #tpu.memory_space<vmem>> -> memref<128xi32, #tpu.memory_space<vmem>>
      %dma_wait3A_188 = arith.constant 0 : i32
      %dma_wait3A_189 = arith.constant 0 : i32
      %dma_wait3A_190 = tpu.memref_slice %arg38[%dma_wait3A_188, %dma_wait3A_189] : memref<10240x16xf32, #tpu.memory_space<vmem_shared>> -> memref<10240x16xf32, #tpu.memory_space<vmem_shared>>
      tpu.wait_indirect_dma semaphore(%run_scoped3A_178 : memref<!tpu.dma_semaphore, #tpu.memory_space<semaphore_mem>>) src(%arg16 : memref<128x16xf32, #tpu.memory_space<vmem>>) dst(%dma_wait3A_190 : memref<10240x16xf32, #tpu.memory_space<vmem_shared>>)
      tpu.yield
    }) : () -> ()
    %dma_wait3A_151 = arith.constant 76 : i32
    %dma_wait3A_152 = arith.constant 0 : i32
    %dma_wait3A_153 = tpu.memref_slice %arg9[%dma_wait3A_151, %dma_wait3A_152] : memref<78x128xi32, #tpu.memory_space<vmem>> -> memref<1x128xi32, #tpu.memory_space<vmem>>
    %dma_wait3A_154 = tpu.memref_squeeze %dma_wait3A_153 : memref<1x128xi32, #tpu.memory_space<vmem>> -> memref<128xi32, #tpu.memory_space<vmem>>
    %dma_wait3A_155 = arith.constant 0 : i32
    %dma_wait3A_156 = arith.constant 0 : i32
    %dma_wait3A_157 = tpu.memref_slice %arg2[%dma_wait3A_155, %dma_wait3A_156] : memref<10240x16xf32, #tpu.memory_space<hbm>> -> memref<10240x16xf32, #tpu.memory_space<hbm>>
    tpu.wait_indirect_dma semaphore(%arg26 : memref<!tpu.dma_semaphore, #tpu.memory_space<semaphore_mem>>) src(%dma_wait3A_157 : memref<10240x16xf32, #tpu.memory_space<hbm>>) dst(%arg17 : memref<128x16xf32, #tpu.memory_space<vmem>>)
    %run_scoped3A_158 = arith.constant 76 : i32
    "tpu.region"() ({
      %run_scoped3A_178 = tpu.sem_alloc : memref<!tpu.dma_semaphore, #tpu.memory_space<semaphore_mem>>
      %dma_start3A_179 = arith.constant 0 : i32
      %dma_start3A_180 = tpu.memref_slice %arg10[%run_scoped3A_158, %dma_start3A_179] : memref<78x128xi32, #tpu.memory_space<vmem>> -> memref<1x128xi32, #tpu.memory_space<vmem>>
      %dma_start3A_181 = tpu.memref_squeeze %dma_start3A_180 : memref<1x128xi32, #tpu.memory_space<vmem>> -> memref<128xi32, #tpu.memory_space<vmem>>
      %dma_start3A_182 = arith.constant 0 : i32
      %dma_start3A_183 = arith.constant 0 : i32
      %dma_start3A_184 = tpu.memref_slice %arg38[%dma_start3A_182, %dma_start3A_183] : memref<10240x16xf32, #tpu.memory_space<vmem_shared>> -> memref<10240x16xf32, #tpu.memory_space<vmem_shared>>
      tpu.enqueue_indirect_dma source(%arg17 : memref<128x16xf32, #tpu.memory_space<vmem>>) target(%dma_start3A_184 : memref<10240x16xf32, #tpu.memory_space<vmem_shared>>) offsets(%dma_start3A_181 : memref<128xi32, #tpu.memory_space<vmem>>) semaphore(%run_scoped3A_178 : memref<!tpu.dma_semaphore, #tpu.memory_space<semaphore_mem>>) {add = true}
      %dma_wait3A_185 = arith.constant 0 : i32
      %dma_wait3A_186 = tpu.memref_slice %arg10[%run_scoped3A_158, %dma_wait3A_185] : memref<78x128xi32, #tpu.memory_space<vmem>> -> memref<1x128xi32, #tpu.memory_space<vmem>>
      %dma_wait3A_187 = tpu.memref_squeeze %dma_wait3A_186 : memref<1x128xi32, #tpu.memory_space<vmem>> -> memref<128xi32, #tpu.memory_space<vmem>>
      %dma_wait3A_188 = arith.constant 0 : i32
      %dma_wait3A_189 = arith.constant 0 : i32
      %dma_wait3A_190 = tpu.memref_slice %arg38[%dma_wait3A_188, %dma_wait3A_189] : memref<10240x16xf32, #tpu.memory_space<vmem_shared>> -> memref<10240x16xf32, #tpu.memory_space<vmem_shared>>
      tpu.wait_indirect_dma semaphore(%run_scoped3A_178 : memref<!tpu.dma_semaphore, #tpu.memory_space<semaphore_mem>>) src(%arg17 : memref<128x16xf32, #tpu.memory_space<vmem>>) dst(%dma_wait3A_190 : memref<10240x16xf32, #tpu.memory_space<vmem_shared>>)
      tpu.yield
    }) : () -> ()
    %dma_wait3A_159 = arith.constant 77 : i32
    %dma_wait3A_160 = arith.constant 0 : i32
    %dma_wait3A_161 = tpu.memref_slice %arg9[%dma_wait3A_159, %dma_wait3A_160] : memref<78x128xi32, #tpu.memory_space<vmem>> -> memref<1x128xi32, #tpu.memory_space<vmem>>
    %dma_wait3A_162 = tpu.memref_squeeze %dma_wait3A_161 : memref<1x128xi32, #tpu.memory_space<vmem>> -> memref<128xi32, #tpu.memory_space<vmem>>
    %dma_wait3A_163 = arith.constant 0 : i32
    %dma_wait3A_164 = arith.constant 0 : i32
    %dma_wait3A_165 = tpu.memref_slice %arg2[%dma_wait3A_163, %dma_wait3A_164] : memref<10240x16xf32, #tpu.memory_space<hbm>> -> memref<10240x16xf32, #tpu.memory_space<hbm>>
    tpu.wait_indirect_dma semaphore(%arg27 : memref<!tpu.dma_semaphore, #tpu.memory_space<semaphore_mem>>) src(%dma_wait3A_165 : memref<10240x16xf32, #tpu.memory_space<hbm>>) dst(%arg18 : memref<128x16xf32, #tpu.memory_space<vmem>>)
    %run_scoped3A_166 = arith.constant 77 : i32
    "tpu.region"() ({
      %run_scoped3A_178 = tpu.sem_alloc : memref<!tpu.dma_semaphore, #tpu.memory_space<semaphore_mem>>
      %dma_start3A_179 = arith.constant 0 : i32
      %dma_start3A_180 = tpu.memref_slice %arg10[%run_scoped3A_166, %dma_start3A_179] : memref<78x128xi32, #tpu.memory_space<vmem>> -> memref<1x128xi32, #tpu.memory_space<vmem>>
      %dma_start3A_181 = tpu.memref_squeeze %dma_start3A_180 : memref<1x128xi32, #tpu.memory_space<vmem>> -> memref<128xi32, #tpu.memory_space<vmem>>
      %dma_start3A_182 = arith.constant 0 : i32
      %dma_start3A_183 = arith.constant 0 : i32
      %dma_start3A_184 = tpu.memref_slice %arg38[%dma_start3A_182, %dma_start3A_183] : memref<10240x16xf32, #tpu.memory_space<vmem_shared>> -> memref<10240x16xf32, #tpu.memory_space<vmem_shared>>
      tpu.enqueue_indirect_dma source(%arg18 : memref<128x16xf32, #tpu.memory_space<vmem>>) target(%dma_start3A_184 : memref<10240x16xf32, #tpu.memory_space<vmem_shared>>) offsets(%dma_start3A_181 : memref<128xi32, #tpu.memory_space<vmem>>) semaphore(%run_scoped3A_178 : memref<!tpu.dma_semaphore, #tpu.memory_space<semaphore_mem>>) {add = true}
      %dma_wait3A_185 = arith.constant 0 : i32
      %dma_wait3A_186 = tpu.memref_slice %arg10[%run_scoped3A_166, %dma_wait3A_185] : memref<78x128xi32, #tpu.memory_space<vmem>> -> memref<1x128xi32, #tpu.memory_space<vmem>>
      %dma_wait3A_187 = tpu.memref_squeeze %dma_wait3A_186 : memref<1x128xi32, #tpu.memory_space<vmem>> -> memref<128xi32, #tpu.memory_space<vmem>>
      %dma_wait3A_188 = arith.constant 0 : i32
      %dma_wait3A_189 = arith.constant 0 : i32
      %dma_wait3A_190 = tpu.memref_slice %arg38[%dma_wait3A_188, %dma_wait3A_189] : memref<10240x16xf32, #tpu.memory_space<vmem_shared>> -> memref<10240x16xf32, #tpu.memory_space<vmem_shared>>
      tpu.wait_indirect_dma semaphore(%run_scoped3A_178 : memref<!tpu.dma_semaphore, #tpu.memory_space<semaphore_mem>>) src(%arg18 : memref<128x16xf32, #tpu.memory_space<vmem>>) dst(%dma_wait3A_190 : memref<10240x16xf32, #tpu.memory_space<vmem_shared>>)
      tpu.yield
    }) : () -> ()
    %dma_start3A_167 = arith.constant 0 : i32
    %dma_start3A_168 = arith.constant 0 : i32
    %dma_start3A_169 = tpu.memref_slice %arg2[%dma_start3A_167, %dma_start3A_168] : memref<10240x16xf32, #tpu.memory_space<hbm>> -> memref<10240x16xf32, #tpu.memory_space<hbm>>
    tpu.enqueue_indirect_dma source(%dma_start3A_169 : memref<10240x16xf32, #tpu.memory_space<hbm>>) target(%arg21 : memref<16x16xf32, #tpu.memory_space<vmem>>) offsets(%arg11 : memref<16xi32, #tpu.memory_space<vmem>>) semaphore(%arg22 : memref<!tpu.dma_semaphore, #tpu.memory_space<semaphore_mem>>)
    %dma_wait3A_170 = arith.constant 0 : i32
    %dma_wait3A_171 = arith.constant 0 : i32
    %dma_wait3A_172 = tpu.memref_slice %arg2[%dma_wait3A_170, %dma_wait3A_171] : memref<10240x16xf32, #tpu.memory_space<hbm>> -> memref<10240x16xf32, #tpu.memory_space<hbm>>
    tpu.wait_indirect_dma semaphore(%arg22 : memref<!tpu.dma_semaphore, #tpu.memory_space<semaphore_mem>>) src(%dma_wait3A_172 : memref<10240x16xf32, #tpu.memory_space<hbm>>) dst(%arg21 : memref<16x16xf32, #tpu.memory_space<vmem>>)
    "tpu.region"() ({
      %run_scoped3A_178 = tpu.sem_alloc : memref<!tpu.dma_semaphore, #tpu.memory_space<semaphore_mem>>
      %dma_start3A_179 = arith.constant 0 : i32
      %dma_start3A_180 = arith.constant 0 : i32
      %dma_start3A_181 = tpu.memref_slice %arg38[%dma_start3A_179, %dma_start3A_180] : memref<10240x16xf32, #tpu.memory_space<vmem_shared>> -> memref<10240x16xf32, #tpu.memory_space<vmem_shared>>
      tpu.enqueue_indirect_dma source(%arg21 : memref<16x16xf32, #tpu.memory_space<vmem>>) target(%dma_start3A_181 : memref<10240x16xf32, #tpu.memory_space<vmem_shared>>) offsets(%arg12 : memref<16xi32, #tpu.memory_space<vmem>>) semaphore(%run_scoped3A_178 : memref<!tpu.dma_semaphore, #tpu.memory_space<semaphore_mem>>) {add = true}
      %dma_wait3A_182 = arith.constant 0 : i32
      %dma_wait3A_183 = arith.constant 0 : i32
      %dma_wait3A_184 = tpu.memref_slice %arg38[%dma_wait3A_182, %dma_wait3A_183] : memref<10240x16xf32, #tpu.memory_space<vmem_shared>> -> memref<10240x16xf32, #tpu.memory_space<vmem_shared>>
      tpu.wait_indirect_dma semaphore(%run_scoped3A_178 : memref<!tpu.dma_semaphore, #tpu.memory_space<semaphore_mem>>) src(%arg21 : memref<16x16xf32, #tpu.memory_space<vmem>>) dst(%dma_wait3A_184 : memref<10240x16xf32, #tpu.memory_space<vmem_shared>>)
      tpu.yield
    }) : () -> ()
    %barrier3A_173 = arith.constant 0 : index
    tpu.barrier barrier_id(%barrier3A_173)
    %mul3A_174 = arith.constant 640 : i32
    %mul3A_175 = arith.muli %arg1, %mul3A_174 : i32
    %mul3A_176 = arith.constant 640 : i32
    %mul3A_177 = arith.muli %arg1, %mul3A_176 : i32
    "tpu.region"() ({
      %run_scoped3A_178 = tpu.sem_alloc : memref<!tpu.dma_semaphore, #tpu.memory_space<semaphore_mem>>
      %dma_start3A_179 = arith.constant 0 : i32
      %dma_start3A_180 = tpu.memref_slice %arg8[%arg0, %mul3A_177, %dma_start3A_179] : memref<2x10240x16xf32, #tpu.memory_space<hbm>> -> memref<1x640x16xf32, #tpu.memory_space<hbm>>
      %dma_start3A_181 = tpu.memref_squeeze %dma_start3A_180 : memref<1x640x16xf32, #tpu.memory_space<hbm>> -> memref<640x16xf32, #tpu.memory_space<hbm>>
      %dma_start3A_182 = arith.constant 0 : i32
      %dma_start3A_183 = tpu.memref_slice %arg38[%mul3A_175, %dma_start3A_182] : memref<10240x16xf32, #tpu.memory_space<vmem_shared>> -> memref<640x16xf32, #tpu.memory_space<vmem_shared>>
      tpu.enqueue_dma source(%dma_start3A_183 : memref<640x16xf32, #tpu.memory_space<vmem_shared>>) target(%dma_start3A_181 : memref<640x16xf32, #tpu.memory_space<hbm>>) target_semaphore(%run_scoped3A_178 : memref<!tpu.dma_semaphore, #tpu.memory_space<semaphore_mem>>)
      %dma_wait3A_184 = arith.constant 0 : i32
      %dma_wait3A_185 = tpu.memref_slice %arg8[%arg0, %mul3A_177, %dma_wait3A_184] : memref<2x10240x16xf32, #tpu.memory_space<hbm>> -> memref<1x640x16xf32, #tpu.memory_space<hbm>>
      %dma_wait3A_186 = tpu.memref_squeeze %dma_wait3A_185 : memref<1x640x16xf32, #tpu.memory_space<hbm>> -> memref<640x16xf32, #tpu.memory_space<hbm>>
      %dma_wait3A_187 = arith.constant 0 : i32
      %dma_wait3A_188 = tpu.memref_slice %arg38[%mul3A_175, %dma_wait3A_187] : memref<10240x16xf32, #tpu.memory_space<vmem_shared>> -> memref<640x16xf32, #tpu.memory_space<vmem_shared>>
      tpu.wait_dma2 semaphore(%run_scoped3A_178 : memref<!tpu.dma_semaphore, #tpu.memory_space<semaphore_mem>>) src(%dma_wait3A_188 : memref<640x16xf32, #tpu.memory_space<vmem_shared>>) dst(%dma_wait3A_186 : memref<640x16xf32, #tpu.memory_space<hbm>>)
      tpu.yield
    }) : () -> ()
    return
  }
}

module attributes {stable_mosaic.version = 14 : i64} {
  func.func @_tc_headmm_body(%arg0: memref<10000x128xf32, #tpu.memory_space<vmem>>, %arg1: memref<128x128xf32, #tpu.memory_space<vmem>>, %arg2: memref<8x128xf32, #tpu.memory_space<vmem>>, %arg3: memref<1280x128xf32, #tpu.memory_space<vmem>>) attributes {dimension_semantics = [], scalar_prefetch = 0 : i64, scratch_operands = 0 : i64, tpu.core_type = #tpu.core_type<tc>} {
    %get3A = arith.constant 0 : index
    %get3A_0 = arith.constant 0 : index
    %get3A_1 = vector.load %arg0[%get3A, %get3A_0] : memref<10000x128xf32, #tpu.memory_space<vmem>>, vector<10000x128xf32>
    %get3A_2 = arith.constant 0 : index
    %get3A_3 = arith.constant 0 : index
    %get3A_4 = vector.load %arg1[%get3A_2, %get3A_3] : memref<128x128xf32, #tpu.memory_space<vmem>>, vector<128x128xf32>
    %dot_general3A = arith.constant dense<0.000000e+00> : vector<10000x128xf32>
    %dot_general3A_5 = tpu.matmul %get3A_1, %get3A_4, %dot_general3A {dimension_numbers = #tpu.dot_dimension_numbers<[1], [0], [0], [1], [0, 0, 1, 1], [], []>, transpose_lhs_hint = false} : vector<10000x128xf32>, vector<128x128xf32>, vector<10000x128xf32> -> vector<10000x128xf32>
    %reshape3A = vector.shape_cast %dot_general3A_5 : vector<10000x128xf32> to vector<1250x8x128xf32>
    %get3A_6 = arith.constant 0 : index
    %get3A_7 = arith.constant 0 : index
    %get3A_8 = vector.load %arg2[%get3A_6, %get3A_7] : memref<8x128xf32, #tpu.memory_space<vmem>>, vector<8x128xf32>
    %broadcast_in_dim3A = vector.shape_cast %get3A_8 : vector<8x128xf32> to vector<1x8x128xf32>
    %mul3A = vector.broadcast %broadcast_in_dim3A : vector<1x8x128xf32> to vector<1250x8x128xf32>
    %mul3A_9 = arith.mulf %reshape3A, %mul3A : vector<1250x8x128xf32>
    %reduce_sum3A = arith.constant dense<0.000000e+00> : vector<1250x128xf32>
    %reduce_sum3A_10 = vector.multi_reduction <add>, %mul3A_9, %reduce_sum3A [1] : vector<1250x8x128xf32> to vector<1250x128xf32>
    %broadcast_in_dim3A_11 = arith.constant 0.000000e+00 : f32
    %broadcast_in_dim3A_12 = vector.broadcast %broadcast_in_dim3A_11 : f32 to vector<30x128xf32>
    %concatenate3A = tpu.concatenate %reduce_sum3A_10, %broadcast_in_dim3A_12 in 0 : vector<1250x128xf32>, vector<30x128xf32> -> vector<1280x128xf32>
    %swap3A = arith.constant 0 : index
    %swap3A_13 = arith.constant 0 : index
    %swap3A_14 = vector.load %arg3[%swap3A, %swap3A_13] : memref<1280x128xf32, #tpu.memory_space<vmem>>, vector<1280x128xf32>
    tpu.vector_store %arg3[%swap3A, %swap3A_13], %concatenate3A {strides = array<i32>} : memref<1280x128xf32, #tpu.memory_space<vmem>>, vector<1280x128xf32>,
    return
  }
}

module attributes {stable_mosaic.version = 14 : i64} {
  func.func @_tc_head_body(%arg0: memref<1280x128xf32, #tpu.memory_space<vmem>>, %arg1: memref<2x2x1280x128xf32, #tpu.memory_space<vmem>>, %arg2: memref<1280x128xf32, #tpu.memory_space<vmem>>) attributes {dimension_semantics = [], scalar_prefetch = 0 : i64, scratch_operands = 0 : i64, tpu.core_type = #tpu.core_type<tc>} {
    %get3A = arith.constant 0 : index
    %get3A_0 = arith.constant 0 : index
    %get3A_1 = arith.constant 0 : index
    %get3A_2 = arith.constant 0 : index
    %get3A_3 = vector.load %arg1[%get3A, %get3A_0, %get3A_1, %get3A_2] : memref<2x2x1280x128xf32, #tpu.memory_space<vmem>>, vector<1x1x1280x128xf32>
    %get3A_4 = vector.shape_cast %get3A_3 : vector<1x1x1280x128xf32> to vector<1280x128xf32>
    %get3A_5 = arith.constant 1 : index
    %get3A_6 = arith.constant 0 : index
    %get3A_7 = arith.constant 0 : index
    %get3A_8 = arith.constant 0 : index
    %get3A_9 = vector.load %arg1[%get3A_5, %get3A_6, %get3A_7, %get3A_8] : memref<2x2x1280x128xf32, #tpu.memory_space<vmem>>, vector<1x1x1280x128xf32>
    %get3A_10 = vector.shape_cast %get3A_9 : vector<1x1x1280x128xf32> to vector<1280x128xf32>
    %add3A = arith.addf %get3A_4, %get3A_10 : vector<1280x128xf32>
    %gt3A = arith.constant 0.000000e+00 : f32
    %gt3A_11 = vector.broadcast %gt3A : f32 to vector<1280x128xf32>
    %gt3A_12 = arith.cmpf ogt, %add3A, %gt3A_11 : vector<1280x128xf32>
    %max3A = arith.constant 1.000000e+00 : f32
    %max3A_13 = vector.broadcast %max3A : f32 to vector<1280x128xf32>
    %max3A_14 = arith.maximumf %add3A, %max3A_13 : vector<1280x128xf32>
    %rsqrt3A = math.rsqrt %max3A_14 : vector<1280x128xf32>
    %jit3A = arith.constant 0.000000e+00 : f32
    %broadcast_in_dim3A = vector.broadcast %jit3A : f32 to vector<1280x128xf32>
    %select_n3A = arith.select %gt3A_12, %rsqrt3A, %broadcast_in_dim3A : vector<1280x128xi1>, vector<1280x128xf32>
    %get3A_15 = arith.constant 0 : index
    %get3A_16 = arith.constant 0 : index
    %get3A_17 = vector.load %arg0[%get3A_15, %get3A_16] : memref<1280x128xf32, #tpu.memory_space<vmem>>, vector<1280x128xf32>
    %mul3A = arith.mulf %get3A_17, %select_n3A : vector<1280x128xf32>
    %swap3A = arith.constant 0 : index
    %swap3A_18 = arith.constant 0 : index
    %swap3A_19 = vector.load %arg2[%swap3A, %swap3A_18] : memref<1280x128xf32, #tpu.memory_space<vmem>>, vector<1280x128xf32>
    tpu.vector_store %arg2[%swap3A, %swap3A_18], %mul3A {strides = array<i32>} : memref<1280x128xf32, #tpu.memory_space<vmem>>, vector<1280x128xf32>,
    return
  }
}

module attributes {stable_mosaic.version = 14 : i64} {
  func.func @_tc_mid_body(%arg0: memref<2x1280x128xf32, #tpu.memory_space<vmem>>, %arg1: memref<2x2x1280x128xf32, #tpu.memory_space<vmem>>, %arg2: memref<128x128xf32, #tpu.memory_space<vmem>>, %arg3: memref<1x128xf32, #tpu.memory_space<vmem>>, %arg4: memref<1280x128xf32, #tpu.memory_space<vmem>>) attributes {dimension_semantics = [], scalar_prefetch = 0 : i64, scratch_operands = 0 : i64, tpu.core_type = #tpu.core_type<tc>} {
    %get3A = arith.constant 0 : index
    %get3A_0 = arith.constant 0 : index
    %get3A_1 = arith.constant 0 : index
    %get3A_2 = arith.constant 0 : index
    %get3A_3 = vector.load %arg1[%get3A, %get3A_0, %get3A_1, %get3A_2] : memref<2x2x1280x128xf32, #tpu.memory_space<vmem>>, vector<1x1x1280x128xf32>
    %get3A_4 = vector.shape_cast %get3A_3 : vector<1x1x1280x128xf32> to vector<1280x128xf32>
    %get3A_5 = arith.constant 1 : index
    %get3A_6 = arith.constant 0 : index
    %get3A_7 = arith.constant 0 : index
    %get3A_8 = arith.constant 0 : index
    %get3A_9 = vector.load %arg1[%get3A_5, %get3A_6, %get3A_7, %get3A_8] : memref<2x2x1280x128xf32, #tpu.memory_space<vmem>>, vector<1x1x1280x128xf32>
    %get3A_10 = vector.shape_cast %get3A_9 : vector<1x1x1280x128xf32> to vector<1280x128xf32>
    %add3A = arith.addf %get3A_4, %get3A_10 : vector<1280x128xf32>
    %gt3A = arith.constant 0.000000e+00 : f32
    %gt3A_11 = vector.broadcast %gt3A : f32 to vector<1280x128xf32>
    %gt3A_12 = arith.cmpf ogt, %add3A, %gt3A_11 : vector<1280x128xf32>
    %max3A = arith.constant 1.000000e+00 : f32
    %max3A_13 = vector.broadcast %max3A : f32 to vector<1280x128xf32>
    %max3A_14 = arith.maximumf %add3A, %max3A_13 : vector<1280x128xf32>
    %rsqrt3A = math.rsqrt %max3A_14 : vector<1280x128xf32>
    %jit3A = arith.constant 0.000000e+00 : f32
    %broadcast_in_dim3A = vector.broadcast %jit3A : f32 to vector<1280x128xf32>
    %select_n3A = arith.select %gt3A_12, %rsqrt3A, %broadcast_in_dim3A : vector<1280x128xi1>, vector<1280x128xf32>
    %get3A_15 = arith.constant 0 : index
    %get3A_16 = arith.constant 1 : index
    %get3A_17 = arith.constant 0 : index
    %get3A_18 = arith.constant 0 : index
    %get3A_19 = vector.load %arg1[%get3A_15, %get3A_16, %get3A_17, %get3A_18] : memref<2x2x1280x128xf32, #tpu.memory_space<vmem>>, vector<1x1x1280x128xf32>
    %get3A_20 = vector.shape_cast %get3A_19 : vector<1x1x1280x128xf32> to vector<1280x128xf32>
    %get3A_21 = arith.constant 1 : index
    %get3A_22 = arith.constant 1 : index
    %get3A_23 = arith.constant 0 : index
    %get3A_24 = arith.constant 0 : index
    %get3A_25 = vector.load %arg1[%get3A_21, %get3A_22, %get3A_23, %get3A_24] : memref<2x2x1280x128xf32, #tpu.memory_space<vmem>>, vector<1x1x1280x128xf32>
    %get3A_26 = vector.shape_cast %get3A_25 : vector<1x1x1280x128xf32> to vector<1280x128xf32>
    %add3A_27 = arith.addf %get3A_20, %get3A_26 : vector<1280x128xf32>
    %gt3A_28 = arith.constant 0.000000e+00 : f32
    %gt3A_29 = vector.broadcast %gt3A_28 : f32 to vector<1280x128xf32>
    %gt3A_30 = arith.cmpf ogt, %add3A_27, %gt3A_29 : vector<1280x128xf32>
    %max3A_31 = arith.constant 1.000000e+00 : f32
    %max3A_32 = vector.broadcast %max3A_31 : f32 to vector<1280x128xf32>
    %max3A_33 = arith.maximumf %add3A_27, %max3A_32 : vector<1280x128xf32>
    %rsqrt3A_34 = math.rsqrt %max3A_33 : vector<1280x128xf32>
    %jit3A_35 = arith.constant 0.000000e+00 : f32
    %broadcast_in_dim3A_36 = vector.broadcast %jit3A_35 : f32 to vector<1280x128xf32>
    %select_n3A_37 = arith.select %gt3A_30, %rsqrt3A_34, %broadcast_in_dim3A_36 : vector<1280x128xi1>, vector<1280x128xf32>
    %get3A_38 = arith.constant 0 : index
    %get3A_39 = arith.constant 0 : index
    %get3A_40 = arith.constant 0 : index
    %get3A_41 = vector.load %arg0[%get3A_38, %get3A_39, %get3A_40] : memref<2x1280x128xf32, #tpu.memory_space<vmem>>, vector<1x1280x128xf32>
    %get3A_42 = vector.shape_cast %get3A_41 : vector<1x1280x128xf32> to vector<1280x128xf32>
    %get3A_43 = arith.constant 1 : index
    %get3A_44 = arith.constant 0 : index
    %get3A_45 = arith.constant 0 : index
    %get3A_46 = vector.load %arg0[%get3A_43, %get3A_44, %get3A_45] : memref<2x1280x128xf32, #tpu.memory_space<vmem>>, vector<1x1280x128xf32>
    %get3A_47 = vector.shape_cast %get3A_46 : vector<1x1280x128xf32> to vector<1280x128xf32>
    %add3A_48 = arith.addf %get3A_42, %get3A_47 : vector<1280x128xf32>
    %mul3A = arith.mulf %select_n3A_37, %add3A_48 : vector<1280x128xf32>
    %get3A_49 = arith.constant 0 : index
    %get3A_50 = arith.constant 0 : index
    %get3A_51 = vector.load %arg3[%get3A_49, %get3A_50] : memref<1x128xf32, #tpu.memory_space<vmem>>, vector<1x128xf32>
    %add3A_52 = vector.broadcast %get3A_51 : vector<1x128xf32> to vector<1280x128xf32>
    %add3A_53 = arith.addf %mul3A, %add3A_52 : vector<1280x128xf32>
    %max3A_54 = arith.constant 0.000000e+00 : f32
    %max3A_55 = vector.broadcast %max3A_54 : f32 to vector<1280x128xf32>
    %max3A_56 = arith.maximumf %add3A_53, %max3A_55 : vector<1280x128xf32>
    %get3A_57 = arith.constant 0 : index
    %get3A_58 = arith.constant 0 : index
    %get3A_59 = vector.load %arg2[%get3A_57, %get3A_58] : memref<128x128xf32, #tpu.memory_space<vmem>>, vector<128x128xf32>
    %dot_general3A = arith.constant dense<0.000000e+00> : vector<1280x128xf32>
    %dot_general3A_60 = tpu.matmul %max3A_56, %get3A_59, %dot_general3A {dimension_numbers = #tpu.dot_dimension_numbers<[1], [0], [0], [1], [0, 0, 1, 1], [], []>, transpose_lhs_hint = false} : vector<1280x128xf32>, vector<128x128xf32>, vector<1280x128xf32> -> vector<1280x128xf32>
    %mul3A_61 = arith.mulf %dot_general3A_60, %select_n3A : vector<1280x128xf32>
    %swap3A = arith.constant 0 : index
    %swap3A_62 = arith.constant 0 : index
    %swap3A_63 = vector.load %arg4[%swap3A, %swap3A_62] : memref<1280x128xf32, #tpu.memory_space<vmem>>, vector<1280x128xf32>
    tpu.vector_store %arg4[%swap3A, %swap3A_62], %mul3A_61 {strides = array<i32>} : memref<1280x128xf32, #tpu.memory_space<vmem>>, vector<1280x128xf32>,
    return
  }
}

module attributes {stable_mosaic.version = 14 : i64} {
  func.func @_tc_tail_body(%arg0: memref<2x1280x128xf32, #tpu.memory_space<vmem>>, %arg1: memref<2x2x1280x128xf32, #tpu.memory_space<vmem>>, %arg2: memref<1x128xf32, #tpu.memory_space<vmem>>, %arg3: memref<1280x128xf32, #tpu.memory_space<vmem>>) attributes {dimension_semantics = [], scalar_prefetch = 0 : i64, scratch_operands = 0 : i64, tpu.core_type = #tpu.core_type<tc>} {
    %get3A = arith.constant 0 : index
    %get3A_0 = arith.constant 1 : index
    %get3A_1 = arith.constant 0 : index
    %get3A_2 = arith.constant 0 : index
    %get3A_3 = vector.load %arg1[%get3A, %get3A_0, %get3A_1, %get3A_2] : memref<2x2x1280x128xf32, #tpu.memory_space<vmem>>, vector<1x1x1280x128xf32>
    %get3A_4 = vector.shape_cast %get3A_3 : vector<1x1x1280x128xf32> to vector<1280x128xf32>
    %get3A_5 = arith.constant 1 : index
    %get3A_6 = arith.constant 1 : index
    %get3A_7 = arith.constant 0 : index
    %get3A_8 = arith.constant 0 : index
    %get3A_9 = vector.load %arg1[%get3A_5, %get3A_6, %get3A_7, %get3A_8] : memref<2x2x1280x128xf32, #tpu.memory_space<vmem>>, vector<1x1x1280x128xf32>
    %get3A_10 = vector.shape_cast %get3A_9 : vector<1x1x1280x128xf32> to vector<1280x128xf32>
    %add3A = arith.addf %get3A_4, %get3A_10 : vector<1280x128xf32>
    %gt3A = arith.constant 0.000000e+00 : f32
    %gt3A_11 = vector.broadcast %gt3A : f32 to vector<1280x128xf32>
    %gt3A_12 = arith.cmpf ogt, %add3A, %gt3A_11 : vector<1280x128xf32>
    %max3A = arith.constant 1.000000e+00 : f32
    %max3A_13 = vector.broadcast %max3A : f32 to vector<1280x128xf32>
    %max3A_14 = arith.maximumf %add3A, %max3A_13 : vector<1280x128xf32>
    %rsqrt3A = math.rsqrt %max3A_14 : vector<1280x128xf32>
    %jit3A = arith.constant 0.000000e+00 : f32
    %broadcast_in_dim3A = vector.broadcast %jit3A : f32 to vector<1280x128xf32>
    %select_n3A = arith.select %gt3A_12, %rsqrt3A, %broadcast_in_dim3A : vector<1280x128xi1>, vector<1280x128xf32>
    %get3A_15 = arith.constant 0 : index
    %get3A_16 = arith.constant 0 : index
    %get3A_17 = arith.constant 0 : index
    %get3A_18 = vector.load %arg0[%get3A_15, %get3A_16, %get3A_17] : memref<2x1280x128xf32, #tpu.memory_space<vmem>>, vector<1x1280x128xf32>
    %get3A_19 = vector.shape_cast %get3A_18 : vector<1x1280x128xf32> to vector<1280x128xf32>
    %get3A_20 = arith.constant 1 : index
    %get3A_21 = arith.constant 0 : index
    %get3A_22 = arith.constant 0 : index
    %get3A_23 = vector.load %arg0[%get3A_20, %get3A_21, %get3A_22] : memref<2x1280x128xf32, #tpu.memory_space<vmem>>, vector<1x1280x128xf32>
    %get3A_24 = vector.shape_cast %get3A_23 : vector<1x1280x128xf32> to vector<1280x128xf32>
    %add3A_25 = arith.addf %get3A_19, %get3A_24 : vector<1280x128xf32>
    %mul3A = arith.mulf %select_n3A, %add3A_25 : vector<1280x128xf32>
    %get3A_26 = arith.constant 0 : index
    %get3A_27 = arith.constant 0 : index
    %get3A_28 = vector.load %arg2[%get3A_26, %get3A_27] : memref<1x128xf32, #tpu.memory_space<vmem>>, vector<1x128xf32>
    %add3A_29 = vector.broadcast %get3A_28 : vector<1x128xf32> to vector<1280x128xf32>
    %add3A_30 = arith.addf %mul3A, %add3A_29 : vector<1280x128xf32>
    %swap3A = arith.constant 0 : index
    %swap3A_31 = arith.constant 0 : index
    %swap3A_32 = vector.load %arg3[%swap3A, %swap3A_31] : memref<1280x128xf32, #tpu.memory_space<vmem>>, vector<1280x128xf32>
    tpu.vector_store %arg3[%swap3A, %swap3A_31], %add3A_30 {strides = array<i32>} : memref<1280x128xf32, #tpu.memory_space<vmem>>, vector<1280x128xf32>,
    return
  }
}

</mosaic_0001>

<sc_bundles>
// kernel: kernel.11.cloned.1.call-start
scs
__scs_entry_jumppad:
0x0: {  	(pc) =	sbr.rel $0x88, $3  }
0x1: {  	(tag) =	ssettag $0x0;
	lr =	simm.s32 $0x1  }
0x2: {  	[smem:$0x3F99] =	sst lr;
	_ =	strace $0xD0000000  }
0x3: {  	_ = 	snop  }
0x4: {  	_ = 	snop  }
0x5: {  	_ = 	snop  }
0x6: {  	_ = 	snop  }
0x7: {  	_ = 	snop  }
__scs_overlays_trampoline_lowered:
0x8: {  	[smem:$0x3FA8] =	sst s0  }
0x9: {  	[smem:$0x3FA9] =	sst s1  }
0xa: {  	[smem:$0x3FAA] =	sst s2  }
0xb: {  	[smem:$0x3FAB] =	sst s3  }
0xc: {  	[smem:$0x3FAC] =	sst s4  }
0xd: {  	[smem:$0x3FAD] =	sst s5  }
0xe: {  	[smem:$0x3FAE] =	sst s6  }
0xf: {  	[smem:$0x3FAF] =	sst s7  }
0x10: {  	[smem:$0x3FB0] =	sst s8  }
0x11: {  	[smem:$0x3FB1] =	sst s9;
	s0 =	simm.s32 @!p0 $0x0  }
0x12: {  	s1 =	sld [smem:$0x3F97];
	s0 =	simm.s32 @p0 $0x1  }
0x13: {  	[smem:$0x3FB2] =	sst s0;
	s0 =	simm.s32 @!p1 $0x0  }
0x14: {  	s2 =	sld [smem:$0x3F96];
	s0 =	simm.s32 @p1 $0x1  }
0x15: {  	[smem:$0x3FB3] =	sst s0;
	s0 =	simm.s32 @!p2 $0x0  }
0x16: {  	s3 =	sld [smem:$0x3FDB];
	s0 =	simm.s32 @p2 $0x1  }
0x17: {  	s4 =	simm.s32 $0x1BF5;
	[smem:$0x3FB5] =	sst s0  }
0x18: {  	s0 =	sld [smem:$0x3F98];
	_ =	swait.ge [sflag:s4], $0x0  }
0x19: {  	s7 =	sld [smem:$0x3F99]  }
0x1a: {  	s8 =	sadd.s32 $0xFFFFE003, lr  }
0x1b: {  	s9 =	sadd.s32 $0xFFFFFEF7, lr;
	s5 =	simm.s32 $0xFFFFFFFF;
	p2 =	slt.u32 s8, $0xFFFFF086  }
0x1c: {  	p1 =	slt.u32 s9, $0xF7A;
	s5 =	simm.s32 @!p2 $0x0  }
0x1d: {  	s5 =	simm.s32 @p1 $0x1;
	p0 =	seq.s32 s7, s2  }
0x1e: {  	s7 =	smul.u32 @!p0 $0xF7A, s2;
	p2 =	seq.s32 @!p0 s5, $0x0  }
0x1f: {  	s9 =	smul.u32 $0xF7A, s1;
	s8 =	simm.s32 @!p0 $0x1BF5;
	p2 =	por !p2, p0  }
0x20: {  	[sflag:s8] =	ssyncset.s32 @!p0 $0xFFFFF086;
	s6 =	sadd.s32 @!p0 s3, s7;
	s7 =	simm.s32 @!p0 $0x108  }
0x21: {  	s3 =	sadd.s32 s3, s9;
	s6 =	sadd.s32 @!p0 $0x88, s6;
	s7 =	simm.s32 @p2 $0x1082  }
0x22: {  	[simem:s7], [sflag:s8] =	dma.local @!p0 [hbm:s6], $0xF7A  }
0x23: {  	s9 =	sor.u32 $0xD0000000, s2;
	s6 =	simm.s32 $0x108;
	_ =	swait.ge @!p0 [sflag:s8], $0x0  }
0x24: {  	s3 =	sadd.s32 $0x88, s3;
	s6 =	simm.s32 @!p1 $0x1082;
	[sflag:s4] =	ssyncset.s32 $0xFFFFF086  }
0x25: {  	[simem:s6], [sflag:s4] =	dma.local [hbm:s3], $0xF7A  }
0x26: {  	[smem:$0x3F99] =	sst s1;
	(tag) =	ssettag s2;
	_ =	strace s9  }
0x27: {  	s1 =	sld [smem:$0x3FA9]  }
0x28: {  	s2 =	sld [smem:$0x3FAA]  }
0x29: {  	s4 =	sld [smem:$0x3FAC]  }
0x2a: {  	p0 =	seq.s32 s5, $0x0;
	s5 =	sld [smem:$0x3FAD]  }
0x2b: {  	s6 =	sld [smem:$0x3FAE]  }
0x2c: {  	s7 =	sld [smem:$0x3FAF]  }
0x2d: {  	s3 =	simm.s32 $0x108;
	s8 =	sld [smem:$0x3FB0]  }
0x2e: {  	s3 =	simm.s32 @!p0 $0x1082;
	s9 =	sld [smem:$0x3FB1]  }
0x2f: {  	lr =	sadd.s32 s0, s3;
	s0 =	sld [smem:$0x3FA8]  }
0x30: {  	s3 =	sld [smem:$0x3FAB]  }
0x31: {  	[smem:$0x3FB4] =	sst s10  }
0x32: {  	s10 =	sld [smem:$0x3FB2];
	_ =	sdelay $0x3  }
0x33: {  	p0 =	seq.s32 s10, $0x1;
	s10 =	sld [smem:$0x3FB4];
	_ =	sdelay $0x3  }
0x34: {  	[smem:$0x3FB4] =	sst s10  }
0x35: {  	s10 =	sld [smem:$0x3FB3];
	_ =	sdelay $0x3  }
0x36: {  	p1 =	seq.s32 s10, $0x1;
	s10 =	sld [smem:$0x3FB4];
	_ =	sdelay $0x3  }
0x37: {  	[smem:$0x3FB4] =	sst s10  }
0x38: {  	s10 =	sld [smem:$0x3FB5]  }
0x39: {  	_ = 	snop;
	(pc) =	sbr.ind lr, $3  }
0x3a: {  	_ = 	snop  }
0x3b: {  	_ = 	snop  }
0x3c: {  	p2 =	seq.s32 s10, $0x1;
	s10 =	sld [smem:$0x3FB4]  }
0x3d: {  	_ =	shalt  }
0x3e: {  	_ =	shalt  }
0x3f: {  	_ =	shalt  }
0x40: {  	_ =	shalt  }
0x41: {  	_ =	shalt  }
0x42: {  	_ =	shalt  }
0x43: {  	_ =	shalt  }
0x44: {  	_ =	shalt  }
0x45: {  	_ =	shalt  }
0x46: {  	_ =	shalt  }
0x47: {  	_ =	shalt  }
0x48: {  	_ =	shalt  }
0x49: {  	_ =	shalt  }
0x4a: {  	_ =	shalt  }
0x4b: {  	_ =	shalt  }
0x4c: {  	_ =	shalt  }
0x4d: {  	_ =	shalt  }
0x4e: {  	_ =	shalt  }
0x4f: {  	_ =	shalt  }
0x50: {  	_ =	shalt  }
0x51: {  	_ =	shalt  }
0x52: {  	_ =	shalt  }
0x53: {  	_ =	shalt  }
0x54: {  	_ =	shalt  }
0x55: {  	_ =	shalt  }
0x56: {  	_ =	shalt  }
0x57: {  	_ =	shalt  }
0x58: {  	_ =	shalt  }
0x59: {  	_ =	shalt  }
0x5a: {  	_ =	shalt  }
0x5b: {  	_ =	shalt  }
0x5c: {  	_ =	shalt  }
0x5d: {  	_ =	shalt  }
0x5e: {  	_ =	shalt  }
0x5f: {  	_ =	shalt  }
0x60: {  	_ =	shalt  }
0x61: {  	_ =	shalt  }
0x62: {  	_ =	shalt  }
0x63: {  	_ =	shalt  }
0x64: {  	_ =	shalt  }
0x65: {  	_ =	shalt  }
0x66: {  	_ =	shalt  }
0x67: {  	_ =	shalt  }
0x68: {  	_ =	shalt  }
0x69: {  	_ =	shalt  }
0x6a: {  	_ =	shalt  }
0x6b: {  	_ =	shalt  }
0x6c: {  	_ =	shalt  }
0x6d: {  	_ =	shalt  }
0x6e: {  	_ =	shalt  }
0x6f: {  	_ =	shalt  }
0x70: {  	_ =	shalt  }
0x71: {  	_ =	shalt  }
0x72: {  	_ =	shalt  }
0x73: {  	_ =	shalt  }
0x74: {  	_ =	shalt  }
0x75: {  	_ =	shalt  }
0x76: {  	_ =	shalt  }
0x77: {  	_ =	shalt  }
0x78: {  	_ =	shalt  }
0x79: {  	_ =	shalt  }
0x7a: {  	_ =	shalt  }
0x7b: {  	_ =	shalt  }
0x7c: {  	_ =	shalt  }
0x7d: {  	_ =	shalt  }
0x7e: {  	_ =	shalt  }
0x7f: {  	_ =	shalt  }
0x80: {  	_ =	shalt  }
0x81: {  	_ =	shalt  }
0x82: {  	_ =	shalt  }
0x83: {  	_ =	shalt  }
0x84: {  	_ =	shalt  }
0x85: {  	_ =	shalt  }
0x86: {  	_ =	shalt  }
0x87: {  	_ =	shalt  }
.Lfunc_end0:
.L_simem_size_0:
called_computation_lowered:
.L_overlay_start_0:
0x88: {  	s2 =	sld [smem:$0x3FD9]  }
0x89: {  	s3 =	sld [smem:$0x3FFE];
	_ =	sdelay $0x1  }
0x8a: {  	s1 =	srdreg.scid  }
0x8b: {  	s0 =	sand.u32 $0x1, s1  }
0x8c: {  	s17 =	sshll.u32 s0, $0xA;
	s2 =	sadd.s32 s3, s2  }
0x8d: {  	s2 =	sadd.s32 s2, s17  }
0x8e: {  	[smem:$0x3FC0] =	sst s2  }
0x8f: {  	_ = 	snop  }
0x90: {  	s2 =	sld [smem:$0x3FD0];
	(tm) =	ssettm $0x1  }
0x91: {  	s18 =	sld [smem:$0x3FFB];
	_ =	sdelay $0x3  }
0x92: {  	_ =	strace s18  }
0x93: {  	s3 =	sld [smem:$0x3FFC];
	_ =	sdelay $0x3  }
0x94: {  	_ =	strace s3  }
0x95: {  	s3 =	sld [smem:$0x3FFD];
	_ =	sdelay $0x3  }
0x96: {  	_ =	strace s3  }
0x97: {  	_ =	strace $0x8FFFFFFF  }
0x98: {  	s19 =	sld [smem:$0x3FDB];
	_ =	sdelay $0x1  }
0x99: {  	s4 =	simm.s32 $_scs_section_size  }
0x9a: {  	s5 =	simm.s32 $_size__tile_overlayer_lowered;
	s6 =	simm.s32 $_tile_overlayer_lowered  }
0x9b: {  	s22 =	simm.s32 $0x1BFF;
	s21 =	sshll.u32 s6, $0x1;
	s3 =	sadd.s32 s4, s19  }
0x9c: {  	s7 =	simm.s32 $0x0;
	s20 =	sshll.u32 s5, $0x1;
	s5 =	sadd.s32 s21, s3  }
0x9d: {  	[timem:s7], [sflag:s22] =	dma.local [hbm:s5], s20  }
0x9e: {  	_ =	swait.ge [sflag:s22], s20  }
0x9f: {  	s4 =	ssub.s32 $0x0, s20;
	[sflag:s22] =	ssyncset.done $0x0  }
0xa0: {  	[sflag:s22] =	ssyncadd.s32 s4;
	_ =	sdelay $0x1  }
0xa1: {  	s23 =	simm.s32 $0x1B8B  }
0xa2: {  	_ =	swait.ge [sflag:s23], $0x1  }
0xa3: {  	[sflag:s23] =	ssyncset.done $0x0  }
0xa4: {  	s25 =	simm.s32 $0x1B8E;
	s24 =	sld [smem:$0x3FFE];
	[sflag:s23] =	ssyncadd.s32 $0xFFFFFFFF  }
0xa5: {  	s26 =	simm.s32 $execute0_lowered;
	[smem:$0x3FD2] =	sst s25  }
0xa6: {  	s5 =	sshll.u32 s26, $0x1;
	_ =	strace $0x80000046;
	[dreg:$0x1] =	wrdreg $0xFFFFFFFF  }
0xa7: {  	s28 =	simm.s32 $_size_execute0_lowered;
	s3 =	sadd.s32 s3, s5;
	[dreg:$0x0] =	wrdreg $0x0  }
0xa8: {  	s5 =	sshll.u32 s28, $0x1;
	[dreg:$0x2] =	wrdreg s3  }
0xa9: {  	[dreg:$0x3] =	wrdreg s5  }
0xaa: {  	[dreg:$0x4] =	wrdreg $0xC0  }
0xab: {  	_ =	task [dreg:s7], $0x5FFFF  }
0xac: {  	[dreg:$0x1] =	wrdreg $0xFFFFFFFF  }
0xad: {  	[dreg:$0x0] =	wrdreg $0x60  }
0xae: {  	[dreg:$0x2] =	wrdreg s24  }
0xaf: {  	[dreg:$0x3] =	wrdreg s2  }
0xb0: {  	[dreg:$0x4] =	wrdreg $0x56200  }
0xb1: {  	[dreg:$0x5] =	wrdreg $0x7E200  }
0xb2: {  	[dreg:$0x6] =	wrdreg $0x9  }
0xb3: {  	_ =	task.clear_ibuf [dreg:s7], $0x7FFFF;
	_ =	strace $0x90000046  }
0xb4: {  	s29 =	simm.s32 $0x9;
	_ =	strace $0x80000048  }
0xb5: {  	_ =	swait.ge [sflag:s29], $0x1  }
0xb6: {  	[sflag:s29] =	ssyncadd.s32 $0xFFFFFFFF  }
0xb7: {  	_ =	strace $0x90000048  }
0xb8: {  	_ =	sfence  }
0xb9: {  	s30 =	sld [smem:$0x0];
	_ =	sdelay $0x2  }
0xba: {  	s31 =	sshll.u32 s1, $0xD;
	s1 =	sshrl.u32 s1, $0x2  }
0xbb: {  	s3 =	sand.u32 $0x4000, s31;
	s1 =	sadd.s32 s1, s30  }
0xbc: {  	s0 =	sor.u32 s3, s0;
	s1 =	sshll.u32 s1, $0x11  }
0xbd: {  	s0 =	sor.u32 s1, s0  }
0xbe: {  	s0 =	sadd.s32 $0x8F2B, s0  }
0xbf: {  	[sflag:s0] =	ssyncadd.remote.s32 $0x1  }
0xc0: {  	_ =	sfence.sel $0xFFFF  }
0xc1: {  	[dreg:$0x0] =	wrdreg $0xFFFFFFFF;
	(pc) =	sbr.abs _section_cstart, $3  }
0xc2: {  	[dreg:$0x1] =	wrdreg $0xFFFFFFFF  }
0xc3: {  	_ =	task.clear_ibuf [dreg:s7], $0x2FFFF;
	_ =	strace $0x9FFFFFFF  }
0xc4: {  	(tm) =	ssettm $0x7FFFFFFF  }
0xc5: {  	_ =	shalt  }
tec
execute0_lowered:
.L_overlay_start_1:
0x0: {  	(tag) =	ssettag $0x1  }
0x1: {  	s6 =	rddreg [dreg:$0x0]  }
0x2: {  	s0 =	srdreg.scid;
	s3 =	rddreg [dreg:$0x2]  }
0x3: {  	s24 =	stileid.u32;
	s4 =	rddreg [dreg:$0x3];
	s5 =	simm.s32 $0x0  }
0x4: {  	s16 =	simm.s32 $0x5;
	s18 =	simm.s32 $0x1;
	s19 =	simm.s32 $0x800  }
0x5: {  	s20 =	simm.s32 $0x2F00;
	s21 =	simm.s32 $0x5600;
	s22 =	simm.s32 $0x5610  }
0x6: {  	s23 =	simm.s32 $0x80;
	s28 =	simm.s32 $0x10;
	s29 =	simm.s32 $0x0  }
0x7: {  	s7 =	sand.u32 $0x1, s0;
	s10 =	smul.u32 $0x2800, s24;
	[smem:$0x7FF] =	sst s5  }
0x8: {  	s31 =	sshll.u32 s24, $0x6;
	s2 =	sshll.u32 s7, $0x4;
	s11 =	smul.u32 $0x50000, s7  }
0x9: {  	_ =	strace $0x80000047;
	s7 =	ssub.s32 $0x2, s7;
	s8 =	sor.u32 s24, s2  }
0xa: {  	s26 =	sshrl.u32 s10, $0x3;
	s30 =	sshrl.u32 s7, $0x1;
	s15 =	sadd.s32 s10, s3  }
0xb: {  	s17 =	sadd.s32 s10, s4;
	s24 =	simm.s32 $0x2;
	s9 =	smul.u32 $0x4E0, s8  }
0xc: {  	s8 =	sshll.u32 s8, $0x1;
	s25 =	sadd.s32 s10, s11;
	s11 =	sadd.s32 s26, s6  }
0xd: {  	s14 =	ssub.s32 s7, s30;
	s7 =	sor.u32 $0x1C05, s31;
	s15 =	sshrl.u32 s15, $0x3  }
0xe: {  	s17 =	sshrl.u32 s17, $0x3;
	s26 =	simm.s32 $0x4;
	s12 =	sadd.s32 s8, s6  }
0xf: {  	s8 =	sshrl.u32 s25, $0x3;
	s14 =	smax.u32 s14, $0x1;
	s25 =	simm.s32 $0x3  }
0x10: {  	s9 =	sadd.s32 s9, s6;
	s13 =	sadd.s32 s8, s6;
	s6 =	sadd.s32 $0x17400, s11  }
0x11: {  	s10 =	sadd.s32 $0x3A00, s12;
	s11 =	sadd.s32 $0x3800, s12;
	s8 =	sadd.s32 $0xD800, s9  }
0x12: {  	s9 =	sadd.s32 $0x3C00, s9;
	s12 =	sadd.s32 $0x1C400, s13;
	s13 =	sadd.s32 $0x21400, s13  }
.LBB2_1:
0x13: {  	[spmem:s15], [sflag:s7] =	dma.local [hbm:s6], $0x500  }
0x14: {  	_ =	swait.ge [sflag:s16], $0x500  }
0x15: {  	[sflag:s16] =	ssyncset.done $0x0  }
0x16: {  	[sflag:s16] =	ssyncadd.s32 $0xFFFFFB00  }
0x17: {  	[spmem:s17], [sflag:s7] =	dma.local [hbm:s6], $0x500  }
0x18: {  	_ =	swait.ge [sflag:s16], $0x500  }
0x19: {  	[sflag:s16] =	ssyncset.done $0x0  }
0x1a: {  	[sflag:s16] =	ssyncadd.s32 $0xFFFFFB00  }
0x1b: {  	s0 =	rddreg [dreg:$0x1]  }
0x1c: {  	[tilespmem:s5], [sflag:$0x1] =	stream.linear.gather [hbm4b:s0+s5], $0x800, $0x38;
	[tilespmem:$0xA620] =	vst v63  }
0x1d: {  	_ =	swait.ge [sflag:s18], $0x800  }
0x1e: {  	[sflag:s18] =	ssyncset.done $0x0  }
0x1f: {  	[sflag:s18] =	ssyncadd.s32 $0xFFFFF800  }
0x20: {  	[tilespmem:s19], [sflag:$0x5] =	stream.linear.gather [hbm4b:s8+s5], $0x2700, $0x38;
	[tilespmem:$0xA620] =	vst v63  }
0x21: {  	_ =	swait.ge [sflag:s16], $0x2700  }
0x22: {  	[sflag:s16] =	ssyncset.done $0x0  }
0x23: {  	[sflag:s16] =	ssyncadd.s32 $0xFFFFD900  }
0x24: {  	[tilespmem:s20], [sflag:$0x5] =	stream.linear.gather [hbm4b:s9+s5], $0x2700, $0x38;
	[tilespmem:$0xA620] =	vst v63  }
0x25: {  	_ =	swait.ge [sflag:s16], $0x2700  }
0x26: {  	[sflag:s16] =	ssyncset.done $0x0  }
0x27: {  	[sflag:s16] =	ssyncadd.s32 $0xFFFFD900  }
0x28: {  	[tilespmem:s21], [sflag:$0x5] =	stream.linear.gather [hbm4b:s10+s5], $0x10, $0x38;
	[tilespmem:$0xA620] =	vst v63  }
0x29: {  	_ =	swait.ge [sflag:s16], $0x10  }
0x2a: {  	[sflag:s16] =	ssyncset.done $0x0  }
0x2b: {  	[sflag:s16] =	ssyncadd.s32 $0xFFFFFFF0  }
0x2c: {  	[tilespmem:s22], [sflag:$0x5] =	stream.linear.gather [hbm4b:s11+s5], $0x10, $0x38;
	[tilespmem:$0xA620] =	vst v63  }
0x2d: {  	_ =	swait.ge [sflag:s16], $0x10  }
0x2e: {  	[sflag:s16] =	ssyncset.done $0x0  }
0x2f: {  	[sflag:s16] =	ssyncadd.s32 $0xFFFFFFF0  }
0x30: {  	s30 =	simm.s32 $0x800;
	[bflag:$0x0] =	sbarrier.arrive $0xFFFF  }
0x31: {  	[spmem:s3] =	stream.indirect.scatter.add.f32 [tilespmem:s5], [sflag:$0x1], $0x10, s30, s23, $0xb8;
	[tilespmem:$0xA620] =	vst v63  }
0x32: {  	s30 =	simm.s32 $0x2F00  }
0x33: {  	[spmem:s4] =	stream.indirect.scatter.add.f32 [tilespmem:s5], [sflag:$0x2], $0x10, s30, s23, $0xb8;
	[tilespmem:$0xA620] =	vst v63  }
0x34: {  	s30 =	simm.s32 $0x880  }
0x35: {  	[spmem:s3] =	stream.indirect.scatter.add.f32 [tilespmem:s5], [sflag:$0x3], $0x10, s30, s23, $0xb8;
	[tilespmem:$0xA620] =	vst v63  }
0x36: {  	s30 =	simm.s32 $0x2F80  }
0x37: {  	[spmem:s4] =	stream.indirect.scatter.add.f32 [tilespmem:s5], [sflag:$0x4], $0x10, s30, s23, $0xb8;
	[tilespmem:$0xA620] =	vst v63  }
0x38: {  	_ =	swait.ge [sflag:s18], $0x800  }
0x39: {  	[sflag:s18] =	ssyncset.done $0x0  }
0x3a: {  	[sflag:s18] =	ssyncadd.s32 $0xFFFFF800  }
0x3b: {  	_ =	swait.ge [sflag:s24], $0x800  }
0x3c: {  	[sflag:s24] =	ssyncset.done $0x0  }
0x3d: {  	[sflag:s24] =	ssyncadd.s32 $0xFFFFF800  }
0x3e: {  	_ =	swait.ge [sflag:s25], $0x800  }
0x3f: {  	[sflag:s25] =	ssyncset.done $0x0  }
0x40: {  	[sflag:s25] =	ssyncadd.s32 $0xFFFFF800  }
0x41: {  	_ =	swait.ge [sflag:s26], $0x800  }
0x42: {  	s31 =	simm.s32 $0x800;
	s30 =	simm.s32 $0x100;
	[sflag:s26] =	ssyncset.done $0x0  }
.LBB2_2:
0x43: {  	s2 =	sadd.s32 $0x800, s30  }
0x44: {  	[sflag:s26] =	ssyncadd.s32 $0xFFFFF800;
	s0 =	smov.u32 s31;
	s1 =	sadd.s32 $0x400, s31  }
0x45: {  	[spmem:s3] =	stream.indirect.scatter.add.f32 [tilespmem:s5], [sflag:$0x1], $0x10, s2, s23, $0xb8;
	[tilespmem:$0xA620] =	vst v63  }
0x46: {  	p0 =	sne.s32 s31, $0x9800;
	s2 =	sadd.s32 $0x2F00, s30  }
0x47: {  	[spmem:s4] =	stream.indirect.scatter.add.f32 [tilespmem:s5], [sflag:$0x2], $0x10, s2, s23, $0xb8;
	[tilespmem:$0xA620] =	vst v63  }
0x48: {  	s2 =	sadd.s32 $0x880, s30  }
0x49: {  	[spmem:s3] =	stream.indirect.scatter.add.f32 [tilespmem:s5], [sflag:$0x3], $0x10, s2, s23, $0xb8;
	[tilespmem:$0xA620] =	vst v63  }
0x4a: {  	s2 =	sadd.s32 $0x2F80, s30  }
0x4b: {  	[spmem:s4] =	stream.indirect.scatter.add.f32 [tilespmem:s5], [sflag:$0x4], $0x10, s2, s23, $0xb8;
	[tilespmem:$0xA620] =	vst v63  }
0x4c: {  	_ =	swait.ge [sflag:s18], $0x800  }
0x4d: {  	[sflag:s18] =	ssyncset.done $0x0  }
0x4e: {  	[sflag:s18] =	ssyncadd.s32 $0xFFFFF800  }
0x4f: {  	_ =	swait.ge [sflag:s24], $0x800  }
0x50: {  	[sflag:s24] =	ssyncset.done $0x0  }
0x51: {  	[sflag:s24] =	ssyncadd.s32 $0xFFFFF800  }
.Ltmp0:
0x52: {  	_ =	swait.ge [sflag:s25], $0x800;
	(pc) =	sbr.rel @p0 .LBB2_2-.Ltmp0, $4  }
0x53: {  	[sflag:s25] =	ssyncset.done $0x0  }
0x54: {  	[sflag:s25] =	ssyncadd.s32 $0xFFFFF800  }
0x55: {  	_ =	swait.ge [sflag:s26], $0x800  }
0x56: {  	s31 =	smov.u32 s1;
	s30 =	sshra.s32 s0, $0x2;
	[sflag:s26] =	ssyncset.done $0x0  }
0x57: {  	s0 =	sadd.s32 $0x800, s30;
	[sflag:s26] =	ssyncadd.s32 $0xFFFFF800  }
0x58: {  	[spmem:s3] =	stream.indirect.scatter.add.f32 [tilespmem:s5], [sflag:$0x1], $0x10, s0, s23, $0xb8;
	[tilespmem:$0xA620] =	vst v63  }
0x59: {  	s1 =	sadd.s32 $0x2F00, s30  }
0x5a: {  	[spmem:s4] =	stream.indirect.scatter.add.f32 [tilespmem:s5], [sflag:$0x2], $0x10, s1, s23, $0xb8;
	[tilespmem:$0xA620] =	vst v63  }
0x5b: {  	s2 =	sadd.s32 $0x880, s30  }
0x5c: {  	[spmem:s3] =	stream.indirect.scatter.add.f32 [tilespmem:s5], [sflag:$0x3], $0x10, s2, s23, $0xb8;
	[tilespmem:$0xA620] =	vst v63  }
0x5d: {  	s31 =	sadd.s32 $0x2F80, s30  }
0x5e: {  	[spmem:s4] =	stream.indirect.scatter.add.f32 [tilespmem:s5], [sflag:$0x4], $0x10, s31, s23, $0xb8;
	[tilespmem:$0xA620] =	vst v63  }
0x5f: {  	_ =	swait.ge [sflag:s18], $0x800  }
0x60: {  	[sflag:s18] =	ssyncset.done $0x0  }
0x61: {  	[sflag:s18] =	ssyncadd.s32 $0xFFFFF800  }
0x62: {  	_ =	swait.ge [sflag:s24], $0x800  }
0x63: {  	[sflag:s24] =	ssyncset.done $0x0  }
0x64: {  	[sflag:s24] =	ssyncadd.s32 $0xFFFFF800  }
0x65: {  	_ =	swait.ge [sflag:s25], $0x800  }
0x66: {  	[sflag:s25] =	ssyncset.done $0x0  }
0x67: {  	[sflag:s25] =	ssyncadd.s32 $0xFFFFF800  }
0x68: {  	_ =	swait.ge [sflag:s26], $0x800  }
0x69: {  	[sflag:s26] =	ssyncset.done $0x0  }
0x6a: {  	[sflag:s26] =	ssyncadd.s32 $0xFFFFF800  }
0x6b: {  	[spmem:s3] =	stream.indirect.scatter.add.f32 [tilespmem:s5], [sflag:$0x1], $0x10, s21, s28, $0xb8;
	[tilespmem:$0xA620] =	vst v63  }
0x6c: {  	_ = 	snop  }
0x6d: {  	[spmem:s4] =	stream.indirect.scatter.add.f32 [tilespmem:s5], [sflag:$0x2], $0x10, s22, s28, $0xb8;
	[tilespmem:$0xA620] =	vst v63  }
0x6e: {  	_ =	swait.ge [sflag:s18], $0x100  }
0x6f: {  	[sflag:s18] =	ssyncset.done $0x0  }
0x70: {  	[sflag:s18] =	ssyncadd.s32 $0xFFFFFF00  }
0x71: {  	_ =	swait.ge [sflag:s24], $0x100  }
0x72: {  	[sflag:s24] =	ssyncset.done $0x0  }
0x73: {  	[sflag:s24] =	ssyncadd.s32 $0xFFFFFF00  }
0x74: {  	[bflag:$0x0] =	sbarrier.arrive $0xFFFF  }
0x75: {  	[hbm:s12], [sflag:s7] =	dma.local [spmem:s15], $0x500  }
0x76: {  	s29 =	sadd.s32 $0x1, s29;
	_ =	swait.ge [sflag:s16], $0x500  }
0x77: {  	p0 =	sne.s32 s29, s14;
	[sflag:s16] =	ssyncset.done $0x0  }
.Ltmp1:
0x78: {  	[sflag:s16] =	ssyncadd.s32 $0xFFFFFB00;
	(pc) =	sbr.rel @p0 .LBB2_1-.Ltmp1, $4  }
0x79: {  	[hbm:s13], [sflag:s7] =	dma.local [spmem:s17], $0x500  }
0x7a: {  	_ =	swait.ge [sflag:s16], $0x500  }
0x7b: {  	[sflag:s16] =	ssyncset.done $0x0  }
0x7c: {  	[sflag:s16] =	ssyncadd.s32 $0xFFFFFB00  }
0x7d: {  	_ =	sfence.sel $0x180000  }
0x7e: {  	[bflag:$0x0] =	sbarrier.arrive $0xFFFF  }
0x7f: {  	_ =	strace $0x90000047  }
0x80: {  	s0 =	stileid.u32;
	[bflag:$0x2] =	sbarrier.arrive $0xFFFF  }
0x81: {  	p0 =	sne.s32 s0, $0x0;
	s0 =	rddreg [dreg:$0x4]  }
0x82: {  	s0 =	sadd.s32 @!p0 $0x100000, s0  }
0x83: {  	[sflag:s0] =	ssyncadd.tile.s32 @!p0 $0x1;
	_ =	shalt  }
.Lfunc_end2:
_tile_overlayer_lowered:
.L_overlay_start_2:
0x84: {  	(tag) =	ssettag $0x2  }
0x85: {  	s0 =	rddreg [dreg:$0x0];
	s2 =	stileid.u32  }
0x86: {  	s1 =	rddreg [dreg:$0x1];
	p0 =	sne.s32 s2, $0x0  }
0x87: {  	s3 =	rddreg [dreg:$0x2];
	[bflag:$0x3] =	sbarrier.arrive $0xFFFF;
	s2 =	simm.s32 @!p0 $0x1C05  }
0x88: {  	[timem:s3], [sflag:s2] =	dma.local @!p0 [hbm:s0], s1  }
0x89: {  	s0 =	simm.s32 @!p0 $0x5  }
0x8a: {  	_ =	swait.ge @!p0 [sflag:s0], s1  }
0x8b: {  	s1 =	ssub.s32 @!p0 $0x0, s1;
	[sflag:s0] =	ssyncset.done @!p0 $0x0  }
0x8c: {  	[sflag:s0] =	ssyncadd.s32 @!p0 s1  }
0x8d: {  	[bflag:$0x3] =	sbarrier.arrive $0xFFFF  }
0x8e: {  	_ =	shalt  }

// kernel: kernel.14.cloned.1.call-start
scs
__scs_entry_jumppad:
0x0: {  	(pc) =	sbr.rel $0x88, $3  }
0x1: {  	(tag) =	ssettag $0x0;
	lr =	simm.s32 $0x1  }
0x2: {  	[smem:$0x3F99] =	sst lr;
	_ =	strace $0xD0000000  }
0x3: {  	_ = 	snop  }
0x4: {  	_ = 	snop  }
0x5: {  	_ = 	snop  }
0x6: {  	_ = 	snop  }
0x7: {  	_ = 	snop  }
__scs_overlays_trampoline_lowered:
0x8: {  	[smem:$0x3FA8] =	sst s0  }
0x9: {  	[smem:$0x3FA9] =	sst s1  }
0xa: {  	[smem:$0x3FAA] =	sst s2  }
0xb: {  	[smem:$0x3FAB] =	sst s3  }
0xc: {  	[smem:$0x3FAC] =	sst s4  }
0xd: {  	[smem:$0x3FAD] =	sst s5  }
0xe: {  	[smem:$0x3FAE] =	sst s6  }
0xf: {  	[smem:$0x3FAF] =	sst s7  }
0x10: {  	[smem:$0x3FB0] =	sst s8  }
0x11: {  	[smem:$0x3FB1] =	sst s9;
	s0 =	simm.s32 @!p0 $0x0  }
0x12: {  	s1 =	sld [smem:$0x3F97];
	s0 =	simm.s32 @p0 $0x1  }
0x13: {  	[smem:$0x3FB2] =	sst s0;
	s0 =	simm.s32 @!p1 $0x0  }
0x14: {  	s2 =	sld [smem:$0x3F96];
	s0 =	simm.s32 @p1 $0x1  }
0x15: {  	[smem:$0x3FB3] =	sst s0;
	s0 =	simm.s32 @!p2 $0x0  }
0x16: {  	s3 =	sld [smem:$0x3FDB];
	s0 =	simm.s32 @p2 $0x1  }
0x17: {  	s4 =	simm.s32 $0x1BF5;
	[smem:$0x3FB5] =	sst s0  }
0x18: {  	s0 =	sld [smem:$0x3F98];
	_ =	swait.ge [sflag:s4], $0x0  }
0x19: {  	s7 =	sld [smem:$0x3F99]  }
0x1a: {  	s8 =	sadd.s32 $0xFFFFE003, lr  }
0x1b: {  	s9 =	sadd.s32 $0xFFFFFEF7, lr;
	s5 =	simm.s32 $0xFFFFFFFF;
	p2 =	slt.u32 s8, $0xFFFFF086  }
0x1c: {  	p1 =	slt.u32 s9, $0xF7A;
	s5 =	simm.s32 @!p2 $0x0  }
0x1d: {  	s5 =	simm.s32 @p1 $0x1;
	p0 =	seq.s32 s7, s2  }
0x1e: {  	s7 =	smul.u32 @!p0 $0xF7A, s2;
	p2 =	seq.s32 @!p0 s5, $0x0  }
0x1f: {  	s9 =	smul.u32 $0xF7A, s1;
	s8 =	simm.s32 @!p0 $0x1BF5;
	p2 =	por !p2, p0  }
0x20: {  	[sflag:s8] =	ssyncset.s32 @!p0 $0xFFFFF086;
	s6 =	sadd.s32 @!p0 s3, s7;
	s7 =	simm.s32 @!p0 $0x108  }
0x21: {  	s3 =	sadd.s32 s3, s9;
	s6 =	sadd.s32 @!p0 $0x88, s6;
	s7 =	simm.s32 @p2 $0x1082  }
0x22: {  	[simem:s7], [sflag:s8] =	dma.local @!p0 [hbm:s6], $0xF7A  }
0x23: {  	s9 =	sor.u32 $0xD0000000, s2;
	s6 =	simm.s32 $0x108;
	_ =	swait.ge @!p0 [sflag:s8], $0x0  }
0x24: {  	s3 =	sadd.s32 $0x88, s3;
	s6 =	simm.s32 @!p1 $0x1082;
	[sflag:s4] =	ssyncset.s32 $0xFFFFF086  }
0x25: {  	[simem:s6], [sflag:s4] =	dma.local [hbm:s3], $0xF7A  }
0x26: {  	[smem:$0x3F99] =	sst s1;
	(tag) =	ssettag s2;
	_ =	strace s9  }
0x27: {  	s1 =	sld [smem:$0x3FA9]  }
0x28: {  	s2 =	sld [smem:$0x3FAA]  }
0x29: {  	s4 =	sld [smem:$0x3FAC]  }
0x2a: {  	p0 =	seq.s32 s5, $0x0;
	s5 =	sld [smem:$0x3FAD]  }
0x2b: {  	s6 =	sld [smem:$0x3FAE]  }
0x2c: {  	s7 =	sld [smem:$0x3FAF]  }
0x2d: {  	s3 =	simm.s32 $0x108;
	s8 =	sld [smem:$0x3FB0]  }
0x2e: {  	s3 =	simm.s32 @!p0 $0x1082;
	s9 =	sld [smem:$0x3FB1]  }
0x2f: {  	lr =	sadd.s32 s0, s3;
	s0 =	sld [smem:$0x3FA8]  }
0x30: {  	s3 =	sld [smem:$0x3FAB]  }
0x31: {  	[smem:$0x3FB4] =	sst s10  }
0x32: {  	s10 =	sld [smem:$0x3FB2];
	_ =	sdelay $0x3  }
0x33: {  	p0 =	seq.s32 s10, $0x1;
	s10 =	sld [smem:$0x3FB4];
	_ =	sdelay $0x3  }
0x34: {  	[smem:$0x3FB4] =	sst s10  }
0x35: {  	s10 =	sld [smem:$0x3FB3];
	_ =	sdelay $0x3  }
0x36: {  	p1 =	seq.s32 s10, $0x1;
	s10 =	sld [smem:$0x3FB4];
	_ =	sdelay $0x3  }
0x37: {  	[smem:$0x3FB4] =	sst s10  }
0x38: {  	s10 =	sld [smem:$0x3FB5]  }
0x39: {  	_ = 	snop;
	(pc) =	sbr.ind lr, $3  }
0x3a: {  	_ = 	snop  }
0x3b: {  	_ = 	snop  }
0x3c: {  	p2 =	seq.s32 s10, $0x1;
	s10 =	sld [smem:$0x3FB4]  }
0x3d: {  	_ =	shalt  }
0x3e: {  	_ =	shalt  }
0x3f: {  	_ =	shalt  }
0x40: {  	_ =	shalt  }
0x41: {  	_ =	shalt  }
0x42: {  	_ =	shalt  }
0x43: {  	_ =	shalt  }
0x44: {  	_ =	shalt  }
0x45: {  	_ =	shalt  }
0x46: {  	_ =	shalt  }
0x47: {  	_ =	shalt  }
0x48: {  	_ =	shalt  }
0x49: {  	_ =	shalt  }
0x4a: {  	_ =	shalt  }
0x4b: {  	_ =	shalt  }
0x4c: {  	_ =	shalt  }
0x4d: {  	_ =	shalt  }
0x4e: {  	_ =	shalt  }
0x4f: {  	_ =	shalt  }
0x50: {  	_ =	shalt  }
0x51: {  	_ =	shalt  }
0x52: {  	_ =	shalt  }
0x53: {  	_ =	shalt  }
0x54: {  	_ =	shalt  }
0x55: {  	_ =	shalt  }
0x56: {  	_ =	shalt  }
0x57: {  	_ =	shalt  }
0x58: {  	_ =	shalt  }
0x59: {  	_ =	shalt  }
0x5a: {  	_ =	shalt  }
0x5b: {  	_ =	shalt  }
0x5c: {  	_ =	shalt  }
0x5d: {  	_ =	shalt  }
0x5e: {  	_ =	shalt  }
0x5f: {  	_ =	shalt  }
0x60: {  	_ =	shalt  }
0x61: {  	_ =	shalt  }
0x62: {  	_ =	shalt  }
0x63: {  	_ =	shalt  }
0x64: {  	_ =	shalt  }
0x65: {  	_ =	shalt  }
0x66: {  	_ =	shalt  }
0x67: {  	_ =	shalt  }
0x68: {  	_ =	shalt  }
0x69: {  	_ =	shalt  }
0x6a: {  	_ =	shalt  }
0x6b: {  	_ =	shalt  }
0x6c: {  	_ =	shalt  }
0x6d: {  	_ =	shalt  }
0x6e: {  	_ =	shalt  }
0x6f: {  	_ =	shalt  }
0x70: {  	_ =	shalt  }
0x71: {  	_ =	shalt  }
0x72: {  	_ =	shalt  }
0x73: {  	_ =	shalt  }
0x74: {  	_ =	shalt  }
0x75: {  	_ =	shalt  }
0x76: {  	_ =	shalt  }
0x77: {  	_ =	shalt  }
0x78: {  	_ =	shalt  }
0x79: {  	_ =	shalt  }
0x7a: {  	_ =	shalt  }
0x7b: {  	_ =	shalt  }
0x7c: {  	_ =	shalt  }
0x7d: {  	_ =	shalt  }
0x7e: {  	_ =	shalt  }
0x7f: {  	_ =	shalt  }
0x80: {  	_ =	shalt  }
0x81: {  	_ =	shalt  }
0x82: {  	_ =	shalt  }
0x83: {  	_ =	shalt  }
0x84: {  	_ =	shalt  }
0x85: {  	_ =	shalt  }
0x86: {  	_ =	shalt  }
0x87: {  	_ =	shalt  }
.Lfunc_end0:
.L_simem_size_0:
called_computation.1_lowered:
.L_overlay_start_0:
0x88: {  	s2 =	sld [smem:$0x3FD9]  }
0x89: {  	s3 =	sld [smem:$0x3FFE];
	_ =	sdelay $0x1  }
0x8a: {  	s1 =	srdreg.scid  }
0x8b: {  	s0 =	sand.u32 $0x1, s1  }
0x8c: {  	s16 =	sshll.u32 s0, $0xA;
	s2 =	sadd.s32 s3, s2  }
0x8d: {  	s2 =	sadd.s32 s2, s16  }
0x8e: {  	[smem:$0x3FC0] =	sst s2  }
0x8f: {  	_ = 	snop  }
0x90: {  	(tm) =	ssettm $0x1  }
0x91: {  	s17 =	sld [smem:$0x3FFB];
	_ =	sdelay $0x3  }
0x92: {  	_ =	strace s17  }
0x93: {  	s2 =	sld [smem:$0x3FFC];
	_ =	sdelay $0x3  }
0x94: {  	_ =	strace s2  }
0x95: {  	s2 =	sld [smem:$0x3FFD];
	_ =	sdelay $0x3  }
0x96: {  	_ =	strace s2  }
0x97: {  	_ =	strace $0x8FFFFFFF  }
0x98: {  	s18 =	sld [smem:$0x3FDB];
	_ =	sdelay $0x1  }
0x99: {  	s19 =	simm.s32 $_scs_section_size  }
0x9a: {  	s4 =	simm.s32 $_size__tile_overlayer_lowered;
	s5 =	simm.s32 $_tile_overlayer_lowered  }
0x9b: {  	s22 =	simm.s32 $0x1BFF;
	s21 =	sshll.u32 s5, $0x1;
	s2 =	sadd.s32 s19, s18  }
0x9c: {  	s6 =	simm.s32 $0x0;
	s20 =	sshll.u32 s4, $0x1;
	s4 =	sadd.s32 s21, s2  }
0x9d: {  	[timem:s6], [sflag:s22] =	dma.local [hbm:s4], s20  }
0x9e: {  	_ =	swait.ge [sflag:s22], s20  }
0x9f: {  	s3 =	ssub.s32 $0x0, s20;
	[sflag:s22] =	ssyncset.done $0x0  }
0xa0: {  	[sflag:s22] =	ssyncadd.s32 s3;
	_ =	sdelay $0x1  }
0xa1: {  	s23 =	simm.s32 $0x1B8B  }
0xa2: {  	_ =	swait.ge [sflag:s23], $0x1  }
0xa3: {  	[sflag:s23] =	ssyncset.done $0x0  }
0xa4: {  	s25 =	simm.s32 $0x1B8E;
	s24 =	sld [smem:$0x3FFE];
	[sflag:s23] =	ssyncadd.s32 $0xFFFFFFFF  }
0xa5: {  	s26 =	simm.s32 $execute0_lowered;
	[smem:$0x3FD2] =	sst s25  }
0xa6: {  	s4 =	sshll.u32 s26, $0x1;
	_ =	strace $0x80000049;
	[dreg:$0x1] =	wrdreg $0xFFFFFFFF  }
0xa7: {  	s28 =	simm.s32 $_size_execute0_lowered;
	s2 =	sadd.s32 s2, s4;
	[dreg:$0x0] =	wrdreg $0x0  }
0xa8: {  	s4 =	sshll.u32 s28, $0x1;
	[dreg:$0x2] =	wrdreg s2  }
0xa9: {  	[dreg:$0x3] =	wrdreg s4  }
0xaa: {  	[dreg:$0x4] =	wrdreg $0xC0  }
0xab: {  	_ =	task [dreg:s6], $0x5FFFF  }
0xac: {  	[dreg:$0x1] =	wrdreg $0xFFFFFFFF  }
0xad: {  	[dreg:$0x0] =	wrdreg $0x60  }
0xae: {  	[dreg:$0x2] =	wrdreg s24  }
0xaf: {  	[dreg:$0x3] =	wrdreg $0x8F200  }
0xb0: {  	[dreg:$0x4] =	wrdreg $0x9  }
0xb1: {  	_ =	task.clear_ibuf [dreg:s6], $0x5FFFF;
	_ =	strace $0x90000049  }
0xb2: {  	s29 =	simm.s32 $0x9;
	_ =	strace $0x8000004B  }
0xb3: {  	_ =	swait.ge [sflag:s29], $0x1  }
0xb4: {  	[sflag:s29] =	ssyncadd.s32 $0xFFFFFFFF  }
0xb5: {  	_ =	strace $0x9000004B  }
0xb6: {  	_ =	sfence  }
0xb7: {  	s30 =	sld [smem:$0x0];
	_ =	sdelay $0x2  }
0xb8: {  	s31 =	sshll.u32 s1, $0xD;
	s1 =	sshrl.u32 s1, $0x2  }
0xb9: {  	s3 =	sand.u32 $0x4000, s31;
	s1 =	sadd.s32 s1, s30  }
0xba: {  	s0 =	sor.u32 s3, s0;
	s1 =	sshll.u32 s1, $0x11  }
0xbb: {  	s0 =	sor.u32 s1, s0  }
0xbc: {  	s0 =	sadd.s32 $0x8F2B, s0  }
0xbd: {  	[sflag:s0] =	ssyncadd.remote.s32 $0x1  }
0xbe: {  	_ =	sfence.sel $0xFFFF  }
0xbf: {  	[dreg:$0x0] =	wrdreg $0xFFFFFFFF;
	(pc) =	sbr.abs _section_cstart, $3  }
0xc0: {  	[dreg:$0x1] =	wrdreg $0xFFFFFFFF  }
0xc1: {  	_ =	task.clear_ibuf [dreg:s6], $0x2FFFF;
	_ =	strace $0x9FFFFFFF  }
0xc2: {  	(tm) =	ssettm $0x7FFFFFFF  }
0xc3: {  	_ =	shalt  }
tec
execute0_lowered:
.L_overlay_start_1:
0x0: {  	(tag) =	ssettag $0x1  }
0x1: {  	s0 =	srdreg.scid  }
0x2: {  	s9 =	stileid.u32;
	s3 =	rddreg [dreg:$0x0]  }
0x3: {  	s2 =	rddreg [dreg:$0x1];
	s4 =	simm.s32 $0x0;
	s15 =	simm.s32 $0x1  }
0x4: {  	s17 =	simm.s32 $0x2;
	s19 =	simm.s32 $0x3;
	s21 =	simm.s32 $0x4  }
0x5: {  	s22 =	simm.s32 $0x80;
	s23 =	simm.s32 $0x4E20;
	s24 =	simm.s32 $0x5620  }
0x6: {  	s29 =	simm.s32 $0x6620;
	s31 =	simm.s32 $0x6E20;
	s25 =	simm.s32 $0x7E20  }
0x7: {  	s30 =	simm.s32 $0x8620;
	s16 =	simm.s32 $0x6;
	s28 =	simm.s32 $0x7  }
0x8: {  	s18 =	simm.s32 $0xD;
	s20 =	simm.s32 $0x10;
	s14 =	simm.s32 $0x0  }
0x9: {  	s0 =	sand.u32 $0x1, s0;
	s6 =	smul.u32 $0x2800, s9;
	[smem:$0x7FF] =	sst s4  }
0xa: {  	s4 =	sadd.s32 $0x1C400, s3;
	s1 =	sshll.u32 s0, $0x4;
	s7 =	smul.u32 $0x28000, s0  }
0xb: {  	_ =	strace $0x8000004A;
	s0 =	ssub.s32 $0x2, s0;
	[dreg:$0xc] =	wrdreg s14  }
0xc: {  	s1 =	sor.u32 s9, s1;
	s8 =	sshrl.u32 s6, $0x3;
	s26 =	sshrl.u32 s0, $0x1  }
0xd: {  	s9 =	sshll.u32 s9, $0x6;
	s5 =	smul.u32 $0x4E0, s1;
	s1 =	sshll.u32 s1, $0x1  }
0xe: {  	s7 =	sadd.s32 s6, s7;
	s8 =	sadd.s32 s8, s3;
	s0 =	ssub.s32 s0, s26  }
0xf: {  	s6 =	sadd.s32 s6, s2;
	s13 =	sor.u32 $0x1C11, s9;
	s26 =	simm.s32 $0x5E20  }
0x10: {  	s9 =	simm.s32 $0xB;
	s8 =	sadd.s32 $0x17400, s8;
	[dreg:$0x4] =	wrdreg s13  }
0x11: {  	s1 =	sadd.s32 s1, s3;
	s0 =	smax.u32 s0, $0x1;
	[dreg:$0x3] =	wrdreg s8  }
0x12: {  	s7 =	sshrl.u32 s7, $0x3;
	s6 =	sshrl.u32 s6, $0x3;
	[dreg:$0xa] =	wrdreg s0  }
0x13: {  	s5 =	sadd.s32 s5, s3;
	s11 =	sadd.s32 $0x3A00, s1;
	[dreg:$0xb] =	wrdreg s6  }
0x14: {  	s3 =	sadd.s32 s7, s3;
	s1 =	sadd.s32 $0x3800, s1;
	[dreg:$0x7] =	wrdreg s11  }
0x15: {  	s0 =	simm.s32 $0x7620;
	s10 =	sadd.s32 $0xD800, s5;
	[dreg:$0x8] =	wrdreg s1  }
0x16: {  	s7 =	simm.s32 $0x9;
	s5 =	sadd.s32 $0x3C00, s5;
	[dreg:$0x5] =	wrdreg s10  }
0x17: {  	s8 =	simm.s32 $0xA;
	s12 =	sadd.s32 $0x21400, s3;
	[dreg:$0x6] =	wrdreg s5  }
0x18: {  	s1 =	simm.s32 $0x5;
	s11 =	simm.s32 $0xE;
	[dreg:$0x9] =	wrdreg s12  }
0x19: {  	s5 =	simm.s32 $0x8;
	s10 =	simm.s32 $0xC;
	s12 =	simm.s32 $0xF  }
.LBB2_1:
0x1a: {  	s14 =	simm.s32 $0x11;
	s3 =	rddreg [dreg:$0x3]  }
0x1b: {  	[spmem:s6], [sflag:s13] =	dma.local [hbm:s3], $0x500  }
0x1c: {  	_ =	swait.ge [sflag:s14], $0x500  }
0x1d: {  	[sflag:s14] =	ssyncset.done $0x0  }
0x1e: {  	s3 =	simm.s32 $0x0;
	[sflag:s14] =	ssyncadd.s32 $0xFFFFFB00;
	s14 =	rddreg [dreg:$0x5]  }
0x1f: {  	[tilespmem:s3], [sflag:$0x1] =	stream.linear.gather [hbm4b:s14+s3], $0x2700, $0x38;
	[tilespmem:$0xB720] =	vst v63  }
0x20: {  	_ =	swait.ge [sflag:s15], $0x2700  }
0x21: {  	[sflag:s15] =	ssyncset.done $0x0  }
0x22: {  	s14 =	simm.s32 $0x2700;
	s13 =	rddreg [dreg:$0x6];
	[sflag:s15] =	ssyncadd.s32 $0xFFFFD900  }
0x23: {  	[tilespmem:s14], [sflag:$0x2] =	stream.linear.gather [hbm4b:s13+s3], $0x2700, $0x38;
	[tilespmem:$0xB720] =	vst v63  }
0x24: {  	_ =	swait.ge [sflag:s17], $0x2700  }
0x25: {  	[sflag:s17] =	ssyncset.done $0x0  }
0x26: {  	s14 =	simm.s32 $0x4E00;
	s13 =	rddreg [dreg:$0x7];
	[sflag:s17] =	ssyncadd.s32 $0xFFFFD900  }
0x27: {  	[tilespmem:s14], [sflag:$0x3] =	stream.linear.gather [hbm4b:s13+s3], $0x10, $0x38;
	[tilespmem:$0xB720] =	vst v63  }
0x28: {  	_ =	swait.ge [sflag:s19], $0x10  }
0x29: {  	[sflag:s19] =	ssyncset.done $0x0  }
0x2a: {  	s14 =	simm.s32 $0x4E10;
	s13 =	rddreg [dreg:$0x8];
	[sflag:s19] =	ssyncadd.s32 $0xFFFFFFF0  }
0x2b: {  	[tilespmem:s14], [sflag:$0x4] =	stream.linear.gather [hbm4b:s13+s3], $0x10, $0x38;
	[tilespmem:$0xB720] =	vst v63  }
0x2c: {  	_ =	swait.ge [sflag:s21], $0x10  }
0x2d: {  	[sflag:s21] =	ssyncset.done $0x0  }
0x2e: {  	[sflag:s21] =	ssyncadd.s32 $0xFFFFFFF0  }
0x2f: {  	[bflag:$0x0] =	sbarrier.arrive $0xFFFF  }
0x30: {  	[tilespmem:s23], [sflag:$0x1] =	stream.indirect.gather [hbm4b:s4+s22], $0x10, s3, s22, $0xb8;
	[tilespmem:$0xB720] =	vst v63  }
0x31: {  	_ = 	snop  }
0x32: {  	[tilespmem:s24], [sflag:$0x2] =	stream.indirect.gather [hbm4b:s4+s22], $0x10, s22, s22, $0xb8;
	[tilespmem:$0xB720] =	vst v63  }
0x33: {  	s6 =	simm.s32 $0x100  }
0x34: {  	[tilespmem:s26], [sflag:$0x3] =	stream.indirect.gather [hbm4b:s4+s22], $0x10, s6, s22, $0xb8;
	[tilespmem:$0xB720] =	vst v63  }
0x35: {  	s13 =	simm.s32 $0x180  }
0x36: {  	[tilespmem:s29], [sflag:$0x4] =	stream.indirect.gather [hbm4b:s4+s22], $0x10, s13, s22, $0xb8;
	[tilespmem:$0xB720] =	vst v63  }
0x37: {  	s14 =	simm.s32 $0x200  }
0x38: {  	[tilespmem:s31], [sflag:$0x5] =	stream.indirect.gather [hbm4b:s4+s22], $0x10, s14, s22, $0xb8;
	[tilespmem:$0xB720] =	vst v63  }
0x39: {  	s6 =	simm.s32 $0x280  }
0x3a: {  	[tilespmem:s0], [sflag:$0x6] =	stream.indirect.gather [hbm4b:s4+s22], $0x10, s6, s22, $0xb8;
	[tilespmem:$0xB720] =	vst v63  }
0x3b: {  	s13 =	simm.s32 $0x300  }
0x3c: {  	[tilespmem:s25], [sflag:$0x7] =	stream.indirect.gather [hbm4b:s4+s22], $0x10, s13, s22, $0xb8;
	[tilespmem:$0xB720] =	vst v63  }
0x3d: {  	s14 =	simm.s32 $0x380  }
0x3e: {  	[tilespmem:s30], [sflag:$0x8] =	stream.indirect.gather [hbm4b:s4+s22], $0x10, s14, s22, $0xb8;
	[tilespmem:$0xB720] =	vst v63  }
0x3f: {  	_ =	swait.ge [sflag:s15], $0x800  }
0x40: {  	[sflag:s15] =	ssyncset.done $0x0  }
0x41: {  	s6 =	simm.s32 $0x2700;
	[sflag:s15] =	ssyncadd.s32 $0xFFFFF800  }
0x42: {  	[spmem:s2] =	stream.indirect.scatter.add.f32 [tilespmem:s23], [sflag:$0x9], $0x10, s6, s22, $0xb8;
	[tilespmem:$0xB720] =	vst v63  }
0x43: {  	_ =	swait.ge [sflag:s17], $0x800  }
0x44: {  	[sflag:s17] =	ssyncset.done $0x0  }
0x45: {  	s13 =	simm.s32 $0x2780;
	[sflag:s17] =	ssyncadd.s32 $0xFFFFF800  }
0x46: {  	[spmem:s2] =	stream.indirect.scatter.add.f32 [tilespmem:s24], [sflag:$0xA], $0x10, s13, s22, $0xb8;
	[tilespmem:$0xB720] =	vst v63  }
0x47: {  	_ =	swait.ge [sflag:s19], $0x800  }
0x48: {  	[sflag:s19] =	ssyncset.done $0x0  }
0x49: {  	s14 =	simm.s32 $0x2800;
	[sflag:s19] =	ssyncadd.s32 $0xFFFFF800  }
0x4a: {  	[spmem:s2] =	stream.indirect.scatter.add.f32 [tilespmem:s26], [sflag:$0xB], $0x10, s14, s22, $0xb8;
	[tilespmem:$0xB720] =	vst v63  }
0x4b: {  	_ =	swait.ge [sflag:s21], $0x800  }
0x4c: {  	[sflag:s21] =	ssyncset.done $0x0  }
0x4d: {  	s6 =	simm.s32 $0x2880;
	[sflag:s21] =	ssyncadd.s32 $0xFFFFF800  }
0x4e: {  	[spmem:s2] =	stream.indirect.scatter.add.f32 [tilespmem:s29], [sflag:$0xC], $0x10, s6, s22, $0xb8;
	[tilespmem:$0xB720] =	vst v63  }
0x4f: {  	_ =	swait.ge [sflag:s1], $0x800  }
0x50: {  	[sflag:s1] =	ssyncset.done $0x0  }
0x51: {  	s13 =	simm.s32 $0x2900;
	[sflag:s1] =	ssyncadd.s32 $0xFFFFF800  }
0x52: {  	[spmem:s2] =	stream.indirect.scatter.add.f32 [tilespmem:s31], [sflag:$0xD], $0x10, s13, s22, $0xb8;
	[tilespmem:$0xB720] =	vst v63  }
0x53: {  	_ =	swait.ge [sflag:s16], $0x800  }
0x54: {  	[sflag:s16] =	ssyncset.done $0x0  }
0x55: {  	s14 =	simm.s32 $0x2980;
	[sflag:s16] =	ssyncadd.s32 $0xFFFFF800  }
0x56: {  	[spmem:s2] =	stream.indirect.scatter.add.f32 [tilespmem:s0], [sflag:$0xE], $0x10, s14, s22, $0xb8;
	[tilespmem:$0xB720] =	vst v63  }
0x57: {  	_ =	swait.ge [sflag:s28], $0x800  }
0x58: {  	[sflag:s28] =	ssyncset.done $0x0  }
0x59: {  	s6 =	simm.s32 $0x2A00;
	[sflag:s28] =	ssyncadd.s32 $0xFFFFF800  }
0x5a: {  	[spmem:s2] =	stream.indirect.scatter.add.f32 [tilespmem:s25], [sflag:$0xF], $0x10, s6, s22, $0xb8;
	[tilespmem:$0xB720] =	vst v63  }
0x5b: {  	_ =	swait.ge [sflag:s5], $0x800  }
0x5c: {  	[sflag:s5] =	ssyncset.done $0x0  }
0x5d: {  	s13 =	simm.s32 $0x2A80;
	[sflag:s5] =	ssyncadd.s32 $0xFFFFF800  }
0x5e: {  	[spmem:s2] =	stream.indirect.scatter.add.f32 [tilespmem:s30], [sflag:$0x10], $0x10, s13, s22, $0xb8;
	[tilespmem:$0xB720] =	vst v63  }
0x5f: {  	_ =	swait.ge [sflag:s7], $0x800  }
0x60: {  	[sflag:s7] =	ssyncset.done $0x0  }
0x61: {  	s14 =	simm.s32 $0x400;
	[sflag:s7] =	ssyncadd.s32 $0xFFFFF800  }
0x62: {  	[tilespmem:s23], [sflag:$0x1] =	stream.indirect.gather [hbm4b:s4+s22], $0x10, s14, s22, $0xb8;
	[tilespmem:$0xB720] =	vst v63  }
0x63: {  	_ =	swait.ge [sflag:s8], $0x800  }
0x64: {  	[sflag:s8] =	ssyncset.done $0x0  }
0x65: {  	s6 =	simm.s32 $0x480;
	[sflag:s8] =	ssyncadd.s32 $0xFFFFF800  }
0x66: {  	[tilespmem:s24], [sflag:$0x2] =	stream.indirect.gather [hbm4b:s4+s22], $0x10, s6, s22, $0xb8;
	[tilespmem:$0xB720] =	vst v63  }
0x67: {  	_ =	swait.ge [sflag:s9], $0x800  }
0x68: {  	[sflag:s9] =	ssyncset.done $0x0  }
0x69: {  	s13 =	simm.s32 $0x500;
	[sflag:s9] =	ssyncadd.s32 $0xFFFFF800  }
0x6a: {  	[tilespmem:s26], [sflag:$0x3] =	stream.indirect.gather [hbm4b:s4+s22], $0x10, s13, s22, $0xb8;
	[tilespmem:$0xB720] =	vst v63  }
0x6b: {  	_ =	swait.ge [sflag:s10], $0x800  }
0x6c: {  	[sflag:s10] =	ssyncset.done $0x0  }
0x6d: {  	s14 =	simm.s32 $0x580;
	[sflag:s10] =	ssyncadd.s32 $0xFFFFF800  }
0x6e: {  	[tilespmem:s29], [sflag:$0x4] =	stream.indirect.gather [hbm4b:s4+s22], $0x10, s14, s22, $0xb8;
	[tilespmem:$0xB720] =	vst v63  }
0x6f: {  	_ =	swait.ge [sflag:s18], $0x800  }
0x70: {  	[sflag:s18] =	ssyncset.done $0x0  }
0x71: {  	s6 =	simm.s32 $0x600;
	[sflag:s18] =	ssyncadd.s32 $0xFFFFF800  }
0x72: {  	[tilespmem:s31], [sflag:$0x5] =	stream.indirect.gather [hbm4b:s4+s22], $0x10, s6, s22, $0xb8;
	[tilespmem:$0xB720] =	vst v63  }
0x73: {  	_ =	swait.ge [sflag:s11], $0x800  }
0x74: {  	[sflag:s11] =	ssyncset.done $0x0  }
0x75: {  	s13 =	simm.s32 $0x680;
	[sflag:s11] =	ssyncadd.s32 $0xFFFFF800  }
0x76: {  	[tilespmem:s0], [sflag:$0x6] =	stream.indirect.gather [hbm4b:s4+s22], $0x10, s13, s22, $0xb8;
	[tilespmem:$0xB720] =	vst v63  }
0x77: {  	_ =	swait.ge [sflag:s12], $0x800  }
0x78: {  	[sflag:s12] =	ssyncset.done $0x0  }
0x79: {  	s14 =	simm.s32 $0x700;
	[sflag:s12] =	ssyncadd.s32 $0xFFFFF800  }
0x7a: {  	[tilespmem:s25], [sflag:$0x7] =	stream.indirect.gather [hbm4b:s4+s22], $0x10, s14, s22, $0xb8;
	[tilespmem:$0xB720] =	vst v63  }
0x7b: {  	_ =	swait.ge [sflag:s20], $0x800  }
0x7c: {  	[sflag:s20] =	ssyncset.done $0x0  }
0x7d: {  	s3 =	simm.s32 $0x780;
	s13 =	simm.s32 $0x1000;
	[sflag:s20] =	ssyncadd.s32 $0xFFFFF800  }
.LBB2_2:
0x7e: {  	[tilespmem:s30], [sflag:$0x8] =	stream.indirect.gather [hbm4b:s4+s22], $0x10, s3, s22, $0xb8;
	[tilespmem:$0xB720] =	vst v63  }
0x7f: {  	s3 =	smov.u32 s13  }
0x80: {  	p0 =	sne.s32 s13, $0x7000;
	s13 =	sadd.s32 $0x1000, s13;
	_ =	swait.ge [sflag:s15], $0x800  }
0x81: {  	s3 =	sshra.s32 s3, $0x2;
	[sflag:s15] =	ssyncset.done $0x0  }
0x82: {  	s6 =	sadd.s32 $0x2700, s3;
	[sflag:s15] =	ssyncadd.s32 $0xFFFFF800  }
0x83: {  	[spmem:s2] =	stream.indirect.scatter.add.f32 [tilespmem:s23], [sflag:$0x9], $0x10, s6, s22, $0xb8;
	[tilespmem:$0xB720] =	vst v63  }
0x84: {  	_ =	swait.ge [sflag:s17], $0x800  }
0x85: {  	[sflag:s17] =	ssyncset.done $0x0  }
0x86: {  	s6 =	sadd.s32 $0x2780, s3;
	[sflag:s17] =	ssyncadd.s32 $0xFFFFF800  }
0x87: {  	[spmem:s2] =	stream.indirect.scatter.add.f32 [tilespmem:s24], [sflag:$0xA], $0x10, s6, s22, $0xb8;
	[tilespmem:$0xB720] =	vst v63  }
0x88: {  	_ =	swait.ge [sflag:s19], $0x800  }
0x89: {  	[sflag:s19] =	ssyncset.done $0x0  }
0x8a: {  	s6 =	sadd.s32 $0x2800, s3;
	[sflag:s19] =	ssyncadd.s32 $0xFFFFF800  }
0x8b: {  	[spmem:s2] =	stream.indirect.scatter.add.f32 [tilespmem:s26], [sflag:$0xB], $0x10, s6, s22, $0xb8;
	[tilespmem:$0xB720] =	vst v63  }
0x8c: {  	_ =	swait.ge [sflag:s21], $0x800  }
0x8d: {  	[sflag:s21] =	ssyncset.done $0x0  }
0x8e: {  	s6 =	sadd.s32 $0x2880, s3;
	[sflag:s21] =	ssyncadd.s32 $0xFFFFF800  }
0x8f: {  	[spmem:s2] =	stream.indirect.scatter.add.f32 [tilespmem:s29], [sflag:$0xC], $0x10, s6, s22, $0xb8;
	[tilespmem:$0xB720] =	vst v63  }
0x90: {  	_ =	swait.ge [sflag:s1], $0x800  }
0x91: {  	[sflag:s1] =	ssyncset.done $0x0  }
0x92: {  	s6 =	sadd.s32 $0x2900, s3;
	[sflag:s1] =	ssyncadd.s32 $0xFFFFF800  }
0x93: {  	[spmem:s2] =	stream.indirect.scatter.add.f32 [tilespmem:s31], [sflag:$0xD], $0x10, s6, s22, $0xb8;
	[tilespmem:$0xB720] =	vst v63  }
0x94: {  	_ =	swait.ge [sflag:s16], $0x800  }
0x95: {  	[sflag:s16] =	ssyncset.done $0x0  }
0x96: {  	s6 =	sadd.s32 $0x2980, s3;
	[sflag:s16] =	ssyncadd.s32 $0xFFFFF800  }
0x97: {  	[spmem:s2] =	stream.indirect.scatter.add.f32 [tilespmem:s0], [sflag:$0xE], $0x10, s6, s22, $0xb8;
	[tilespmem:$0xB720] =	vst v63  }
0x98: {  	_ =	swait.ge [sflag:s28], $0x800  }
0x99: {  	[sflag:s28] =	ssyncset.done $0x0  }
0x9a: {  	s6 =	sadd.s32 $0x2A00, s3;
	[sflag:s28] =	ssyncadd.s32 $0xFFFFF800  }
0x9b: {  	[spmem:s2] =	stream.indirect.scatter.add.f32 [tilespmem:s25], [sflag:$0xF], $0x10, s6, s22, $0xb8;
	[tilespmem:$0xB720] =	vst v63  }
0x9c: {  	_ =	swait.ge [sflag:s5], $0x800  }
0x9d: {  	[sflag:s5] =	ssyncset.done $0x0  }
0x9e: {  	s6 =	sadd.s32 $0x2A80, s3;
	[sflag:s5] =	ssyncadd.s32 $0xFFFFF800  }
0x9f: {  	[spmem:s2] =	stream.indirect.scatter.add.f32 [tilespmem:s30], [sflag:$0x10], $0x10, s6, s22, $0xb8;
	[tilespmem:$0xB720] =	vst v63  }
0xa0: {  	_ =	swait.ge [sflag:s7], $0x800  }
0xa1: {  	[sflag:s7] =	ssyncset.done $0x0  }
0xa2: {  	s6 =	sadd.s32 $0x400, s3;
	[sflag:s7] =	ssyncadd.s32 $0xFFFFF800  }
0xa3: {  	[tilespmem:s23], [sflag:$0x1] =	stream.indirect.gather [hbm4b:s4+s22], $0x10, s6, s22, $0xb8;
	[tilespmem:$0xB720] =	vst v63  }
0xa4: {  	_ =	swait.ge [sflag:s8], $0x800  }
0xa5: {  	[sflag:s8] =	ssyncset.done $0x0  }
0xa6: {  	s6 =	sadd.s32 $0x480, s3;
	[sflag:s8] =	ssyncadd.s32 $0xFFFFF800  }
0xa7: {  	[tilespmem:s24], [sflag:$0x2] =	stream.indirect.gather [hbm4b:s4+s22], $0x10, s6, s22, $0xb8;
	[tilespmem:$0xB720] =	vst v63  }
0xa8: {  	_ =	swait.ge [sflag:s9], $0x800  }
0xa9: {  	[sflag:s9] =	ssyncset.done $0x0  }
0xaa: {  	s6 =	sadd.s32 $0x500, s3;
	[sflag:s9] =	ssyncadd.s32 $0xFFFFF800  }
0xab: {  	[tilespmem:s26], [sflag:$0x3] =	stream.indirect.gather [hbm4b:s4+s22], $0x10, s6, s22, $0xb8;
	[tilespmem:$0xB720] =	vst v63  }
0xac: {  	_ =	swait.ge [sflag:s10], $0x800  }
0xad: {  	[sflag:s10] =	ssyncset.done $0x0  }
0xae: {  	s6 =	sadd.s32 $0x580, s3;
	[sflag:s10] =	ssyncadd.s32 $0xFFFFF800  }
0xaf: {  	[tilespmem:s29], [sflag:$0x4] =	stream.indirect.gather [hbm4b:s4+s22], $0x10, s6, s22, $0xb8;
	[tilespmem:$0xB720] =	vst v63  }
0xb0: {  	_ =	swait.ge [sflag:s18], $0x800  }
0xb1: {  	[sflag:s18] =	ssyncset.done $0x0  }
0xb2: {  	s6 =	sadd.s32 $0x600, s3;
	[sflag:s18] =	ssyncadd.s32 $0xFFFFF800  }
0xb3: {  	[tilespmem:s31], [sflag:$0x5] =	stream.indirect.gather [hbm4b:s4+s22], $0x10, s6, s22, $0xb8;
	[tilespmem:$0xB720] =	vst v63  }
0xb4: {  	_ =	swait.ge [sflag:s11], $0x800  }
0xb5: {  	[sflag:s11] =	ssyncset.done $0x0  }
0xb6: {  	s6 =	sadd.s32 $0x680, s3;
	[sflag:s11] =	ssyncadd.s32 $0xFFFFF800  }
0xb7: {  	[tilespmem:s0], [sflag:$0x6] =	stream.indirect.gather [hbm4b:s4+s22], $0x10, s6, s22, $0xb8;
	[tilespmem:$0xB720] =	vst v63  }
0xb8: {  	_ =	swait.ge [sflag:s12], $0x800  }
0xb9: {  	[sflag:s12] =	ssyncset.done $0x0  }
.Ltmp0:
0xba: {  	s6 =	sadd.s32 $0x700, s3;
	[sflag:s12] =	ssyncadd.s32 $0xFFFFF800;
	(pc) =	sbr.rel @p0 .LBB2_2-.Ltmp0, $4  }
0xbb: {  	[tilespmem:s25], [sflag:$0x7] =	stream.indirect.gather [hbm4b:s4+s22], $0x10, s6, s22, $0xb8;
	[tilespmem:$0xB720] =	vst v63  }
0xbc: {  	_ =	swait.ge [sflag:s20], $0x800  }
0xbd: {  	[sflag:s20] =	ssyncset.done $0x0  }
0xbe: {  	s3 =	sadd.s32 $0x780, s3;
	[sflag:s20] =	ssyncadd.s32 $0xFFFFF800  }
0xbf: {  	[tilespmem:s30], [sflag:$0x8] =	stream.indirect.gather [hbm4b:s4+s22], $0x10, s3, s22, $0xb8;
	[tilespmem:$0xB720] =	vst v63  }
0xc0: {  	_ =	swait.ge [sflag:s15], $0x800  }
0xc1: {  	[sflag:s15] =	ssyncset.done $0x0  }
0xc2: {  	s6 =	simm.s32 $0x4700;
	[sflag:s15] =	ssyncadd.s32 $0xFFFFF800  }
0xc3: {  	[spmem:s2] =	stream.indirect.scatter.add.f32 [tilespmem:s23], [sflag:$0x9], $0x10, s6, s22, $0xb8;
	[tilespmem:$0xB720] =	vst v63  }
0xc4: {  	_ =	swait.ge [sflag:s17], $0x800  }
0xc5: {  	[sflag:s17] =	ssyncset.done $0x0  }
0xc6: {  	s13 =	simm.s32 $0x4780;
	[sflag:s17] =	ssyncadd.s32 $0xFFFFF800  }
0xc7: {  	[spmem:s2] =	stream.indirect.scatter.add.f32 [tilespmem:s24], [sflag:$0xA], $0x10, s13, s22, $0xb8;
	[tilespmem:$0xB720] =	vst v63  }
0xc8: {  	_ =	swait.ge [sflag:s19], $0x800  }
0xc9: {  	[sflag:s19] =	ssyncset.done $0x0  }
0xca: {  	s14 =	simm.s32 $0x4800;
	[sflag:s19] =	ssyncadd.s32 $0xFFFFF800  }
0xcb: {  	[spmem:s2] =	stream.indirect.scatter.add.f32 [tilespmem:s26], [sflag:$0xB], $0x10, s14, s22, $0xb8;
	[tilespmem:$0xB720] =	vst v63  }
0xcc: {  	_ =	swait.ge [sflag:s21], $0x800  }
0xcd: {  	[sflag:s21] =	ssyncset.done $0x0  }
0xce: {  	s6 =	simm.s32 $0x4880;
	[sflag:s21] =	ssyncadd.s32 $0xFFFFF800  }
0xcf: {  	[spmem:s2] =	stream.indirect.scatter.add.f32 [tilespmem:s29], [sflag:$0xC], $0x10, s6, s22, $0xb8;
	[tilespmem:$0xB720] =	vst v63  }
0xd0: {  	_ =	swait.ge [sflag:s1], $0x800  }
0xd1: {  	[sflag:s1] =	ssyncset.done $0x0  }
0xd2: {  	s13 =	simm.s32 $0x4900;
	[sflag:s1] =	ssyncadd.s32 $0xFFFFF800  }
0xd3: {  	[spmem:s2] =	stream.indirect.scatter.add.f32 [tilespmem:s31], [sflag:$0xD], $0x10, s13, s22, $0xb8;
	[tilespmem:$0xB720] =	vst v63  }
0xd4: {  	_ =	swait.ge [sflag:s16], $0x800  }
0xd5: {  	[sflag:s16] =	ssyncset.done $0x0  }
0xd6: {  	s14 =	simm.s32 $0x4980;
	[sflag:s16] =	ssyncadd.s32 $0xFFFFF800  }
0xd7: {  	[spmem:s2] =	stream.indirect.scatter.add.f32 [tilespmem:s0], [sflag:$0xE], $0x10, s14, s22, $0xb8;
	[tilespmem:$0xB720] =	vst v63  }
0xd8: {  	_ =	swait.ge [sflag:s28], $0x800  }
0xd9: {  	[sflag:s28] =	ssyncset.done $0x0  }
0xda: {  	s6 =	simm.s32 $0x4A00;
	[sflag:s28] =	ssyncadd.s32 $0xFFFFF800  }
0xdb: {  	[spmem:s2] =	stream.indirect.scatter.add.f32 [tilespmem:s25], [sflag:$0xF], $0x10, s6, s22, $0xb8;
	[tilespmem:$0xB720] =	vst v63  }
0xdc: {  	_ =	swait.ge [sflag:s5], $0x800  }
0xdd: {  	[sflag:s5] =	ssyncset.done $0x0  }
0xde: {  	s13 =	simm.s32 $0x4A80;
	[sflag:s5] =	ssyncadd.s32 $0xFFFFF800  }
0xdf: {  	[spmem:s2] =	stream.indirect.scatter.add.f32 [tilespmem:s30], [sflag:$0x10], $0x10, s13, s22, $0xb8;
	[tilespmem:$0xB720] =	vst v63  }
0xe0: {  	_ =	swait.ge [sflag:s7], $0x800  }
0xe1: {  	[sflag:s7] =	ssyncset.done $0x0  }
0xe2: {  	s14 =	simm.s32 $0x2400;
	[sflag:s7] =	ssyncadd.s32 $0xFFFFF800  }
0xe3: {  	[tilespmem:s23], [sflag:$0x1] =	stream.indirect.gather [hbm4b:s4+s22], $0x10, s14, s22, $0xb8;
	[tilespmem:$0xB720] =	vst v63  }
0xe4: {  	_ =	swait.ge [sflag:s8], $0x800  }
0xe5: {  	[sflag:s8] =	ssyncset.done $0x0  }
0xe6: {  	s6 =	simm.s32 $0x2480;
	[sflag:s8] =	ssyncadd.s32 $0xFFFFF800  }
0xe7: {  	[tilespmem:s24], [sflag:$0x2] =	stream.indirect.gather [hbm4b:s4+s22], $0x10, s6, s22, $0xb8;
	[tilespmem:$0xB720] =	vst v63  }
0xe8: {  	_ =	swait.ge [sflag:s9], $0x800  }
0xe9: {  	[sflag:s9] =	ssyncset.done $0x0  }
0xea: {  	s13 =	simm.s32 $0x2500;
	[sflag:s9] =	ssyncadd.s32 $0xFFFFF800  }
0xeb: {  	[tilespmem:s26], [sflag:$0x3] =	stream.indirect.gather [hbm4b:s4+s22], $0x10, s13, s22, $0xb8;
	[tilespmem:$0xB720] =	vst v63  }
0xec: {  	_ =	swait.ge [sflag:s10], $0x800  }
0xed: {  	[sflag:s10] =	ssyncset.done $0x0  }
0xee: {  	s14 =	simm.s32 $0x2580;
	[sflag:s10] =	ssyncadd.s32 $0xFFFFF800  }
0xef: {  	[tilespmem:s29], [sflag:$0x4] =	stream.indirect.gather [hbm4b:s4+s22], $0x10, s14, s22, $0xb8;
	[tilespmem:$0xB720] =	vst v63  }
0xf0: {  	_ =	swait.ge [sflag:s18], $0x800  }
0xf1: {  	[sflag:s18] =	ssyncset.done $0x0  }
0xf2: {  	s6 =	simm.s32 $0x2600;
	[sflag:s18] =	ssyncadd.s32 $0xFFFFF800  }
0xf3: {  	[tilespmem:s31], [sflag:$0x5] =	stream.indirect.gather [hbm4b:s4+s22], $0x10, s6, s22, $0xb8;
	[tilespmem:$0xB720] =	vst v63  }
0xf4: {  	_ =	swait.ge [sflag:s11], $0x800  }
0xf5: {  	[sflag:s11] =	ssyncset.done $0x0  }
0xf6: {  	s13 =	simm.s32 $0x2680;
	[sflag:s11] =	ssyncadd.s32 $0xFFFFF800  }
0xf7: {  	[tilespmem:s0], [sflag:$0x6] =	stream.indirect.gather [hbm4b:s4+s22], $0x10, s13, s22, $0xb8;
	[tilespmem:$0xB720] =	vst v63  }
0xf8: {  	_ =	swait.ge [sflag:s12], $0x800  }
0xf9: {  	[sflag:s12] =	ssyncset.done $0x0  }
0xfa: {  	[sflag:s12] =	ssyncadd.s32 $0xFFFFF800  }
0xfb: {  	_ =	swait.ge [sflag:s20], $0x800  }
0xfc: {  	[sflag:s20] =	ssyncset.done $0x0  }
0xfd: {  	[sflag:s20] =	ssyncadd.s32 $0xFFFFF800  }
0xfe: {  	_ =	swait.ge [sflag:s15], $0x800  }
0xff: {  	[sflag:s15] =	ssyncset.done $0x0  }
0x100: {  	s14 =	simm.s32 $0x4B00;
	[sflag:s15] =	ssyncadd.s32 $0xFFFFF800  }
0x101: {  	[spmem:s2] =	stream.indirect.scatter.add.f32 [tilespmem:s23], [sflag:$0x11], $0x10, s14, s22, $0xb8;
	[tilespmem:$0xB720] =	vst v63  }
0x102: {  	s14 =	simm.s32 $0x11  }
0x103: {  	_ =	swait.ge [sflag:s14], $0x800  }
0x104: {  	[sflag:s14] =	ssyncset.done $0x0  }
0x105: {  	[sflag:s14] =	ssyncadd.s32 $0xFFFFF800  }
0x106: {  	_ =	swait.ge [sflag:s17], $0x800  }
0x107: {  	[sflag:s17] =	ssyncset.done $0x0  }
0x108: {  	s6 =	simm.s32 $0x4B80;
	[sflag:s17] =	ssyncadd.s32 $0xFFFFF800  }
0x109: {  	[spmem:s2] =	stream.indirect.scatter.add.f32 [tilespmem:s24], [sflag:$0x11], $0x10, s6, s22, $0xb8;
	[tilespmem:$0xB720] =	vst v63  }
0x10a: {  	_ =	swait.ge [sflag:s14], $0x800  }
0x10b: {  	[sflag:s14] =	ssyncset.done $0x0  }
0x10c: {  	[sflag:s14] =	ssyncadd.s32 $0xFFFFF800  }
0x10d: {  	_ =	swait.ge [sflag:s19], $0x800  }
0x10e: {  	[sflag:s19] =	ssyncset.done $0x0  }
0x10f: {  	s13 =	simm.s32 $0x4C00;
	[sflag:s19] =	ssyncadd.s32 $0xFFFFF800  }
0x110: {  	[spmem:s2] =	stream.indirect.scatter.add.f32 [tilespmem:s26], [sflag:$0x11], $0x10, s13, s22, $0xb8;
	[tilespmem:$0xB720] =	vst v63  }
0x111: {  	_ =	swait.ge [sflag:s14], $0x800  }
0x112: {  	[sflag:s14] =	ssyncset.done $0x0  }
0x113: {  	[sflag:s14] =	ssyncadd.s32 $0xFFFFF800  }
0x114: {  	_ =	swait.ge [sflag:s21], $0x800  }
0x115: {  	[sflag:s21] =	ssyncset.done $0x0  }
0x116: {  	s6 =	simm.s32 $0x4C80;
	[sflag:s21] =	ssyncadd.s32 $0xFFFFF800  }
0x117: {  	[spmem:s2] =	stream.indirect.scatter.add.f32 [tilespmem:s29], [sflag:$0x11], $0x10, s6, s22, $0xb8;
	[tilespmem:$0xB720] =	vst v63  }
0x118: {  	_ =	swait.ge [sflag:s14], $0x800  }
0x119: {  	[sflag:s14] =	ssyncset.done $0x0  }
0x11a: {  	[sflag:s14] =	ssyncadd.s32 $0xFFFFF800  }
0x11b: {  	_ =	swait.ge [sflag:s1], $0x800  }
0x11c: {  	[sflag:s1] =	ssyncset.done $0x0  }
0x11d: {  	s13 =	simm.s32 $0x4D00;
	[sflag:s1] =	ssyncadd.s32 $0xFFFFF800  }
0x11e: {  	[spmem:s2] =	stream.indirect.scatter.add.f32 [tilespmem:s31], [sflag:$0x11], $0x10, s13, s22, $0xb8;
	[tilespmem:$0xB720] =	vst v63  }
0x11f: {  	_ =	swait.ge [sflag:s14], $0x800  }
0x120: {  	[sflag:s14] =	ssyncset.done $0x0  }
0x121: {  	[sflag:s14] =	ssyncadd.s32 $0xFFFFF800  }
0x122: {  	_ =	swait.ge [sflag:s16], $0x800  }
0x123: {  	[sflag:s16] =	ssyncset.done $0x0  }
0x124: {  	s6 =	simm.s32 $0x4D80;
	[sflag:s16] =	ssyncadd.s32 $0xFFFFF800  }
0x125: {  	[spmem:s2] =	stream.indirect.scatter.add.f32 [tilespmem:s0], [sflag:$0x11], $0x10, s6, s22, $0xb8;
	[tilespmem:$0xB720] =	vst v63  }
0x126: {  	_ =	swait.ge [sflag:s14], $0x800  }
0x127: {  	[sflag:s14] =	ssyncset.done $0x0  }
0x128: {  	s3 =	simm.s32 $0x8E20;
	s6 =	simm.s32 $0x4E00;
	[sflag:s14] =	ssyncadd.s32 $0xFFFFF800  }
0x129: {  	[tilespmem:s3], [sflag:$0x1] =	stream.indirect.gather [hbm4b:s4+s20], $0x10, s6, s20, $0xb8;
	[tilespmem:$0xB720] =	vst v63  }
0x12a: {  	_ =	swait.ge [sflag:s15], $0x100  }
0x12b: {  	[sflag:s15] =	ssyncset.done $0x0  }
0x12c: {  	s13 =	simm.s32 $0x4E10;
	[sflag:s15] =	ssyncadd.s32 $0xFFFFFF00  }
0x12d: {  	[spmem:s2] =	stream.indirect.scatter.add.f32 [tilespmem:s3], [sflag:$0x11], $0x10, s13, s20, $0xb8;
	[tilespmem:$0xB720] =	vst v63  }
0x12e: {  	_ =	swait.ge [sflag:s14], $0x100  }
0x12f: {  	[sflag:s14] =	ssyncset.done $0x0  }
0x130: {  	[sflag:s14] =	ssyncadd.s32 $0xFFFFFF00  }
0x131: {  	[bflag:$0x0] =	sbarrier.arrive $0xFFFF  }
0x132: {  	s13 =	rddreg [dreg:$0x4]  }
0x133: {  	s3 =	rddreg [dreg:$0x9]  }
0x134: {  	s6 =	rddreg [dreg:$0xb]  }
0x135: {  	[hbm:s3], [sflag:s13] =	dma.local [spmem:s6], $0x500  }
0x136: {  	_ =	swait.ge [sflag:s14], $0x500  }
0x137: {  	s3 =	rddreg [dreg:$0xc]  }
0x138: {  	[sflag:s14] =	ssyncset.done $0x0;
	s14 =	rddreg [dreg:$0xa];
	s13 =	sadd.s32 $0x1, s3  }
0x139: {  	p0 =	sne.s32 s13, s14  }
.Ltmp1:
0x13a: {  	_ = 	snop;
	(pc) =	sbr.rel @p0 .LBB2_1-.Ltmp1, $3  }
0x13b: {  	_ =	sdelay $0x1  }
0x13c: {  	[dreg:$0xc] =	wrdreg s13;
	s14 =	simm.s32 $0x11  }
0x13d: {  	s13 =	rddreg [dreg:$0x4];
	[sflag:s14] =	ssyncadd.s32 $0xFFFFFB00  }
0x13e: {  	_ =	sfence.sel $0x180000  }
0x13f: {  	[bflag:$0x0] =	sbarrier.arrive $0xFFFF  }
0x140: {  	_ =	strace $0x9000004A  }
0x141: {  	s0 =	stileid.u32;
	[bflag:$0x2] =	sbarrier.arrive $0xFFFF  }
0x142: {  	p0 =	sne.s32 s0, $0x0;
	s0 =	rddreg [dreg:$0x2]  }
0x143: {  	s0 =	sadd.s32 @!p0 $0x100000, s0  }
0x144: {  	[sflag:s0] =	ssyncadd.tile.s32 @!p0 $0x1;
	_ =	shalt  }
.Lfunc_end2:
_tile_overlayer_lowered:
.L_overlay_start_2:
0x145: {  	(tag) =	ssettag $0x2  }
0x146: {  	s0 =	rddreg [dreg:$0x0];
	s2 =	stileid.u32  }
0x147: {  	s1 =	rddreg [dreg:$0x1];
	p0 =	sne.s32 s2, $0x0  }
0x148: {  	s3 =	rddreg [dreg:$0x2];
	[bflag:$0x3] =	sbarrier.arrive $0xFFFF;
	s2 =	simm.s32 @!p0 $0x1C11  }
0x149: {  	[timem:s3], [sflag:s2] =	dma.local @!p0 [hbm:s0], s1  }
0x14a: {  	s0 =	simm.s32 @!p0 $0x11  }
0x14b: {  	_ =	swait.ge @!p0 [sflag:s0], s1  }
0x14c: {  	s1 =	ssub.s32 @!p0 $0x0, s1;
	[sflag:s0] =	ssyncset.done @!p0 $0x0  }
0x14d: {  	[sflag:s0] =	ssyncadd.s32 @!p0 s1  }
0x14e: {  	[bflag:$0x3] =	sbarrier.arrive $0xFFFF  }
0x14f: {  	_ =	shalt  }

// kernel: kernel.17.cloned.1.call-start
scs
__scs_entry_jumppad:
0x0: {  	(pc) =	sbr.rel $0x88, $3  }
0x1: {  	(tag) =	ssettag $0x0;
	lr =	simm.s32 $0x1  }
0x2: {  	[smem:$0x3F99] =	sst lr;
	_ =	strace $0xD0000000  }
0x3: {  	_ = 	snop  }
0x4: {  	_ = 	snop  }
0x5: {  	_ = 	snop  }
0x6: {  	_ = 	snop  }
0x7: {  	_ = 	snop  }
__scs_overlays_trampoline_lowered:
0x8: {  	[smem:$0x3FA8] =	sst s0  }
0x9: {  	[smem:$0x3FA9] =	sst s1  }
0xa: {  	[smem:$0x3FAA] =	sst s2  }
0xb: {  	[smem:$0x3FAB] =	sst s3  }
0xc: {  	[smem:$0x3FAC] =	sst s4  }
0xd: {  	[smem:$0x3FAD] =	sst s5  }
0xe: {  	[smem:$0x3FAE] =	sst s6  }
0xf: {  	[smem:$0x3FAF] =	sst s7  }
0x10: {  	[smem:$0x3FB0] =	sst s8  }
0x11: {  	[smem:$0x3FB1] =	sst s9;
	s0 =	simm.s32 @!p0 $0x0  }
0x12: {  	s1 =	sld [smem:$0x3F97];
	s0 =	simm.s32 @p0 $0x1  }
0x13: {  	[smem:$0x3FB2] =	sst s0;
	s0 =	simm.s32 @!p1 $0x0  }
0x14: {  	s2 =	sld [smem:$0x3F96];
	s0 =	simm.s32 @p1 $0x1  }
0x15: {  	[smem:$0x3FB3] =	sst s0;
	s0 =	simm.s32 @!p2 $0x0  }
0x16: {  	s3 =	sld [smem:$0x3FDB];
	s0 =	simm.s32 @p2 $0x1  }
0x17: {  	s4 =	simm.s32 $0x1BF5;
	[smem:$0x3FB5] =	sst s0  }
0x18: {  	s0 =	sld [smem:$0x3F98];
	_ =	swait.ge [sflag:s4], $0x0  }
0x19: {  	s7 =	sld [smem:$0x3F99]  }
0x1a: {  	s8 =	sadd.s32 $0xFFFFE003, lr  }
0x1b: {  	s9 =	sadd.s32 $0xFFFFFEF7, lr;
	s5 =	simm.s32 $0xFFFFFFFF;
	p2 =	slt.u32 s8, $0xFFFFF086  }
0x1c: {  	p1 =	slt.u32 s9, $0xF7A;
	s5 =	simm.s32 @!p2 $0x0  }
0x1d: {  	s5 =	simm.s32 @p1 $0x1;
	p0 =	seq.s32 s7, s2  }
0x1e: {  	s7 =	smul.u32 @!p0 $0xF7A, s2;
	p2 =	seq.s32 @!p0 s5, $0x0  }
0x1f: {  	s9 =	smul.u32 $0xF7A, s1;
	s8 =	simm.s32 @!p0 $0x1BF5;
	p2 =	por !p2, p0  }
0x20: {  	[sflag:s8] =	ssyncset.s32 @!p0 $0xFFFFF086;
	s6 =	sadd.s32 @!p0 s3, s7;
	s7 =	simm.s32 @!p0 $0x108  }
0x21: {  	s3 =	sadd.s32 s3, s9;
	s6 =	sadd.s32 @!p0 $0x88, s6;
	s7 =	simm.s32 @p2 $0x1082  }
0x22: {  	[simem:s7], [sflag:s8] =	dma.local @!p0 [hbm:s6], $0xF7A  }
0x23: {  	s9 =	sor.u32 $0xD0000000, s2;
	s6 =	simm.s32 $0x108;
	_ =	swait.ge @!p0 [sflag:s8], $0x0  }
0x24: {  	s3 =	sadd.s32 $0x88, s3;
	s6 =	simm.s32 @!p1 $0x1082;
	[sflag:s4] =	ssyncset.s32 $0xFFFFF086  }
0x25: {  	[simem:s6], [sflag:s4] =	dma.local [hbm:s3], $0xF7A  }
0x26: {  	[smem:$0x3F99] =	sst s1;
	(tag) =	ssettag s2;
	_ =	strace s9  }
0x27: {  	s1 =	sld [smem:$0x3FA9]  }
0x28: {  	s2 =	sld [smem:$0x3FAA]  }
0x29: {  	s4 =	sld [smem:$0x3FAC]  }
0x2a: {  	p0 =	seq.s32 s5, $0x0;
	s5 =	sld [smem:$0x3FAD]  }
0x2b: {  	s6 =	sld [smem:$0x3FAE]  }
0x2c: {  	s7 =	sld [smem:$0x3FAF]  }
0x2d: {  	s3 =	simm.s32 $0x108;
	s8 =	sld [smem:$0x3FB0]  }
0x2e: {  	s3 =	simm.s32 @!p0 $0x1082;
	s9 =	sld [smem:$0x3FB1]  }
0x2f: {  	lr =	sadd.s32 s0, s3;
	s0 =	sld [smem:$0x3FA8]  }
0x30: {  	s3 =	sld [smem:$0x3FAB]  }
0x31: {  	[smem:$0x3FB4] =	sst s10  }
0x32: {  	s10 =	sld [smem:$0x3FB2];
	_ =	sdelay $0x3  }
0x33: {  	p0 =	seq.s32 s10, $0x1;
	s10 =	sld [smem:$0x3FB4];
	_ =	sdelay $0x3  }
0x34: {  	[smem:$0x3FB4] =	sst s10  }
0x35: {  	s10 =	sld [smem:$0x3FB3];
	_ =	sdelay $0x3  }
0x36: {  	p1 =	seq.s32 s10, $0x1;
	s10 =	sld [smem:$0x3FB4];
	_ =	sdelay $0x3  }
0x37: {  	[smem:$0x3FB4] =	sst s10  }
0x38: {  	s10 =	sld [smem:$0x3FB5]  }
0x39: {  	_ = 	snop;
	(pc) =	sbr.ind lr, $3  }
0x3a: {  	_ = 	snop  }
0x3b: {  	_ = 	snop  }
0x3c: {  	p2 =	seq.s32 s10, $0x1;
	s10 =	sld [smem:$0x3FB4]  }
0x3d: {  	_ =	shalt  }
0x3e: {  	_ =	shalt  }
0x3f: {  	_ =	shalt  }
0x40: {  	_ =	shalt  }
0x41: {  	_ =	shalt  }
0x42: {  	_ =	shalt  }
0x43: {  	_ =	shalt  }
0x44: {  	_ =	shalt  }
0x45: {  	_ =	shalt  }
0x46: {  	_ =	shalt  }
0x47: {  	_ =	shalt  }
0x48: {  	_ =	shalt  }
0x49: {  	_ =	shalt  }
0x4a: {  	_ =	shalt  }
0x4b: {  	_ =	shalt  }
0x4c: {  	_ =	shalt  }
0x4d: {  	_ =	shalt  }
0x4e: {  	_ =	shalt  }
0x4f: {  	_ =	shalt  }
0x50: {  	_ =	shalt  }
0x51: {  	_ =	shalt  }
0x52: {  	_ =	shalt  }
0x53: {  	_ =	shalt  }
0x54: {  	_ =	shalt  }
0x55: {  	_ =	shalt  }
0x56: {  	_ =	shalt  }
0x57: {  	_ =	shalt  }
0x58: {  	_ =	shalt  }
0x59: {  	_ =	shalt  }
0x5a: {  	_ =	shalt  }
0x5b: {  	_ =	shalt  }
0x5c: {  	_ =	shalt  }
0x5d: {  	_ =	shalt  }
0x5e: {  	_ =	shalt  }
0x5f: {  	_ =	shalt  }
0x60: {  	_ =	shalt  }
0x61: {  	_ =	shalt  }
0x62: {  	_ =	shalt  }
0x63: {  	_ =	shalt  }
0x64: {  	_ =	shalt  }
0x65: {  	_ =	shalt  }
0x66: {  	_ =	shalt  }
0x67: {  	_ =	shalt  }
0x68: {  	_ =	shalt  }
0x69: {  	_ =	shalt  }
0x6a: {  	_ =	shalt  }
0x6b: {  	_ =	shalt  }
0x6c: {  	_ =	shalt  }
0x6d: {  	_ =	shalt  }
0x6e: {  	_ =	shalt  }
0x6f: {  	_ =	shalt  }
0x70: {  	_ =	shalt  }
0x71: {  	_ =	shalt  }
0x72: {  	_ =	shalt  }
0x73: {  	_ =	shalt  }
0x74: {  	_ =	shalt  }
0x75: {  	_ =	shalt  }
0x76: {  	_ =	shalt  }
0x77: {  	_ =	shalt  }
0x78: {  	_ =	shalt  }
0x79: {  	_ =	shalt  }
0x7a: {  	_ =	shalt  }
0x7b: {  	_ =	shalt  }
0x7c: {  	_ =	shalt  }
0x7d: {  	_ =	shalt  }
0x7e: {  	_ =	shalt  }
0x7f: {  	_ =	shalt  }
0x80: {  	_ =	shalt  }
0x81: {  	_ =	shalt  }
0x82: {  	_ =	shalt  }
0x83: {  	_ =	shalt  }
0x84: {  	_ =	shalt  }
0x85: {  	_ =	shalt  }
0x86: {  	_ =	shalt  }
0x87: {  	_ =	shalt  }
.Lfunc_end0:
.L_simem_size_0:
called_computation.2_lowered:
.L_overlay_start_0:
0x88: {  	s2 =	sld [smem:$0x3FD9]  }
0x89: {  	s3 =	sld [smem:$0x3FFE];
	_ =	sdelay $0x1  }
0x8a: {  	s1 =	srdreg.scid  }
0x8b: {  	s0 =	sand.u32 $0x1, s1  }
0x8c: {  	s16 =	sshll.u32 s0, $0xA;
	s2 =	sadd.s32 s3, s2  }
0x8d: {  	s2 =	sadd.s32 s2, s16  }
0x8e: {  	[smem:$0x3FC0] =	sst s2  }
0x8f: {  	_ = 	snop  }
0x90: {  	(tm) =	ssettm $0x1  }
0x91: {  	s17 =	sld [smem:$0x3FFB];
	_ =	sdelay $0x3  }
0x92: {  	_ =	strace s17  }
0x93: {  	s2 =	sld [smem:$0x3FFC];
	_ =	sdelay $0x3  }
0x94: {  	_ =	strace s2  }
0x95: {  	s2 =	sld [smem:$0x3FFD];
	_ =	sdelay $0x3  }
0x96: {  	_ =	strace s2  }
0x97: {  	_ =	strace $0x8FFFFFFF  }
0x98: {  	s18 =	sld [smem:$0x3FDB];
	_ =	sdelay $0x1  }
0x99: {  	s19 =	simm.s32 $_scs_section_size  }
0x9a: {  	s4 =	simm.s32 $_size__tile_overlayer_lowered;
	s5 =	simm.s32 $_tile_overlayer_lowered  }
0x9b: {  	s22 =	simm.s32 $0x1BFF;
	s21 =	sshll.u32 s5, $0x1;
	s2 =	sadd.s32 s19, s18  }
0x9c: {  	s6 =	simm.s32 $0x0;
	s20 =	sshll.u32 s4, $0x1;
	s4 =	sadd.s32 s21, s2  }
0x9d: {  	[timem:s6], [sflag:s22] =	dma.local [hbm:s4], s20  }
0x9e: {  	_ =	swait.ge [sflag:s22], s20  }
0x9f: {  	s3 =	ssub.s32 $0x0, s20;
	[sflag:s22] =	ssyncset.done $0x0  }
0xa0: {  	[sflag:s22] =	ssyncadd.s32 s3;
	_ =	sdelay $0x1  }
0xa1: {  	s23 =	simm.s32 $0x1B8B  }
0xa2: {  	_ =	swait.ge [sflag:s23], $0x1  }
0xa3: {  	[sflag:s23] =	ssyncset.done $0x0  }
0xa4: {  	s25 =	simm.s32 $0x1B8E;
	s24 =	sld [smem:$0x3FFE];
	[sflag:s23] =	ssyncadd.s32 $0xFFFFFFFF  }
0xa5: {  	s26 =	simm.s32 $execute0_lowered;
	[smem:$0x3FD2] =	sst s25  }
0xa6: {  	s4 =	sshll.u32 s26, $0x1;
	_ =	strace $0x8000004C;
	[dreg:$0x1] =	wrdreg $0xFFFFFFFF  }
0xa7: {  	s28 =	simm.s32 $_size_execute0_lowered;
	s2 =	sadd.s32 s2, s4;
	[dreg:$0x0] =	wrdreg $0x0  }
0xa8: {  	s4 =	sshll.u32 s28, $0x1;
	[dreg:$0x2] =	wrdreg s2  }
0xa9: {  	[dreg:$0x3] =	wrdreg s4  }
0xaa: {  	[dreg:$0x4] =	wrdreg $0xC0  }
0xab: {  	_ =	task [dreg:s6], $0x5FFFF  }
0xac: {  	[dreg:$0x1] =	wrdreg $0xFFFFFFFF  }
0xad: {  	[dreg:$0x0] =	wrdreg $0x60  }
0xae: {  	[dreg:$0x2] =	wrdreg s24  }
0xaf: {  	[dreg:$0x3] =	wrdreg $0x8F200  }
0xb0: {  	[dreg:$0x4] =	wrdreg $0x9  }
0xb1: {  	_ =	task.clear_ibuf [dreg:s6], $0x5FFFF;
	_ =	strace $0x9000004C  }
0xb2: {  	s29 =	simm.s32 $0x9;
	_ =	strace $0x8000004E  }
0xb3: {  	_ =	swait.ge [sflag:s29], $0x1  }
0xb4: {  	[sflag:s29] =	ssyncadd.s32 $0xFFFFFFFF  }
0xb5: {  	_ =	strace $0x9000004E  }
0xb6: {  	_ =	sfence  }
0xb7: {  	s30 =	sld [smem:$0x0];
	_ =	sdelay $0x2  }
0xb8: {  	s31 =	sshll.u32 s1, $0xD;
	s1 =	sshrl.u32 s1, $0x2  }
0xb9: {  	s3 =	sand.u32 $0x4000, s31;
	s1 =	sadd.s32 s1, s30  }
0xba: {  	s0 =	sor.u32 s3, s0;
	s1 =	sshll.u32 s1, $0x11  }
0xbb: {  	s0 =	sor.u32 s1, s0  }
0xbc: {  	s0 =	sadd.s32 $0x8F2B, s0  }
0xbd: {  	[sflag:s0] =	ssyncadd.remote.s32 $0x1  }
0xbe: {  	_ =	sfence.sel $0xFFFF  }
0xbf: {  	[dreg:$0x0] =	wrdreg $0xFFFFFFFF;
	(pc) =	sbr.abs _section_cstart, $3  }
0xc0: {  	[dreg:$0x1] =	wrdreg $0xFFFFFFFF  }
0xc1: {  	_ =	task.clear_ibuf [dreg:s6], $0x2FFFF;
	_ =	strace $0x9FFFFFFF  }
0xc2: {  	(tm) =	ssettm $0x7FFFFFFF  }
0xc3: {  	_ =	shalt  }
tec
execute0_lowered:
.L_overlay_start_1:
0x0: {  	(tag) =	ssettag $0x1  }
0x1: {  	s0 =	srdreg.scid  }
0x2: {  	s9 =	stileid.u32;
	s3 =	rddreg [dreg:$0x0]  }
0x3: {  	s2 =	rddreg [dreg:$0x1];
	s4 =	simm.s32 $0x0;
	s15 =	simm.s32 $0x1  }
0x4: {  	s17 =	simm.s32 $0x2;
	s19 =	simm.s32 $0x3;
	s21 =	simm.s32 $0x4  }
0x5: {  	s22 =	simm.s32 $0x80;
	s23 =	simm.s32 $0x4E20;
	s24 =	simm.s32 $0x5620  }
0x6: {  	s29 =	simm.s32 $0x6620;
	s31 =	simm.s32 $0x6E20;
	s25 =	simm.s32 $0x7E20  }
0x7: {  	s30 =	simm.s32 $0x8620;
	s16 =	simm.s32 $0x6;
	s28 =	simm.s32 $0x7  }
0x8: {  	s18 =	simm.s32 $0xD;
	s20 =	simm.s32 $0x10;
	s14 =	simm.s32 $0x0  }
0x9: {  	s0 =	sand.u32 $0x1, s0;
	s6 =	smul.u32 $0x2800, s9;
	[smem:$0x7FF] =	sst s4  }
0xa: {  	s4 =	sadd.s32 $0x1C400, s3;
	s1 =	sshll.u32 s0, $0x4;
	s7 =	smul.u32 $0x28000, s0  }
0xb: {  	_ =	strace $0x8000004D;
	s0 =	ssub.s32 $0x2, s0;
	[dreg:$0xc] =	wrdreg s14  }
0xc: {  	s1 =	sor.u32 s9, s1;
	s8 =	sshrl.u32 s6, $0x3;
	s26 =	sshrl.u32 s0, $0x1  }
0xd: {  	s9 =	sshll.u32 s9, $0x6;
	s5 =	smul.u32 $0x4E0, s1;
	s1 =	sshll.u32 s1, $0x1  }
0xe: {  	s7 =	sadd.s32 s6, s7;
	s8 =	sadd.s32 s8, s3;
	s0 =	ssub.s32 s0, s26  }
0xf: {  	s6 =	sadd.s32 s6, s2;
	s13 =	sor.u32 $0x1C11, s9;
	s26 =	simm.s32 $0x5E20  }
0x10: {  	s9 =	simm.s32 $0xB;
	s8 =	sadd.s32 $0x17400, s8;
	[dreg:$0x4] =	wrdreg s13  }
0x11: {  	s1 =	sadd.s32 s1, s3;
	s0 =	smax.u32 s0, $0x1;
	[dreg:$0x3] =	wrdreg s8  }
0x12: {  	s7 =	sshrl.u32 s7, $0x3;
	s6 =	sshrl.u32 s6, $0x3;
	[dreg:$0xa] =	wrdreg s0  }
0x13: {  	s5 =	sadd.s32 s5, s3;
	s11 =	sadd.s32 $0x3A00, s1;
	[dreg:$0xb] =	wrdreg s6  }
0x14: {  	s3 =	sadd.s32 s7, s3;
	s1 =	sadd.s32 $0x3800, s1;
	[dreg:$0x7] =	wrdreg s11  }
0x15: {  	s0 =	simm.s32 $0x7620;
	s10 =	sadd.s32 $0xD800, s5;
	[dreg:$0x8] =	wrdreg s1  }
0x16: {  	s7 =	simm.s32 $0x9;
	s5 =	sadd.s32 $0x3C00, s5;
	[dreg:$0x5] =	wrdreg s10  }
0x17: {  	s8 =	simm.s32 $0xA;
	s12 =	sadd.s32 $0x21400, s3;
	[dreg:$0x6] =	wrdreg s5  }
0x18: {  	s1 =	simm.s32 $0x5;
	s11 =	simm.s32 $0xE;
	[dreg:$0x9] =	wrdreg s12  }
0x19: {  	s5 =	simm.s32 $0x8;
	s10 =	simm.s32 $0xC;
	s12 =	simm.s32 $0xF  }
.LBB2_1:
0x1a: {  	s14 =	simm.s32 $0x11;
	s3 =	rddreg [dreg:$0x3]  }
0x1b: {  	[spmem:s6], [sflag:s13] =	dma.local [hbm:s3], $0x500  }
0x1c: {  	_ =	swait.ge [sflag:s14], $0x500  }
0x1d: {  	[sflag:s14] =	ssyncset.done $0x0  }
0x1e: {  	s3 =	simm.s32 $0x0;
	[sflag:s14] =	ssyncadd.s32 $0xFFFFFB00;
	s14 =	rddreg [dreg:$0x5]  }
0x1f: {  	[tilespmem:s3], [sflag:$0x1] =	stream.linear.gather [hbm4b:s14+s3], $0x2700, $0x38;
	[tilespmem:$0xB720] =	vst v63  }
0x20: {  	_ =	swait.ge [sflag:s15], $0x2700  }
0x21: {  	[sflag:s15] =	ssyncset.done $0x0  }
0x22: {  	s14 =	simm.s32 $0x2700;
	s13 =	rddreg [dreg:$0x6];
	[sflag:s15] =	ssyncadd.s32 $0xFFFFD900  }
0x23: {  	[tilespmem:s14], [sflag:$0x2] =	stream.linear.gather [hbm4b:s13+s3], $0x2700, $0x38;
	[tilespmem:$0xB720] =	vst v63  }
0x24: {  	_ =	swait.ge [sflag:s17], $0x2700  }
0x25: {  	[sflag:s17] =	ssyncset.done $0x0  }
0x26: {  	s14 =	simm.s32 $0x4E00;
	s13 =	rddreg [dreg:$0x7];
	[sflag:s17] =	ssyncadd.s32 $0xFFFFD900  }
0x27: {  	[tilespmem:s14], [sflag:$0x3] =	stream.linear.gather [hbm4b:s13+s3], $0x10, $0x38;
	[tilespmem:$0xB720] =	vst v63  }
0x28: {  	_ =	swait.ge [sflag:s19], $0x10  }
0x29: {  	[sflag:s19] =	ssyncset.done $0x0  }
0x2a: {  	s14 =	simm.s32 $0x4E10;
	s13 =	rddreg [dreg:$0x8];
	[sflag:s19] =	ssyncadd.s32 $0xFFFFFFF0  }
0x2b: {  	[tilespmem:s14], [sflag:$0x4] =	stream.linear.gather [hbm4b:s13+s3], $0x10, $0x38;
	[tilespmem:$0xB720] =	vst v63  }
0x2c: {  	_ =	swait.ge [sflag:s21], $0x10  }
0x2d: {  	[sflag:s21] =	ssyncset.done $0x0  }
0x2e: {  	[sflag:s21] =	ssyncadd.s32 $0xFFFFFFF0  }
0x2f: {  	[bflag:$0x0] =	sbarrier.arrive $0xFFFF  }
0x30: {  	[tilespmem:s23], [sflag:$0x1] =	stream.indirect.gather [hbm4b:s4+s22], $0x10, s3, s22, $0xb8;
	[tilespmem:$0xB720] =	vst v63  }
0x31: {  	_ = 	snop  }
0x32: {  	[tilespmem:s24], [sflag:$0x2] =	stream.indirect.gather [hbm4b:s4+s22], $0x10, s22, s22, $0xb8;
	[tilespmem:$0xB720] =	vst v63  }
0x33: {  	s6 =	simm.s32 $0x100  }
0x34: {  	[tilespmem:s26], [sflag:$0x3] =	stream.indirect.gather [hbm4b:s4+s22], $0x10, s6, s22, $0xb8;
	[tilespmem:$0xB720] =	vst v63  }
0x35: {  	s13 =	simm.s32 $0x180  }
0x36: {  	[tilespmem:s29], [sflag:$0x4] =	stream.indirect.gather [hbm4b:s4+s22], $0x10, s13, s22, $0xb8;
	[tilespmem:$0xB720] =	vst v63  }
0x37: {  	s14 =	simm.s32 $0x200  }
0x38: {  	[tilespmem:s31], [sflag:$0x5] =	stream.indirect.gather [hbm4b:s4+s22], $0x10, s14, s22, $0xb8;
	[tilespmem:$0xB720] =	vst v63  }
0x39: {  	s6 =	simm.s32 $0x280  }
0x3a: {  	[tilespmem:s0], [sflag:$0x6] =	stream.indirect.gather [hbm4b:s4+s22], $0x10, s6, s22, $0xb8;
	[tilespmem:$0xB720] =	vst v63  }
0x3b: {  	s13 =	simm.s32 $0x300  }
0x3c: {  	[tilespmem:s25], [sflag:$0x7] =	stream.indirect.gather [hbm4b:s4+s22], $0x10, s13, s22, $0xb8;
	[tilespmem:$0xB720] =	vst v63  }
0x3d: {  	s14 =	simm.s32 $0x380  }
0x3e: {  	[tilespmem:s30], [sflag:$0x8] =	stream.indirect.gather [hbm4b:s4+s22], $0x10, s14, s22, $0xb8;
	[tilespmem:$0xB720] =	vst v63  }
0x3f: {  	_ =	swait.ge [sflag:s15], $0x800  }
0x40: {  	[sflag:s15] =	ssyncset.done $0x0  }
0x41: {  	s6 =	simm.s32 $0x2700;
	[sflag:s15] =	ssyncadd.s32 $0xFFFFF800  }
0x42: {  	[spmem:s2] =	stream.indirect.scatter.add.f32 [tilespmem:s23], [sflag:$0x9], $0x10, s6, s22, $0xb8;
	[tilespmem:$0xB720] =	vst v63  }
0x43: {  	_ =	swait.ge [sflag:s17], $0x800  }
0x44: {  	[sflag:s17] =	ssyncset.done $0x0  }
0x45: {  	s13 =	simm.s32 $0x2780;
	[sflag:s17] =	ssyncadd.s32 $0xFFFFF800  }
0x46: {  	[spmem:s2] =	stream.indirect.scatter.add.f32 [tilespmem:s24], [sflag:$0xA], $0x10, s13, s22, $0xb8;
	[tilespmem:$0xB720] =	vst v63  }
0x47: {  	_ =	swait.ge [sflag:s19], $0x800  }
0x48: {  	[sflag:s19] =	ssyncset.done $0x0  }
0x49: {  	s14 =	simm.s32 $0x2800;
	[sflag:s19] =	ssyncadd.s32 $0xFFFFF800  }
0x4a: {  	[spmem:s2] =	stream.indirect.scatter.add.f32 [tilespmem:s26], [sflag:$0xB], $0x10, s14, s22, $0xb8;
	[tilespmem:$0xB720] =	vst v63  }
0x4b: {  	_ =	swait.ge [sflag:s21], $0x800  }
0x4c: {  	[sflag:s21] =	ssyncset.done $0x0  }
0x4d: {  	s6 =	simm.s32 $0x2880;
	[sflag:s21] =	ssyncadd.s32 $0xFFFFF800  }
0x4e: {  	[spmem:s2] =	stream.indirect.scatter.add.f32 [tilespmem:s29], [sflag:$0xC], $0x10, s6, s22, $0xb8;
	[tilespmem:$0xB720] =	vst v63  }
0x4f: {  	_ =	swait.ge [sflag:s1], $0x800  }
0x50: {  	[sflag:s1] =	ssyncset.done $0x0  }
0x51: {  	s13 =	simm.s32 $0x2900;
	[sflag:s1] =	ssyncadd.s32 $0xFFFFF800  }
0x52: {  	[spmem:s2] =	stream.indirect.scatter.add.f32 [tilespmem:s31], [sflag:$0xD], $0x10, s13, s22, $0xb8;
	[tilespmem:$0xB720] =	vst v63  }
0x53: {  	_ =	swait.ge [sflag:s16], $0x800  }
0x54: {  	[sflag:s16] =	ssyncset.done $0x0  }
0x55: {  	s14 =	simm.s32 $0x2980;
	[sflag:s16] =	ssyncadd.s32 $0xFFFFF800  }
0x56: {  	[spmem:s2] =	stream.indirect.scatter.add.f32 [tilespmem:s0], [sflag:$0xE], $0x10, s14, s22, $0xb8;
	[tilespmem:$0xB720] =	vst v63  }
0x57: {  	_ =	swait.ge [sflag:s28], $0x800  }
0x58: {  	[sflag:s28] =	ssyncset.done $0x0  }
0x59: {  	s6 =	simm.s32 $0x2A00;
	[sflag:s28] =	ssyncadd.s32 $0xFFFFF800  }
0x5a: {  	[spmem:s2] =	stream.indirect.scatter.add.f32 [tilespmem:s25], [sflag:$0xF], $0x10, s6, s22, $0xb8;
	[tilespmem:$0xB720] =	vst v63  }
0x5b: {  	_ =	swait.ge [sflag:s5], $0x800  }
0x5c: {  	[sflag:s5] =	ssyncset.done $0x0  }
0x5d: {  	s13 =	simm.s32 $0x2A80;
	[sflag:s5] =	ssyncadd.s32 $0xFFFFF800  }
0x5e: {  	[spmem:s2] =	stream.indirect.scatter.add.f32 [tilespmem:s30], [sflag:$0x10], $0x10, s13, s22, $0xb8;
	[tilespmem:$0xB720] =	vst v63  }
0x5f: {  	_ =	swait.ge [sflag:s7], $0x800  }
0x60: {  	[sflag:s7] =	ssyncset.done $0x0  }
0x61: {  	s14 =	simm.s32 $0x400;
	[sflag:s7] =	ssyncadd.s32 $0xFFFFF800  }
0x62: {  	[tilespmem:s23], [sflag:$0x1] =	stream.indirect.gather [hbm4b:s4+s22], $0x10, s14, s22, $0xb8;
	[tilespmem:$0xB720] =	vst v63  }
0x63: {  	_ =	swait.ge [sflag:s8], $0x800  }
0x64: {  	[sflag:s8] =	ssyncset.done $0x0  }
0x65: {  	s6 =	simm.s32 $0x480;
	[sflag:s8] =	ssyncadd.s32 $0xFFFFF800  }
0x66: {  	[tilespmem:s24], [sflag:$0x2] =	stream.indirect.gather [hbm4b:s4+s22], $0x10, s6, s22, $0xb8;
	[tilespmem:$0xB720] =	vst v63  }
0x67: {  	_ =	swait.ge [sflag:s9], $0x800  }
0x68: {  	[sflag:s9] =	ssyncset.done $0x0  }
0x69: {  	s13 =	simm.s32 $0x500;
	[sflag:s9] =	ssyncadd.s32 $0xFFFFF800  }
0x6a: {  	[tilespmem:s26], [sflag:$0x3] =	stream.indirect.gather [hbm4b:s4+s22], $0x10, s13, s22, $0xb8;
	[tilespmem:$0xB720] =	vst v63  }
0x6b: {  	_ =	swait.ge [sflag:s10], $0x800  }
0x6c: {  	[sflag:s10] =	ssyncset.done $0x0  }
0x6d: {  	s14 =	simm.s32 $0x580;
	[sflag:s10] =	ssyncadd.s32 $0xFFFFF800  }
0x6e: {  	[tilespmem:s29], [sflag:$0x4] =	stream.indirect.gather [hbm4b:s4+s22], $0x10, s14, s22, $0xb8;
	[tilespmem:$0xB720] =	vst v63  }
0x6f: {  	_ =	swait.ge [sflag:s18], $0x800  }
0x70: {  	[sflag:s18] =	ssyncset.done $0x0  }
0x71: {  	s6 =	simm.s32 $0x600;
	[sflag:s18] =	ssyncadd.s32 $0xFFFFF800  }
0x72: {  	[tilespmem:s31], [sflag:$0x5] =	stream.indirect.gather [hbm4b:s4+s22], $0x10, s6, s22, $0xb8;
	[tilespmem:$0xB720] =	vst v63  }
0x73: {  	_ =	swait.ge [sflag:s11], $0x800  }
0x74: {  	[sflag:s11] =	ssyncset.done $0x0  }
0x75: {  	s13 =	simm.s32 $0x680;
	[sflag:s11] =	ssyncadd.s32 $0xFFFFF800  }
0x76: {  	[tilespmem:s0], [sflag:$0x6] =	stream.indirect.gather [hbm4b:s4+s22], $0x10, s13, s22, $0xb8;
	[tilespmem:$0xB720] =	vst v63  }
0x77: {  	_ =	swait.ge [sflag:s12], $0x800  }
0x78: {  	[sflag:s12] =	ssyncset.done $0x0  }
0x79: {  	s14 =	simm.s32 $0x700;
	[sflag:s12] =	ssyncadd.s32 $0xFFFFF800  }
0x7a: {  	[tilespmem:s25], [sflag:$0x7] =	stream.indirect.gather [hbm4b:s4+s22], $0x10, s14, s22, $0xb8;
	[tilespmem:$0xB720] =	vst v63  }
0x7b: {  	_ =	swait.ge [sflag:s20], $0x800  }
0x7c: {  	[sflag:s20] =	ssyncset.done $0x0  }
0x7d: {  	s3 =	simm.s32 $0x780;
	s13 =	simm.s32 $0x1000;
	[sflag:s20] =	ssyncadd.s32 $0xFFFFF800  }
.LBB2_2:
0x7e: {  	[tilespmem:s30], [sflag:$0x8] =	stream.indirect.gather [hbm4b:s4+s22], $0x10, s3, s22, $0xb8;
	[tilespmem:$0xB720] =	vst v63  }
0x7f: {  	s3 =	smov.u32 s13  }
0x80: {  	p0 =	sne.s32 s13, $0x7000;
	s13 =	sadd.s32 $0x1000, s13;
	_ =	swait.ge [sflag:s15], $0x800  }
0x81: {  	s3 =	sshra.s32 s3, $0x2;
	[sflag:s15] =	ssyncset.done $0x0  }
0x82: {  	s6 =	sadd.s32 $0x2700, s3;
	[sflag:s15] =	ssyncadd.s32 $0xFFFFF800  }
0x83: {  	[spmem:s2] =	stream.indirect.scatter.add.f32 [tilespmem:s23], [sflag:$0x9], $0x10, s6, s22, $0xb8;
	[tilespmem:$0xB720] =	vst v63  }
0x84: {  	_ =	swait.ge [sflag:s17], $0x800  }
0x85: {  	[sflag:s17] =	ssyncset.done $0x0  }
0x86: {  	s6 =	sadd.s32 $0x2780, s3;
	[sflag:s17] =	ssyncadd.s32 $0xFFFFF800  }
0x87: {  	[spmem:s2] =	stream.indirect.scatter.add.f32 [tilespmem:s24], [sflag:$0xA], $0x10, s6, s22, $0xb8;
	[tilespmem:$0xB720] =	vst v63  }
0x88: {  	_ =	swait.ge [sflag:s19], $0x800  }
0x89: {  	[sflag:s19] =	ssyncset.done $0x0  }
0x8a: {  	s6 =	sadd.s32 $0x2800, s3;
	[sflag:s19] =	ssyncadd.s32 $0xFFFFF800  }
0x8b: {  	[spmem:s2] =	stream.indirect.scatter.add.f32 [tilespmem:s26], [sflag:$0xB], $0x10, s6, s22, $0xb8;
	[tilespmem:$0xB720] =	vst v63  }
0x8c: {  	_ =	swait.ge [sflag:s21], $0x800  }
0x8d: {  	[sflag:s21] =	ssyncset.done $0x0  }
0x8e: {  	s6 =	sadd.s32 $0x2880, s3;
	[sflag:s21] =	ssyncadd.s32 $0xFFFFF800  }
0x8f: {  	[spmem:s2] =	stream.indirect.scatter.add.f32 [tilespmem:s29], [sflag:$0xC], $0x10, s6, s22, $0xb8;
	[tilespmem:$0xB720] =	vst v63  }
0x90: {  	_ =	swait.ge [sflag:s1], $0x800  }
0x91: {  	[sflag:s1] =	ssyncset.done $0x0  }
0x92: {  	s6 =	sadd.s32 $0x2900, s3;
	[sflag:s1] =	ssyncadd.s32 $0xFFFFF800  }
0x93: {  	[spmem:s2] =	stream.indirect.scatter.add.f32 [tilespmem:s31], [sflag:$0xD], $0x10, s6, s22, $0xb8;
	[tilespmem:$0xB720] =	vst v63  }
0x94: {  	_ =	swait.ge [sflag:s16], $0x800  }
0x95: {  	[sflag:s16] =	ssyncset.done $0x0  }
0x96: {  	s6 =	sadd.s32 $0x2980, s3;
	[sflag:s16] =	ssyncadd.s32 $0xFFFFF800  }
0x97: {  	[spmem:s2] =	stream.indirect.scatter.add.f32 [tilespmem:s0], [sflag:$0xE], $0x10, s6, s22, $0xb8;
	[tilespmem:$0xB720] =	vst v63  }
0x98: {  	_ =	swait.ge [sflag:s28], $0x800  }
0x99: {  	[sflag:s28] =	ssyncset.done $0x0  }
0x9a: {  	s6 =	sadd.s32 $0x2A00, s3;
	[sflag:s28] =	ssyncadd.s32 $0xFFFFF800  }
0x9b: {  	[spmem:s2] =	stream.indirect.scatter.add.f32 [tilespmem:s25], [sflag:$0xF], $0x10, s6, s22, $0xb8;
	[tilespmem:$0xB720] =	vst v63  }
0x9c: {  	_ =	swait.ge [sflag:s5], $0x800  }
0x9d: {  	[sflag:s5] =	ssyncset.done $0x0  }
0x9e: {  	s6 =	sadd.s32 $0x2A80, s3;
	[sflag:s5] =	ssyncadd.s32 $0xFFFFF800  }
0x9f: {  	[spmem:s2] =	stream.indirect.scatter.add.f32 [tilespmem:s30], [sflag:$0x10], $0x10, s6, s22, $0xb8;
	[tilespmem:$0xB720] =	vst v63  }
0xa0: {  	_ =	swait.ge [sflag:s7], $0x800  }
0xa1: {  	[sflag:s7] =	ssyncset.done $0x0  }
0xa2: {  	s6 =	sadd.s32 $0x400, s3;
	[sflag:s7] =	ssyncadd.s32 $0xFFFFF800  }
0xa3: {  	[tilespmem:s23], [sflag:$0x1] =	stream.indirect.gather [hbm4b:s4+s22], $0x10, s6, s22, $0xb8;
	[tilespmem:$0xB720] =	vst v63  }
0xa4: {  	_ =	swait.ge [sflag:s8], $0x800  }
0xa5: {  	[sflag:s8] =	ssyncset.done $0x0  }
0xa6: {  	s6 =	sadd.s32 $0x480, s3;
	[sflag:s8] =	ssyncadd.s32 $0xFFFFF800  }
0xa7: {  	[tilespmem:s24], [sflag:$0x2] =	stream.indirect.gather [hbm4b:s4+s22], $0x10, s6, s22, $0xb8;
	[tilespmem:$0xB720] =	vst v63  }
0xa8: {  	_ =	swait.ge [sflag:s9], $0x800  }
0xa9: {  	[sflag:s9] =	ssyncset.done $0x0  }
0xaa: {  	s6 =	sadd.s32 $0x500, s3;
	[sflag:s9] =	ssyncadd.s32 $0xFFFFF800  }
0xab: {  	[tilespmem:s26], [sflag:$0x3] =	stream.indirect.gather [hbm4b:s4+s22], $0x10, s6, s22, $0xb8;
	[tilespmem:$0xB720] =	vst v63  }
0xac: {  	_ =	swait.ge [sflag:s10], $0x800  }
0xad: {  	[sflag:s10] =	ssyncset.done $0x0  }
0xae: {  	s6 =	sadd.s32 $0x580, s3;
	[sflag:s10] =	ssyncadd.s32 $0xFFFFF800  }
0xaf: {  	[tilespmem:s29], [sflag:$0x4] =	stream.indirect.gather [hbm4b:s4+s22], $0x10, s6, s22, $0xb8;
	[tilespmem:$0xB720] =	vst v63  }
0xb0: {  	_ =	swait.ge [sflag:s18], $0x800  }
0xb1: {  	[sflag:s18] =	ssyncset.done $0x0  }
0xb2: {  	s6 =	sadd.s32 $0x600, s3;
	[sflag:s18] =	ssyncadd.s32 $0xFFFFF800  }
0xb3: {  	[tilespmem:s31], [sflag:$0x5] =	stream.indirect.gather [hbm4b:s4+s22], $0x10, s6, s22, $0xb8;
	[tilespmem:$0xB720] =	vst v63  }
0xb4: {  	_ =	swait.ge [sflag:s11], $0x800  }
0xb5: {  	[sflag:s11] =	ssyncset.done $0x0  }
0xb6: {  	s6 =	sadd.s32 $0x680, s3;
	[sflag:s11] =	ssyncadd.s32 $0xFFFFF800  }
0xb7: {  	[tilespmem:s0], [sflag:$0x6] =	stream.indirect.gather [hbm4b:s4+s22], $0x10, s6, s22, $0xb8;
	[tilespmem:$0xB720] =	vst v63  }
0xb8: {  	_ =	swait.ge [sflag:s12], $0x800  }
0xb9: {  	[sflag:s12] =	ssyncset.done $0x0  }
.Ltmp0:
0xba: {  	s6 =	sadd.s32 $0x700, s3;
	[sflag:s12] =	ssyncadd.s32 $0xFFFFF800;
	(pc) =	sbr.rel @p0 .LBB2_2-.Ltmp0, $4  }
0xbb: {  	[tilespmem:s25], [sflag:$0x7] =	stream.indirect.gather [hbm4b:s4+s22], $0x10, s6, s22, $0xb8;
	[tilespmem:$0xB720] =	vst v63  }
0xbc: {  	_ =	swait.ge [sflag:s20], $0x800  }
0xbd: {  	[sflag:s20] =	ssyncset.done $0x0  }
0xbe: {  	s3 =	sadd.s32 $0x780, s3;
	[sflag:s20] =	ssyncadd.s32 $0xFFFFF800  }
0xbf: {  	[tilespmem:s30], [sflag:$0x8] =	stream.indirect.gather [hbm4b:s4+s22], $0x10, s3, s22, $0xb8;
	[tilespmem:$0xB720] =	vst v63  }
0xc0: {  	_ =	swait.ge [sflag:s15], $0x800  }
0xc1: {  	[sflag:s15] =	ssyncset.done $0x0  }
0xc2: {  	s6 =	simm.s32 $0x4700;
	[sflag:s15] =	ssyncadd.s32 $0xFFFFF800  }
0xc3: {  	[spmem:s2] =	stream.indirect.scatter.add.f32 [tilespmem:s23], [sflag:$0x9], $0x10, s6, s22, $0xb8;
	[tilespmem:$0xB720] =	vst v63  }
0xc4: {  	_ =	swait.ge [sflag:s17], $0x800  }
0xc5: {  	[sflag:s17] =	ssyncset.done $0x0  }
0xc6: {  	s13 =	simm.s32 $0x4780;
	[sflag:s17] =	ssyncadd.s32 $0xFFFFF800  }
0xc7: {  	[spmem:s2] =	stream.indirect.scatter.add.f32 [tilespmem:s24], [sflag:$0xA], $0x10, s13, s22, $0xb8;
	[tilespmem:$0xB720] =	vst v63  }
0xc8: {  	_ =	swait.ge [sflag:s19], $0x800  }
0xc9: {  	[sflag:s19] =	ssyncset.done $0x0  }
0xca: {  	s14 =	simm.s32 $0x4800;
	[sflag:s19] =	ssyncadd.s32 $0xFFFFF800  }
0xcb: {  	[spmem:s2] =	stream.indirect.scatter.add.f32 [tilespmem:s26], [sflag:$0xB], $0x10, s14, s22, $0xb8;
	[tilespmem:$0xB720] =	vst v63  }
0xcc: {  	_ =	swait.ge [sflag:s21], $0x800  }
0xcd: {  	[sflag:s21] =	ssyncset.done $0x0  }
0xce: {  	s6 =	simm.s32 $0x4880;
	[sflag:s21] =	ssyncadd.s32 $0xFFFFF800  }
0xcf: {  	[spmem:s2] =	stream.indirect.scatter.add.f32 [tilespmem:s29], [sflag:$0xC], $0x10, s6, s22, $0xb8;
	[tilespmem:$0xB720] =	vst v63  }
0xd0: {  	_ =	swait.ge [sflag:s1], $0x800  }
0xd1: {  	[sflag:s1] =	ssyncset.done $0x0  }
0xd2: {  	s13 =	simm.s32 $0x4900;
	[sflag:s1] =	ssyncadd.s32 $0xFFFFF800  }
0xd3: {  	[spmem:s2] =	stream.indirect.scatter.add.f32 [tilespmem:s31], [sflag:$0xD], $0x10, s13, s22, $0xb8;
	[tilespmem:$0xB720] =	vst v63  }
0xd4: {  	_ =	swait.ge [sflag:s16], $0x800  }
0xd5: {  	[sflag:s16] =	ssyncset.done $0x0  }
0xd6: {  	s14 =	simm.s32 $0x4980;
	[sflag:s16] =	ssyncadd.s32 $0xFFFFF800  }
0xd7: {  	[spmem:s2] =	stream.indirect.scatter.add.f32 [tilespmem:s0], [sflag:$0xE], $0x10, s14, s22, $0xb8;
	[tilespmem:$0xB720] =	vst v63  }
0xd8: {  	_ =	swait.ge [sflag:s28], $0x800  }
0xd9: {  	[sflag:s28] =	ssyncset.done $0x0  }
0xda: {  	s6 =	simm.s32 $0x4A00;
	[sflag:s28] =	ssyncadd.s32 $0xFFFFF800  }
0xdb: {  	[spmem:s2] =	stream.indirect.scatter.add.f32 [tilespmem:s25], [sflag:$0xF], $0x10, s6, s22, $0xb8;
	[tilespmem:$0xB720] =	vst v63  }
0xdc: {  	_ =	swait.ge [sflag:s5], $0x800  }
0xdd: {  	[sflag:s5] =	ssyncset.done $0x0  }
0xde: {  	s13 =	simm.s32 $0x4A80;
	[sflag:s5] =	ssyncadd.s32 $0xFFFFF800  }
0xdf: {  	[spmem:s2] =	stream.indirect.scatter.add.f32 [tilespmem:s30], [sflag:$0x10], $0x10, s13, s22, $0xb8;
	[tilespmem:$0xB720] =	vst v63  }
0xe0: {  	_ =	swait.ge [sflag:s7], $0x800  }
0xe1: {  	[sflag:s7] =	ssyncset.done $0x0  }
0xe2: {  	s14 =	simm.s32 $0x2400;
	[sflag:s7] =	ssyncadd.s32 $0xFFFFF800  }
0xe3: {  	[tilespmem:s23], [sflag:$0x1] =	stream.indirect.gather [hbm4b:s4+s22], $0x10, s14, s22, $0xb8;
	[tilespmem:$0xB720] =	vst v63  }
0xe4: {  	_ =	swait.ge [sflag:s8], $0x800  }
0xe5: {  	[sflag:s8] =	ssyncset.done $0x0  }
0xe6: {  	s6 =	simm.s32 $0x2480;
	[sflag:s8] =	ssyncadd.s32 $0xFFFFF800  }
0xe7: {  	[tilespmem:s24], [sflag:$0x2] =	stream.indirect.gather [hbm4b:s4+s22], $0x10, s6, s22, $0xb8;
	[tilespmem:$0xB720] =	vst v63  }
0xe8: {  	_ =	swait.ge [sflag:s9], $0x800  }
0xe9: {  	[sflag:s9] =	ssyncset.done $0x0  }
0xea: {  	s13 =	simm.s32 $0x2500;
	[sflag:s9] =	ssyncadd.s32 $0xFFFFF800  }
0xeb: {  	[tilespmem:s26], [sflag:$0x3] =	stream.indirect.gather [hbm4b:s4+s22], $0x10, s13, s22, $0xb8;
	[tilespmem:$0xB720] =	vst v63  }
0xec: {  	_ =	swait.ge [sflag:s10], $0x800  }
0xed: {  	[sflag:s10] =	ssyncset.done $0x0  }
0xee: {  	s14 =	simm.s32 $0x2580;
	[sflag:s10] =	ssyncadd.s32 $0xFFFFF800  }
0xef: {  	[tilespmem:s29], [sflag:$0x4] =	stream.indirect.gather [hbm4b:s4+s22], $0x10, s14, s22, $0xb8;
	[tilespmem:$0xB720] =	vst v63  }
0xf0: {  	_ =	swait.ge [sflag:s18], $0x800  }
0xf1: {  	[sflag:s18] =	ssyncset.done $0x0  }
0xf2: {  	s6 =	simm.s32 $0x2600;
	[sflag:s18] =	ssyncadd.s32 $0xFFFFF800  }
0xf3: {  	[tilespmem:s31], [sflag:$0x5] =	stream.indirect.gather [hbm4b:s4+s22], $0x10, s6, s22, $0xb8;
	[tilespmem:$0xB720] =	vst v63  }
0xf4: {  	_ =	swait.ge [sflag:s11], $0x800  }
0xf5: {  	[sflag:s11] =	ssyncset.done $0x0  }
0xf6: {  	s13 =	simm.s32 $0x2680;
	[sflag:s11] =	ssyncadd.s32 $0xFFFFF800  }
0xf7: {  	[tilespmem:s0], [sflag:$0x6] =	stream.indirect.gather [hbm4b:s4+s22], $0x10, s13, s22, $0xb8;
	[tilespmem:$0xB720] =	vst v63  }
0xf8: {  	_ =	swait.ge [sflag:s12], $0x800  }
0xf9: {  	[sflag:s12] =	ssyncset.done $0x0  }
0xfa: {  	[sflag:s12] =	ssyncadd.s32 $0xFFFFF800  }
0xfb: {  	_ =	swait.ge [sflag:s20], $0x800  }
0xfc: {  	[sflag:s20] =	ssyncset.done $0x0  }
0xfd: {  	[sflag:s20] =	ssyncadd.s32 $0xFFFFF800  }
0xfe: {  	_ =	swait.ge [sflag:s15], $0x800  }
0xff: {  	[sflag:s15] =	ssyncset.done $0x0  }
0x100: {  	s14 =	simm.s32 $0x4B00;
	[sflag:s15] =	ssyncadd.s32 $0xFFFFF800  }
0x101: {  	[spmem:s2] =	stream.indirect.scatter.add.f32 [tilespmem:s23], [sflag:$0x11], $0x10, s14, s22, $0xb8;
	[tilespmem:$0xB720] =	vst v63  }
0x102: {  	s14 =	simm.s32 $0x11  }
0x103: {  	_ =	swait.ge [sflag:s14], $0x800  }
0x104: {  	[sflag:s14] =	ssyncset.done $0x0  }
0x105: {  	[sflag:s14] =	ssyncadd.s32 $0xFFFFF800  }
0x106: {  	_ =	swait.ge [sflag:s17], $0x800  }
0x107: {  	[sflag:s17] =	ssyncset.done $0x0  }
0x108: {  	s6 =	simm.s32 $0x4B80;
	[sflag:s17] =	ssyncadd.s32 $0xFFFFF800  }
0x109: {  	[spmem:s2] =	stream.indirect.scatter.add.f32 [tilespmem:s24], [sflag:$0x11], $0x10, s6, s22, $0xb8;
	[tilespmem:$0xB720] =	vst v63  }
0x10a: {  	_ =	swait.ge [sflag:s14], $0x800  }
0x10b: {  	[sflag:s14] =	ssyncset.done $0x0  }
0x10c: {  	[sflag:s14] =	ssyncadd.s32 $0xFFFFF800  }
0x10d: {  	_ =	swait.ge [sflag:s19], $0x800  }
0x10e: {  	[sflag:s19] =	ssyncset.done $0x0  }
0x10f: {  	s13 =	simm.s32 $0x4C00;
	[sflag:s19] =	ssyncadd.s32 $0xFFFFF800  }
0x110: {  	[spmem:s2] =	stream.indirect.scatter.add.f32 [tilespmem:s26], [sflag:$0x11], $0x10, s13, s22, $0xb8;
	[tilespmem:$0xB720] =	vst v63  }
0x111: {  	_ =	swait.ge [sflag:s14], $0x800  }
0x112: {  	[sflag:s14] =	ssyncset.done $0x0  }
0x113: {  	[sflag:s14] =	ssyncadd.s32 $0xFFFFF800  }
0x114: {  	_ =	swait.ge [sflag:s21], $0x800  }
0x115: {  	[sflag:s21] =	ssyncset.done $0x0  }
0x116: {  	s6 =	simm.s32 $0x4C80;
	[sflag:s21] =	ssyncadd.s32 $0xFFFFF800  }
0x117: {  	[spmem:s2] =	stream.indirect.scatter.add.f32 [tilespmem:s29], [sflag:$0x11], $0x10, s6, s22, $0xb8;
	[tilespmem:$0xB720] =	vst v63  }
0x118: {  	_ =	swait.ge [sflag:s14], $0x800  }
0x119: {  	[sflag:s14] =	ssyncset.done $0x0  }
0x11a: {  	[sflag:s14] =	ssyncadd.s32 $0xFFFFF800  }
0x11b: {  	_ =	swait.ge [sflag:s1], $0x800  }
0x11c: {  	[sflag:s1] =	ssyncset.done $0x0  }
0x11d: {  	s13 =	simm.s32 $0x4D00;
	[sflag:s1] =	ssyncadd.s32 $0xFFFFF800  }
0x11e: {  	[spmem:s2] =	stream.indirect.scatter.add.f32 [tilespmem:s31], [sflag:$0x11], $0x10, s13, s22, $0xb8;
	[tilespmem:$0xB720] =	vst v63  }
0x11f: {  	_ =	swait.ge [sflag:s14], $0x800  }
0x120: {  	[sflag:s14] =	ssyncset.done $0x0  }
0x121: {  	[sflag:s14] =	ssyncadd.s32 $0xFFFFF800  }
0x122: {  	_ =	swait.ge [sflag:s16], $0x800  }
0x123: {  	[sflag:s16] =	ssyncset.done $0x0  }
0x124: {  	s6 =	simm.s32 $0x4D80;
	[sflag:s16] =	ssyncadd.s32 $0xFFFFF800  }
0x125: {  	[spmem:s2] =	stream.indirect.scatter.add.f32 [tilespmem:s0], [sflag:$0x11], $0x10, s6, s22, $0xb8;
	[tilespmem:$0xB720] =	vst v63  }
0x126: {  	_ =	swait.ge [sflag:s14], $0x800  }
0x127: {  	[sflag:s14] =	ssyncset.done $0x0  }
0x128: {  	s3 =	simm.s32 $0x8E20;
	s6 =	simm.s32 $0x4E00;
	[sflag:s14] =	ssyncadd.s32 $0xFFFFF800  }
0x129: {  	[tilespmem:s3], [sflag:$0x1] =	stream.indirect.gather [hbm4b:s4+s20], $0x10, s6, s20, $0xb8;
	[tilespmem:$0xB720] =	vst v63  }
0x12a: {  	_ =	swait.ge [sflag:s15], $0x100  }
0x12b: {  	[sflag:s15] =	ssyncset.done $0x0  }
0x12c: {  	s13 =	simm.s32 $0x4E10;
	[sflag:s15] =	ssyncadd.s32 $0xFFFFFF00  }
0x12d: {  	[spmem:s2] =	stream.indirect.scatter.add.f32 [tilespmem:s3], [sflag:$0x11], $0x10, s13, s20, $0xb8;
	[tilespmem:$0xB720] =	vst v63  }
0x12e: {  	_ =	swait.ge [sflag:s14], $0x100  }
0x12f: {  	[sflag:s14] =	ssyncset.done $0x0  }
0x130: {  	[sflag:s14] =	ssyncadd.s32 $0xFFFFFF00  }
0x131: {  	[bflag:$0x0] =	sbarrier.arrive $0xFFFF  }
0x132: {  	s13 =	rddreg [dreg:$0x4]  }
0x133: {  	s3 =	rddreg [dreg:$0x9]  }
0x134: {  	s6 =	rddreg [dreg:$0xb]  }
0x135: {  	[hbm:s3], [sflag:s13] =	dma.local [spmem:s6], $0x500  }
0x136: {  	_ =	swait.ge [sflag:s14], $0x500  }
0x137: {  	s3 =	rddreg [dreg:$0xc]  }
0x138: {  	[sflag:s14] =	ssyncset.done $0x0;
	s14 =	rddreg [dreg:$0xa];
	s13 =	sadd.s32 $0x1, s3  }
0x139: {  	p0 =	sne.s32 s13, s14  }
.Ltmp1:
0x13a: {  	_ = 	snop;
	(pc) =	sbr.rel @p0 .LBB2_1-.Ltmp1, $3  }
0x13b: {  	_ =	sdelay $0x1  }
0x13c: {  	[dreg:$0xc] =	wrdreg s13;
	s14 =	simm.s32 $0x11  }
0x13d: {  	s13 =	rddreg [dreg:$0x4];
	[sflag:s14] =	ssyncadd.s32 $0xFFFFFB00  }
0x13e: {  	_ =	sfence.sel $0x180000  }
0x13f: {  	[bflag:$0x0] =	sbarrier.arrive $0xFFFF  }
0x140: {  	_ =	strace $0x9000004D  }
0x141: {  	s0 =	stileid.u32;
	[bflag:$0x2] =	sbarrier.arrive $0xFFFF  }
0x142: {  	p0 =	sne.s32 s0, $0x0;
	s0 =	rddreg [dreg:$0x2]  }
0x143: {  	s0 =	sadd.s32 @!p0 $0x100000, s0  }
0x144: {  	[sflag:s0] =	ssyncadd.tile.s32 @!p0 $0x1;
	_ =	shalt  }
.Lfunc_end2:
_tile_overlayer_lowered:
.L_overlay_start_2:
0x145: {  	(tag) =	ssettag $0x2  }
0x146: {  	s0 =	rddreg [dreg:$0x0];
	s2 =	stileid.u32  }
0x147: {  	s1 =	rddreg [dreg:$0x1];
	p0 =	sne.s32 s2, $0x0  }
0x148: {  	s3 =	rddreg [dreg:$0x2];
	[bflag:$0x3] =	sbarrier.arrive $0xFFFF;
	s2 =	simm.s32 @!p0 $0x1C11  }
0x149: {  	[timem:s3], [sflag:s2] =	dma.local @!p0 [hbm:s0], s1  }
0x14a: {  	s0 =	simm.s32 @!p0 $0x11  }
0x14b: {  	_ =	swait.ge @!p0 [sflag:s0], s1  }
0x14c: {  	s1 =	ssub.s32 @!p0 $0x0, s1;
	[sflag:s0] =	ssyncset.done @!p0 $0x0  }
0x14d: {  	[sflag:s0] =	ssyncadd.s32 @!p0 s1  }
0x14e: {  	[bflag:$0x3] =	sbarrier.arrive $0xFFFF  }
0x14f: {  	_ =	shalt  }

// kernel: kernel.20.cloned.1.call-start
scs
__scs_entry_jumppad:
0x0: {  	(pc) =	sbr.rel $0x88, $3  }
0x1: {  	(tag) =	ssettag $0x0;
	lr =	simm.s32 $0x1  }
0x2: {  	[smem:$0x3F99] =	sst lr;
	_ =	strace $0xD0000000  }
0x3: {  	_ = 	snop  }
0x4: {  	_ = 	snop  }
0x5: {  	_ = 	snop  }
0x6: {  	_ = 	snop  }
0x7: {  	_ = 	snop  }
__scs_overlays_trampoline_lowered:
0x8: {  	[smem:$0x3FA8] =	sst s0  }
0x9: {  	[smem:$0x3FA9] =	sst s1  }
0xa: {  	[smem:$0x3FAA] =	sst s2  }
0xb: {  	[smem:$0x3FAB] =	sst s3  }
0xc: {  	[smem:$0x3FAC] =	sst s4  }
0xd: {  	[smem:$0x3FAD] =	sst s5  }
0xe: {  	[smem:$0x3FAE] =	sst s6  }
0xf: {  	[smem:$0x3FAF] =	sst s7  }
0x10: {  	[smem:$0x3FB0] =	sst s8  }
0x11: {  	[smem:$0x3FB1] =	sst s9;
	s0 =	simm.s32 @!p0 $0x0  }
0x12: {  	s1 =	sld [smem:$0x3F97];
	s0 =	simm.s32 @p0 $0x1  }
0x13: {  	[smem:$0x3FB2] =	sst s0;
	s0 =	simm.s32 @!p1 $0x0  }
0x14: {  	s2 =	sld [smem:$0x3F96];
	s0 =	simm.s32 @p1 $0x1  }
0x15: {  	[smem:$0x3FB3] =	sst s0;
	s0 =	simm.s32 @!p2 $0x0  }
0x16: {  	s3 =	sld [smem:$0x3FDB];
	s0 =	simm.s32 @p2 $0x1  }
0x17: {  	s4 =	simm.s32 $0x1BF5;
	[smem:$0x3FB5] =	sst s0  }
0x18: {  	s0 =	sld [smem:$0x3F98];
	_ =	swait.ge [sflag:s4], $0x0  }
0x19: {  	s7 =	sld [smem:$0x3F99]  }
0x1a: {  	s8 =	sadd.s32 $0xFFFFE003, lr  }
0x1b: {  	s9 =	sadd.s32 $0xFFFFFEF7, lr;
	s5 =	simm.s32 $0xFFFFFFFF;
	p2 =	slt.u32 s8, $0xFFFFF086  }
0x1c: {  	p1 =	slt.u32 s9, $0xF7A;
	s5 =	simm.s32 @!p2 $0x0  }
0x1d: {  	s5 =	simm.s32 @p1 $0x1;
	p0 =	seq.s32 s7, s2  }
0x1e: {  	s7 =	smul.u32 @!p0 $0xF7A, s2;
	p2 =	seq.s32 @!p0 s5, $0x0  }
0x1f: {  	s9 =	smul.u32 $0xF7A, s1;
	s8 =	simm.s32 @!p0 $0x1BF5;
	p2 =	por !p2, p0  }
0x20: {  	[sflag:s8] =	ssyncset.s32 @!p0 $0xFFFFF086;
	s6 =	sadd.s32 @!p0 s3, s7;
	s7 =	simm.s32 @!p0 $0x108  }
0x21: {  	s3 =	sadd.s32 s3, s9;
	s6 =	sadd.s32 @!p0 $0x88, s6;
	s7 =	simm.s32 @p2 $0x1082  }
0x22: {  	[simem:s7], [sflag:s8] =	dma.local @!p0 [hbm:s6], $0xF7A  }
0x23: {  	s9 =	sor.u32 $0xD0000000, s2;
	s6 =	simm.s32 $0x108;
	_ =	swait.ge @!p0 [sflag:s8], $0x0  }
0x24: {  	s3 =	sadd.s32 $0x88, s3;
	s6 =	simm.s32 @!p1 $0x1082;
	[sflag:s4] =	ssyncset.s32 $0xFFFFF086  }
0x25: {  	[simem:s6], [sflag:s4] =	dma.local [hbm:s3], $0xF7A  }
0x26: {  	[smem:$0x3F99] =	sst s1;
	(tag) =	ssettag s2;
	_ =	strace s9  }
0x27: {  	s1 =	sld [smem:$0x3FA9]  }
0x28: {  	s2 =	sld [smem:$0x3FAA]  }
0x29: {  	s4 =	sld [smem:$0x3FAC]  }
0x2a: {  	p0 =	seq.s32 s5, $0x0;
	s5 =	sld [smem:$0x3FAD]  }
0x2b: {  	s6 =	sld [smem:$0x3FAE]  }
0x2c: {  	s7 =	sld [smem:$0x3FAF]  }
0x2d: {  	s3 =	simm.s32 $0x108;
	s8 =	sld [smem:$0x3FB0]  }
0x2e: {  	s3 =	simm.s32 @!p0 $0x1082;
	s9 =	sld [smem:$0x3FB1]  }
0x2f: {  	lr =	sadd.s32 s0, s3;
	s0 =	sld [smem:$0x3FA8]  }
0x30: {  	s3 =	sld [smem:$0x3FAB]  }
0x31: {  	[smem:$0x3FB4] =	sst s10  }
0x32: {  	s10 =	sld [smem:$0x3FB2];
	_ =	sdelay $0x3  }
0x33: {  	p0 =	seq.s32 s10, $0x1;
	s10 =	sld [smem:$0x3FB4];
	_ =	sdelay $0x3  }
0x34: {  	[smem:$0x3FB4] =	sst s10  }
0x35: {  	s10 =	sld [smem:$0x3FB3];
	_ =	sdelay $0x3  }
0x36: {  	p1 =	seq.s32 s10, $0x1;
	s10 =	sld [smem:$0x3FB4];
	_ =	sdelay $0x3  }
0x37: {  	[smem:$0x3FB4] =	sst s10  }
0x38: {  	s10 =	sld [smem:$0x3FB5]  }
0x39: {  	_ = 	snop;
	(pc) =	sbr.ind lr, $3  }
0x3a: {  	_ = 	snop  }
0x3b: {  	_ = 	snop  }
0x3c: {  	p2 =	seq.s32 s10, $0x1;
	s10 =	sld [smem:$0x3FB4]  }
0x3d: {  	_ =	shalt  }
0x3e: {  	_ =	shalt  }
0x3f: {  	_ =	shalt  }
0x40: {  	_ =	shalt  }
0x41: {  	_ =	shalt  }
0x42: {  	_ =	shalt  }
0x43: {  	_ =	shalt  }
0x44: {  	_ =	shalt  }
0x45: {  	_ =	shalt  }
0x46: {  	_ =	shalt  }
0x47: {  	_ =	shalt  }
0x48: {  	_ =	shalt  }
0x49: {  	_ =	shalt  }
0x4a: {  	_ =	shalt  }
0x4b: {  	_ =	shalt  }
0x4c: {  	_ =	shalt  }
0x4d: {  	_ =	shalt  }
0x4e: {  	_ =	shalt  }
0x4f: {  	_ =	shalt  }
0x50: {  	_ =	shalt  }
0x51: {  	_ =	shalt  }
0x52: {  	_ =	shalt  }
0x53: {  	_ =	shalt  }
0x54: {  	_ =	shalt  }
0x55: {  	_ =	shalt  }
0x56: {  	_ =	shalt  }
0x57: {  	_ =	shalt  }
0x58: {  	_ =	shalt  }
0x59: {  	_ =	shalt  }
0x5a: {  	_ =	shalt  }
0x5b: {  	_ =	shalt  }
0x5c: {  	_ =	shalt  }
0x5d: {  	_ =	shalt  }
0x5e: {  	_ =	shalt  }
0x5f: {  	_ =	shalt  }
0x60: {  	_ =	shalt  }
0x61: {  	_ =	shalt  }
0x62: {  	_ =	shalt  }
0x63: {  	_ =	shalt  }
0x64: {  	_ =	shalt  }
0x65: {  	_ =	shalt  }
0x66: {  	_ =	shalt  }
0x67: {  	_ =	shalt  }
0x68: {  	_ =	shalt  }
0x69: {  	_ =	shalt  }
0x6a: {  	_ =	shalt  }
0x6b: {  	_ =	shalt  }
0x6c: {  	_ =	shalt  }
0x6d: {  	_ =	shalt  }
0x6e: {  	_ =	shalt  }
0x6f: {  	_ =	shalt  }
0x70: {  	_ =	shalt  }
0x71: {  	_ =	shalt  }
0x72: {  	_ =	shalt  }
0x73: {  	_ =	shalt  }
0x74: {  	_ =	shalt  }
0x75: {  	_ =	shalt  }
0x76: {  	_ =	shalt  }
0x77: {  	_ =	shalt  }
0x78: {  	_ =	shalt  }
0x79: {  	_ =	shalt  }
0x7a: {  	_ =	shalt  }
0x7b: {  	_ =	shalt  }
0x7c: {  	_ =	shalt  }
0x7d: {  	_ =	shalt  }
0x7e: {  	_ =	shalt  }
0x7f: {  	_ =	shalt  }
0x80: {  	_ =	shalt  }
0x81: {  	_ =	shalt  }
0x82: {  	_ =	shalt  }
0x83: {  	_ =	shalt  }
0x84: {  	_ =	shalt  }
0x85: {  	_ =	shalt  }
0x86: {  	_ =	shalt  }
0x87: {  	_ =	shalt  }
.Lfunc_end0:
.L_simem_size_0:
called_computation.3_lowered:
.L_overlay_start_0:
0x88: {  	s2 =	sld [smem:$0x3FD9]  }
0x89: {  	s3 =	sld [smem:$0x3FFE];
	_ =	sdelay $0x1  }
0x8a: {  	s1 =	srdreg.scid  }
0x8b: {  	s0 =	sand.u32 $0x1, s1  }
0x8c: {  	s16 =	sshll.u32 s0, $0xA;
	s2 =	sadd.s32 s3, s2  }
0x8d: {  	s2 =	sadd.s32 s2, s16  }
0x8e: {  	[smem:$0x3FC0] =	sst s2  }
0x8f: {  	_ = 	snop  }
0x90: {  	(tm) =	ssettm $0x1  }
0x91: {  	s17 =	sld [smem:$0x3FFB];
	_ =	sdelay $0x3  }
0x92: {  	_ =	strace s17  }
0x93: {  	s2 =	sld [smem:$0x3FFC];
	_ =	sdelay $0x3  }
0x94: {  	_ =	strace s2  }
0x95: {  	s2 =	sld [smem:$0x3FFD];
	_ =	sdelay $0x3  }
0x96: {  	_ =	strace s2  }
0x97: {  	_ =	strace $0x8FFFFFFF  }
0x98: {  	s18 =	sld [smem:$0x3FDB];
	_ =	sdelay $0x1  }
0x99: {  	s19 =	simm.s32 $_scs_section_size  }
0x9a: {  	s4 =	simm.s32 $_size__tile_overlayer_lowered;
	s5 =	simm.s32 $_tile_overlayer_lowered  }
0x9b: {  	s22 =	simm.s32 $0x1BFF;
	s21 =	sshll.u32 s5, $0x1;
	s2 =	sadd.s32 s19, s18  }
0x9c: {  	s6 =	simm.s32 $0x0;
	s20 =	sshll.u32 s4, $0x1;
	s4 =	sadd.s32 s21, s2  }
0x9d: {  	[timem:s6], [sflag:s22] =	dma.local [hbm:s4], s20  }
0x9e: {  	_ =	swait.ge [sflag:s22], s20  }
0x9f: {  	s3 =	ssub.s32 $0x0, s20;
	[sflag:s22] =	ssyncset.done $0x0  }
0xa0: {  	[sflag:s22] =	ssyncadd.s32 s3;
	_ =	sdelay $0x1  }
0xa1: {  	s23 =	simm.s32 $0x1B8B  }
0xa2: {  	_ =	swait.ge [sflag:s23], $0x1  }
0xa3: {  	[sflag:s23] =	ssyncset.done $0x0  }
0xa4: {  	s25 =	simm.s32 $0x1B8E;
	s24 =	sld [smem:$0x3FFE];
	[sflag:s23] =	ssyncadd.s32 $0xFFFFFFFF  }
0xa5: {  	s26 =	simm.s32 $execute0_lowered;
	[smem:$0x3FD2] =	sst s25  }
0xa6: {  	s4 =	sshll.u32 s26, $0x1;
	_ =	strace $0x8000004F;
	[dreg:$0x1] =	wrdreg $0xFFFFFFFF  }
0xa7: {  	s28 =	simm.s32 $_size_execute0_lowered;
	s2 =	sadd.s32 s2, s4;
	[dreg:$0x0] =	wrdreg $0x0  }
0xa8: {  	s4 =	sshll.u32 s28, $0x1;
	[dreg:$0x2] =	wrdreg s2  }
0xa9: {  	[dreg:$0x3] =	wrdreg s4  }
0xaa: {  	[dreg:$0x4] =	wrdreg $0xC0  }
0xab: {  	_ =	task [dreg:s6], $0x5FFFF  }
0xac: {  	[dreg:$0x1] =	wrdreg $0xFFFFFFFF  }
0xad: {  	[dreg:$0x0] =	wrdreg $0x60  }
0xae: {  	[dreg:$0x2] =	wrdreg s24  }
0xaf: {  	[dreg:$0x3] =	wrdreg $0x8F200  }
0xb0: {  	[dreg:$0x4] =	wrdreg $0x9  }
0xb1: {  	_ =	task.clear_ibuf [dreg:s6], $0x5FFFF;
	_ =	strace $0x9000004F  }
0xb2: {  	s29 =	simm.s32 $0x9;
	_ =	strace $0x80000051  }
0xb3: {  	_ =	swait.ge [sflag:s29], $0x1  }
0xb4: {  	[sflag:s29] =	ssyncadd.s32 $0xFFFFFFFF  }
0xb5: {  	_ =	strace $0x90000051  }
0xb6: {  	_ =	sfence  }
0xb7: {  	s30 =	sld [smem:$0x0];
	_ =	sdelay $0x2  }
0xb8: {  	s31 =	sshll.u32 s1, $0xD;
	s1 =	sshrl.u32 s1, $0x2  }
0xb9: {  	s3 =	sand.u32 $0x4000, s31;
	s1 =	sadd.s32 s1, s30  }
0xba: {  	s0 =	sor.u32 s3, s0;
	s1 =	sshll.u32 s1, $0x11  }
0xbb: {  	s0 =	sor.u32 s1, s0  }
0xbc: {  	s0 =	sadd.s32 $0x8F2B, s0  }
0xbd: {  	[sflag:s0] =	ssyncadd.remote.s32 $0x1  }
0xbe: {  	_ =	sfence.sel $0xFFFF  }
0xbf: {  	[dreg:$0x0] =	wrdreg $0xFFFFFFFF;
	(pc) =	sbr.abs _section_cstart, $3  }
0xc0: {  	[dreg:$0x1] =	wrdreg $0xFFFFFFFF  }
0xc1: {  	_ =	task.clear_ibuf [dreg:s6], $0x2FFFF;
	_ =	strace $0x9FFFFFFF  }
0xc2: {  	(tm) =	ssettm $0x7FFFFFFF  }
0xc3: {  	_ =	shalt  }
tec
execute0_lowered:
.L_overlay_start_1:
0x0: {  	(tag) =	ssettag $0x1  }
0x1: {  	s0 =	srdreg.scid  }
0x2: {  	s9 =	stileid.u32;
	s3 =	rddreg [dreg:$0x0]  }
0x3: {  	s2 =	rddreg [dreg:$0x1];
	s4 =	simm.s32 $0x0;
	s15 =	simm.s32 $0x1  }
0x4: {  	s17 =	simm.s32 $0x2;
	s19 =	simm.s32 $0x3;
	s21 =	simm.s32 $0x4  }
0x5: {  	s22 =	simm.s32 $0x80;
	s23 =	simm.s32 $0x4E20;
	s24 =	simm.s32 $0x5620  }
0x6: {  	s29 =	simm.s32 $0x6620;
	s31 =	simm.s32 $0x6E20;
	s25 =	simm.s32 $0x7E20  }
0x7: {  	s30 =	simm.s32 $0x8620;
	s16 =	simm.s32 $0x6;
	s28 =	simm.s32 $0x7  }
0x8: {  	s18 =	simm.s32 $0xD;
	s20 =	simm.s32 $0x10;
	s14 =	simm.s32 $0x0  }
0x9: {  	s0 =	sand.u32 $0x1, s0;
	s6 =	smul.u32 $0x2800, s9;
	[smem:$0x7FF] =	sst s4  }
0xa: {  	s4 =	sadd.s32 $0x1C400, s3;
	s1 =	sshll.u32 s0, $0x4;
	s7 =	smul.u32 $0x28000, s0  }
0xb: {  	_ =	strace $0x80000050;
	s0 =	ssub.s32 $0x2, s0;
	[dreg:$0xc] =	wrdreg s14  }
0xc: {  	s1 =	sor.u32 s9, s1;
	s8 =	sshrl.u32 s6, $0x3;
	s26 =	sshrl.u32 s0, $0x1  }
0xd: {  	s9 =	sshll.u32 s9, $0x6;
	s5 =	smul.u32 $0x4E0, s1;
	s1 =	sshll.u32 s1, $0x1  }
0xe: {  	s7 =	sadd.s32 s6, s7;
	s8 =	sadd.s32 s8, s3;
	s0 =	ssub.s32 s0, s26  }
0xf: {  	s6 =	sadd.s32 s6, s2;
	s13 =	sor.u32 $0x1C11, s9;
	s26 =	simm.s32 $0x5E20  }
0x10: {  	s9 =	simm.s32 $0xB;
	s8 =	sadd.s32 $0x17400, s8;
	[dreg:$0x4] =	wrdreg s13  }
0x11: {  	s1 =	sadd.s32 s1, s3;
	s0 =	smax.u32 s0, $0x1;
	[dreg:$0x3] =	wrdreg s8  }
0x12: {  	s7 =	sshrl.u32 s7, $0x3;
	s6 =	sshrl.u32 s6, $0x3;
	[dreg:$0xa] =	wrdreg s0  }
0x13: {  	s5 =	sadd.s32 s5, s3;
	s11 =	sadd.s32 $0x3A00, s1;
	[dreg:$0xb] =	wrdreg s6  }
0x14: {  	s3 =	sadd.s32 s7, s3;
	s1 =	sadd.s32 $0x3800, s1;
	[dreg:$0x7] =	wrdreg s11  }
0x15: {  	s0 =	simm.s32 $0x7620;
	s10 =	sadd.s32 $0xD800, s5;
	[dreg:$0x8] =	wrdreg s1  }
0x16: {  	s7 =	simm.s32 $0x9;
	s5 =	sadd.s32 $0x3C00, s5;
	[dreg:$0x5] =	wrdreg s10  }
0x17: {  	s8 =	simm.s32 $0xA;
	s12 =	sadd.s32 $0x21400, s3;
	[dreg:$0x6] =	wrdreg s5  }
0x18: {  	s1 =	simm.s32 $0x5;
	s11 =	simm.s32 $0xE;
	[dreg:$0x9] =	wrdreg s12  }
0x19: {  	s5 =	simm.s32 $0x8;
	s10 =	simm.s32 $0xC;
	s12 =	simm.s32 $0xF  }
.LBB2_1:
0x1a: {  	s14 =	simm.s32 $0x11;
	s3 =	rddreg [dreg:$0x3]  }
0x1b: {  	[spmem:s6], [sflag:s13] =	dma.local [hbm:s3], $0x500  }
0x1c: {  	_ =	swait.ge [sflag:s14], $0x500  }
0x1d: {  	[sflag:s14] =	ssyncset.done $0x0  }
0x1e: {  	s3 =	simm.s32 $0x0;
	[sflag:s14] =	ssyncadd.s32 $0xFFFFFB00;
	s14 =	rddreg [dreg:$0x5]  }
0x1f: {  	[tilespmem:s3], [sflag:$0x1] =	stream.linear.gather [hbm4b:s14+s3], $0x2700, $0x38;
	[tilespmem:$0xB720] =	vst v63  }
0x20: {  	_ =	swait.ge [sflag:s15], $0x2700  }
0x21: {  	[sflag:s15] =	ssyncset.done $0x0  }
0x22: {  	s14 =	simm.s32 $0x2700;
	s13 =	rddreg [dreg:$0x6];
	[sflag:s15] =	ssyncadd.s32 $0xFFFFD900  }
0x23: {  	[tilespmem:s14], [sflag:$0x2] =	stream.linear.gather [hbm4b:s13+s3], $0x2700, $0x38;
	[tilespmem:$0xB720] =	vst v63  }
0x24: {  	_ =	swait.ge [sflag:s17], $0x2700  }
0x25: {  	[sflag:s17] =	ssyncset.done $0x0  }
0x26: {  	s14 =	simm.s32 $0x4E00;
	s13 =	rddreg [dreg:$0x7];
	[sflag:s17] =	ssyncadd.s32 $0xFFFFD900  }
0x27: {  	[tilespmem:s14], [sflag:$0x3] =	stream.linear.gather [hbm4b:s13+s3], $0x10, $0x38;
	[tilespmem:$0xB720] =	vst v63  }
0x28: {  	_ =	swait.ge [sflag:s19], $0x10  }
0x29: {  	[sflag:s19] =	ssyncset.done $0x0  }
0x2a: {  	s14 =	simm.s32 $0x4E10;
	s13 =	rddreg [dreg:$0x8];
	[sflag:s19] =	ssyncadd.s32 $0xFFFFFFF0  }
0x2b: {  	[tilespmem:s14], [sflag:$0x4] =	stream.linear.gather [hbm4b:s13+s3], $0x10, $0x38;
	[tilespmem:$0xB720] =	vst v63  }
0x2c: {  	_ =	swait.ge [sflag:s21], $0x10  }
0x2d: {  	[sflag:s21] =	ssyncset.done $0x0  }
0x2e: {  	[sflag:s21] =	ssyncadd.s32 $0xFFFFFFF0  }
0x2f: {  	[bflag:$0x0] =	sbarrier.arrive $0xFFFF  }
0x30: {  	[tilespmem:s23], [sflag:$0x1] =	stream.indirect.gather [hbm4b:s4+s22], $0x10, s3, s22, $0xb8;
	[tilespmem:$0xB720] =	vst v63  }
0x31: {  	_ = 	snop  }
0x32: {  	[tilespmem:s24], [sflag:$0x2] =	stream.indirect.gather [hbm4b:s4+s22], $0x10, s22, s22, $0xb8;
	[tilespmem:$0xB720] =	vst v63  }
0x33: {  	s6 =	simm.s32 $0x100  }
0x34: {  	[tilespmem:s26], [sflag:$0x3] =	stream.indirect.gather [hbm4b:s4+s22], $0x10, s6, s22, $0xb8;
	[tilespmem:$0xB720] =	vst v63  }
0x35: {  	s13 =	simm.s32 $0x180  }
0x36: {  	[tilespmem:s29], [sflag:$0x4] =	stream.indirect.gather [hbm4b:s4+s22], $0x10, s13, s22, $0xb8;
	[tilespmem:$0xB720] =	vst v63  }
0x37: {  	s14 =	simm.s32 $0x200  }
0x38: {  	[tilespmem:s31], [sflag:$0x5] =	stream.indirect.gather [hbm4b:s4+s22], $0x10, s14, s22, $0xb8;
	[tilespmem:$0xB720] =	vst v63  }
0x39: {  	s6 =	simm.s32 $0x280  }
0x3a: {  	[tilespmem:s0], [sflag:$0x6] =	stream.indirect.gather [hbm4b:s4+s22], $0x10, s6, s22, $0xb8;
	[tilespmem:$0xB720] =	vst v63  }
0x3b: {  	s13 =	simm.s32 $0x300  }
0x3c: {  	[tilespmem:s25], [sflag:$0x7] =	stream.indirect.gather [hbm4b:s4+s22], $0x10, s13, s22, $0xb8;
	[tilespmem:$0xB720] =	vst v63  }
0x3d: {  	s14 =	simm.s32 $0x380  }
0x3e: {  	[tilespmem:s30], [sflag:$0x8] =	stream.indirect.gather [hbm4b:s4+s22], $0x10, s14, s22, $0xb8;
	[tilespmem:$0xB720] =	vst v63  }
0x3f: {  	_ =	swait.ge [sflag:s15], $0x800  }
0x40: {  	[sflag:s15] =	ssyncset.done $0x0  }
0x41: {  	s6 =	simm.s32 $0x2700;
	[sflag:s15] =	ssyncadd.s32 $0xFFFFF800  }
0x42: {  	[spmem:s2] =	stream.indirect.scatter.add.f32 [tilespmem:s23], [sflag:$0x9], $0x10, s6, s22, $0xb8;
	[tilespmem:$0xB720] =	vst v63  }
0x43: {  	_ =	swait.ge [sflag:s17], $0x800  }
0x44: {  	[sflag:s17] =	ssyncset.done $0x0  }
0x45: {  	s13 =	simm.s32 $0x2780;
	[sflag:s17] =	ssyncadd.s32 $0xFFFFF800  }
0x46: {  	[spmem:s2] =	stream.indirect.scatter.add.f32 [tilespmem:s24], [sflag:$0xA], $0x10, s13, s22, $0xb8;
	[tilespmem:$0xB720] =	vst v63  }
0x47: {  	_ =	swait.ge [sflag:s19], $0x800  }
0x48: {  	[sflag:s19] =	ssyncset.done $0x0  }
0x49: {  	s14 =	simm.s32 $0x2800;
	[sflag:s19] =	ssyncadd.s32 $0xFFFFF800  }
0x4a: {  	[spmem:s2] =	stream.indirect.scatter.add.f32 [tilespmem:s26], [sflag:$0xB], $0x10, s14, s22, $0xb8;
	[tilespmem:$0xB720] =	vst v63  }
0x4b: {  	_ =	swait.ge [sflag:s21], $0x800  }
0x4c: {  	[sflag:s21] =	ssyncset.done $0x0  }
0x4d: {  	s6 =	simm.s32 $0x2880;
	[sflag:s21] =	ssyncadd.s32 $0xFFFFF800  }
0x4e: {  	[spmem:s2] =	stream.indirect.scatter.add.f32 [tilespmem:s29], [sflag:$0xC], $0x10, s6, s22, $0xb8;
	[tilespmem:$0xB720] =	vst v63  }
0x4f: {  	_ =	swait.ge [sflag:s1], $0x800  }
0x50: {  	[sflag:s1] =	ssyncset.done $0x0  }
0x51: {  	s13 =	simm.s32 $0x2900;
	[sflag:s1] =	ssyncadd.s32 $0xFFFFF800  }
0x52: {  	[spmem:s2] =	stream.indirect.scatter.add.f32 [tilespmem:s31], [sflag:$0xD], $0x10, s13, s22, $0xb8;
	[tilespmem:$0xB720] =	vst v63  }
0x53: {  	_ =	swait.ge [sflag:s16], $0x800  }
0x54: {  	[sflag:s16] =	ssyncset.done $0x0  }
0x55: {  	s14 =	simm.s32 $0x2980;
	[sflag:s16] =	ssyncadd.s32 $0xFFFFF800  }
0x56: {  	[spmem:s2] =	stream.indirect.scatter.add.f32 [tilespmem:s0], [sflag:$0xE], $0x10, s14, s22, $0xb8;
	[tilespmem:$0xB720] =	vst v63  }
0x57: {  	_ =	swait.ge [sflag:s28], $0x800  }
0x58: {  	[sflag:s28] =	ssyncset.done $0x0  }
0x59: {  	s6 =	simm.s32 $0x2A00;
	[sflag:s28] =	ssyncadd.s32 $0xFFFFF800  }
0x5a: {  	[spmem:s2] =	stream.indirect.scatter.add.f32 [tilespmem:s25], [sflag:$0xF], $0x10, s6, s22, $0xb8;
	[tilespmem:$0xB720] =	vst v63  }
0x5b: {  	_ =	swait.ge [sflag:s5], $0x800  }
0x5c: {  	[sflag:s5] =	ssyncset.done $0x0  }
0x5d: {  	s13 =	simm.s32 $0x2A80;
	[sflag:s5] =	ssyncadd.s32 $0xFFFFF800  }
0x5e: {  	[spmem:s2] =	stream.indirect.scatter.add.f32 [tilespmem:s30], [sflag:$0x10], $0x10, s13, s22, $0xb8;
	[tilespmem:$0xB720] =	vst v63  }
0x5f: {  	_ =	swait.ge [sflag:s7], $0x800  }
0x60: {  	[sflag:s7] =	ssyncset.done $0x0  }
0x61: {  	s14 =	simm.s32 $0x400;
	[sflag:s7] =	ssyncadd.s32 $0xFFFFF800  }
0x62: {  	[tilespmem:s23], [sflag:$0x1] =	stream.indirect.gather [hbm4b:s4+s22], $0x10, s14, s22, $0xb8;
	[tilespmem:$0xB720] =	vst v63  }
0x63: {  	_ =	swait.ge [sflag:s8], $0x800  }
0x64: {  	[sflag:s8] =	ssyncset.done $0x0  }
0x65: {  	s6 =	simm.s32 $0x480;
	[sflag:s8] =	ssyncadd.s32 $0xFFFFF800  }
0x66: {  	[tilespmem:s24], [sflag:$0x2] =	stream.indirect.gather [hbm4b:s4+s22], $0x10, s6, s22, $0xb8;
	[tilespmem:$0xB720] =	vst v63  }
0x67: {  	_ =	swait.ge [sflag:s9], $0x800  }
0x68: {  	[sflag:s9] =	ssyncset.done $0x0  }
0x69: {  	s13 =	simm.s32 $0x500;
	[sflag:s9] =	ssyncadd.s32 $0xFFFFF800  }
0x6a: {  	[tilespmem:s26], [sflag:$0x3] =	stream.indirect.gather [hbm4b:s4+s22], $0x10, s13, s22, $0xb8;
	[tilespmem:$0xB720] =	vst v63  }
0x6b: {  	_ =	swait.ge [sflag:s10], $0x800  }
0x6c: {  	[sflag:s10] =	ssyncset.done $0x0  }
0x6d: {  	s14 =	simm.s32 $0x580;
	[sflag:s10] =	ssyncadd.s32 $0xFFFFF800  }
0x6e: {  	[tilespmem:s29], [sflag:$0x4] =	stream.indirect.gather [hbm4b:s4+s22], $0x10, s14, s22, $0xb8;
	[tilespmem:$0xB720] =	vst v63  }
0x6f: {  	_ =	swait.ge [sflag:s18], $0x800  }
0x70: {  	[sflag:s18] =	ssyncset.done $0x0  }
0x71: {  	s6 =	simm.s32 $0x600;
	[sflag:s18] =	ssyncadd.s32 $0xFFFFF800  }
0x72: {  	[tilespmem:s31], [sflag:$0x5] =	stream.indirect.gather [hbm4b:s4+s22], $0x10, s6, s22, $0xb8;
	[tilespmem:$0xB720] =	vst v63  }
0x73: {  	_ =	swait.ge [sflag:s11], $0x800  }
0x74: {  	[sflag:s11] =	ssyncset.done $0x0  }
0x75: {  	s13 =	simm.s32 $0x680;
	[sflag:s11] =	ssyncadd.s32 $0xFFFFF800  }
0x76: {  	[tilespmem:s0], [sflag:$0x6] =	stream.indirect.gather [hbm4b:s4+s22], $0x10, s13, s22, $0xb8;
	[tilespmem:$0xB720] =	vst v63  }
0x77: {  	_ =	swait.ge [sflag:s12], $0x800  }
0x78: {  	[sflag:s12] =	ssyncset.done $0x0  }
0x79: {  	s14 =	simm.s32 $0x700;
	[sflag:s12] =	ssyncadd.s32 $0xFFFFF800  }
0x7a: {  	[tilespmem:s25], [sflag:$0x7] =	stream.indirect.gather [hbm4b:s4+s22], $0x10, s14, s22, $0xb8;
	[tilespmem:$0xB720] =	vst v63  }
0x7b: {  	_ =	swait.ge [sflag:s20], $0x800  }
0x7c: {  	[sflag:s20] =	ssyncset.done $0x0  }
0x7d: {  	s3 =	simm.s32 $0x780;
	s13 =	simm.s32 $0x1000;
	[sflag:s20] =	ssyncadd.s32 $0xFFFFF800  }
.LBB2_2:
0x7e: {  	[tilespmem:s30], [sflag:$0x8] =	stream.indirect.gather [hbm4b:s4+s22], $0x10, s3, s22, $0xb8;
	[tilespmem:$0xB720] =	vst v63  }
0x7f: {  	s3 =	smov.u32 s13  }
0x80: {  	p0 =	sne.s32 s13, $0x7000;
	s13 =	sadd.s32 $0x1000, s13;
	_ =	swait.ge [sflag:s15], $0x800  }
0x81: {  	s3 =	sshra.s32 s3, $0x2;
	[sflag:s15] =	ssyncset.done $0x0  }
0x82: {  	s6 =	sadd.s32 $0x2700, s3;
	[sflag:s15] =	ssyncadd.s32 $0xFFFFF800  }
0x83: {  	[spmem:s2] =	stream.indirect.scatter.add.f32 [tilespmem:s23], [sflag:$0x9], $0x10, s6, s22, $0xb8;
	[tilespmem:$0xB720] =	vst v63  }
0x84: {  	_ =	swait.ge [sflag:s17], $0x800  }
0x85: {  	[sflag:s17] =	ssyncset.done $0x0  }
0x86: {  	s6 =	sadd.s32 $0x2780, s3;
	[sflag:s17] =	ssyncadd.s32 $0xFFFFF800  }
0x87: {  	[spmem:s2] =	stream.indirect.scatter.add.f32 [tilespmem:s24], [sflag:$0xA], $0x10, s6, s22, $0xb8;
	[tilespmem:$0xB720] =	vst v63  }
0x88: {  	_ =	swait.ge [sflag:s19], $0x800  }
0x89: {  	[sflag:s19] =	ssyncset.done $0x0  }
0x8a: {  	s6 =	sadd.s32 $0x2800, s3;
	[sflag:s19] =	ssyncadd.s32 $0xFFFFF800  }
0x8b: {  	[spmem:s2] =	stream.indirect.scatter.add.f32 [tilespmem:s26], [sflag:$0xB], $0x10, s6, s22, $0xb8;
	[tilespmem:$0xB720] =	vst v63  }
0x8c: {  	_ =	swait.ge [sflag:s21], $0x800  }
0x8d: {  	[sflag:s21] =	ssyncset.done $0x0  }
0x8e: {  	s6 =	sadd.s32 $0x2880, s3;
	[sflag:s21] =	ssyncadd.s32 $0xFFFFF800  }
0x8f: {  	[spmem:s2] =	stream.indirect.scatter.add.f32 [tilespmem:s29], [sflag:$0xC], $0x10, s6, s22, $0xb8;
	[tilespmem:$0xB720] =	vst v63  }
0x90: {  	_ =	swait.ge [sflag:s1], $0x800  }
0x91: {  	[sflag:s1] =	ssyncset.done $0x0  }
0x92: {  	s6 =	sadd.s32 $0x2900, s3;
	[sflag:s1] =	ssyncadd.s32 $0xFFFFF800  }
0x93: {  	[spmem:s2] =	stream.indirect.scatter.add.f32 [tilespmem:s31], [sflag:$0xD], $0x10, s6, s22, $0xb8;
	[tilespmem:$0xB720] =	vst v63  }
0x94: {  	_ =	swait.ge [sflag:s16], $0x800  }
0x95: {  	[sflag:s16] =	ssyncset.done $0x0  }
0x96: {  	s6 =	sadd.s32 $0x2980, s3;
	[sflag:s16] =	ssyncadd.s32 $0xFFFFF800  }
0x97: {  	[spmem:s2] =	stream.indirect.scatter.add.f32 [tilespmem:s0], [sflag:$0xE], $0x10, s6, s22, $0xb8;
	[tilespmem:$0xB720] =	vst v63  }
0x98: {  	_ =	swait.ge [sflag:s28], $0x800  }
0x99: {  	[sflag:s28] =	ssyncset.done $0x0  }
0x9a: {  	s6 =	sadd.s32 $0x2A00, s3;
	[sflag:s28] =	ssyncadd.s32 $0xFFFFF800  }
0x9b: {  	[spmem:s2] =	stream.indirect.scatter.add.f32 [tilespmem:s25], [sflag:$0xF], $0x10, s6, s22, $0xb8;
	[tilespmem:$0xB720] =	vst v63  }
0x9c: {  	_ =	swait.ge [sflag:s5], $0x800  }
0x9d: {  	[sflag:s5] =	ssyncset.done $0x0  }
0x9e: {  	s6 =	sadd.s32 $0x2A80, s3;
	[sflag:s5] =	ssyncadd.s32 $0xFFFFF800  }
0x9f: {  	[spmem:s2] =	stream.indirect.scatter.add.f32 [tilespmem:s30], [sflag:$0x10], $0x10, s6, s22, $0xb8;
	[tilespmem:$0xB720] =	vst v63  }
0xa0: {  	_ =	swait.ge [sflag:s7], $0x800  }
0xa1: {  	[sflag:s7] =	ssyncset.done $0x0  }
0xa2: {  	s6 =	sadd.s32 $0x400, s3;
	[sflag:s7] =	ssyncadd.s32 $0xFFFFF800  }
0xa3: {  	[tilespmem:s23], [sflag:$0x1] =	stream.indirect.gather [hbm4b:s4+s22], $0x10, s6, s22, $0xb8;
	[tilespmem:$0xB720] =	vst v63  }
0xa4: {  	_ =	swait.ge [sflag:s8], $0x800  }
0xa5: {  	[sflag:s8] =	ssyncset.done $0x0  }
0xa6: {  	s6 =	sadd.s32 $0x480, s3;
	[sflag:s8] =	ssyncadd.s32 $0xFFFFF800  }
0xa7: {  	[tilespmem:s24], [sflag:$0x2] =	stream.indirect.gather [hbm4b:s4+s22], $0x10, s6, s22, $0xb8;
	[tilespmem:$0xB720] =	vst v63  }
0xa8: {  	_ =	swait.ge [sflag:s9], $0x800  }
0xa9: {  	[sflag:s9] =	ssyncset.done $0x0  }
0xaa: {  	s6 =	sadd.s32 $0x500, s3;
	[sflag:s9] =	ssyncadd.s32 $0xFFFFF800  }
0xab: {  	[tilespmem:s26], [sflag:$0x3] =	stream.indirect.gather [hbm4b:s4+s22], $0x10, s6, s22, $0xb8;
	[tilespmem:$0xB720] =	vst v63  }
0xac: {  	_ =	swait.ge [sflag:s10], $0x800  }
0xad: {  	[sflag:s10] =	ssyncset.done $0x0  }
0xae: {  	s6 =	sadd.s32 $0x580, s3;
	[sflag:s10] =	ssyncadd.s32 $0xFFFFF800  }
0xaf: {  	[tilespmem:s29], [sflag:$0x4] =	stream.indirect.gather [hbm4b:s4+s22], $0x10, s6, s22, $0xb8;
	[tilespmem:$0xB720] =	vst v63  }
0xb0: {  	_ =	swait.ge [sflag:s18], $0x800  }
0xb1: {  	[sflag:s18] =	ssyncset.done $0x0  }
0xb2: {  	s6 =	sadd.s32 $0x600, s3;
	[sflag:s18] =	ssyncadd.s32 $0xFFFFF800  }
0xb3: {  	[tilespmem:s31], [sflag:$0x5] =	stream.indirect.gather [hbm4b:s4+s22], $0x10, s6, s22, $0xb8;
	[tilespmem:$0xB720] =	vst v63  }
0xb4: {  	_ =	swait.ge [sflag:s11], $0x800  }
0xb5: {  	[sflag:s11] =	ssyncset.done $0x0  }
0xb6: {  	s6 =	sadd.s32 $0x680, s3;
	[sflag:s11] =	ssyncadd.s32 $0xFFFFF800  }
0xb7: {  	[tilespmem:s0], [sflag:$0x6] =	stream.indirect.gather [hbm4b:s4+s22], $0x10, s6, s22, $0xb8;
	[tilespmem:$0xB720] =	vst v63  }
0xb8: {  	_ =	swait.ge [sflag:s12], $0x800  }
0xb9: {  	[sflag:s12] =	ssyncset.done $0x0  }
.Ltmp0:
0xba: {  	s6 =	sadd.s32 $0x700, s3;
	[sflag:s12] =	ssyncadd.s32 $0xFFFFF800;
	(pc) =	sbr.rel @p0 .LBB2_2-.Ltmp0, $4  }
0xbb: {  	[tilespmem:s25], [sflag:$0x7] =	stream.indirect.gather [hbm4b:s4+s22], $0x10, s6, s22, $0xb8;
	[tilespmem:$0xB720] =	vst v63  }
0xbc: {  	_ =	swait.ge [sflag:s20], $0x800  }
0xbd: {  	[sflag:s20] =	ssyncset.done $0x0  }
0xbe: {  	s3 =	sadd.s32 $0x780, s3;
	[sflag:s20] =	ssyncadd.s32 $0xFFFFF800  }
0xbf: {  	[tilespmem:s30], [sflag:$0x8] =	stream.indirect.gather [hbm4b:s4+s22], $0x10, s3, s22, $0xb8;
	[tilespmem:$0xB720] =	vst v63  }
0xc0: {  	_ =	swait.ge [sflag:s15], $0x800  }
0xc1: {  	[sflag:s15] =	ssyncset.done $0x0  }
0xc2: {  	s6 =	simm.s32 $0x4700;
	[sflag:s15] =	ssyncadd.s32 $0xFFFFF800  }
0xc3: {  	[spmem:s2] =	stream.indirect.scatter.add.f32 [tilespmem:s23], [sflag:$0x9], $0x10, s6, s22, $0xb8;
	[tilespmem:$0xB720] =	vst v63  }
0xc4: {  	_ =	swait.ge [sflag:s17], $0x800  }
0xc5: {  	[sflag:s17] =	ssyncset.done $0x0  }
0xc6: {  	s13 =	simm.s32 $0x4780;
	[sflag:s17] =	ssyncadd.s32 $0xFFFFF800  }
0xc7: {  	[spmem:s2] =	stream.indirect.scatter.add.f32 [tilespmem:s24], [sflag:$0xA], $0x10, s13, s22, $0xb8;
	[tilespmem:$0xB720] =	vst v63  }
0xc8: {  	_ =	swait.ge [sflag:s19], $0x800  }
0xc9: {  	[sflag:s19] =	ssyncset.done $0x0  }
0xca: {  	s14 =	simm.s32 $0x4800;
	[sflag:s19] =	ssyncadd.s32 $0xFFFFF800  }
0xcb: {  	[spmem:s2] =	stream.indirect.scatter.add.f32 [tilespmem:s26], [sflag:$0xB], $0x10, s14, s22, $0xb8;
	[tilespmem:$0xB720] =	vst v63  }
0xcc: {  	_ =	swait.ge [sflag:s21], $0x800  }
0xcd: {  	[sflag:s21] =	ssyncset.done $0x0  }
0xce: {  	s6 =	simm.s32 $0x4880;
	[sflag:s21] =	ssyncadd.s32 $0xFFFFF800  }
0xcf: {  	[spmem:s2] =	stream.indirect.scatter.add.f32 [tilespmem:s29], [sflag:$0xC], $0x10, s6, s22, $0xb8;
	[tilespmem:$0xB720] =	vst v63  }
0xd0: {  	_ =	swait.ge [sflag:s1], $0x800  }
0xd1: {  	[sflag:s1] =	ssyncset.done $0x0  }
0xd2: {  	s13 =	simm.s32 $0x4900;
	[sflag:s1] =	ssyncadd.s32 $0xFFFFF800  }
0xd3: {  	[spmem:s2] =	stream.indirect.scatter.add.f32 [tilespmem:s31], [sflag:$0xD], $0x10, s13, s22, $0xb8;
	[tilespmem:$0xB720] =	vst v63  }
0xd4: {  	_ =	swait.ge [sflag:s16], $0x800  }
0xd5: {  	[sflag:s16] =	ssyncset.done $0x0  }
0xd6: {  	s14 =	simm.s32 $0x4980;
	[sflag:s16] =	ssyncadd.s32 $0xFFFFF800  }
0xd7: {  	[spmem:s2] =	stream.indirect.scatter.add.f32 [tilespmem:s0], [sflag:$0xE], $0x10, s14, s22, $0xb8;
	[tilespmem:$0xB720] =	vst v63  }
0xd8: {  	_ =	swait.ge [sflag:s28], $0x800  }
0xd9: {  	[sflag:s28] =	ssyncset.done $0x0  }
0xda: {  	s6 =	simm.s32 $0x4A00;
	[sflag:s28] =	ssyncadd.s32 $0xFFFFF800  }
0xdb: {  	[spmem:s2] =	stream.indirect.scatter.add.f32 [tilespmem:s25], [sflag:$0xF], $0x10, s6, s22, $0xb8;
	[tilespmem:$0xB720] =	vst v63  }
0xdc: {  	_ =	swait.ge [sflag:s5], $0x800  }
0xdd: {  	[sflag:s5] =	ssyncset.done $0x0  }
0xde: {  	s13 =	simm.s32 $0x4A80;
	[sflag:s5] =	ssyncadd.s32 $0xFFFFF800  }
0xdf: {  	[spmem:s2] =	stream.indirect.scatter.add.f32 [tilespmem:s30], [sflag:$0x10], $0x10, s13, s22, $0xb8;
	[tilespmem:$0xB720] =	vst v63  }
0xe0: {  	_ =	swait.ge [sflag:s7], $0x800  }
0xe1: {  	[sflag:s7] =	ssyncset.done $0x0  }
0xe2: {  	s14 =	simm.s32 $0x2400;
	[sflag:s7] =	ssyncadd.s32 $0xFFFFF800  }
0xe3: {  	[tilespmem:s23], [sflag:$0x1] =	stream.indirect.gather [hbm4b:s4+s22], $0x10, s14, s22, $0xb8;
	[tilespmem:$0xB720] =	vst v63  }
0xe4: {  	_ =	swait.ge [sflag:s8], $0x800  }
0xe5: {  	[sflag:s8] =	ssyncset.done $0x0  }
0xe6: {  	s6 =	simm.s32 $0x2480;
	[sflag:s8] =	ssyncadd.s32 $0xFFFFF800  }
0xe7: {  	[tilespmem:s24], [sflag:$0x2] =	stream.indirect.gather [hbm4b:s4+s22], $0x10, s6, s22, $0xb8;
	[tilespmem:$0xB720] =	vst v63  }
0xe8: {  	_ =	swait.ge [sflag:s9], $0x800  }
0xe9: {  	[sflag:s9] =	ssyncset.done $0x0  }
0xea: {  	s13 =	simm.s32 $0x2500;
	[sflag:s9] =	ssyncadd.s32 $0xFFFFF800  }
0xeb: {  	[tilespmem:s26], [sflag:$0x3] =	stream.indirect.gather [hbm4b:s4+s22], $0x10, s13, s22, $0xb8;
	[tilespmem:$0xB720] =	vst v63  }
0xec: {  	_ =	swait.ge [sflag:s10], $0x800  }
0xed: {  	[sflag:s10] =	ssyncset.done $0x0  }
0xee: {  	s14 =	simm.s32 $0x2580;
	[sflag:s10] =	ssyncadd.s32 $0xFFFFF800  }
0xef: {  	[tilespmem:s29], [sflag:$0x4] =	stream.indirect.gather [hbm4b:s4+s22], $0x10, s14, s22, $0xb8;
	[tilespmem:$0xB720] =	vst v63  }
0xf0: {  	_ =	swait.ge [sflag:s18], $0x800  }
0xf1: {  	[sflag:s18] =	ssyncset.done $0x0  }
0xf2: {  	s6 =	simm.s32 $0x2600;
	[sflag:s18] =	ssyncadd.s32 $0xFFFFF800  }
0xf3: {  	[tilespmem:s31], [sflag:$0x5] =	stream.indirect.gather [hbm4b:s4+s22], $0x10, s6, s22, $0xb8;
	[tilespmem:$0xB720] =	vst v63  }
0xf4: {  	_ =	swait.ge [sflag:s11], $0x800  }
0xf5: {  	[sflag:s11] =	ssyncset.done $0x0  }
0xf6: {  	s13 =	simm.s32 $0x2680;
	[sflag:s11] =	ssyncadd.s32 $0xFFFFF800  }
0xf7: {  	[tilespmem:s0], [sflag:$0x6] =	stream.indirect.gather [hbm4b:s4+s22], $0x10, s13, s22, $0xb8;
	[tilespmem:$0xB720] =	vst v63  }
0xf8: {  	_ =	swait.ge [sflag:s12], $0x800  }
0xf9: {  	[sflag:s12] =	ssyncset.done $0x0  }
0xfa: {  	[sflag:s12] =	ssyncadd.s32 $0xFFFFF800  }
0xfb: {  	_ =	swait.ge [sflag:s20], $0x800  }
0xfc: {  	[sflag:s20] =	ssyncset.done $0x0  }
0xfd: {  	[sflag:s20] =	ssyncadd.s32 $0xFFFFF800  }
0xfe: {  	_ =	swait.ge [sflag:s15], $0x800  }
0xff: {  	[sflag:s15] =	ssyncset.done $0x0  }
0x100: {  	s14 =	simm.s32 $0x4B00;
	[sflag:s15] =	ssyncadd.s32 $0xFFFFF800  }
0x101: {  	[spmem:s2] =	stream.indirect.scatter.add.f32 [tilespmem:s23], [sflag:$0x11], $0x10, s14, s22, $0xb8;
	[tilespmem:$0xB720] =	vst v63  }
0x102: {  	s14 =	simm.s32 $0x11  }
0x103: {  	_ =	swait.ge [sflag:s14], $0x800  }
0x104: {  	[sflag:s14] =	ssyncset.done $0x0  }
0x105: {  	[sflag:s14] =	ssyncadd.s32 $0xFFFFF800  }
0x106: {  	_ =	swait.ge [sflag:s17], $0x800  }
0x107: {  	[sflag:s17] =	ssyncset.done $0x0  }
0x108: {  	s6 =	simm.s32 $0x4B80;
	[sflag:s17] =	ssyncadd.s32 $0xFFFFF800  }
0x109: {  	[spmem:s2] =	stream.indirect.scatter.add.f32 [tilespmem:s24], [sflag:$0x11], $0x10, s6, s22, $0xb8;
	[tilespmem:$0xB720] =	vst v63  }
0x10a: {  	_ =	swait.ge [sflag:s14], $0x800  }
0x10b: {  	[sflag:s14] =	ssyncset.done $0x0  }
0x10c: {  	[sflag:s14] =	ssyncadd.s32 $0xFFFFF800  }
0x10d: {  	_ =	swait.ge [sflag:s19], $0x800  }
0x10e: {  	[sflag:s19] =	ssyncset.done $0x0  }
0x10f: {  	s13 =	simm.s32 $0x4C00;
	[sflag:s19] =	ssyncadd.s32 $0xFFFFF800  }
0x110: {  	[spmem:s2] =	stream.indirect.scatter.add.f32 [tilespmem:s26], [sflag:$0x11], $0x10, s13, s22, $0xb8;
	[tilespmem:$0xB720] =	vst v63  }
0x111: {  	_ =	swait.ge [sflag:s14], $0x800  }
0x112: {  	[sflag:s14] =	ssyncset.done $0x0  }
0x113: {  	[sflag:s14] =	ssyncadd.s32 $0xFFFFF800  }
0x114: {  	_ =	swait.ge [sflag:s21], $0x800  }
0x115: {  	[sflag:s21] =	ssyncset.done $0x0  }
0x116: {  	s6 =	simm.s32 $0x4C80;
	[sflag:s21] =	ssyncadd.s32 $0xFFFFF800  }
0x117: {  	[spmem:s2] =	stream.indirect.scatter.add.f32 [tilespmem:s29], [sflag:$0x11], $0x10, s6, s22, $0xb8;
	[tilespmem:$0xB720] =	vst v63  }
0x118: {  	_ =	swait.ge [sflag:s14], $0x800  }
0x119: {  	[sflag:s14] =	ssyncset.done $0x0  }
0x11a: {  	[sflag:s14] =	ssyncadd.s32 $0xFFFFF800  }
0x11b: {  	_ =	swait.ge [sflag:s1], $0x800  }
0x11c: {  	[sflag:s1] =	ssyncset.done $0x0  }
0x11d: {  	s13 =	simm.s32 $0x4D00;
	[sflag:s1] =	ssyncadd.s32 $0xFFFFF800  }
0x11e: {  	[spmem:s2] =	stream.indirect.scatter.add.f32 [tilespmem:s31], [sflag:$0x11], $0x10, s13, s22, $0xb8;
	[tilespmem:$0xB720] =	vst v63  }
0x11f: {  	_ =	swait.ge [sflag:s14], $0x800  }
0x120: {  	[sflag:s14] =	ssyncset.done $0x0  }
0x121: {  	[sflag:s14] =	ssyncadd.s32 $0xFFFFF800  }
0x122: {  	_ =	swait.ge [sflag:s16], $0x800  }
0x123: {  	[sflag:s16] =	ssyncset.done $0x0  }
0x124: {  	s6 =	simm.s32 $0x4D80;
	[sflag:s16] =	ssyncadd.s32 $0xFFFFF800  }
0x125: {  	[spmem:s2] =	stream.indirect.scatter.add.f32 [tilespmem:s0], [sflag:$0x11], $0x10, s6, s22, $0xb8;
	[tilespmem:$0xB720] =	vst v63  }
0x126: {  	_ =	swait.ge [sflag:s14], $0x800  }
0x127: {  	[sflag:s14] =	ssyncset.done $0x0  }
0x128: {  	s3 =	simm.s32 $0x8E20;
	s6 =	simm.s32 $0x4E00;
	[sflag:s14] =	ssyncadd.s32 $0xFFFFF800  }
0x129: {  	[tilespmem:s3], [sflag:$0x1] =	stream.indirect.gather [hbm4b:s4+s20], $0x10, s6, s20, $0xb8;
	[tilespmem:$0xB720] =	vst v63  }
0x12a: {  	_ =	swait.ge [sflag:s15], $0x100  }
0x12b: {  	[sflag:s15] =	ssyncset.done $0x0  }
0x12c: {  	s13 =	simm.s32 $0x4E10;
	[sflag:s15] =	ssyncadd.s32 $0xFFFFFF00  }
0x12d: {  	[spmem:s2] =	stream.indirect.scatter.add.f32 [tilespmem:s3], [sflag:$0x11], $0x10, s13, s20, $0xb8;
	[tilespmem:$0xB720] =	vst v63  }
0x12e: {  	_ =	swait.ge [sflag:s14], $0x100  }
0x12f: {  	[sflag:s14] =	ssyncset.done $0x0  }
0x130: {  	[sflag:s14] =	ssyncadd.s32 $0xFFFFFF00  }
0x131: {  	[bflag:$0x0] =	sbarrier.arrive $0xFFFF  }
0x132: {  	s13 =	rddreg [dreg:$0x4]  }
0x133: {  	s3 =	rddreg [dreg:$0x9]  }
0x134: {  	s6 =	rddreg [dreg:$0xb]  }
0x135: {  	[hbm:s3], [sflag:s13] =	dma.local [spmem:s6], $0x500  }
0x136: {  	_ =	swait.ge [sflag:s14], $0x500  }
0x137: {  	s3 =	rddreg [dreg:$0xc]  }
0x138: {  	[sflag:s14] =	ssyncset.done $0x0;
	s14 =	rddreg [dreg:$0xa];
	s13 =	sadd.s32 $0x1, s3  }
0x139: {  	p0 =	sne.s32 s13, s14  }
.Ltmp1:
0x13a: {  	_ = 	snop;
	(pc) =	sbr.rel @p0 .LBB2_1-.Ltmp1, $3  }
0x13b: {  	_ =	sdelay $0x1  }
0x13c: {  	[dreg:$0xc] =	wrdreg s13;
	s14 =	simm.s32 $0x11  }
0x13d: {  	s13 =	rddreg [dreg:$0x4];
	[sflag:s14] =	ssyncadd.s32 $0xFFFFFB00  }
0x13e: {  	_ =	sfence.sel $0x180000  }
0x13f: {  	[bflag:$0x0] =	sbarrier.arrive $0xFFFF  }
0x140: {  	_ =	strace $0x90000050  }
0x141: {  	s0 =	stileid.u32;
	[bflag:$0x2] =	sbarrier.arrive $0xFFFF  }
0x142: {  	p0 =	sne.s32 s0, $0x0;
	s0 =	rddreg [dreg:$0x2]  }
0x143: {  	s0 =	sadd.s32 @!p0 $0x100000, s0  }
0x144: {  	[sflag:s0] =	ssyncadd.tile.s32 @!p0 $0x1;
	_ =	shalt  }
.Lfunc_end2:
_tile_overlayer_lowered:
.L_overlay_start_2:
0x145: {  	(tag) =	ssettag $0x2  }
0x146: {  	s0 =	rddreg [dreg:$0x0];
	s2 =	stileid.u32  }
0x147: {  	s1 =	rddreg [dreg:$0x1];
	p0 =	sne.s32 s2, $0x0  }
0x148: {  	s3 =	rddreg [dreg:$0x2];
	[bflag:$0x3] =	sbarrier.arrive $0xFFFF;
	s2 =	simm.s32 @!p0 $0x1C11  }
0x149: {  	[timem:s3], [sflag:s2] =	dma.local @!p0 [hbm:s0], s1  }
0x14a: {  	s0 =	simm.s32 @!p0 $0x11  }
0x14b: {  	_ =	swait.ge @!p0 [sflag:s0], s1  }
0x14c: {  	s1 =	ssub.s32 @!p0 $0x0, s1;
	[sflag:s0] =	ssyncset.done @!p0 $0x0  }
0x14d: {  	[sflag:s0] =	ssyncadd.s32 @!p0 s1  }
0x14e: {  	[bflag:$0x3] =	sbarrier.arrive $0xFFFF  }
0x14f: {  	_ =	shalt  }

</sc_bundles>
